<compile_context>
chip_gen: v7x
topology: tpu7x:2x2x1
jax: 0.10.2.dev20260603
libtpu: 0.0.44.dev20260713+nightly
codegen_flags: <defaults>
</compile_context>

<pallas_src>
import functools

import jax
import jax.numpy as jnp
from jax import lax
from jax.experimental import pallas as pl
from jax.experimental.pallas import tpu as pltpu
from jax.experimental.pallas import tpu_sc as plsc

_CHUNK = 128
_NBUF = 2
_LANES = 16
_SUB = 8


@functools.lru_cache(maxsize=None)
def _build_gather(batch: int, num_rows: int, dim: int):
    info = plsc.get_sparse_core_info()
    nw = info.num_cores * info.num_subcores
    b_per_w = batch // nw
    n_chunks = b_per_w // _CHUNK
    assert batch % (nw * _CHUNK) == 0

    mesh = plsc.VectorSubcoreMesh(core_axis_name="c", subcore_axis_name="s")

    @functools.partial(
        pl.kernel,
        mesh=mesh,
        compiler_params=pltpu.CompilerParams(
            needs_layout_passes=False, skip_device_barrier=True
        ),
        out_type=jax.ShapeDtypeStruct((batch, dim), jnp.float32),
        scratch_types=[
            pltpu.VMEM((b_per_w,), jnp.int32),
            pltpu.VMEM((_NBUF, _CHUNK, dim), jnp.float32),
            pltpu.SemaphoreType.DMA,
            pltpu.SemaphoreType.DMA,
        ],
    )
    def gather(tp3_hbm, idx_hbm, out_hbm, idx_v, bufs, sem_g, sem_s):
        wid = lax.axis_index("s") * info.num_cores + lax.axis_index("c")
        base = wid * b_per_w
        pltpu.sync_copy(idx_hbm.at[pl.ds(base, b_per_w)], idx_v)
        lane = lax.iota(jnp.int32, _LANES)

        def fire_chunk(c):
            buf = bufs.at[c % _NBUF]

            def group(g, carry):
                vec = idx_v[pl.ds(c * _CHUNK + g * _LANES, _LANES)]
                for l in range(_LANES):
                    row = jnp.sum(jnp.where(lane == l, vec, 0))
                    pltpu.async_copy(
                        tp3_hbm.at[row >> 3, row & (_SUB - 1)],
                        buf.at[g * _LANES + l],
                        sem_g,
                    )
                return carry

            lax.fori_loop(0, _CHUNK // _LANES, group, 0)

        def drain_chunk(c):
            buf = bufs.at[c % _NBUF]
            pltpu.make_async_copy(
                out_hbm.at[pl.ds(0, _CHUNK)], buf, sem_g
            ).wait()

        def store_chunk(c):
            buf = bufs.at[c % _NBUF]
            pltpu.async_copy(
                buf, out_hbm.at[pl.ds(base + c * _CHUNK, _CHUNK)], sem_s
            )

        def wait_store(c):
            buf = bufs.at[c % _NBUF]
            pltpu.make_async_copy(
                buf, out_hbm.at[pl.ds(base + c * _CHUNK, _CHUNK)], sem_s
            ).wait()

        fire_chunk(0)
        for c in range(n_chunks):
            drain_chunk(c)
            store_chunk(c)
            if c + 1 < n_chunks:
                if c + 1 >= _NBUF:
                    wait_store(c + 1 - _NBUF)
                fire_chunk(c + 1)
        for c in range(max(0, n_chunks - _NBUF), n_chunks):
            wait_store(c)

    return gather


def kernel(table, indices):
    batch = indices.shape[0]
    num_rows, dim = table.shape
    gather = _build_gather(batch, num_rows, dim)
    packed = jnp.reshape(table, (num_rows // _SUB, _SUB, dim))
    embs = gather(packed, indices)
    return (embs, indices)

# --- scband reference (transcript-rebuilt; emitter-appended) ---
"""Pipeline reference for scband-embedding-msg-generator-29429115912217 (READ-ONLY COPY).

The authoritative reference and input builder live on the scoring server;
editing this copy changes nothing except your own understanding.
"""

import jax, jax.numpy as jnp
import numpy as np

BATCH_SIZE = 16384
NUM_EMBEDDINGS = 1000000
MSG_SIZE = 64

def setup_inputs(seed: int = 0) -> dict:
    key = jax.random.key(seed)
    k_idx, k_tab = jax.random.split(key)
    # The torch module draws indices internally via torch.randint; we materialize
    # them deterministically here so the computation is reproducible.
    indices = jax.random.randint(k_idx, (BATCH_SIZE,), 0, NUM_EMBEDDINGS, dtype=jnp.int64) if jax.config.jax_enable_x64 else jax.random.randint(k_idx, (BATCH_SIZE,), 0, NUM_EMBEDDINGS, dtype=jnp.int32)
    # nn.Embedding default init: N(0, 1)
    table = jax.random.normal(k_tab, (NUM_EMBEDDINGS, MSG_SIZE), dtype=jnp.float32)
    return {"table": table, "indices": indices}

def reference(table, indices):
    # embs = self.embedding(indices); return (embs, indices)
    embs = jnp.take(table, indices, axis=0)
    return (embs, indices)

if __name__ == "__main__":
    import jax
    _d = setup_inputs()
    print(jax.jit(kernel)(*tuple(_d.values())))

</pallas_src>

<mosaic_0001>
#map = affine_map<(d0, d1) -> (0, 0, 0)>
#map1 = affine_map<(d0, d1) -> (0)>
#map2 = affine_map<(d0, d1) -> (0, 0)>
module attributes {stable_mosaic.version = 14 : i64} {
  func.func @gather(%arg0: i32, %arg1: i32, %arg2: memref<125000x8x64xf32, #tpu.memory_space<hbm>>, %arg3: memref<16384xi32, #tpu.memory_space<hbm>>, %arg4: memref<16384x64xf32, #tpu.memory_space<hbm>>, %arg5: memref<512xi32, #tpu.memory_space<vmem>>, %arg6: memref<2x128x64xf32, #tpu.memory_space<vmem>>, %arg7: memref<!tpu.dma_semaphore, #tpu.memory_space<semaphore_mem>>, %arg8: memref<!tpu.dma_semaphore, #tpu.memory_space<semaphore_mem>>) attributes {dimension_semantics = [#tpu.dimension_semantics<core_parallel>, #tpu.dimension_semantics<subcore_parallel>], iteration_bounds = array<i64: 2, 16>, scalar_prefetch = 0 : i64, scratch_operands = 4 : i64, tpu.core_type = #tpu.core_type<sc_vector_subcore>, window_params = [{transform_indices = #map}, {transform_indices = #map1}, {transform_indices = #map2}]} {
    %mul3A = arith.constant 2 : i32
    %mul3A_0 = arith.muli %arg1, %mul3A : i32
    %add3A = arith.addi %mul3A_0, %arg0 : i32
    %mul3A_1 = arith.constant 512 : i32
    %mul3A_2 = arith.muli %add3A, %mul3A_1 : i32
    "tpu.region"() ({
      %run_scoped3A = tpu.sem_alloc : memref<!tpu.dma_semaphore, #tpu.memory_space<semaphore_mem>>
      %dma_start3A_208 = tpu.memref_slice %arg3[%mul3A_2] : memref<16384xi32, #tpu.memory_space<hbm>> -> memref<512xi32, #tpu.memory_space<hbm>>
      %dma_start3A_209 = tpu.memref_slice %arg3[%mul3A_2] : memref<16384xi32, #tpu.memory_space<hbm>> -> memref<512xi32, #tpu.memory_space<hbm>>
      tpu.enqueue_dma source(%dma_start3A_209 : memref<512xi32, #tpu.memory_space<hbm>>) target(%arg5 : memref<512xi32, #tpu.memory_space<vmem>>) target_semaphore(%run_scoped3A : memref<!tpu.dma_semaphore, #tpu.memory_space<semaphore_mem>>)
      %dma_wait3A_210 = tpu.memref_slice %arg3[%mul3A_2] : memref<16384xi32, #tpu.memory_space<hbm>> -> memref<512xi32, #tpu.memory_space<hbm>>
      %dma_wait3A_211 = tpu.memref_slice %arg3[%mul3A_2] : memref<16384xi32, #tpu.memory_space<hbm>> -> memref<512xi32, #tpu.memory_space<hbm>>
      tpu.wait_dma2 semaphore(%run_scoped3A : memref<!tpu.dma_semaphore, #tpu.memory_space<semaphore_mem>>) src(%dma_wait3A_211 : memref<512xi32, #tpu.memory_space<hbm>>) dst(%arg5 : memref<512xi32, #tpu.memory_space<vmem>>)
      tpu.yield
    }) : () -> ()
    %iota3A = tpu.iota {dimensions = array<i32: 0>} : vector<16xi32>
    %scan3A = arith.constant 0 : i32
    %scan3A_3 = arith.constant 0 : i32
    %scan3A_4 = arith.constant 0 : i32
    %scan3A_5 = arith.constant 8 : i32
    %scan3A_6 = arith.addi %scan3A_4, %scan3A_5 : i32
    %scan3A_7 = arith.constant 1 : i32
    scf.for %scan3A_208 = %scan3A_4 to %scan3A_6 step %scan3A_7  : i32 {
      %mul3A_209 = arith.constant 16 : i32
      %mul3A_210 = arith.muli %scan3A_208, %mul3A_209 : i32
      %add3A_211 = arith.constant 0 : i32
      %add3A_212 = arith.addi %add3A_211, %mul3A_210 : i32
      %get3A = arith.index_cast %add3A_212 : i32 to index
      %get3A_213 = tpu.vector_load %arg5[%get3A] {strides = array<i32>} : memref<512xi32, #tpu.memory_space<vmem>>, vector<16xi32>,
      %eq3A = arith.constant 0 : i32
      %eq3A_214 = vector.broadcast %eq3A : i32 to vector<16xi32>
      %eq3A_215 = arith.cmpi eq, %iota3A, %eq3A_214 : vector<16xi32>
      %jit3A = arith.constant 0 : i32
      %broadcast_in_dim3A = vector.broadcast %jit3A : i32 to vector<16xi32>
      %select_n3A = arith.select %eq3A_215, %get3A_213, %broadcast_in_dim3A : vector<16xi1>, vector<16xi32>
      %reduce_sum3A = arith.constant true
      %reduce_sum3A_216 = vector.broadcast %reduce_sum3A : i1 to vector<16xi1>
      %reduce_sum3A_217 = tpu.scan <sum>, %select_n3A masked %reduce_sum3A_216 : vector<16xi32>, vector<16xi1> -> vector<16xi32>
      %reduce_sum3A_218 = vector.extract %reduce_sum3A_217[15] : i32 from vector<16xi32>
      %shift_right_arithmetic3A = arith.constant 3 : i32
      %shift_right_arithmetic3A_219 = arith.shrsi %reduce_sum3A_218, %shift_right_arithmetic3A : i32
      %and3A = arith.constant 7 : i32
      %and3A_220 = arith.andi %reduce_sum3A_218, %and3A : i32
      %mul3A_221 = arith.constant 16 : i32
      %mul3A_222 = arith.muli %scan3A_208, %mul3A_221 : i32
      %add3A_223 = arith.constant 0 : i32
      %add3A_224 = arith.addi %mul3A_222, %add3A_223 : i32
      %dma_start3A_225 = arith.constant 0 : i32
      %dma_start3A_226 = arith.constant 0 : i32
      %dma_start3A_227 = tpu.memref_slice %arg6[%scan3A_3, %dma_start3A_225, %dma_start3A_226] : memref<2x128x64xf32, #tpu.memory_space<vmem>> -> memref<1x128x64xf32, #tpu.memory_space<vmem>>
      %dma_start3A_228 = tpu.memref_squeeze %dma_start3A_227 : memref<1x128x64xf32, #tpu.memory_space<vmem>> -> memref<128x64xf32, #tpu.memory_space<vmem>>
      %dma_start3A_229 = arith.constant 0 : i32
      %dma_start3A_230 = tpu.memref_slice %dma_start3A_228[%add3A_224, %dma_start3A_229] : memref<128x64xf32, #tpu.memory_space<vmem>> -> memref<1x64xf32, #tpu.memory_space<vmem>>
      %dma_start3A_231 = tpu.memref_squeeze %dma_start3A_230 : memref<1x64xf32, #tpu.memory_space<vmem>> -> memref<64xf32, #tpu.memory_space<vmem>>
      %dma_start3A_232 = arith.constant 0 : i32
      %dma_start3A_233 = tpu.memref_slice %arg2[%shift_right_arithmetic3A_219, %and3A_220, %dma_start3A_232] : memref<125000x8x64xf32, #tpu.memory_space<hbm>> -> memref<1x1x64xf32, #tpu.memory_space<hbm>>
      %dma_start3A_234 = tpu.memref_squeeze %dma_start3A_233 : memref<1x1x64xf32, #tpu.memory_space<hbm>> -> memref<64xf32, #tpu.memory_space<hbm>>
      %dma_start3A_235 = arith.constant 0 : i32
      %dma_start3A_236 = arith.constant 0 : i32
      %dma_start3A_237 = tpu.memref_slice %arg6[%scan3A_3, %dma_start3A_235, %dma_start3A_236] : memref<2x128x64xf32, #tpu.memory_space<vmem>> -> memref<1x128x64xf32, #tpu.memory_space<vmem>>
      %dma_start3A_238 = tpu.memref_squeeze %dma_start3A_237 : memref<1x128x64xf32, #tpu.memory_space<vmem>> -> memref<128x64xf32, #tpu.memory_space<vmem>>
      %dma_start3A_239 = arith.constant 0 : i32
      %dma_start3A_240 = tpu.memref_slice %dma_start3A_238[%add3A_224, %dma_start3A_239] : memref<128x64xf32, #tpu.memory_space<vmem>> -> memref<1x64xf32, #tpu.memory_space<vmem>>
      %dma_start3A_241 = tpu.memref_squeeze %dma_start3A_240 : memref<1x64xf32, #tpu.memory_space<vmem>> -> memref<64xf32, #tpu.memory_space<vmem>>
      %dma_start3A_242 = arith.constant 0 : i32
      %dma_start3A_243 = tpu.memref_slice %arg2[%shift_right_arithmetic3A_219, %and3A_220, %dma_start3A_242] : memref<125000x8x64xf32, #tpu.memory_space<hbm>> -> memref<1x1x64xf32, #tpu.memory_space<hbm>>
      %dma_start3A_244 = tpu.memref_squeeze %dma_start3A_243 : memref<1x1x64xf32, #tpu.memory_space<hbm>> -> memref<64xf32, #tpu.memory_space<hbm>>
      tpu.enqueue_dma source(%dma_start3A_244 : memref<64xf32, #tpu.memory_space<hbm>>) target(%dma_start3A_241 : memref<64xf32, #tpu.memory_space<vmem>>) target_semaphore(%arg7 : memref<!tpu.dma_semaphore, #tpu.memory_space<semaphore_mem>>)
      %eq3A_245 = arith.constant 1 : i32
      %eq3A_246 = vector.broadcast %eq3A_245 : i32 to vector<16xi32>
      %eq3A_247 = arith.cmpi eq, %iota3A, %eq3A_246 : vector<16xi32>
      %jit3A_248 = arith.constant 0 : i32
      %broadcast_in_dim3A_249 = vector.broadcast %jit3A_248 : i32 to vector<16xi32>
      %select_n3A_250 = arith.select %eq3A_247, %get3A_213, %broadcast_in_dim3A_249 : vector<16xi1>, vector<16xi32>
      %reduce_sum3A_251 = arith.constant true
      %reduce_sum3A_252 = vector.broadcast %reduce_sum3A_251 : i1 to vector<16xi1>
      %reduce_sum3A_253 = tpu.scan <sum>, %select_n3A_250 masked %reduce_sum3A_252 : vector<16xi32>, vector<16xi1> -> vector<16xi32>
      %reduce_sum3A_254 = vector.extract %reduce_sum3A_253[15] : i32 from vector<16xi32>
      %shift_right_arithmetic3A_255 = arith.constant 3 : i32
      %shift_right_arithmetic3A_256 = arith.shrsi %reduce_sum3A_254, %shift_right_arithmetic3A_255 : i32
      %and3A_257 = arith.constant 7 : i32
      %and3A_258 = arith.andi %reduce_sum3A_254, %and3A_257 : i32
      %mul3A_259 = arith.constant 16 : i32
      %mul3A_260 = arith.muli %scan3A_208, %mul3A_259 : i32
      %add3A_261 = arith.constant 1 : i32
      %add3A_262 = arith.addi %mul3A_260, %add3A_261 : i32
      %dma_start3A_263 = arith.constant 0 : i32
      %dma_start3A_264 = arith.constant 0 : i32
      %dma_start3A_265 = tpu.memref_slice %arg6[%scan3A_3, %dma_start3A_263, %dma_start3A_264] : memref<2x128x64xf32, #tpu.memory_space<vmem>> -> memref<1x128x64xf32, #tpu.memory_space<vmem>>
      %dma_start3A_266 = tpu.memref_squeeze %dma_start3A_265 : memref<1x128x64xf32, #tpu.memory_space<vmem>> -> memref<128x64xf32, #tpu.memory_space<vmem>>
      %dma_start3A_267 = arith.constant 0 : i32
      %dma_start3A_268 = tpu.memref_slice %dma_start3A_266[%add3A_262, %dma_start3A_267] : memref<128x64xf32, #tpu.memory_space<vmem>> -> memref<1x64xf32, #tpu.memory_space<vmem>>
      %dma_start3A_269 = tpu.memref_squeeze %dma_start3A_268 : memref<1x64xf32, #tpu.memory_space<vmem>> -> memref<64xf32, #tpu.memory_space<vmem>>
      %dma_start3A_270 = arith.constant 0 : i32
      %dma_start3A_271 = tpu.memref_slice %arg2[%shift_right_arithmetic3A_256, %and3A_258, %dma_start3A_270] : memref<125000x8x64xf32, #tpu.memory_space<hbm>> -> memref<1x1x64xf32, #tpu.memory_space<hbm>>
      %dma_start3A_272 = tpu.memref_squeeze %dma_start3A_271 : memref<1x1x64xf32, #tpu.memory_space<hbm>> -> memref<64xf32, #tpu.memory_space<hbm>>
      %dma_start3A_273 = arith.constant 0 : i32
      %dma_start3A_274 = arith.constant 0 : i32
      %dma_start3A_275 = tpu.memref_slice %arg6[%scan3A_3, %dma_start3A_273, %dma_start3A_274] : memref<2x128x64xf32, #tpu.memory_space<vmem>> -> memref<1x128x64xf32, #tpu.memory_space<vmem>>
      %dma_start3A_276 = tpu.memref_squeeze %dma_start3A_275 : memref<1x128x64xf32, #tpu.memory_space<vmem>> -> memref<128x64xf32, #tpu.memory_space<vmem>>
      %dma_start3A_277 = arith.constant 0 : i32
      %dma_start3A_278 = tpu.memref_slice %dma_start3A_276[%add3A_262, %dma_start3A_277] : memref<128x64xf32, #tpu.memory_space<vmem>> -> memref<1x64xf32, #tpu.memory_space<vmem>>
      %dma_start3A_279 = tpu.memref_squeeze %dma_start3A_278 : memref<1x64xf32, #tpu.memory_space<vmem>> -> memref<64xf32, #tpu.memory_space<vmem>>
      %dma_start3A_280 = arith.constant 0 : i32
      %dma_start3A_281 = tpu.memref_slice %arg2[%shift_right_arithmetic3A_256, %and3A_258, %dma_start3A_280] : memref<125000x8x64xf32, #tpu.memory_space<hbm>> -> memref<1x1x64xf32, #tpu.memory_space<hbm>>
      %dma_start3A_282 = tpu.memref_squeeze %dma_start3A_281 : memref<1x1x64xf32, #tpu.memory_space<hbm>> -> memref<64xf32, #tpu.memory_space<hbm>>
      tpu.enqueue_dma source(%dma_start3A_282 : memref<64xf32, #tpu.memory_space<hbm>>) target(%dma_start3A_279 : memref<64xf32, #tpu.memory_space<vmem>>) target_semaphore(%arg7 : memref<!tpu.dma_semaphore, #tpu.memory_space<semaphore_mem>>)
      %eq3A_283 = arith.constant 2 : i32
      %eq3A_284 = vector.broadcast %eq3A_283 : i32 to vector<16xi32>
      %eq3A_285 = arith.cmpi eq, %iota3A, %eq3A_284 : vector<16xi32>
      %jit3A_286 = arith.constant 0 : i32
      %broadcast_in_dim3A_287 = vector.broadcast %jit3A_286 : i32 to vector<16xi32>
      %select_n3A_288 = arith.select %eq3A_285, %get3A_213, %broadcast_in_dim3A_287 : vector<16xi1>, vector<16xi32>
      %reduce_sum3A_289 = arith.constant true
      %reduce_sum3A_290 = vector.broadcast %reduce_sum3A_289 : i1 to vector<16xi1>
      %reduce_sum3A_291 = tpu.scan <sum>, %select_n3A_288 masked %reduce_sum3A_290 : vector<16xi32>, vector<16xi1> -> vector<16xi32>
      %reduce_sum3A_292 = vector.extract %reduce_sum3A_291[15] : i32 from vector<16xi32>
      %shift_right_arithmetic3A_293 = arith.constant 3 : i32
      %shift_right_arithmetic3A_294 = arith.shrsi %reduce_sum3A_292, %shift_right_arithmetic3A_293 : i32
      %and3A_295 = arith.constant 7 : i32
      %and3A_296 = arith.andi %reduce_sum3A_292, %and3A_295 : i32
      %mul3A_297 = arith.constant 16 : i32
      %mul3A_298 = arith.muli %scan3A_208, %mul3A_297 : i32
      %add3A_299 = arith.constant 2 : i32
      %add3A_300 = arith.addi %mul3A_298, %add3A_299 : i32
      %dma_start3A_301 = arith.constant 0 : i32
      %dma_start3A_302 = arith.constant 0 : i32
      %dma_start3A_303 = tpu.memref_slice %arg6[%scan3A_3, %dma_start3A_301, %dma_start3A_302] : memref<2x128x64xf32, #tpu.memory_space<vmem>> -> memref<1x128x64xf32, #tpu.memory_space<vmem>>
      %dma_start3A_304 = tpu.memref_squeeze %dma_start3A_303 : memref<1x128x64xf32, #tpu.memory_space<vmem>> -> memref<128x64xf32, #tpu.memory_space<vmem>>
      %dma_start3A_305 = arith.constant 0 : i32
      %dma_start3A_306 = tpu.memref_slice %dma_start3A_304[%add3A_300, %dma_start3A_305] : memref<128x64xf32, #tpu.memory_space<vmem>> -> memref<1x64xf32, #tpu.memory_space<vmem>>
      %dma_start3A_307 = tpu.memref_squeeze %dma_start3A_306 : memref<1x64xf32, #tpu.memory_space<vmem>> -> memref<64xf32, #tpu.memory_space<vmem>>
      %dma_start3A_308 = arith.constant 0 : i32
      %dma_start3A_309 = tpu.memref_slice %arg2[%shift_right_arithmetic3A_294, %and3A_296, %dma_start3A_308] : memref<125000x8x64xf32, #tpu.memory_space<hbm>> -> memref<1x1x64xf32, #tpu.memory_space<hbm>>
      %dma_start3A_310 = tpu.memref_squeeze %dma_start3A_309 : memref<1x1x64xf32, #tpu.memory_space<hbm>> -> memref<64xf32, #tpu.memory_space<hbm>>
      %dma_start3A_311 = arith.constant 0 : i32
      %dma_start3A_312 = arith.constant 0 : i32
      %dma_start3A_313 = tpu.memref_slice %arg6[%scan3A_3, %dma_start3A_311, %dma_start3A_312] : memref<2x128x64xf32, #tpu.memory_space<vmem>> -> memref<1x128x64xf32, #tpu.memory_space<vmem>>
      %dma_start3A_314 = tpu.memref_squeeze %dma_start3A_313 : memref<1x128x64xf32, #tpu.memory_space<vmem>> -> memref<128x64xf32, #tpu.memory_space<vmem>>
      %dma_start3A_315 = arith.constant 0 : i32
      %dma_start3A_316 = tpu.memref_slice %dma_start3A_314[%add3A_300, %dma_start3A_315] : memref<128x64xf32, #tpu.memory_space<vmem>> -> memref<1x64xf32, #tpu.memory_space<vmem>>
      %dma_start3A_317 = tpu.memref_squeeze %dma_start3A_316 : memref<1x64xf32, #tpu.memory_space<vmem>> -> memref<64xf32, #tpu.memory_space<vmem>>
      %dma_start3A_318 = arith.constant 0 : i32
      %dma_start3A_319 = tpu.memref_slice %arg2[%shift_right_arithmetic3A_294, %and3A_296, %dma_start3A_318] : memref<125000x8x64xf32, #tpu.memory_space<hbm>> -> memref<1x1x64xf32, #tpu.memory_space<hbm>>
      %dma_start3A_320 = tpu.memref_squeeze %dma_start3A_319 : memref<1x1x64xf32, #tpu.memory_space<hbm>> -> memref<64xf32, #tpu.memory_space<hbm>>
      tpu.enqueue_dma source(%dma_start3A_320 : memref<64xf32, #tpu.memory_space<hbm>>) target(%dma_start3A_317 : memref<64xf32, #tpu.memory_space<vmem>>) target_semaphore(%arg7 : memref<!tpu.dma_semaphore, #tpu.memory_space<semaphore_mem>>)
      %eq3A_321 = arith.constant 3 : i32
      %eq3A_322 = vector.broadcast %eq3A_321 : i32 to vector<16xi32>
      %eq3A_323 = arith.cmpi eq, %iota3A, %eq3A_322 : vector<16xi32>
      %jit3A_324 = arith.constant 0 : i32
      %broadcast_in_dim3A_325 = vector.broadcast %jit3A_324 : i32 to vector<16xi32>
      %select_n3A_326 = arith.select %eq3A_323, %get3A_213, %broadcast_in_dim3A_325 : vector<16xi1>, vector<16xi32>
      %reduce_sum3A_327 = arith.constant true
      %reduce_sum3A_328 = vector.broadcast %reduce_sum3A_327 : i1 to vector<16xi1>
      %reduce_sum3A_329 = tpu.scan <sum>, %select_n3A_326 masked %reduce_sum3A_328 : vector<16xi32>, vector<16xi1> -> vector<16xi32>
      %reduce_sum3A_330 = vector.extract %reduce_sum3A_329[15] : i32 from vector<16xi32>
      %shift_right_arithmetic3A_331 = arith.constant 3 : i32
      %shift_right_arithmetic3A_332 = arith.shrsi %reduce_sum3A_330, %shift_right_arithmetic3A_331 : i32
      %and3A_333 = arith.constant 7 : i32
      %and3A_334 = arith.andi %reduce_sum3A_330, %and3A_333 : i32
      %mul3A_335 = arith.constant 16 : i32
      %mul3A_336 = arith.muli %scan3A_208, %mul3A_335 : i32
      %add3A_337 = arith.constant 3 : i32
      %add3A_338 = arith.addi %mul3A_336, %add3A_337 : i32
      %dma_start3A_339 = arith.constant 0 : i32
      %dma_start3A_340 = arith.constant 0 : i32
      %dma_start3A_341 = tpu.memref_slice %arg6[%scan3A_3, %dma_start3A_339, %dma_start3A_340] : memref<2x128x64xf32, #tpu.memory_space<vmem>> -> memref<1x128x64xf32, #tpu.memory_space<vmem>>
      %dma_start3A_342 = tpu.memref_squeeze %dma_start3A_341 : memref<1x128x64xf32, #tpu.memory_space<vmem>> -> memref<128x64xf32, #tpu.memory_space<vmem>>
      %dma_start3A_343 = arith.constant 0 : i32
      %dma_start3A_344 = tpu.memref_slice %dma_start3A_342[%add3A_338, %dma_start3A_343] : memref<128x64xf32, #tpu.memory_space<vmem>> -> memref<1x64xf32, #tpu.memory_space<vmem>>
      %dma_start3A_345 = tpu.memref_squeeze %dma_start3A_344 : memref<1x64xf32, #tpu.memory_space<vmem>> -> memref<64xf32, #tpu.memory_space<vmem>>
      %dma_start3A_346 = arith.constant 0 : i32
      %dma_start3A_347 = tpu.memref_slice %arg2[%shift_right_arithmetic3A_332, %and3A_334, %dma_start3A_346] : memref<125000x8x64xf32, #tpu.memory_space<hbm>> -> memref<1x1x64xf32, #tpu.memory_space<hbm>>
      %dma_start3A_348 = tpu.memref_squeeze %dma_start3A_347 : memref<1x1x64xf32, #tpu.memory_space<hbm>> -> memref<64xf32, #tpu.memory_space<hbm>>
      %dma_start3A_349 = arith.constant 0 : i32
      %dma_start3A_350 = arith.constant 0 : i32
      %dma_start3A_351 = tpu.memref_slice %arg6[%scan3A_3, %dma_start3A_349, %dma_start3A_350] : memref<2x128x64xf32, #tpu.memory_space<vmem>> -> memref<1x128x64xf32, #tpu.memory_space<vmem>>
      %dma_start3A_352 = tpu.memref_squeeze %dma_start3A_351 : memref<1x128x64xf32, #tpu.memory_space<vmem>> -> memref<128x64xf32, #tpu.memory_space<vmem>>
      %dma_start3A_353 = arith.constant 0 : i32
      %dma_start3A_354 = tpu.memref_slice %dma_start3A_352[%add3A_338, %dma_start3A_353] : memref<128x64xf32, #tpu.memory_space<vmem>> -> memref<1x64xf32, #tpu.memory_space<vmem>>
      %dma_start3A_355 = tpu.memref_squeeze %dma_start3A_354 : memref<1x64xf32, #tpu.memory_space<vmem>> -> memref<64xf32, #tpu.memory_space<vmem>>
      %dma_start3A_356 = arith.constant 0 : i32
      %dma_start3A_357 = tpu.memref_slice %arg2[%shift_right_arithmetic3A_332, %and3A_334, %dma_start3A_356] : memref<125000x8x64xf32, #tpu.memory_space<hbm>> -> memref<1x1x64xf32, #tpu.memory_space<hbm>>
      %dma_start3A_358 = tpu.memref_squeeze %dma_start3A_357 : memref<1x1x64xf32, #tpu.memory_space<hbm>> -> memref<64xf32, #tpu.memory_space<hbm>>
      tpu.enqueue_dma source(%dma_start3A_358 : memref<64xf32, #tpu.memory_space<hbm>>) target(%dma_start3A_355 : memref<64xf32, #tpu.memory_space<vmem>>) target_semaphore(%arg7 : memref<!tpu.dma_semaphore, #tpu.memory_space<semaphore_mem>>)
      %eq3A_359 = arith.constant 4 : i32
      %eq3A_360 = vector.broadcast %eq3A_359 : i32 to vector<16xi32>
      %eq3A_361 = arith.cmpi eq, %iota3A, %eq3A_360 : vector<16xi32>
      %jit3A_362 = arith.constant 0 : i32
      %broadcast_in_dim3A_363 = vector.broadcast %jit3A_362 : i32 to vector<16xi32>
      %select_n3A_364 = arith.select %eq3A_361, %get3A_213, %broadcast_in_dim3A_363 : vector<16xi1>, vector<16xi32>
      %reduce_sum3A_365 = arith.constant true
      %reduce_sum3A_366 = vector.broadcast %reduce_sum3A_365 : i1 to vector<16xi1>
      %reduce_sum3A_367 = tpu.scan <sum>, %select_n3A_364 masked %reduce_sum3A_366 : vector<16xi32>, vector<16xi1> -> vector<16xi32>
      %reduce_sum3A_368 = vector.extract %reduce_sum3A_367[15] : i32 from vector<16xi32>
      %shift_right_arithmetic3A_369 = arith.constant 3 : i32
      %shift_right_arithmetic3A_370 = arith.shrsi %reduce_sum3A_368, %shift_right_arithmetic3A_369 : i32
      %and3A_371 = arith.constant 7 : i32
      %and3A_372 = arith.andi %reduce_sum3A_368, %and3A_371 : i32
      %mul3A_373 = arith.constant 16 : i32
      %mul3A_374 = arith.muli %scan3A_208, %mul3A_373 : i32
      %add3A_375 = arith.constant 4 : i32
      %add3A_376 = arith.addi %mul3A_374, %add3A_375 : i32
      %dma_start3A_377 = arith.constant 0 : i32
      %dma_start3A_378 = arith.constant 0 : i32
      %dma_start3A_379 = tpu.memref_slice %arg6[%scan3A_3, %dma_start3A_377, %dma_start3A_378] : memref<2x128x64xf32, #tpu.memory_space<vmem>> -> memref<1x128x64xf32, #tpu.memory_space<vmem>>
      %dma_start3A_380 = tpu.memref_squeeze %dma_start3A_379 : memref<1x128x64xf32, #tpu.memory_space<vmem>> -> memref<128x64xf32, #tpu.memory_space<vmem>>
      %dma_start3A_381 = arith.constant 0 : i32
      %dma_start3A_382 = tpu.memref_slice %dma_start3A_380[%add3A_376, %dma_start3A_381] : memref<128x64xf32, #tpu.memory_space<vmem>> -> memref<1x64xf32, #tpu.memory_space<vmem>>
      %dma_start3A_383 = tpu.memref_squeeze %dma_start3A_382 : memref<1x64xf32, #tpu.memory_space<vmem>> -> memref<64xf32, #tpu.memory_space<vmem>>
      %dma_start3A_384 = arith.constant 0 : i32
      %dma_start3A_385 = tpu.memref_slice %arg2[%shift_right_arithmetic3A_370, %and3A_372, %dma_start3A_384] : memref<125000x8x64xf32, #tpu.memory_space<hbm>> -> memref<1x1x64xf32, #tpu.memory_space<hbm>>
      %dma_start3A_386 = tpu.memref_squeeze %dma_start3A_385 : memref<1x1x64xf32, #tpu.memory_space<hbm>> -> memref<64xf32, #tpu.memory_space<hbm>>
      %dma_start3A_387 = arith.constant 0 : i32
      %dma_start3A_388 = arith.constant 0 : i32
      %dma_start3A_389 = tpu.memref_slice %arg6[%scan3A_3, %dma_start3A_387, %dma_start3A_388] : memref<2x128x64xf32, #tpu.memory_space<vmem>> -> memref<1x128x64xf32, #tpu.memory_space<vmem>>
      %dma_start3A_390 = tpu.memref_squeeze %dma_start3A_389 : memref<1x128x64xf32, #tpu.memory_space<vmem>> -> memref<128x64xf32, #tpu.memory_space<vmem>>
      %dma_start3A_391 = arith.constant 0 : i32
      %dma_start3A_392 = tpu.memref_slice %dma_start3A_390[%add3A_376, %dma_start3A_391] : memref<128x64xf32, #tpu.memory_space<vmem>> -> memref<1x64xf32, #tpu.memory_space<vmem>>
      %dma_start3A_393 = tpu.memref_squeeze %dma_start3A_392 : memref<1x64xf32, #tpu.memory_space<vmem>> -> memref<64xf32, #tpu.memory_space<vmem>>
      %dma_start3A_394 = arith.constant 0 : i32
      %dma_start3A_395 = tpu.memref_slice %arg2[%shift_right_arithmetic3A_370, %and3A_372, %dma_start3A_394] : memref<125000x8x64xf32, #tpu.memory_space<hbm>> -> memref<1x1x64xf32, #tpu.memory_space<hbm>>
      %dma_start3A_396 = tpu.memref_squeeze %dma_start3A_395 : memref<1x1x64xf32, #tpu.memory_space<hbm>> -> memref<64xf32, #tpu.memory_space<hbm>>
      tpu.enqueue_dma source(%dma_start3A_396 : memref<64xf32, #tpu.memory_space<hbm>>) target(%dma_start3A_393 : memref<64xf32, #tpu.memory_space<vmem>>) target_semaphore(%arg7 : memref<!tpu.dma_semaphore, #tpu.memory_space<semaphore_mem>>)
      %eq3A_397 = arith.constant 5 : i32
      %eq3A_398 = vector.broadcast %eq3A_397 : i32 to vector<16xi32>
      %eq3A_399 = arith.cmpi eq, %iota3A, %eq3A_398 : vector<16xi32>
      %jit3A_400 = arith.constant 0 : i32
      %broadcast_in_dim3A_401 = vector.broadcast %jit3A_400 : i32 to vector<16xi32>
      %select_n3A_402 = arith.select %eq3A_399, %get3A_213, %broadcast_in_dim3A_401 : vector<16xi1>, vector<16xi32>
      %reduce_sum3A_403 = arith.constant true
      %reduce_sum3A_404 = vector.broadcast %reduce_sum3A_403 : i1 to vector<16xi1>
      %reduce_sum3A_405 = tpu.scan <sum>, %select_n3A_402 masked %reduce_sum3A_404 : vector<16xi32>, vector<16xi1> -> vector<16xi32>
      %reduce_sum3A_406 = vector.extract %reduce_sum3A_405[15] : i32 from vector<16xi32>
      %shift_right_arithmetic3A_407 = arith.constant 3 : i32
      %shift_right_arithmetic3A_408 = arith.shrsi %reduce_sum3A_406, %shift_right_arithmetic3A_407 : i32
      %and3A_409 = arith.constant 7 : i32
      %and3A_410 = arith.andi %reduce_sum3A_406, %and3A_409 : i32
      %mul3A_411 = arith.constant 16 : i32
      %mul3A_412 = arith.muli %scan3A_208, %mul3A_411 : i32
      %add3A_413 = arith.constant 5 : i32
      %add3A_414 = arith.addi %mul3A_412, %add3A_413 : i32
      %dma_start3A_415 = arith.constant 0 : i32
      %dma_start3A_416 = arith.constant 0 : i32
      %dma_start3A_417 = tpu.memref_slice %arg6[%scan3A_3, %dma_start3A_415, %dma_start3A_416] : memref<2x128x64xf32, #tpu.memory_space<vmem>> -> memref<1x128x64xf32, #tpu.memory_space<vmem>>
      %dma_start3A_418 = tpu.memref_squeeze %dma_start3A_417 : memref<1x128x64xf32, #tpu.memory_space<vmem>> -> memref<128x64xf32, #tpu.memory_space<vmem>>
      %dma_start3A_419 = arith.constant 0 : i32
      %dma_start3A_420 = tpu.memref_slice %dma_start3A_418[%add3A_414, %dma_start3A_419] : memref<128x64xf32, #tpu.memory_space<vmem>> -> memref<1x64xf32, #tpu.memory_space<vmem>>
      %dma_start3A_421 = tpu.memref_squeeze %dma_start3A_420 : memref<1x64xf32, #tpu.memory_space<vmem>> -> memref<64xf32, #tpu.memory_space<vmem>>
      %dma_start3A_422 = arith.constant 0 : i32
      %dma_start3A_423 = tpu.memref_slice %arg2[%shift_right_arithmetic3A_408, %and3A_410, %dma_start3A_422] : memref<125000x8x64xf32, #tpu.memory_space<hbm>> -> memref<1x1x64xf32, #tpu.memory_space<hbm>>
      %dma_start3A_424 = tpu.memref_squeeze %dma_start3A_423 : memref<1x1x64xf32, #tpu.memory_space<hbm>> -> memref<64xf32, #tpu.memory_space<hbm>>
      %dma_start3A_425 = arith.constant 0 : i32
      %dma_start3A_426 = arith.constant 0 : i32
      %dma_start3A_427 = tpu.memref_slice %arg6[%scan3A_3, %dma_start3A_425, %dma_start3A_426] : memref<2x128x64xf32, #tpu.memory_space<vmem>> -> memref<1x128x64xf32, #tpu.memory_space<vmem>>
      %dma_start3A_428 = tpu.memref_squeeze %dma_start3A_427 : memref<1x128x64xf32, #tpu.memory_space<vmem>> -> memref<128x64xf32, #tpu.memory_space<vmem>>
      %dma_start3A_429 = arith.constant 0 : i32
      %dma_start3A_430 = tpu.memref_slice %dma_start3A_428[%add3A_414, %dma_start3A_429] : memref<128x64xf32, #tpu.memory_space<vmem>> -> memref<1x64xf32, #tpu.memory_space<vmem>>
      %dma_start3A_431 = tpu.memref_squeeze %dma_start3A_430 : memref<1x64xf32, #tpu.memory_space<vmem>> -> memref<64xf32, #tpu.memory_space<vmem>>
      %dma_start3A_432 = arith.constant 0 : i32
      %dma_start3A_433 = tpu.memref_slice %arg2[%shift_right_arithmetic3A_408, %and3A_410, %dma_start3A_432] : memref<125000x8x64xf32, #tpu.memory_space<hbm>> -> memref<1x1x64xf32, #tpu.memory_space<hbm>>
      %dma_start3A_434 = tpu.memref_squeeze %dma_start3A_433 : memref<1x1x64xf32, #tpu.memory_space<hbm>> -> memref<64xf32, #tpu.memory_space<hbm>>
      tpu.enqueue_dma source(%dma_start3A_434 : memref<64xf32, #tpu.memory_space<hbm>>) target(%dma_start3A_431 : memref<64xf32, #tpu.memory_space<vmem>>) target_semaphore(%arg7 : memref<!tpu.dma_semaphore, #tpu.memory_space<semaphore_mem>>)
      %eq3A_435 = arith.constant 6 : i32
      %eq3A_436 = vector.broadcast %eq3A_435 : i32 to vector<16xi32>
      %eq3A_437 = arith.cmpi eq, %iota3A, %eq3A_436 : vector<16xi32>
      %jit3A_438 = arith.constant 0 : i32
      %broadcast_in_dim3A_439 = vector.broadcast %jit3A_438 : i32 to vector<16xi32>
      %select_n3A_440 = arith.select %eq3A_437, %get3A_213, %broadcast_in_dim3A_439 : vector<16xi1>, vector<16xi32>
      %reduce_sum3A_441 = arith.constant true
      %reduce_sum3A_442 = vector.broadcast %reduce_sum3A_441 : i1 to vector<16xi1>
      %reduce_sum3A_443 = tpu.scan <sum>, %select_n3A_440 masked %reduce_sum3A_442 : vector<16xi32>, vector<16xi1> -> vector<16xi32>
      %reduce_sum3A_444 = vector.extract %reduce_sum3A_443[15] : i32 from vector<16xi32>
      %shift_right_arithmetic3A_445 = arith.constant 3 : i32
      %shift_right_arithmetic3A_446 = arith.shrsi %reduce_sum3A_444, %shift_right_arithmetic3A_445 : i32
      %and3A_447 = arith.constant 7 : i32
      %and3A_448 = arith.andi %reduce_sum3A_444, %and3A_447 : i32
      %mul3A_449 = arith.constant 16 : i32
      %mul3A_450 = arith.muli %scan3A_208, %mul3A_449 : i32
      %add3A_451 = arith.constant 6 : i32
      %add3A_452 = arith.addi %mul3A_450, %add3A_451 : i32
      %dma_start3A_453 = arith.constant 0 : i32
      %dma_start3A_454 = arith.constant 0 : i32
      %dma_start3A_455 = tpu.memref_slice %arg6[%scan3A_3, %dma_start3A_453, %dma_start3A_454] : memref<2x128x64xf32, #tpu.memory_space<vmem>> -> memref<1x128x64xf32, #tpu.memory_space<vmem>>
      %dma_start3A_456 = tpu.memref_squeeze %dma_start3A_455 : memref<1x128x64xf32, #tpu.memory_space<vmem>> -> memref<128x64xf32, #tpu.memory_space<vmem>>
      %dma_start3A_457 = arith.constant 0 : i32
      %dma_start3A_458 = tpu.memref_slice %dma_start3A_456[%add3A_452, %dma_start3A_457] : memref<128x64xf32, #tpu.memory_space<vmem>> -> memref<1x64xf32, #tpu.memory_space<vmem>>
      %dma_start3A_459 = tpu.memref_squeeze %dma_start3A_458 : memref<1x64xf32, #tpu.memory_space<vmem>> -> memref<64xf32, #tpu.memory_space<vmem>>
      %dma_start3A_460 = arith.constant 0 : i32
      %dma_start3A_461 = tpu.memref_slice %arg2[%shift_right_arithmetic3A_446, %and3A_448, %dma_start3A_460] : memref<125000x8x64xf32, #tpu.memory_space<hbm>> -> memref<1x1x64xf32, #tpu.memory_space<hbm>>
      %dma_start3A_462 = tpu.memref_squeeze %dma_start3A_461 : memref<1x1x64xf32, #tpu.memory_space<hbm>> -> memref<64xf32, #tpu.memory_space<hbm>>
      %dma_start3A_463 = arith.constant 0 : i32
      %dma_start3A_464 = arith.constant 0 : i32
      %dma_start3A_465 = tpu.memref_slice %arg6[%scan3A_3, %dma_start3A_463, %dma_start3A_464] : memref<2x128x64xf32, #tpu.memory_space<vmem>> -> memref<1x128x64xf32, #tpu.memory_space<vmem>>
      %dma_start3A_466 = tpu.memref_squeeze %dma_start3A_465 : memref<1x128x64xf32, #tpu.memory_space<vmem>> -> memref<128x64xf32, #tpu.memory_space<vmem>>
      %dma_start3A_467 = arith.constant 0 : i32
      %dma_start3A_468 = tpu.memref_slice %dma_start3A_466[%add3A_452, %dma_start3A_467] : memref<128x64xf32, #tpu.memory_space<vmem>> -> memref<1x64xf32, #tpu.memory_space<vmem>>
      %dma_start3A_469 = tpu.memref_squeeze %dma_start3A_468 : memref<1x64xf32, #tpu.memory_space<vmem>> -> memref<64xf32, #tpu.memory_space<vmem>>
      %dma_start3A_470 = arith.constant 0 : i32
      %dma_start3A_471 = tpu.memref_slice %arg2[%shift_right_arithmetic3A_446, %and3A_448, %dma_start3A_470] : memref<125000x8x64xf32, #tpu.memory_space<hbm>> -> memref<1x1x64xf32, #tpu.memory_space<hbm>>
      %dma_start3A_472 = tpu.memref_squeeze %dma_start3A_471 : memref<1x1x64xf32, #tpu.memory_space<hbm>> -> memref<64xf32, #tpu.memory_space<hbm>>
      tpu.enqueue_dma source(%dma_start3A_472 : memref<64xf32, #tpu.memory_space<hbm>>) target(%dma_start3A_469 : memref<64xf32, #tpu.memory_space<vmem>>) target_semaphore(%arg7 : memref<!tpu.dma_semaphore, #tpu.memory_space<semaphore_mem>>)
      %eq3A_473 = arith.constant 7 : i32
      %eq3A_474 = vector.broadcast %eq3A_473 : i32 to vector<16xi32>
      %eq3A_475 = arith.cmpi eq, %iota3A, %eq3A_474 : vector<16xi32>
      %jit3A_476 = arith.constant 0 : i32
      %broadcast_in_dim3A_477 = vector.broadcast %jit3A_476 : i32 to vector<16xi32>
      %select_n3A_478 = arith.select %eq3A_475, %get3A_213, %broadcast_in_dim3A_477 : vector<16xi1>, vector<16xi32>
      %reduce_sum3A_479 = arith.constant true
      %reduce_sum3A_480 = vector.broadcast %reduce_sum3A_479 : i1 to vector<16xi1>
      %reduce_sum3A_481 = tpu.scan <sum>, %select_n3A_478 masked %reduce_sum3A_480 : vector<16xi32>, vector<16xi1> -> vector<16xi32>
      %reduce_sum3A_482 = vector.extract %reduce_sum3A_481[15] : i32 from vector<16xi32>
      %shift_right_arithmetic3A_483 = arith.constant 3 : i32
      %shift_right_arithmetic3A_484 = arith.shrsi %reduce_sum3A_482, %shift_right_arithmetic3A_483 : i32
      %and3A_485 = arith.constant 7 : i32
      %and3A_486 = arith.andi %reduce_sum3A_482, %and3A_485 : i32
      %mul3A_487 = arith.constant 16 : i32
      %mul3A_488 = arith.muli %scan3A_208, %mul3A_487 : i32
      %add3A_489 = arith.constant 7 : i32
      %add3A_490 = arith.addi %mul3A_488, %add3A_489 : i32
      %dma_start3A_491 = arith.constant 0 : i32
      %dma_start3A_492 = arith.constant 0 : i32
      %dma_start3A_493 = tpu.memref_slice %arg6[%scan3A_3, %dma_start3A_491, %dma_start3A_492] : memref<2x128x64xf32, #tpu.memory_space<vmem>> -> memref<1x128x64xf32, #tpu.memory_space<vmem>>
      %dma_start3A_494 = tpu.memref_squeeze %dma_start3A_493 : memref<1x128x64xf32, #tpu.memory_space<vmem>> -> memref<128x64xf32, #tpu.memory_space<vmem>>
      %dma_start3A_495 = arith.constant 0 : i32
      %dma_start3A_496 = tpu.memref_slice %dma_start3A_494[%add3A_490, %dma_start3A_495] : memref<128x64xf32, #tpu.memory_space<vmem>> -> memref<1x64xf32, #tpu.memory_space<vmem>>
      %dma_start3A_497 = tpu.memref_squeeze %dma_start3A_496 : memref<1x64xf32, #tpu.memory_space<vmem>> -> memref<64xf32, #tpu.memory_space<vmem>>
      %dma_start3A_498 = arith.constant 0 : i32
      %dma_start3A_499 = tpu.memref_slice %arg2[%shift_right_arithmetic3A_484, %and3A_486, %dma_start3A_498] : memref<125000x8x64xf32, #tpu.memory_space<hbm>> -> memref<1x1x64xf32, #tpu.memory_space<hbm>>
      %dma_start3A_500 = tpu.memref_squeeze %dma_start3A_499 : memref<1x1x64xf32, #tpu.memory_space<hbm>> -> memref<64xf32, #tpu.memory_space<hbm>>
      %dma_start3A_501 = arith.constant 0 : i32
      %dma_start3A_502 = arith.constant 0 : i32
      %dma_start3A_503 = tpu.memref_slice %arg6[%scan3A_3, %dma_start3A_501, %dma_start3A_502] : memref<2x128x64xf32, #tpu.memory_space<vmem>> -> memref<1x128x64xf32, #tpu.memory_space<vmem>>
      %dma_start3A_504 = tpu.memref_squeeze %dma_start3A_503 : memref<1x128x64xf32, #tpu.memory_space<vmem>> -> memref<128x64xf32, #tpu.memory_space<vmem>>
      %dma_start3A_505 = arith.constant 0 : i32
      %dma_start3A_506 = tpu.memref_slice %dma_start3A_504[%add3A_490, %dma_start3A_505] : memref<128x64xf32, #tpu.memory_space<vmem>> -> memref<1x64xf32, #tpu.memory_space<vmem>>
      %dma_start3A_507 = tpu.memref_squeeze %dma_start3A_506 : memref<1x64xf32, #tpu.memory_space<vmem>> -> memref<64xf32, #tpu.memory_space<vmem>>
      %dma_start3A_508 = arith.constant 0 : i32
      %dma_start3A_509 = tpu.memref_slice %arg2[%shift_right_arithmetic3A_484, %and3A_486, %dma_start3A_508] : memref<125000x8x64xf32, #tpu.memory_space<hbm>> -> memref<1x1x64xf32, #tpu.memory_space<hbm>>
      %dma_start3A_510 = tpu.memref_squeeze %dma_start3A_509 : memref<1x1x64xf32, #tpu.memory_space<hbm>> -> memref<64xf32, #tpu.memory_space<hbm>>
      tpu.enqueue_dma source(%dma_start3A_510 : memref<64xf32, #tpu.memory_space<hbm>>) target(%dma_start3A_507 : memref<64xf32, #tpu.memory_space<vmem>>) target_semaphore(%arg7 : memref<!tpu.dma_semaphore, #tpu.memory_space<semaphore_mem>>)
      %eq3A_511 = arith.constant 8 : i32
      %eq3A_512 = vector.broadcast %eq3A_511 : i32 to vector<16xi32>
      %eq3A_513 = arith.cmpi eq, %iota3A, %eq3A_512 : vector<16xi32>
      %jit3A_514 = arith.constant 0 : i32
      %broadcast_in_dim3A_515 = vector.broadcast %jit3A_514 : i32 to vector<16xi32>
      %select_n3A_516 = arith.select %eq3A_513, %get3A_213, %broadcast_in_dim3A_515 : vector<16xi1>, vector<16xi32>
      %reduce_sum3A_517 = arith.constant true
      %reduce_sum3A_518 = vector.broadcast %reduce_sum3A_517 : i1 to vector<16xi1>
      %reduce_sum3A_519 = tpu.scan <sum>, %select_n3A_516 masked %reduce_sum3A_518 : vector<16xi32>, vector<16xi1> -> vector<16xi32>
      %reduce_sum3A_520 = vector.extract %reduce_sum3A_519[15] : i32 from vector<16xi32>
      %shift_right_arithmetic3A_521 = arith.constant 3 : i32
      %shift_right_arithmetic3A_522 = arith.shrsi %reduce_sum3A_520, %shift_right_arithmetic3A_521 : i32
      %and3A_523 = arith.constant 7 : i32
      %and3A_524 = arith.andi %reduce_sum3A_520, %and3A_523 : i32
      %mul3A_525 = arith.constant 16 : i32
      %mul3A_526 = arith.muli %scan3A_208, %mul3A_525 : i32
      %add3A_527 = arith.constant 8 : i32
      %add3A_528 = arith.addi %mul3A_526, %add3A_527 : i32
      %dma_start3A_529 = arith.constant 0 : i32
      %dma_start3A_530 = arith.constant 0 : i32
      %dma_start3A_531 = tpu.memref_slice %arg6[%scan3A_3, %dma_start3A_529, %dma_start3A_530] : memref<2x128x64xf32, #tpu.memory_space<vmem>> -> memref<1x128x64xf32, #tpu.memory_space<vmem>>
      %dma_start3A_532 = tpu.memref_squeeze %dma_start3A_531 : memref<1x128x64xf32, #tpu.memory_space<vmem>> -> memref<128x64xf32, #tpu.memory_space<vmem>>
      %dma_start3A_533 = arith.constant 0 : i32
      %dma_start3A_534 = tpu.memref_slice %dma_start3A_532[%add3A_528, %dma_start3A_533] : memref<128x64xf32, #tpu.memory_space<vmem>> -> memref<1x64xf32, #tpu.memory_space<vmem>>
      %dma_start3A_535 = tpu.memref_squeeze %dma_start3A_534 : memref<1x64xf32, #tpu.memory_space<vmem>> -> memref<64xf32, #tpu.memory_space<vmem>>
      %dma_start3A_536 = arith.constant 0 : i32
      %dma_start3A_537 = tpu.memref_slice %arg2[%shift_right_arithmetic3A_522, %and3A_524, %dma_start3A_536] : memref<125000x8x64xf32, #tpu.memory_space<hbm>> -> memref<1x1x64xf32, #tpu.memory_space<hbm>>
      %dma_start3A_538 = tpu.memref_squeeze %dma_start3A_537 : memref<1x1x64xf32, #tpu.memory_space<hbm>> -> memref<64xf32, #tpu.memory_space<hbm>>
      %dma_start3A_539 = arith.constant 0 : i32
      %dma_start3A_540 = arith.constant 0 : i32
      %dma_start3A_541 = tpu.memref_slice %arg6[%scan3A_3, %dma_start3A_539, %dma_start3A_540] : memref<2x128x64xf32, #tpu.memory_space<vmem>> -> memref<1x128x64xf32, #tpu.memory_space<vmem>>
      %dma_start3A_542 = tpu.memref_squeeze %dma_start3A_541 : memref<1x128x64xf32, #tpu.memory_space<vmem>> -> memref<128x64xf32, #tpu.memory_space<vmem>>
      %dma_start3A_543 = arith.constant 0 : i32
      %dma_start3A_544 = tpu.memref_slice %dma_start3A_542[%add3A_528, %dma_start3A_543] : memref<128x64xf32, #tpu.memory_space<vmem>> -> memref<1x64xf32, #tpu.memory_space<vmem>>
      %dma_start3A_545 = tpu.memref_squeeze %dma_start3A_544 : memref<1x64xf32, #tpu.memory_space<vmem>> -> memref<64xf32, #tpu.memory_space<vmem>>
      %dma_start3A_546 = arith.constant 0 : i32
      %dma_start3A_547 = tpu.memref_slice %arg2[%shift_right_arithmetic3A_522, %and3A_524, %dma_start3A_546] : memref<125000x8x64xf32, #tpu.memory_space<hbm>> -> memref<1x1x64xf32, #tpu.memory_space<hbm>>
      %dma_start3A_548 = tpu.memref_squeeze %dma_start3A_547 : memref<1x1x64xf32, #tpu.memory_space<hbm>> -> memref<64xf32, #tpu.memory_space<hbm>>
      tpu.enqueue_dma source(%dma_start3A_548 : memref<64xf32, #tpu.memory_space<hbm>>) target(%dma_start3A_545 : memref<64xf32, #tpu.memory_space<vmem>>) target_semaphore(%arg7 : memref<!tpu.dma_semaphore, #tpu.memory_space<semaphore_mem>>)
      %eq3A_549 = arith.constant 9 : i32
      %eq3A_550 = vector.broadcast %eq3A_549 : i32 to vector<16xi32>
      %eq3A_551 = arith.cmpi eq, %iota3A, %eq3A_550 : vector<16xi32>
      %jit3A_552 = arith.constant 0 : i32
      %broadcast_in_dim3A_553 = vector.broadcast %jit3A_552 : i32 to vector<16xi32>
      %select_n3A_554 = arith.select %eq3A_551, %get3A_213, %broadcast_in_dim3A_553 : vector<16xi1>, vector<16xi32>
      %reduce_sum3A_555 = arith.constant true
      %reduce_sum3A_556 = vector.broadcast %reduce_sum3A_555 : i1 to vector<16xi1>
      %reduce_sum3A_557 = tpu.scan <sum>, %select_n3A_554 masked %reduce_sum3A_556 : vector<16xi32>, vector<16xi1> -> vector<16xi32>
      %reduce_sum3A_558 = vector.extract %reduce_sum3A_557[15] : i32 from vector<16xi32>
      %shift_right_arithmetic3A_559 = arith.constant 3 : i32
      %shift_right_arithmetic3A_560 = arith.shrsi %reduce_sum3A_558, %shift_right_arithmetic3A_559 : i32
      %and3A_561 = arith.constant 7 : i32
      %and3A_562 = arith.andi %reduce_sum3A_558, %and3A_561 : i32
      %mul3A_563 = arith.constant 16 : i32
      %mul3A_564 = arith.muli %scan3A_208, %mul3A_563 : i32
      %add3A_565 = arith.constant 9 : i32
      %add3A_566 = arith.addi %mul3A_564, %add3A_565 : i32
      %dma_start3A_567 = arith.constant 0 : i32
      %dma_start3A_568 = arith.constant 0 : i32
      %dma_start3A_569 = tpu.memref_slice %arg6[%scan3A_3, %dma_start3A_567, %dma_start3A_568] : memref<2x128x64xf32, #tpu.memory_space<vmem>> -> memref<1x128x64xf32, #tpu.memory_space<vmem>>
      %dma_start3A_570 = tpu.memref_squeeze %dma_start3A_569 : memref<1x128x64xf32, #tpu.memory_space<vmem>> -> memref<128x64xf32, #tpu.memory_space<vmem>>
      %dma_start3A_571 = arith.constant 0 : i32
      %dma_start3A_572 = tpu.memref_slice %dma_start3A_570[%add3A_566, %dma_start3A_571] : memref<128x64xf32, #tpu.memory_space<vmem>> -> memref<1x64xf32, #tpu.memory_space<vmem>>
      %dma_start3A_573 = tpu.memref_squeeze %dma_start3A_572 : memref<1x64xf32, #tpu.memory_space<vmem>> -> memref<64xf32, #tpu.memory_space<vmem>>
      %dma_start3A_574 = arith.constant 0 : i32
      %dma_start3A_575 = tpu.memref_slice %arg2[%shift_right_arithmetic3A_560, %and3A_562, %dma_start3A_574] : memref<125000x8x64xf32, #tpu.memory_space<hbm>> -> memref<1x1x64xf32, #tpu.memory_space<hbm>>
      %dma_start3A_576 = tpu.memref_squeeze %dma_start3A_575 : memref<1x1x64xf32, #tpu.memory_space<hbm>> -> memref<64xf32, #tpu.memory_space<hbm>>
      %dma_start3A_577 = arith.constant 0 : i32
      %dma_start3A_578 = arith.constant 0 : i32
      %dma_start3A_579 = tpu.memref_slice %arg6[%scan3A_3, %dma_start3A_577, %dma_start3A_578] : memref<2x128x64xf32, #tpu.memory_space<vmem>> -> memref<1x128x64xf32, #tpu.memory_space<vmem>>
      %dma_start3A_580 = tpu.memref_squeeze %dma_start3A_579 : memref<1x128x64xf32, #tpu.memory_space<vmem>> -> memref<128x64xf32, #tpu.memory_space<vmem>>
      %dma_start3A_581 = arith.constant 0 : i32
      %dma_start3A_582 = tpu.memref_slice %dma_start3A_580[%add3A_566, %dma_start3A_581] : memref<128x64xf32, #tpu.memory_space<vmem>> -> memref<1x64xf32, #tpu.memory_space<vmem>>
      %dma_start3A_583 = tpu.memref_squeeze %dma_start3A_582 : memref<1x64xf32, #tpu.memory_space<vmem>> -> memref<64xf32, #tpu.memory_space<vmem>>
      %dma_start3A_584 = arith.constant 0 : i32
      %dma_start3A_585 = tpu.memref_slice %arg2[%shift_right_arithmetic3A_560, %and3A_562, %dma_start3A_584] : memref<125000x8x64xf32, #tpu.memory_space<hbm>> -> memref<1x1x64xf32, #tpu.memory_space<hbm>>
      %dma_start3A_586 = tpu.memref_squeeze %dma_start3A_585 : memref<1x1x64xf32, #tpu.memory_space<hbm>> -> memref<64xf32, #tpu.memory_space<hbm>>
      tpu.enqueue_dma source(%dma_start3A_586 : memref<64xf32, #tpu.memory_space<hbm>>) target(%dma_start3A_583 : memref<64xf32, #tpu.memory_space<vmem>>) target_semaphore(%arg7 : memref<!tpu.dma_semaphore, #tpu.memory_space<semaphore_mem>>)
      %eq3A_587 = arith.constant 10 : i32
      %eq3A_588 = vector.broadcast %eq3A_587 : i32 to vector<16xi32>
      %eq3A_589 = arith.cmpi eq, %iota3A, %eq3A_588 : vector<16xi32>
      %jit3A_590 = arith.constant 0 : i32
      %broadcast_in_dim3A_591 = vector.broadcast %jit3A_590 : i32 to vector<16xi32>
      %select_n3A_592 = arith.select %eq3A_589, %get3A_213, %broadcast_in_dim3A_591 : vector<16xi1>, vector<16xi32>
      %reduce_sum3A_593 = arith.constant true
      %reduce_sum3A_594 = vector.broadcast %reduce_sum3A_593 : i1 to vector<16xi1>
      %reduce_sum3A_595 = tpu.scan <sum>, %select_n3A_592 masked %reduce_sum3A_594 : vector<16xi32>, vector<16xi1> -> vector<16xi32>
      %reduce_sum3A_596 = vector.extract %reduce_sum3A_595[15] : i32 from vector<16xi32>
      %shift_right_arithmetic3A_597 = arith.constant 3 : i32
      %shift_right_arithmetic3A_598 = arith.shrsi %reduce_sum3A_596, %shift_right_arithmetic3A_597 : i32
      %and3A_599 = arith.constant 7 : i32
      %and3A_600 = arith.andi %reduce_sum3A_596, %and3A_599 : i32
      %mul3A_601 = arith.constant 16 : i32
      %mul3A_602 = arith.muli %scan3A_208, %mul3A_601 : i32
      %add3A_603 = arith.constant 10 : i32
      %add3A_604 = arith.addi %mul3A_602, %add3A_603 : i32
      %dma_start3A_605 = arith.constant 0 : i32
      %dma_start3A_606 = arith.constant 0 : i32
      %dma_start3A_607 = tpu.memref_slice %arg6[%scan3A_3, %dma_start3A_605, %dma_start3A_606] : memref<2x128x64xf32, #tpu.memory_space<vmem>> -> memref<1x128x64xf32, #tpu.memory_space<vmem>>
      %dma_start3A_608 = tpu.memref_squeeze %dma_start3A_607 : memref<1x128x64xf32, #tpu.memory_space<vmem>> -> memref<128x64xf32, #tpu.memory_space<vmem>>
      %dma_start3A_609 = arith.constant 0 : i32
      %dma_start3A_610 = tpu.memref_slice %dma_start3A_608[%add3A_604, %dma_start3A_609] : memref<128x64xf32, #tpu.memory_space<vmem>> -> memref<1x64xf32, #tpu.memory_space<vmem>>
      %dma_start3A_611 = tpu.memref_squeeze %dma_start3A_610 : memref<1x64xf32, #tpu.memory_space<vmem>> -> memref<64xf32, #tpu.memory_space<vmem>>
      %dma_start3A_612 = arith.constant 0 : i32
      %dma_start3A_613 = tpu.memref_slice %arg2[%shift_right_arithmetic3A_598, %and3A_600, %dma_start3A_612] : memref<125000x8x64xf32, #tpu.memory_space<hbm>> -> memref<1x1x64xf32, #tpu.memory_space<hbm>>
      %dma_start3A_614 = tpu.memref_squeeze %dma_start3A_613 : memref<1x1x64xf32, #tpu.memory_space<hbm>> -> memref<64xf32, #tpu.memory_space<hbm>>
      %dma_start3A_615 = arith.constant 0 : i32
      %dma_start3A_616 = arith.constant 0 : i32
      %dma_start3A_617 = tpu.memref_slice %arg6[%scan3A_3, %dma_start3A_615, %dma_start3A_616] : memref<2x128x64xf32, #tpu.memory_space<vmem>> -> memref<1x128x64xf32, #tpu.memory_space<vmem>>
      %dma_start3A_618 = tpu.memref_squeeze %dma_start3A_617 : memref<1x128x64xf32, #tpu.memory_space<vmem>> -> memref<128x64xf32, #tpu.memory_space<vmem>>
      %dma_start3A_619 = arith.constant 0 : i32
      %dma_start3A_620 = tpu.memref_slice %dma_start3A_618[%add3A_604, %dma_start3A_619] : memref<128x64xf32, #tpu.memory_space<vmem>> -> memref<1x64xf32, #tpu.memory_space<vmem>>
      %dma_start3A_621 = tpu.memref_squeeze %dma_start3A_620 : memref<1x64xf32, #tpu.memory_space<vmem>> -> memref<64xf32, #tpu.memory_space<vmem>>
      %dma_start3A_622 = arith.constant 0 : i32
      %dma_start3A_623 = tpu.memref_slice %arg2[%shift_right_arithmetic3A_598, %and3A_600, %dma_start3A_622] : memref<125000x8x64xf32, #tpu.memory_space<hbm>> -> memref<1x1x64xf32, #tpu.memory_space<hbm>>
      %dma_start3A_624 = tpu.memref_squeeze %dma_start3A_623 : memref<1x1x64xf32, #tpu.memory_space<hbm>> -> memref<64xf32, #tpu.memory_space<hbm>>
      tpu.enqueue_dma source(%dma_start3A_624 : memref<64xf32, #tpu.memory_space<hbm>>) target(%dma_start3A_621 : memref<64xf32, #tpu.memory_space<vmem>>) target_semaphore(%arg7 : memref<!tpu.dma_semaphore, #tpu.memory_space<semaphore_mem>>)
      %eq3A_625 = arith.constant 11 : i32
      %eq3A_626 = vector.broadcast %eq3A_625 : i32 to vector<16xi32>
      %eq3A_627 = arith.cmpi eq, %iota3A, %eq3A_626 : vector<16xi32>
      %jit3A_628 = arith.constant 0 : i32
      %broadcast_in_dim3A_629 = vector.broadcast %jit3A_628 : i32 to vector<16xi32>
      %select_n3A_630 = arith.select %eq3A_627, %get3A_213, %broadcast_in_dim3A_629 : vector<16xi1>, vector<16xi32>
      %reduce_sum3A_631 = arith.constant true
      %reduce_sum3A_632 = vector.broadcast %reduce_sum3A_631 : i1 to vector<16xi1>
      %reduce_sum3A_633 = tpu.scan <sum>, %select_n3A_630 masked %reduce_sum3A_632 : vector<16xi32>, vector<16xi1> -> vector<16xi32>
      %reduce_sum3A_634 = vector.extract %reduce_sum3A_633[15] : i32 from vector<16xi32>
      %shift_right_arithmetic3A_635 = arith.constant 3 : i32
      %shift_right_arithmetic3A_636 = arith.shrsi %reduce_sum3A_634, %shift_right_arithmetic3A_635 : i32
      %and3A_637 = arith.constant 7 : i32
      %and3A_638 = arith.andi %reduce_sum3A_634, %and3A_637 : i32
      %mul3A_639 = arith.constant 16 : i32
      %mul3A_640 = arith.muli %scan3A_208, %mul3A_639 : i32
      %add3A_641 = arith.constant 11 : i32
      %add3A_642 = arith.addi %mul3A_640, %add3A_641 : i32
      %dma_start3A_643 = arith.constant 0 : i32
      %dma_start3A_644 = arith.constant 0 : i32
      %dma_start3A_645 = tpu.memref_slice %arg6[%scan3A_3, %dma_start3A_643, %dma_start3A_644] : memref<2x128x64xf32, #tpu.memory_space<vmem>> -> memref<1x128x64xf32, #tpu.memory_space<vmem>>
      %dma_start3A_646 = tpu.memref_squeeze %dma_start3A_645 : memref<1x128x64xf32, #tpu.memory_space<vmem>> -> memref<128x64xf32, #tpu.memory_space<vmem>>
      %dma_start3A_647 = arith.constant 0 : i32
      %dma_start3A_648 = tpu.memref_slice %dma_start3A_646[%add3A_642, %dma_start3A_647] : memref<128x64xf32, #tpu.memory_space<vmem>> -> memref<1x64xf32, #tpu.memory_space<vmem>>
      %dma_start3A_649 = tpu.memref_squeeze %dma_start3A_648 : memref<1x64xf32, #tpu.memory_space<vmem>> -> memref<64xf32, #tpu.memory_space<vmem>>
      %dma_start3A_650 = arith.constant 0 : i32
      %dma_start3A_651 = tpu.memref_slice %arg2[%shift_right_arithmetic3A_636, %and3A_638, %dma_start3A_650] : memref<125000x8x64xf32, #tpu.memory_space<hbm>> -> memref<1x1x64xf32, #tpu.memory_space<hbm>>
      %dma_start3A_652 = tpu.memref_squeeze %dma_start3A_651 : memref<1x1x64xf32, #tpu.memory_space<hbm>> -> memref<64xf32, #tpu.memory_space<hbm>>
      %dma_start3A_653 = arith.constant 0 : i32
      %dma_start3A_654 = arith.constant 0 : i32
      %dma_start3A_655 = tpu.memref_slice %arg6[%scan3A_3, %dma_start3A_653, %dma_start3A_654] : memref<2x128x64xf32, #tpu.memory_space<vmem>> -> memref<1x128x64xf32, #tpu.memory_space<vmem>>
      %dma_start3A_656 = tpu.memref_squeeze %dma_start3A_655 : memref<1x128x64xf32, #tpu.memory_space<vmem>> -> memref<128x64xf32, #tpu.memory_space<vmem>>
      %dma_start3A_657 = arith.constant 0 : i32
      %dma_start3A_658 = tpu.memref_slice %dma_start3A_656[%add3A_642, %dma_start3A_657] : memref<128x64xf32, #tpu.memory_space<vmem>> -> memref<1x64xf32, #tpu.memory_space<vmem>>
      %dma_start3A_659 = tpu.memref_squeeze %dma_start3A_658 : memref<1x64xf32, #tpu.memory_space<vmem>> -> memref<64xf32, #tpu.memory_space<vmem>>
      %dma_start3A_660 = arith.constant 0 : i32
      %dma_start3A_661 = tpu.memref_slice %arg2[%shift_right_arithmetic3A_636, %and3A_638, %dma_start3A_660] : memref<125000x8x64xf32, #tpu.memory_space<hbm>> -> memref<1x1x64xf32, #tpu.memory_space<hbm>>
      %dma_start3A_662 = tpu.memref_squeeze %dma_start3A_661 : memref<1x1x64xf32, #tpu.memory_space<hbm>> -> memref<64xf32, #tpu.memory_space<hbm>>
      tpu.enqueue_dma source(%dma_start3A_662 : memref<64xf32, #tpu.memory_space<hbm>>) target(%dma_start3A_659 : memref<64xf32, #tpu.memory_space<vmem>>) target_semaphore(%arg7 : memref<!tpu.dma_semaphore, #tpu.memory_space<semaphore_mem>>)
      %eq3A_663 = arith.constant 12 : i32
      %eq3A_664 = vector.broadcast %eq3A_663 : i32 to vector<16xi32>
      %eq3A_665 = arith.cmpi eq, %iota3A, %eq3A_664 : vector<16xi32>
      %jit3A_666 = arith.constant 0 : i32
      %broadcast_in_dim3A_667 = vector.broadcast %jit3A_666 : i32 to vector<16xi32>
      %select_n3A_668 = arith.select %eq3A_665, %get3A_213, %broadcast_in_dim3A_667 : vector<16xi1>, vector<16xi32>
      %reduce_sum3A_669 = arith.constant true
      %reduce_sum3A_670 = vector.broadcast %reduce_sum3A_669 : i1 to vector<16xi1>
      %reduce_sum3A_671 = tpu.scan <sum>, %select_n3A_668 masked %reduce_sum3A_670 : vector<16xi32>, vector<16xi1> -> vector<16xi32>
      %reduce_sum3A_672 = vector.extract %reduce_sum3A_671[15] : i32 from vector<16xi32>
      %shift_right_arithmetic3A_673 = arith.constant 3 : i32
      %shift_right_arithmetic3A_674 = arith.shrsi %reduce_sum3A_672, %shift_right_arithmetic3A_673 : i32
      %and3A_675 = arith.constant 7 : i32
      %and3A_676 = arith.andi %reduce_sum3A_672, %and3A_675 : i32
      %mul3A_677 = arith.constant 16 : i32
      %mul3A_678 = arith.muli %scan3A_208, %mul3A_677 : i32
      %add3A_679 = arith.constant 12 : i32
      %add3A_680 = arith.addi %mul3A_678, %add3A_679 : i32
      %dma_start3A_681 = arith.constant 0 : i32
      %dma_start3A_682 = arith.constant 0 : i32
      %dma_start3A_683 = tpu.memref_slice %arg6[%scan3A_3, %dma_start3A_681, %dma_start3A_682] : memref<2x128x64xf32, #tpu.memory_space<vmem>> -> memref<1x128x64xf32, #tpu.memory_space<vmem>>
      %dma_start3A_684 = tpu.memref_squeeze %dma_start3A_683 : memref<1x128x64xf32, #tpu.memory_space<vmem>> -> memref<128x64xf32, #tpu.memory_space<vmem>>
      %dma_start3A_685 = arith.constant 0 : i32
      %dma_start3A_686 = tpu.memref_slice %dma_start3A_684[%add3A_680, %dma_start3A_685] : memref<128x64xf32, #tpu.memory_space<vmem>> -> memref<1x64xf32, #tpu.memory_space<vmem>>
      %dma_start3A_687 = tpu.memref_squeeze %dma_start3A_686 : memref<1x64xf32, #tpu.memory_space<vmem>> -> memref<64xf32, #tpu.memory_space<vmem>>
      %dma_start3A_688 = arith.constant 0 : i32
      %dma_start3A_689 = tpu.memref_slice %arg2[%shift_right_arithmetic3A_674, %and3A_676, %dma_start3A_688] : memref<125000x8x64xf32, #tpu.memory_space<hbm>> -> memref<1x1x64xf32, #tpu.memory_space<hbm>>
      %dma_start3A_690 = tpu.memref_squeeze %dma_start3A_689 : memref<1x1x64xf32, #tpu.memory_space<hbm>> -> memref<64xf32, #tpu.memory_space<hbm>>
      %dma_start3A_691 = arith.constant 0 : i32
      %dma_start3A_692 = arith.constant 0 : i32
      %dma_start3A_693 = tpu.memref_slice %arg6[%scan3A_3, %dma_start3A_691, %dma_start3A_692] : memref<2x128x64xf32, #tpu.memory_space<vmem>> -> memref<1x128x64xf32, #tpu.memory_space<vmem>>
      %dma_start3A_694 = tpu.memref_squeeze %dma_start3A_693 : memref<1x128x64xf32, #tpu.memory_space<vmem>> -> memref<128x64xf32, #tpu.memory_space<vmem>>
      %dma_start3A_695 = arith.constant 0 : i32
      %dma_start3A_696 = tpu.memref_slice %dma_start3A_694[%add3A_680, %dma_start3A_695] : memref<128x64xf32, #tpu.memory_space<vmem>> -> memref<1x64xf32, #tpu.memory_space<vmem>>
      %dma_start3A_697 = tpu.memref_squeeze %dma_start3A_696 : memref<1x64xf32, #tpu.memory_space<vmem>> -> memref<64xf32, #tpu.memory_space<vmem>>
      %dma_start3A_698 = arith.constant 0 : i32
      %dma_start3A_699 = tpu.memref_slice %arg2[%shift_right_arithmetic3A_674, %and3A_676, %dma_start3A_698] : memref<125000x8x64xf32, #tpu.memory_space<hbm>> -> memref<1x1x64xf32, #tpu.memory_space<hbm>>
      %dma_start3A_700 = tpu.memref_squeeze %dma_start3A_699 : memref<1x1x64xf32, #tpu.memory_space<hbm>> -> memref<64xf32, #tpu.memory_space<hbm>>
      tpu.enqueue_dma source(%dma_start3A_700 : memref<64xf32, #tpu.memory_space<hbm>>) target(%dma_start3A_697 : memref<64xf32, #tpu.memory_space<vmem>>) target_semaphore(%arg7 : memref<!tpu.dma_semaphore, #tpu.memory_space<semaphore_mem>>)
      %eq3A_701 = arith.constant 13 : i32
      %eq3A_702 = vector.broadcast %eq3A_701 : i32 to vector<16xi32>
      %eq3A_703 = arith.cmpi eq, %iota3A, %eq3A_702 : vector<16xi32>
      %jit3A_704 = arith.constant 0 : i32
      %broadcast_in_dim3A_705 = vector.broadcast %jit3A_704 : i32 to vector<16xi32>
      %select_n3A_706 = arith.select %eq3A_703, %get3A_213, %broadcast_in_dim3A_705 : vector<16xi1>, vector<16xi32>
      %reduce_sum3A_707 = arith.constant true
      %reduce_sum3A_708 = vector.broadcast %reduce_sum3A_707 : i1 to vector<16xi1>
      %reduce_sum3A_709 = tpu.scan <sum>, %select_n3A_706 masked %reduce_sum3A_708 : vector<16xi32>, vector<16xi1> -> vector<16xi32>
      %reduce_sum3A_710 = vector.extract %reduce_sum3A_709[15] : i32 from vector<16xi32>
      %shift_right_arithmetic3A_711 = arith.constant 3 : i32
      %shift_right_arithmetic3A_712 = arith.shrsi %reduce_sum3A_710, %shift_right_arithmetic3A_711 : i32
      %and3A_713 = arith.constant 7 : i32
      %and3A_714 = arith.andi %reduce_sum3A_710, %and3A_713 : i32
      %mul3A_715 = arith.constant 16 : i32
      %mul3A_716 = arith.muli %scan3A_208, %mul3A_715 : i32
      %add3A_717 = arith.constant 13 : i32
      %add3A_718 = arith.addi %mul3A_716, %add3A_717 : i32
      %dma_start3A_719 = arith.constant 0 : i32
      %dma_start3A_720 = arith.constant 0 : i32
      %dma_start3A_721 = tpu.memref_slice %arg6[%scan3A_3, %dma_start3A_719, %dma_start3A_720] : memref<2x128x64xf32, #tpu.memory_space<vmem>> -> memref<1x128x64xf32, #tpu.memory_space<vmem>>
      %dma_start3A_722 = tpu.memref_squeeze %dma_start3A_721 : memref<1x128x64xf32, #tpu.memory_space<vmem>> -> memref<128x64xf32, #tpu.memory_space<vmem>>
      %dma_start3A_723 = arith.constant 0 : i32
      %dma_start3A_724 = tpu.memref_slice %dma_start3A_722[%add3A_718, %dma_start3A_723] : memref<128x64xf32, #tpu.memory_space<vmem>> -> memref<1x64xf32, #tpu.memory_space<vmem>>
      %dma_start3A_725 = tpu.memref_squeeze %dma_start3A_724 : memref<1x64xf32, #tpu.memory_space<vmem>> -> memref<64xf32, #tpu.memory_space<vmem>>
      %dma_start3A_726 = arith.constant 0 : i32
      %dma_start3A_727 = tpu.memref_slice %arg2[%shift_right_arithmetic3A_712, %and3A_714, %dma_start3A_726] : memref<125000x8x64xf32, #tpu.memory_space<hbm>> -> memref<1x1x64xf32, #tpu.memory_space<hbm>>
      %dma_start3A_728 = tpu.memref_squeeze %dma_start3A_727 : memref<1x1x64xf32, #tpu.memory_space<hbm>> -> memref<64xf32, #tpu.memory_space<hbm>>
      %dma_start3A_729 = arith.constant 0 : i32
      %dma_start3A_730 = arith.constant 0 : i32
      %dma_start3A_731 = tpu.memref_slice %arg6[%scan3A_3, %dma_start3A_729, %dma_start3A_730] : memref<2x128x64xf32, #tpu.memory_space<vmem>> -> memref<1x128x64xf32, #tpu.memory_space<vmem>>
      %dma_start3A_732 = tpu.memref_squeeze %dma_start3A_731 : memref<1x128x64xf32, #tpu.memory_space<vmem>> -> memref<128x64xf32, #tpu.memory_space<vmem>>
      %dma_start3A_733 = arith.constant 0 : i32
      %dma_start3A_734 = tpu.memref_slice %dma_start3A_732[%add3A_718, %dma_start3A_733] : memref<128x64xf32, #tpu.memory_space<vmem>> -> memref<1x64xf32, #tpu.memory_space<vmem>>
      %dma_start3A_735 = tpu.memref_squeeze %dma_start3A_734 : memref<1x64xf32, #tpu.memory_space<vmem>> -> memref<64xf32, #tpu.memory_space<vmem>>
      %dma_start3A_736 = arith.constant 0 : i32
      %dma_start3A_737 = tpu.memref_slice %arg2[%shift_right_arithmetic3A_712, %and3A_714, %dma_start3A_736] : memref<125000x8x64xf32, #tpu.memory_space<hbm>> -> memref<1x1x64xf32, #tpu.memory_space<hbm>>
      %dma_start3A_738 = tpu.memref_squeeze %dma_start3A_737 : memref<1x1x64xf32, #tpu.memory_space<hbm>> -> memref<64xf32, #tpu.memory_space<hbm>>
      tpu.enqueue_dma source(%dma_start3A_738 : memref<64xf32, #tpu.memory_space<hbm>>) target(%dma_start3A_735 : memref<64xf32, #tpu.memory_space<vmem>>) target_semaphore(%arg7 : memref<!tpu.dma_semaphore, #tpu.memory_space<semaphore_mem>>)
      %eq3A_739 = arith.constant 14 : i32
      %eq3A_740 = vector.broadcast %eq3A_739 : i32 to vector<16xi32>
      %eq3A_741 = arith.cmpi eq, %iota3A, %eq3A_740 : vector<16xi32>
      %jit3A_742 = arith.constant 0 : i32
      %broadcast_in_dim3A_743 = vector.broadcast %jit3A_742 : i32 to vector<16xi32>
      %select_n3A_744 = arith.select %eq3A_741, %get3A_213, %broadcast_in_dim3A_743 : vector<16xi1>, vector<16xi32>
      %reduce_sum3A_745 = arith.constant true
      %reduce_sum3A_746 = vector.broadcast %reduce_sum3A_745 : i1 to vector<16xi1>
      %reduce_sum3A_747 = tpu.scan <sum>, %select_n3A_744 masked %reduce_sum3A_746 : vector<16xi32>, vector<16xi1> -> vector<16xi32>
      %reduce_sum3A_748 = vector.extract %reduce_sum3A_747[15] : i32 from vector<16xi32>
      %shift_right_arithmetic3A_749 = arith.constant 3 : i32
      %shift_right_arithmetic3A_750 = arith.shrsi %reduce_sum3A_748, %shift_right_arithmetic3A_749 : i32
      %and3A_751 = arith.constant 7 : i32
      %and3A_752 = arith.andi %reduce_sum3A_748, %and3A_751 : i32
      %mul3A_753 = arith.constant 16 : i32
      %mul3A_754 = arith.muli %scan3A_208, %mul3A_753 : i32
      %add3A_755 = arith.constant 14 : i32
      %add3A_756 = arith.addi %mul3A_754, %add3A_755 : i32
      %dma_start3A_757 = arith.constant 0 : i32
      %dma_start3A_758 = arith.constant 0 : i32
      %dma_start3A_759 = tpu.memref_slice %arg6[%scan3A_3, %dma_start3A_757, %dma_start3A_758] : memref<2x128x64xf32, #tpu.memory_space<vmem>> -> memref<1x128x64xf32, #tpu.memory_space<vmem>>
      %dma_start3A_760 = tpu.memref_squeeze %dma_start3A_759 : memref<1x128x64xf32, #tpu.memory_space<vmem>> -> memref<128x64xf32, #tpu.memory_space<vmem>>
      %dma_start3A_761 = arith.constant 0 : i32
      %dma_start3A_762 = tpu.memref_slice %dma_start3A_760[%add3A_756, %dma_start3A_761] : memref<128x64xf32, #tpu.memory_space<vmem>> -> memref<1x64xf32, #tpu.memory_space<vmem>>
      %dma_start3A_763 = tpu.memref_squeeze %dma_start3A_762 : memref<1x64xf32, #tpu.memory_space<vmem>> -> memref<64xf32, #tpu.memory_space<vmem>>
      %dma_start3A_764 = arith.constant 0 : i32
      %dma_start3A_765 = tpu.memref_slice %arg2[%shift_right_arithmetic3A_750, %and3A_752, %dma_start3A_764] : memref<125000x8x64xf32, #tpu.memory_space<hbm>> -> memref<1x1x64xf32, #tpu.memory_space<hbm>>
      %dma_start3A_766 = tpu.memref_squeeze %dma_start3A_765 : memref<1x1x64xf32, #tpu.memory_space<hbm>> -> memref<64xf32, #tpu.memory_space<hbm>>
      %dma_start3A_767 = arith.constant 0 : i32
      %dma_start3A_768 = arith.constant 0 : i32
      %dma_start3A_769 = tpu.memref_slice %arg6[%scan3A_3, %dma_start3A_767, %dma_start3A_768] : memref<2x128x64xf32, #tpu.memory_space<vmem>> -> memref<1x128x64xf32, #tpu.memory_space<vmem>>
      %dma_start3A_770 = tpu.memref_squeeze %dma_start3A_769 : memref<1x128x64xf32, #tpu.memory_space<vmem>> -> memref<128x64xf32, #tpu.memory_space<vmem>>
      %dma_start3A_771 = arith.constant 0 : i32
      %dma_start3A_772 = tpu.memref_slice %dma_start3A_770[%add3A_756, %dma_start3A_771] : memref<128x64xf32, #tpu.memory_space<vmem>> -> memref<1x64xf32, #tpu.memory_space<vmem>>
      %dma_start3A_773 = tpu.memref_squeeze %dma_start3A_772 : memref<1x64xf32, #tpu.memory_space<vmem>> -> memref<64xf32, #tpu.memory_space<vmem>>
      %dma_start3A_774 = arith.constant 0 : i32
      %dma_start3A_775 = tpu.memref_slice %arg2[%shift_right_arithmetic3A_750, %and3A_752, %dma_start3A_774] : memref<125000x8x64xf32, #tpu.memory_space<hbm>> -> memref<1x1x64xf32, #tpu.memory_space<hbm>>
      %dma_start3A_776 = tpu.memref_squeeze %dma_start3A_775 : memref<1x1x64xf32, #tpu.memory_space<hbm>> -> memref<64xf32, #tpu.memory_space<hbm>>
      tpu.enqueue_dma source(%dma_start3A_776 : memref<64xf32, #tpu.memory_space<hbm>>) target(%dma_start3A_773 : memref<64xf32, #tpu.memory_space<vmem>>) target_semaphore(%arg7 : memref<!tpu.dma_semaphore, #tpu.memory_space<semaphore_mem>>)
      %eq3A_777 = arith.constant 15 : i32
      %eq3A_778 = vector.broadcast %eq3A_777 : i32 to vector<16xi32>
      %eq3A_779 = arith.cmpi eq, %iota3A, %eq3A_778 : vector<16xi32>
      %jit3A_780 = arith.constant 0 : i32
      %broadcast_in_dim3A_781 = vector.broadcast %jit3A_780 : i32 to vector<16xi32>
      %select_n3A_782 = arith.select %eq3A_779, %get3A_213, %broadcast_in_dim3A_781 : vector<16xi1>, vector<16xi32>
      %reduce_sum3A_783 = arith.constant true
      %reduce_sum3A_784 = vector.broadcast %reduce_sum3A_783 : i1 to vector<16xi1>
      %reduce_sum3A_785 = tpu.scan <sum>, %select_n3A_782 masked %reduce_sum3A_784 : vector<16xi32>, vector<16xi1> -> vector<16xi32>
      %reduce_sum3A_786 = vector.extract %reduce_sum3A_785[15] : i32 from vector<16xi32>
      %shift_right_arithmetic3A_787 = arith.constant 3 : i32
      %shift_right_arithmetic3A_788 = arith.shrsi %reduce_sum3A_786, %shift_right_arithmetic3A_787 : i32
      %and3A_789 = arith.constant 7 : i32
      %and3A_790 = arith.andi %reduce_sum3A_786, %and3A_789 : i32
      %mul3A_791 = arith.constant 16 : i32
      %mul3A_792 = arith.muli %scan3A_208, %mul3A_791 : i32
      %add3A_793 = arith.constant 15 : i32
      %add3A_794 = arith.addi %mul3A_792, %add3A_793 : i32
      %dma_start3A_795 = arith.constant 0 : i32
      %dma_start3A_796 = arith.constant 0 : i32
      %dma_start3A_797 = tpu.memref_slice %arg6[%scan3A_3, %dma_start3A_795, %dma_start3A_796] : memref<2x128x64xf32, #tpu.memory_space<vmem>> -> memref<1x128x64xf32, #tpu.memory_space<vmem>>
      %dma_start3A_798 = tpu.memref_squeeze %dma_start3A_797 : memref<1x128x64xf32, #tpu.memory_space<vmem>> -> memref<128x64xf32, #tpu.memory_space<vmem>>
      %dma_start3A_799 = arith.constant 0 : i32
      %dma_start3A_800 = tpu.memref_slice %dma_start3A_798[%add3A_794, %dma_start3A_799] : memref<128x64xf32, #tpu.memory_space<vmem>> -> memref<1x64xf32, #tpu.memory_space<vmem>>
      %dma_start3A_801 = tpu.memref_squeeze %dma_start3A_800 : memref<1x64xf32, #tpu.memory_space<vmem>> -> memref<64xf32, #tpu.memory_space<vmem>>
      %dma_start3A_802 = arith.constant 0 : i32
      %dma_start3A_803 = tpu.memref_slice %arg2[%shift_right_arithmetic3A_788, %and3A_790, %dma_start3A_802] : memref<125000x8x64xf32, #tpu.memory_space<hbm>> -> memref<1x1x64xf32, #tpu.memory_space<hbm>>
      %dma_start3A_804 = tpu.memref_squeeze %dma_start3A_803 : memref<1x1x64xf32, #tpu.memory_space<hbm>> -> memref<64xf32, #tpu.memory_space<hbm>>
      %dma_start3A_805 = arith.constant 0 : i32
      %dma_start3A_806 = arith.constant 0 : i32
      %dma_start3A_807 = tpu.memref_slice %arg6[%scan3A_3, %dma_start3A_805, %dma_start3A_806] : memref<2x128x64xf32, #tpu.memory_space<vmem>> -> memref<1x128x64xf32, #tpu.memory_space<vmem>>
      %dma_start3A_808 = tpu.memref_squeeze %dma_start3A_807 : memref<1x128x64xf32, #tpu.memory_space<vmem>> -> memref<128x64xf32, #tpu.memory_space<vmem>>
      %dma_start3A_809 = arith.constant 0 : i32
      %dma_start3A_810 = tpu.memref_slice %dma_start3A_808[%add3A_794, %dma_start3A_809] : memref<128x64xf32, #tpu.memory_space<vmem>> -> memref<1x64xf32, #tpu.memory_space<vmem>>
      %dma_start3A_811 = tpu.memref_squeeze %dma_start3A_810 : memref<1x64xf32, #tpu.memory_space<vmem>> -> memref<64xf32, #tpu.memory_space<vmem>>
      %dma_start3A_812 = arith.constant 0 : i32
      %dma_start3A_813 = tpu.memref_slice %arg2[%shift_right_arithmetic3A_788, %and3A_790, %dma_start3A_812] : memref<125000x8x64xf32, #tpu.memory_space<hbm>> -> memref<1x1x64xf32, #tpu.memory_space<hbm>>
      %dma_start3A_814 = tpu.memref_squeeze %dma_start3A_813 : memref<1x1x64xf32, #tpu.memory_space<hbm>> -> memref<64xf32, #tpu.memory_space<hbm>>
      tpu.enqueue_dma source(%dma_start3A_814 : memref<64xf32, #tpu.memory_space<hbm>>) target(%dma_start3A_811 : memref<64xf32, #tpu.memory_space<vmem>>) target_semaphore(%arg7 : memref<!tpu.dma_semaphore, #tpu.memory_space<semaphore_mem>>)
    }
    %scan3A_8 = arith.constant 8 : i32
    %dma_wait3A = arith.constant 0 : i32
    %dma_wait3A_9 = arith.constant 0 : i32
    %dma_wait3A_10 = arith.constant 0 : i32
    %dma_wait3A_11 = tpu.memref_slice %arg6[%dma_wait3A, %dma_wait3A_9, %dma_wait3A_10] : memref<2x128x64xf32, #tpu.memory_space<vmem>> -> memref<1x128x64xf32, #tpu.memory_space<vmem>>
    %dma_wait3A_12 = tpu.memref_squeeze %dma_wait3A_11 : memref<1x128x64xf32, #tpu.memory_space<vmem>> -> memref<128x64xf32, #tpu.memory_space<vmem>>
    %dma_wait3A_13 = arith.constant 0 : i32
    %dma_wait3A_14 = arith.constant 0 : i32
    %dma_wait3A_15 = tpu.memref_slice %arg4[%dma_wait3A_13, %dma_wait3A_14] : memref<16384x64xf32, #tpu.memory_space<hbm>> -> memref<128x64xf32, #tpu.memory_space<hbm>>
    %dma_wait3A_16 = arith.constant 0 : i32
    %dma_wait3A_17 = arith.constant 0 : i32
    %dma_wait3A_18 = tpu.memref_slice %arg6[%dma_wait3A, %dma_wait3A_16, %dma_wait3A_17] : memref<2x128x64xf32, #tpu.memory_space<vmem>> -> memref<1x128x64xf32, #tpu.memory_space<vmem>>
    %dma_wait3A_19 = tpu.memref_squeeze %dma_wait3A_18 : memref<1x128x64xf32, #tpu.memory_space<vmem>> -> memref<128x64xf32, #tpu.memory_space<vmem>>
    %dma_wait3A_20 = arith.constant 0 : i32
    %dma_wait3A_21 = arith.constant 0 : i32
    %dma_wait3A_22 = tpu.memref_slice %arg4[%dma_wait3A_20, %dma_wait3A_21] : memref<16384x64xf32, #tpu.memory_space<hbm>> -> memref<128x64xf32, #tpu.memory_space<hbm>>
    tpu.wait_dma2 semaphore(%arg7 : memref<!tpu.dma_semaphore, #tpu.memory_space<semaphore_mem>>) src(%dma_wait3A_22 : memref<128x64xf32, #tpu.memory_space<hbm>>) dst(%dma_wait3A_19 : memref<128x64xf32, #tpu.memory_space<vmem>>)
    %add3A_23 = arith.constant 0 : i32
    %add3A_24 = arith.addi %mul3A_2, %add3A_23 : i32
    %dma_start3A = arith.constant 0 : i32
    %dma_start3A_25 = arith.constant 0 : i32
    %dma_start3A_26 = arith.constant 0 : i32
    %dma_start3A_27 = tpu.memref_slice %arg6[%dma_start3A, %dma_start3A_25, %dma_start3A_26] : memref<2x128x64xf32, #tpu.memory_space<vmem>> -> memref<1x128x64xf32, #tpu.memory_space<vmem>>
    %dma_start3A_28 = tpu.memref_squeeze %dma_start3A_27 : memref<1x128x64xf32, #tpu.memory_space<vmem>> -> memref<128x64xf32, #tpu.memory_space<vmem>>
    %dma_start3A_29 = arith.constant 0 : i32
    %dma_start3A_30 = tpu.memref_slice %arg4[%add3A_24, %dma_start3A_29] : memref<16384x64xf32, #tpu.memory_space<hbm>> -> memref<128x64xf32, #tpu.memory_space<hbm>>
    %dma_start3A_31 = arith.constant 0 : i32
    %dma_start3A_32 = tpu.memref_slice %arg4[%add3A_24, %dma_start3A_31] : memref<16384x64xf32, #tpu.memory_space<hbm>> -> memref<128x64xf32, #tpu.memory_space<hbm>>
    %dma_start3A_33 = arith.constant 0 : i32
    %dma_start3A_34 = arith.constant 0 : i32
    %dma_start3A_35 = tpu.memref_slice %arg6[%dma_start3A, %dma_start3A_33, %dma_start3A_34] : memref<2x128x64xf32, #tpu.memory_space<vmem>> -> memref<1x128x64xf32, #tpu.memory_space<vmem>>
    %dma_start3A_36 = tpu.memref_squeeze %dma_start3A_35 : memref<1x128x64xf32, #tpu.memory_space<vmem>> -> memref<128x64xf32, #tpu.memory_space<vmem>>
    tpu.enqueue_dma source(%dma_start3A_36 : memref<128x64xf32, #tpu.memory_space<vmem>>) target(%dma_start3A_32 : memref<128x64xf32, #tpu.memory_space<hbm>>) target_semaphore(%arg8 : memref<!tpu.dma_semaphore, #tpu.memory_space<semaphore_mem>>)
    %scan3A_37 = arith.constant 0 : i32
    %scan3A_38 = arith.constant 1 : i32
    %scan3A_39 = arith.constant 0 : i32
    %scan3A_40 = arith.constant 8 : i32
    %scan3A_41 = arith.addi %scan3A_39, %scan3A_40 : i32
    %scan3A_42 = arith.constant 1 : i32
    scf.for %scan3A_208 = %scan3A_39 to %scan3A_41 step %scan3A_42  : i32 {
      %mul3A_209 = arith.constant 16 : i32
      %mul3A_210 = arith.muli %scan3A_208, %mul3A_209 : i32
      %add3A_211 = arith.constant 128 : i32
      %add3A_212 = arith.addi %add3A_211, %mul3A_210 : i32
      %get3A = arith.index_cast %add3A_212 : i32 to index
      %get3A_213 = tpu.vector_load %arg5[%get3A] {strides = array<i32>} : memref<512xi32, #tpu.memory_space<vmem>>, vector<16xi32>,
      %eq3A = arith.constant 0 : i32
      %eq3A_214 = vector.broadcast %eq3A : i32 to vector<16xi32>
      %eq3A_215 = arith.cmpi eq, %iota3A, %eq3A_214 : vector<16xi32>
      %jit3A = arith.constant 0 : i32
      %broadcast_in_dim3A = vector.broadcast %jit3A : i32 to vector<16xi32>
      %select_n3A = arith.select %eq3A_215, %get3A_213, %broadcast_in_dim3A : vector<16xi1>, vector<16xi32>
      %reduce_sum3A = arith.constant true
      %reduce_sum3A_216 = vector.broadcast %reduce_sum3A : i1 to vector<16xi1>
      %reduce_sum3A_217 = tpu.scan <sum>, %select_n3A masked %reduce_sum3A_216 : vector<16xi32>, vector<16xi1> -> vector<16xi32>
      %reduce_sum3A_218 = vector.extract %reduce_sum3A_217[15] : i32 from vector<16xi32>
      %shift_right_arithmetic3A = arith.constant 3 : i32
      %shift_right_arithmetic3A_219 = arith.shrsi %reduce_sum3A_218, %shift_right_arithmetic3A : i32
      %and3A = arith.constant 7 : i32
      %and3A_220 = arith.andi %reduce_sum3A_218, %and3A : i32
      %mul3A_221 = arith.constant 16 : i32
      %mul3A_222 = arith.muli %scan3A_208, %mul3A_221 : i32
      %add3A_223 = arith.constant 0 : i32
      %add3A_224 = arith.addi %mul3A_222, %add3A_223 : i32
      %dma_start3A_225 = arith.constant 0 : i32
      %dma_start3A_226 = arith.constant 0 : i32
      %dma_start3A_227 = tpu.memref_slice %arg6[%scan3A_38, %dma_start3A_225, %dma_start3A_226] : memref<2x128x64xf32, #tpu.memory_space<vmem>> -> memref<1x128x64xf32, #tpu.memory_space<vmem>>
      %dma_start3A_228 = tpu.memref_squeeze %dma_start3A_227 : memref<1x128x64xf32, #tpu.memory_space<vmem>> -> memref<128x64xf32, #tpu.memory_space<vmem>>
      %dma_start3A_229 = arith.constant 0 : i32
      %dma_start3A_230 = tpu.memref_slice %dma_start3A_228[%add3A_224, %dma_start3A_229] : memref<128x64xf32, #tpu.memory_space<vmem>> -> memref<1x64xf32, #tpu.memory_space<vmem>>
      %dma_start3A_231 = tpu.memref_squeeze %dma_start3A_230 : memref<1x64xf32, #tpu.memory_space<vmem>> -> memref<64xf32, #tpu.memory_space<vmem>>
      %dma_start3A_232 = arith.constant 0 : i32
      %dma_start3A_233 = tpu.memref_slice %arg2[%shift_right_arithmetic3A_219, %and3A_220, %dma_start3A_232] : memref<125000x8x64xf32, #tpu.memory_space<hbm>> -> memref<1x1x64xf32, #tpu.memory_space<hbm>>
      %dma_start3A_234 = tpu.memref_squeeze %dma_start3A_233 : memref<1x1x64xf32, #tpu.memory_space<hbm>> -> memref<64xf32, #tpu.memory_space<hbm>>
      %dma_start3A_235 = arith.constant 0 : i32
      %dma_start3A_236 = arith.constant 0 : i32
      %dma_start3A_237 = tpu.memref_slice %arg6[%scan3A_38, %dma_start3A_235, %dma_start3A_236] : memref<2x128x64xf32, #tpu.memory_space<vmem>> -> memref<1x128x64xf32, #tpu.memory_space<vmem>>
      %dma_start3A_238 = tpu.memref_squeeze %dma_start3A_237 : memref<1x128x64xf32, #tpu.memory_space<vmem>> -> memref<128x64xf32, #tpu.memory_space<vmem>>
      %dma_start3A_239 = arith.constant 0 : i32
      %dma_start3A_240 = tpu.memref_slice %dma_start3A_238[%add3A_224, %dma_start3A_239] : memref<128x64xf32, #tpu.memory_space<vmem>> -> memref<1x64xf32, #tpu.memory_space<vmem>>
      %dma_start3A_241 = tpu.memref_squeeze %dma_start3A_240 : memref<1x64xf32, #tpu.memory_space<vmem>> -> memref<64xf32, #tpu.memory_space<vmem>>
      %dma_start3A_242 = arith.constant 0 : i32
      %dma_start3A_243 = tpu.memref_slice %arg2[%shift_right_arithmetic3A_219, %and3A_220, %dma_start3A_242] : memref<125000x8x64xf32, #tpu.memory_space<hbm>> -> memref<1x1x64xf32, #tpu.memory_space<hbm>>
      %dma_start3A_244 = tpu.memref_squeeze %dma_start3A_243 : memref<1x1x64xf32, #tpu.memory_space<hbm>> -> memref<64xf32, #tpu.memory_space<hbm>>
      tpu.enqueue_dma source(%dma_start3A_244 : memref<64xf32, #tpu.memory_space<hbm>>) target(%dma_start3A_241 : memref<64xf32, #tpu.memory_space<vmem>>) target_semaphore(%arg7 : memref<!tpu.dma_semaphore, #tpu.memory_space<semaphore_mem>>)
      %eq3A_245 = arith.constant 1 : i32
      %eq3A_246 = vector.broadcast %eq3A_245 : i32 to vector<16xi32>
      %eq3A_247 = arith.cmpi eq, %iota3A, %eq3A_246 : vector<16xi32>
      %jit3A_248 = arith.constant 0 : i32
      %broadcast_in_dim3A_249 = vector.broadcast %jit3A_248 : i32 to vector<16xi32>
      %select_n3A_250 = arith.select %eq3A_247, %get3A_213, %broadcast_in_dim3A_249 : vector<16xi1>, vector<16xi32>
      %reduce_sum3A_251 = arith.constant true
      %reduce_sum3A_252 = vector.broadcast %reduce_sum3A_251 : i1 to vector<16xi1>
      %reduce_sum3A_253 = tpu.scan <sum>, %select_n3A_250 masked %reduce_sum3A_252 : vector<16xi32>, vector<16xi1> -> vector<16xi32>
      %reduce_sum3A_254 = vector.extract %reduce_sum3A_253[15] : i32 from vector<16xi32>
      %shift_right_arithmetic3A_255 = arith.constant 3 : i32
      %shift_right_arithmetic3A_256 = arith.shrsi %reduce_sum3A_254, %shift_right_arithmetic3A_255 : i32
      %and3A_257 = arith.constant 7 : i32
      %and3A_258 = arith.andi %reduce_sum3A_254, %and3A_257 : i32
      %mul3A_259 = arith.constant 16 : i32
      %mul3A_260 = arith.muli %scan3A_208, %mul3A_259 : i32
      %add3A_261 = arith.constant 1 : i32
      %add3A_262 = arith.addi %mul3A_260, %add3A_261 : i32
      %dma_start3A_263 = arith.constant 0 : i32
      %dma_start3A_264 = arith.constant 0 : i32
      %dma_start3A_265 = tpu.memref_slice %arg6[%scan3A_38, %dma_start3A_263, %dma_start3A_264] : memref<2x128x64xf32, #tpu.memory_space<vmem>> -> memref<1x128x64xf32, #tpu.memory_space<vmem>>
      %dma_start3A_266 = tpu.memref_squeeze %dma_start3A_265 : memref<1x128x64xf32, #tpu.memory_space<vmem>> -> memref<128x64xf32, #tpu.memory_space<vmem>>
      %dma_start3A_267 = arith.constant 0 : i32
      %dma_start3A_268 = tpu.memref_slice %dma_start3A_266[%add3A_262, %dma_start3A_267] : memref<128x64xf32, #tpu.memory_space<vmem>> -> memref<1x64xf32, #tpu.memory_space<vmem>>
      %dma_start3A_269 = tpu.memref_squeeze %dma_start3A_268 : memref<1x64xf32, #tpu.memory_space<vmem>> -> memref<64xf32, #tpu.memory_space<vmem>>
      %dma_start3A_270 = arith.constant 0 : i32
      %dma_start3A_271 = tpu.memref_slice %arg2[%shift_right_arithmetic3A_256, %and3A_258, %dma_start3A_270] : memref<125000x8x64xf32, #tpu.memory_space<hbm>> -> memref<1x1x64xf32, #tpu.memory_space<hbm>>
      %dma_start3A_272 = tpu.memref_squeeze %dma_start3A_271 : memref<1x1x64xf32, #tpu.memory_space<hbm>> -> memref<64xf32, #tpu.memory_space<hbm>>
      %dma_start3A_273 = arith.constant 0 : i32
      %dma_start3A_274 = arith.constant 0 : i32
      %dma_start3A_275 = tpu.memref_slice %arg6[%scan3A_38, %dma_start3A_273, %dma_start3A_274] : memref<2x128x64xf32, #tpu.memory_space<vmem>> -> memref<1x128x64xf32, #tpu.memory_space<vmem>>
      %dma_start3A_276 = tpu.memref_squeeze %dma_start3A_275 : memref<1x128x64xf32, #tpu.memory_space<vmem>> -> memref<128x64xf32, #tpu.memory_space<vmem>>
      %dma_start3A_277 = arith.constant 0 : i32
      %dma_start3A_278 = tpu.memref_slice %dma_start3A_276[%add3A_262, %dma_start3A_277] : memref<128x64xf32, #tpu.memory_space<vmem>> -> memref<1x64xf32, #tpu.memory_space<vmem>>
      %dma_start3A_279 = tpu.memref_squeeze %dma_start3A_278 : memref<1x64xf32, #tpu.memory_space<vmem>> -> memref<64xf32, #tpu.memory_space<vmem>>
      %dma_start3A_280 = arith.constant 0 : i32
      %dma_start3A_281 = tpu.memref_slice %arg2[%shift_right_arithmetic3A_256, %and3A_258, %dma_start3A_280] : memref<125000x8x64xf32, #tpu.memory_space<hbm>> -> memref<1x1x64xf32, #tpu.memory_space<hbm>>
      %dma_start3A_282 = tpu.memref_squeeze %dma_start3A_281 : memref<1x1x64xf32, #tpu.memory_space<hbm>> -> memref<64xf32, #tpu.memory_space<hbm>>
      tpu.enqueue_dma source(%dma_start3A_282 : memref<64xf32, #tpu.memory_space<hbm>>) target(%dma_start3A_279 : memref<64xf32, #tpu.memory_space<vmem>>) target_semaphore(%arg7 : memref<!tpu.dma_semaphore, #tpu.memory_space<semaphore_mem>>)
      %eq3A_283 = arith.constant 2 : i32
      %eq3A_284 = vector.broadcast %eq3A_283 : i32 to vector<16xi32>
      %eq3A_285 = arith.cmpi eq, %iota3A, %eq3A_284 : vector<16xi32>
      %jit3A_286 = arith.constant 0 : i32
      %broadcast_in_dim3A_287 = vector.broadcast %jit3A_286 : i32 to vector<16xi32>
      %select_n3A_288 = arith.select %eq3A_285, %get3A_213, %broadcast_in_dim3A_287 : vector<16xi1>, vector<16xi32>
      %reduce_sum3A_289 = arith.constant true
      %reduce_sum3A_290 = vector.broadcast %reduce_sum3A_289 : i1 to vector<16xi1>
      %reduce_sum3A_291 = tpu.scan <sum>, %select_n3A_288 masked %reduce_sum3A_290 : vector<16xi32>, vector<16xi1> -> vector<16xi32>
      %reduce_sum3A_292 = vector.extract %reduce_sum3A_291[15] : i32 from vector<16xi32>
      %shift_right_arithmetic3A_293 = arith.constant 3 : i32
      %shift_right_arithmetic3A_294 = arith.shrsi %reduce_sum3A_292, %shift_right_arithmetic3A_293 : i32
      %and3A_295 = arith.constant 7 : i32
      %and3A_296 = arith.andi %reduce_sum3A_292, %and3A_295 : i32
      %mul3A_297 = arith.constant 16 : i32
      %mul3A_298 = arith.muli %scan3A_208, %mul3A_297 : i32
      %add3A_299 = arith.constant 2 : i32
      %add3A_300 = arith.addi %mul3A_298, %add3A_299 : i32
      %dma_start3A_301 = arith.constant 0 : i32
      %dma_start3A_302 = arith.constant 0 : i32
      %dma_start3A_303 = tpu.memref_slice %arg6[%scan3A_38, %dma_start3A_301, %dma_start3A_302] : memref<2x128x64xf32, #tpu.memory_space<vmem>> -> memref<1x128x64xf32, #tpu.memory_space<vmem>>
      %dma_start3A_304 = tpu.memref_squeeze %dma_start3A_303 : memref<1x128x64xf32, #tpu.memory_space<vmem>> -> memref<128x64xf32, #tpu.memory_space<vmem>>
      %dma_start3A_305 = arith.constant 0 : i32
      %dma_start3A_306 = tpu.memref_slice %dma_start3A_304[%add3A_300, %dma_start3A_305] : memref<128x64xf32, #tpu.memory_space<vmem>> -> memref<1x64xf32, #tpu.memory_space<vmem>>
      %dma_start3A_307 = tpu.memref_squeeze %dma_start3A_306 : memref<1x64xf32, #tpu.memory_space<vmem>> -> memref<64xf32, #tpu.memory_space<vmem>>
      %dma_start3A_308 = arith.constant 0 : i32
      %dma_start3A_309 = tpu.memref_slice %arg2[%shift_right_arithmetic3A_294, %and3A_296, %dma_start3A_308] : memref<125000x8x64xf32, #tpu.memory_space<hbm>> -> memref<1x1x64xf32, #tpu.memory_space<hbm>>
      %dma_start3A_310 = tpu.memref_squeeze %dma_start3A_309 : memref<1x1x64xf32, #tpu.memory_space<hbm>> -> memref<64xf32, #tpu.memory_space<hbm>>
      %dma_start3A_311 = arith.constant 0 : i32
      %dma_start3A_312 = arith.constant 0 : i32
      %dma_start3A_313 = tpu.memref_slice %arg6[%scan3A_38, %dma_start3A_311, %dma_start3A_312] : memref<2x128x64xf32, #tpu.memory_space<vmem>> -> memref<1x128x64xf32, #tpu.memory_space<vmem>>
      %dma_start3A_314 = tpu.memref_squeeze %dma_start3A_313 : memref<1x128x64xf32, #tpu.memory_space<vmem>> -> memref<128x64xf32, #tpu.memory_space<vmem>>
      %dma_start3A_315 = arith.constant 0 : i32
      %dma_start3A_316 = tpu.memref_slice %dma_start3A_314[%add3A_300, %dma_start3A_315] : memref<128x64xf32, #tpu.memory_space<vmem>> -> memref<1x64xf32, #tpu.memory_space<vmem>>
      %dma_start3A_317 = tpu.memref_squeeze %dma_start3A_316 : memref<1x64xf32, #tpu.memory_space<vmem>> -> memref<64xf32, #tpu.memory_space<vmem>>
      %dma_start3A_318 = arith.constant 0 : i32
      %dma_start3A_319 = tpu.memref_slice %arg2[%shift_right_arithmetic3A_294, %and3A_296, %dma_start3A_318] : memref<125000x8x64xf32, #tpu.memory_space<hbm>> -> memref<1x1x64xf32, #tpu.memory_space<hbm>>
      %dma_start3A_320 = tpu.memref_squeeze %dma_start3A_319 : memref<1x1x64xf32, #tpu.memory_space<hbm>> -> memref<64xf32, #tpu.memory_space<hbm>>
      tpu.enqueue_dma source(%dma_start3A_320 : memref<64xf32, #tpu.memory_space<hbm>>) target(%dma_start3A_317 : memref<64xf32, #tpu.memory_space<vmem>>) target_semaphore(%arg7 : memref<!tpu.dma_semaphore, #tpu.memory_space<semaphore_mem>>)
      %eq3A_321 = arith.constant 3 : i32
      %eq3A_322 = vector.broadcast %eq3A_321 : i32 to vector<16xi32>
      %eq3A_323 = arith.cmpi eq, %iota3A, %eq3A_322 : vector<16xi32>
      %jit3A_324 = arith.constant 0 : i32
      %broadcast_in_dim3A_325 = vector.broadcast %jit3A_324 : i32 to vector<16xi32>
      %select_n3A_326 = arith.select %eq3A_323, %get3A_213, %broadcast_in_dim3A_325 : vector<16xi1>, vector<16xi32>
      %reduce_sum3A_327 = arith.constant true
      %reduce_sum3A_328 = vector.broadcast %reduce_sum3A_327 : i1 to vector<16xi1>
      %reduce_sum3A_329 = tpu.scan <sum>, %select_n3A_326 masked %reduce_sum3A_328 : vector<16xi32>, vector<16xi1> -> vector<16xi32>
      %reduce_sum3A_330 = vector.extract %reduce_sum3A_329[15] : i32 from vector<16xi32>
      %shift_right_arithmetic3A_331 = arith.constant 3 : i32
      %shift_right_arithmetic3A_332 = arith.shrsi %reduce_sum3A_330, %shift_right_arithmetic3A_331 : i32
      %and3A_333 = arith.constant 7 : i32
      %and3A_334 = arith.andi %reduce_sum3A_330, %and3A_333 : i32
      %mul3A_335 = arith.constant 16 : i32
      %mul3A_336 = arith.muli %scan3A_208, %mul3A_335 : i32
      %add3A_337 = arith.constant 3 : i32
      %add3A_338 = arith.addi %mul3A_336, %add3A_337 : i32
      %dma_start3A_339 = arith.constant 0 : i32
      %dma_start3A_340 = arith.constant 0 : i32
      %dma_start3A_341 = tpu.memref_slice %arg6[%scan3A_38, %dma_start3A_339, %dma_start3A_340] : memref<2x128x64xf32, #tpu.memory_space<vmem>> -> memref<1x128x64xf32, #tpu.memory_space<vmem>>
      %dma_start3A_342 = tpu.memref_squeeze %dma_start3A_341 : memref<1x128x64xf32, #tpu.memory_space<vmem>> -> memref<128x64xf32, #tpu.memory_space<vmem>>
      %dma_start3A_343 = arith.constant 0 : i32
      %dma_start3A_344 = tpu.memref_slice %dma_start3A_342[%add3A_338, %dma_start3A_343] : memref<128x64xf32, #tpu.memory_space<vmem>> -> memref<1x64xf32, #tpu.memory_space<vmem>>
      %dma_start3A_345 = tpu.memref_squeeze %dma_start3A_344 : memref<1x64xf32, #tpu.memory_space<vmem>> -> memref<64xf32, #tpu.memory_space<vmem>>
      %dma_start3A_346 = arith.constant 0 : i32
      %dma_start3A_347 = tpu.memref_slice %arg2[%shift_right_arithmetic3A_332, %and3A_334, %dma_start3A_346] : memref<125000x8x64xf32, #tpu.memory_space<hbm>> -> memref<1x1x64xf32, #tpu.memory_space<hbm>>
      %dma_start3A_348 = tpu.memref_squeeze %dma_start3A_347 : memref<1x1x64xf32, #tpu.memory_space<hbm>> -> memref<64xf32, #tpu.memory_space<hbm>>
      %dma_start3A_349 = arith.constant 0 : i32
      %dma_start3A_350 = arith.constant 0 : i32
      %dma_start3A_351 = tpu.memref_slice %arg6[%scan3A_38, %dma_start3A_349, %dma_start3A_350] : memref<2x128x64xf32, #tpu.memory_space<vmem>> -> memref<1x128x64xf32, #tpu.memory_space<vmem>>
      %dma_start3A_352 = tpu.memref_squeeze %dma_start3A_351 : memref<1x128x64xf32, #tpu.memory_space<vmem>> -> memref<128x64xf32, #tpu.memory_space<vmem>>
      %dma_start3A_353 = arith.constant 0 : i32
      %dma_start3A_354 = tpu.memref_slice %dma_start3A_352[%add3A_338, %dma_start3A_353] : memref<128x64xf32, #tpu.memory_space<vmem>> -> memref<1x64xf32, #tpu.memory_space<vmem>>
      %dma_start3A_355 = tpu.memref_squeeze %dma_start3A_354 : memref<1x64xf32, #tpu.memory_space<vmem>> -> memref<64xf32, #tpu.memory_space<vmem>>
      %dma_start3A_356 = arith.constant 0 : i32
      %dma_start3A_357 = tpu.memref_slice %arg2[%shift_right_arithmetic3A_332, %and3A_334, %dma_start3A_356] : memref<125000x8x64xf32, #tpu.memory_space<hbm>> -> memref<1x1x64xf32, #tpu.memory_space<hbm>>
      %dma_start3A_358 = tpu.memref_squeeze %dma_start3A_357 : memref<1x1x64xf32, #tpu.memory_space<hbm>> -> memref<64xf32, #tpu.memory_space<hbm>>
      tpu.enqueue_dma source(%dma_start3A_358 : memref<64xf32, #tpu.memory_space<hbm>>) target(%dma_start3A_355 : memref<64xf32, #tpu.memory_space<vmem>>) target_semaphore(%arg7 : memref<!tpu.dma_semaphore, #tpu.memory_space<semaphore_mem>>)
      %eq3A_359 = arith.constant 4 : i32
      %eq3A_360 = vector.broadcast %eq3A_359 : i32 to vector<16xi32>
      %eq3A_361 = arith.cmpi eq, %iota3A, %eq3A_360 : vector<16xi32>
      %jit3A_362 = arith.constant 0 : i32
      %broadcast_in_dim3A_363 = vector.broadcast %jit3A_362 : i32 to vector<16xi32>
      %select_n3A_364 = arith.select %eq3A_361, %get3A_213, %broadcast_in_dim3A_363 : vector<16xi1>, vector<16xi32>
      %reduce_sum3A_365 = arith.constant true
      %reduce_sum3A_366 = vector.broadcast %reduce_sum3A_365 : i1 to vector<16xi1>
      %reduce_sum3A_367 = tpu.scan <sum>, %select_n3A_364 masked %reduce_sum3A_366 : vector<16xi32>, vector<16xi1> -> vector<16xi32>
      %reduce_sum3A_368 = vector.extract %reduce_sum3A_367[15] : i32 from vector<16xi32>
      %shift_right_arithmetic3A_369 = arith.constant 3 : i32
      %shift_right_arithmetic3A_370 = arith.shrsi %reduce_sum3A_368, %shift_right_arithmetic3A_369 : i32
      %and3A_371 = arith.constant 7 : i32
      %and3A_372 = arith.andi %reduce_sum3A_368, %and3A_371 : i32
      %mul3A_373 = arith.constant 16 : i32
      %mul3A_374 = arith.muli %scan3A_208, %mul3A_373 : i32
      %add3A_375 = arith.constant 4 : i32
      %add3A_376 = arith.addi %mul3A_374, %add3A_375 : i32
      %dma_start3A_377 = arith.constant 0 : i32
      %dma_start3A_378 = arith.constant 0 : i32
      %dma_start3A_379 = tpu.memref_slice %arg6[%scan3A_38, %dma_start3A_377, %dma_start3A_378] : memref<2x128x64xf32, #tpu.memory_space<vmem>> -> memref<1x128x64xf32, #tpu.memory_space<vmem>>
      %dma_start3A_380 = tpu.memref_squeeze %dma_start3A_379 : memref<1x128x64xf32, #tpu.memory_space<vmem>> -> memref<128x64xf32, #tpu.memory_space<vmem>>
      %dma_start3A_381 = arith.constant 0 : i32
      %dma_start3A_382 = tpu.memref_slice %dma_start3A_380[%add3A_376, %dma_start3A_381] : memref<128x64xf32, #tpu.memory_space<vmem>> -> memref<1x64xf32, #tpu.memory_space<vmem>>
      %dma_start3A_383 = tpu.memref_squeeze %dma_start3A_382 : memref<1x64xf32, #tpu.memory_space<vmem>> -> memref<64xf32, #tpu.memory_space<vmem>>
      %dma_start3A_384 = arith.constant 0 : i32
      %dma_start3A_385 = tpu.memref_slice %arg2[%shift_right_arithmetic3A_370, %and3A_372, %dma_start3A_384] : memref<125000x8x64xf32, #tpu.memory_space<hbm>> -> memref<1x1x64xf32, #tpu.memory_space<hbm>>
      %dma_start3A_386 = tpu.memref_squeeze %dma_start3A_385 : memref<1x1x64xf32, #tpu.memory_space<hbm>> -> memref<64xf32, #tpu.memory_space<hbm>>
      %dma_start3A_387 = arith.constant 0 : i32
      %dma_start3A_388 = arith.constant 0 : i32
      %dma_start3A_389 = tpu.memref_slice %arg6[%scan3A_38, %dma_start3A_387, %dma_start3A_388] : memref<2x128x64xf32, #tpu.memory_space<vmem>> -> memref<1x128x64xf32, #tpu.memory_space<vmem>>
      %dma_start3A_390 = tpu.memref_squeeze %dma_start3A_389 : memref<1x128x64xf32, #tpu.memory_space<vmem>> -> memref<128x64xf32, #tpu.memory_space<vmem>>
      %dma_start3A_391 = arith.constant 0 : i32
      %dma_start3A_392 = tpu.memref_slice %dma_start3A_390[%add3A_376, %dma_start3A_391] : memref<128x64xf32, #tpu.memory_space<vmem>> -> memref<1x64xf32, #tpu.memory_space<vmem>>
      %dma_start3A_393 = tpu.memref_squeeze %dma_start3A_392 : memref<1x64xf32, #tpu.memory_space<vmem>> -> memref<64xf32, #tpu.memory_space<vmem>>
      %dma_start3A_394 = arith.constant 0 : i32
      %dma_start3A_395 = tpu.memref_slice %arg2[%shift_right_arithmetic3A_370, %and3A_372, %dma_start3A_394] : memref<125000x8x64xf32, #tpu.memory_space<hbm>> -> memref<1x1x64xf32, #tpu.memory_space<hbm>>
      %dma_start3A_396 = tpu.memref_squeeze %dma_start3A_395 : memref<1x1x64xf32, #tpu.memory_space<hbm>> -> memref<64xf32, #tpu.memory_space<hbm>>
      tpu.enqueue_dma source(%dma_start3A_396 : memref<64xf32, #tpu.memory_space<hbm>>) target(%dma_start3A_393 : memref<64xf32, #tpu.memory_space<vmem>>) target_semaphore(%arg7 : memref<!tpu.dma_semaphore, #tpu.memory_space<semaphore_mem>>)
      %eq3A_397 = arith.constant 5 : i32
      %eq3A_398 = vector.broadcast %eq3A_397 : i32 to vector<16xi32>
      %eq3A_399 = arith.cmpi eq, %iota3A, %eq3A_398 : vector<16xi32>
      %jit3A_400 = arith.constant 0 : i32
      %broadcast_in_dim3A_401 = vector.broadcast %jit3A_400 : i32 to vector<16xi32>
      %select_n3A_402 = arith.select %eq3A_399, %get3A_213, %broadcast_in_dim3A_401 : vector<16xi1>, vector<16xi32>
      %reduce_sum3A_403 = arith.constant true
      %reduce_sum3A_404 = vector.broadcast %reduce_sum3A_403 : i1 to vector<16xi1>
      %reduce_sum3A_405 = tpu.scan <sum>, %select_n3A_402 masked %reduce_sum3A_404 : vector<16xi32>, vector<16xi1> -> vector<16xi32>
      %reduce_sum3A_406 = vector.extract %reduce_sum3A_405[15] : i32 from vector<16xi32>
      %shift_right_arithmetic3A_407 = arith.constant 3 : i32
      %shift_right_arithmetic3A_408 = arith.shrsi %reduce_sum3A_406, %shift_right_arithmetic3A_407 : i32
      %and3A_409 = arith.constant 7 : i32
      %and3A_410 = arith.andi %reduce_sum3A_406, %and3A_409 : i32
      %mul3A_411 = arith.constant 16 : i32
      %mul3A_412 = arith.muli %scan3A_208, %mul3A_411 : i32
      %add3A_413 = arith.constant 5 : i32
      %add3A_414 = arith.addi %mul3A_412, %add3A_413 : i32
      %dma_start3A_415 = arith.constant 0 : i32
      %dma_start3A_416 = arith.constant 0 : i32
      %dma_start3A_417 = tpu.memref_slice %arg6[%scan3A_38, %dma_start3A_415, %dma_start3A_416] : memref<2x128x64xf32, #tpu.memory_space<vmem>> -> memref<1x128x64xf32, #tpu.memory_space<vmem>>
      %dma_start3A_418 = tpu.memref_squeeze %dma_start3A_417 : memref<1x128x64xf32, #tpu.memory_space<vmem>> -> memref<128x64xf32, #tpu.memory_space<vmem>>
      %dma_start3A_419 = arith.constant 0 : i32
      %dma_start3A_420 = tpu.memref_slice %dma_start3A_418[%add3A_414, %dma_start3A_419] : memref<128x64xf32, #tpu.memory_space<vmem>> -> memref<1x64xf32, #tpu.memory_space<vmem>>
      %dma_start3A_421 = tpu.memref_squeeze %dma_start3A_420 : memref<1x64xf32, #tpu.memory_space<vmem>> -> memref<64xf32, #tpu.memory_space<vmem>>
      %dma_start3A_422 = arith.constant 0 : i32
      %dma_start3A_423 = tpu.memref_slice %arg2[%shift_right_arithmetic3A_408, %and3A_410, %dma_start3A_422] : memref<125000x8x64xf32, #tpu.memory_space<hbm>> -> memref<1x1x64xf32, #tpu.memory_space<hbm>>
      %dma_start3A_424 = tpu.memref_squeeze %dma_start3A_423 : memref<1x1x64xf32, #tpu.memory_space<hbm>> -> memref<64xf32, #tpu.memory_space<hbm>>
      %dma_start3A_425 = arith.constant 0 : i32
      %dma_start3A_426 = arith.constant 0 : i32
      %dma_start3A_427 = tpu.memref_slice %arg6[%scan3A_38, %dma_start3A_425, %dma_start3A_426] : memref<2x128x64xf32, #tpu.memory_space<vmem>> -> memref<1x128x64xf32, #tpu.memory_space<vmem>>
      %dma_start3A_428 = tpu.memref_squeeze %dma_start3A_427 : memref<1x128x64xf32, #tpu.memory_space<vmem>> -> memref<128x64xf32, #tpu.memory_space<vmem>>
      %dma_start3A_429 = arith.constant 0 : i32
      %dma_start3A_430 = tpu.memref_slice %dma_start3A_428[%add3A_414, %dma_start3A_429] : memref<128x64xf32, #tpu.memory_space<vmem>> -> memref<1x64xf32, #tpu.memory_space<vmem>>
      %dma_start3A_431 = tpu.memref_squeeze %dma_start3A_430 : memref<1x64xf32, #tpu.memory_space<vmem>> -> memref<64xf32, #tpu.memory_space<vmem>>
      %dma_start3A_432 = arith.constant 0 : i32
      %dma_start3A_433 = tpu.memref_slice %arg2[%shift_right_arithmetic3A_408, %and3A_410, %dma_start3A_432] : memref<125000x8x64xf32, #tpu.memory_space<hbm>> -> memref<1x1x64xf32, #tpu.memory_space<hbm>>
      %dma_start3A_434 = tpu.memref_squeeze %dma_start3A_433 : memref<1x1x64xf32, #tpu.memory_space<hbm>> -> memref<64xf32, #tpu.memory_space<hbm>>
      tpu.enqueue_dma source(%dma_start3A_434 : memref<64xf32, #tpu.memory_space<hbm>>) target(%dma_start3A_431 : memref<64xf32, #tpu.memory_space<vmem>>) target_semaphore(%arg7 : memref<!tpu.dma_semaphore, #tpu.memory_space<semaphore_mem>>)
      %eq3A_435 = arith.constant 6 : i32
      %eq3A_436 = vector.broadcast %eq3A_435 : i32 to vector<16xi32>
      %eq3A_437 = arith.cmpi eq, %iota3A, %eq3A_436 : vector<16xi32>
      %jit3A_438 = arith.constant 0 : i32
      %broadcast_in_dim3A_439 = vector.broadcast %jit3A_438 : i32 to vector<16xi32>
      %select_n3A_440 = arith.select %eq3A_437, %get3A_213, %broadcast_in_dim3A_439 : vector<16xi1>, vector<16xi32>
      %reduce_sum3A_441 = arith.constant true
      %reduce_sum3A_442 = vector.broadcast %reduce_sum3A_441 : i1 to vector<16xi1>
      %reduce_sum3A_443 = tpu.scan <sum>, %select_n3A_440 masked %reduce_sum3A_442 : vector<16xi32>, vector<16xi1> -> vector<16xi32>
      %reduce_sum3A_444 = vector.extract %reduce_sum3A_443[15] : i32 from vector<16xi32>
      %shift_right_arithmetic3A_445 = arith.constant 3 : i32
      %shift_right_arithmetic3A_446 = arith.shrsi %reduce_sum3A_444, %shift_right_arithmetic3A_445 : i32
      %and3A_447 = arith.constant 7 : i32
      %and3A_448 = arith.andi %reduce_sum3A_444, %and3A_447 : i32
      %mul3A_449 = arith.constant 16 : i32
      %mul3A_450 = arith.muli %scan3A_208, %mul3A_449 : i32
      %add3A_451 = arith.constant 6 : i32
      %add3A_452 = arith.addi %mul3A_450, %add3A_451 : i32
      %dma_start3A_453 = arith.constant 0 : i32
      %dma_start3A_454 = arith.constant 0 : i32
      %dma_start3A_455 = tpu.memref_slice %arg6[%scan3A_38, %dma_start3A_453, %dma_start3A_454] : memref<2x128x64xf32, #tpu.memory_space<vmem>> -> memref<1x128x64xf32, #tpu.memory_space<vmem>>
      %dma_start3A_456 = tpu.memref_squeeze %dma_start3A_455 : memref<1x128x64xf32, #tpu.memory_space<vmem>> -> memref<128x64xf32, #tpu.memory_space<vmem>>
      %dma_start3A_457 = arith.constant 0 : i32
      %dma_start3A_458 = tpu.memref_slice %dma_start3A_456[%add3A_452, %dma_start3A_457] : memref<128x64xf32, #tpu.memory_space<vmem>> -> memref<1x64xf32, #tpu.memory_space<vmem>>
      %dma_start3A_459 = tpu.memref_squeeze %dma_start3A_458 : memref<1x64xf32, #tpu.memory_space<vmem>> -> memref<64xf32, #tpu.memory_space<vmem>>
      %dma_start3A_460 = arith.constant 0 : i32
      %dma_start3A_461 = tpu.memref_slice %arg2[%shift_right_arithmetic3A_446, %and3A_448, %dma_start3A_460] : memref<125000x8x64xf32, #tpu.memory_space<hbm>> -> memref<1x1x64xf32, #tpu.memory_space<hbm>>
      %dma_start3A_462 = tpu.memref_squeeze %dma_start3A_461 : memref<1x1x64xf32, #tpu.memory_space<hbm>> -> memref<64xf32, #tpu.memory_space<hbm>>
      %dma_start3A_463 = arith.constant 0 : i32
      %dma_start3A_464 = arith.constant 0 : i32
      %dma_start3A_465 = tpu.memref_slice %arg6[%scan3A_38, %dma_start3A_463, %dma_start3A_464] : memref<2x128x64xf32, #tpu.memory_space<vmem>> -> memref<1x128x64xf32, #tpu.memory_space<vmem>>
      %dma_start3A_466 = tpu.memref_squeeze %dma_start3A_465 : memref<1x128x64xf32, #tpu.memory_space<vmem>> -> memref<128x64xf32, #tpu.memory_space<vmem>>
      %dma_start3A_467 = arith.constant 0 : i32
      %dma_start3A_468 = tpu.memref_slice %dma_start3A_466[%add3A_452, %dma_start3A_467] : memref<128x64xf32, #tpu.memory_space<vmem>> -> memref<1x64xf32, #tpu.memory_space<vmem>>
      %dma_start3A_469 = tpu.memref_squeeze %dma_start3A_468 : memref<1x64xf32, #tpu.memory_space<vmem>> -> memref<64xf32, #tpu.memory_space<vmem>>
      %dma_start3A_470 = arith.constant 0 : i32
      %dma_start3A_471 = tpu.memref_slice %arg2[%shift_right_arithmetic3A_446, %and3A_448, %dma_start3A_470] : memref<125000x8x64xf32, #tpu.memory_space<hbm>> -> memref<1x1x64xf32, #tpu.memory_space<hbm>>
      %dma_start3A_472 = tpu.memref_squeeze %dma_start3A_471 : memref<1x1x64xf32, #tpu.memory_space<hbm>> -> memref<64xf32, #tpu.memory_space<hbm>>
      tpu.enqueue_dma source(%dma_start3A_472 : memref<64xf32, #tpu.memory_space<hbm>>) target(%dma_start3A_469 : memref<64xf32, #tpu.memory_space<vmem>>) target_semaphore(%arg7 : memref<!tpu.dma_semaphore, #tpu.memory_space<semaphore_mem>>)
      %eq3A_473 = arith.constant 7 : i32
      %eq3A_474 = vector.broadcast %eq3A_473 : i32 to vector<16xi32>
      %eq3A_475 = arith.cmpi eq, %iota3A, %eq3A_474 : vector<16xi32>
      %jit3A_476 = arith.constant 0 : i32
      %broadcast_in_dim3A_477 = vector.broadcast %jit3A_476 : i32 to vector<16xi32>
      %select_n3A_478 = arith.select %eq3A_475, %get3A_213, %broadcast_in_dim3A_477 : vector<16xi1>, vector<16xi32>
      %reduce_sum3A_479 = arith.constant true
      %reduce_sum3A_480 = vector.broadcast %reduce_sum3A_479 : i1 to vector<16xi1>
      %reduce_sum3A_481 = tpu.scan <sum>, %select_n3A_478 masked %reduce_sum3A_480 : vector<16xi32>, vector<16xi1> -> vector<16xi32>
      %reduce_sum3A_482 = vector.extract %reduce_sum3A_481[15] : i32 from vector<16xi32>
      %shift_right_arithmetic3A_483 = arith.constant 3 : i32
      %shift_right_arithmetic3A_484 = arith.shrsi %reduce_sum3A_482, %shift_right_arithmetic3A_483 : i32
      %and3A_485 = arith.constant 7 : i32
      %and3A_486 = arith.andi %reduce_sum3A_482, %and3A_485 : i32
      %mul3A_487 = arith.constant 16 : i32
      %mul3A_488 = arith.muli %scan3A_208, %mul3A_487 : i32
      %add3A_489 = arith.constant 7 : i32
      %add3A_490 = arith.addi %mul3A_488, %add3A_489 : i32
      %dma_start3A_491 = arith.constant 0 : i32
      %dma_start3A_492 = arith.constant 0 : i32
      %dma_start3A_493 = tpu.memref_slice %arg6[%scan3A_38, %dma_start3A_491, %dma_start3A_492] : memref<2x128x64xf32, #tpu.memory_space<vmem>> -> memref<1x128x64xf32, #tpu.memory_space<vmem>>
      %dma_start3A_494 = tpu.memref_squeeze %dma_start3A_493 : memref<1x128x64xf32, #tpu.memory_space<vmem>> -> memref<128x64xf32, #tpu.memory_space<vmem>>
      %dma_start3A_495 = arith.constant 0 : i32
      %dma_start3A_496 = tpu.memref_slice %dma_start3A_494[%add3A_490, %dma_start3A_495] : memref<128x64xf32, #tpu.memory_space<vmem>> -> memref<1x64xf32, #tpu.memory_space<vmem>>
      %dma_start3A_497 = tpu.memref_squeeze %dma_start3A_496 : memref<1x64xf32, #tpu.memory_space<vmem>> -> memref<64xf32, #tpu.memory_space<vmem>>
      %dma_start3A_498 = arith.constant 0 : i32
      %dma_start3A_499 = tpu.memref_slice %arg2[%shift_right_arithmetic3A_484, %and3A_486, %dma_start3A_498] : memref<125000x8x64xf32, #tpu.memory_space<hbm>> -> memref<1x1x64xf32, #tpu.memory_space<hbm>>
      %dma_start3A_500 = tpu.memref_squeeze %dma_start3A_499 : memref<1x1x64xf32, #tpu.memory_space<hbm>> -> memref<64xf32, #tpu.memory_space<hbm>>
      %dma_start3A_501 = arith.constant 0 : i32
      %dma_start3A_502 = arith.constant 0 : i32
      %dma_start3A_503 = tpu.memref_slice %arg6[%scan3A_38, %dma_start3A_501, %dma_start3A_502] : memref<2x128x64xf32, #tpu.memory_space<vmem>> -> memref<1x128x64xf32, #tpu.memory_space<vmem>>
      %dma_start3A_504 = tpu.memref_squeeze %dma_start3A_503 : memref<1x128x64xf32, #tpu.memory_space<vmem>> -> memref<128x64xf32, #tpu.memory_space<vmem>>
      %dma_start3A_505 = arith.constant 0 : i32
      %dma_start3A_506 = tpu.memref_slice %dma_start3A_504[%add3A_490, %dma_start3A_505] : memref<128x64xf32, #tpu.memory_space<vmem>> -> memref<1x64xf32, #tpu.memory_space<vmem>>
      %dma_start3A_507 = tpu.memref_squeeze %dma_start3A_506 : memref<1x64xf32, #tpu.memory_space<vmem>> -> memref<64xf32, #tpu.memory_space<vmem>>
      %dma_start3A_508 = arith.constant 0 : i32
      %dma_start3A_509 = tpu.memref_slice %arg2[%shift_right_arithmetic3A_484, %and3A_486, %dma_start3A_508] : memref<125000x8x64xf32, #tpu.memory_space<hbm>> -> memref<1x1x64xf32, #tpu.memory_space<hbm>>
      %dma_start3A_510 = tpu.memref_squeeze %dma_start3A_509 : memref<1x1x64xf32, #tpu.memory_space<hbm>> -> memref<64xf32, #tpu.memory_space<hbm>>
      tpu.enqueue_dma source(%dma_start3A_510 : memref<64xf32, #tpu.memory_space<hbm>>) target(%dma_start3A_507 : memref<64xf32, #tpu.memory_space<vmem>>) target_semaphore(%arg7 : memref<!tpu.dma_semaphore, #tpu.memory_space<semaphore_mem>>)
      %eq3A_511 = arith.constant 8 : i32
      %eq3A_512 = vector.broadcast %eq3A_511 : i32 to vector<16xi32>
      %eq3A_513 = arith.cmpi eq, %iota3A, %eq3A_512 : vector<16xi32>
      %jit3A_514 = arith.constant 0 : i32
      %broadcast_in_dim3A_515 = vector.broadcast %jit3A_514 : i32 to vector<16xi32>
      %select_n3A_516 = arith.select %eq3A_513, %get3A_213, %broadcast_in_dim3A_515 : vector<16xi1>, vector<16xi32>
      %reduce_sum3A_517 = arith.constant true
      %reduce_sum3A_518 = vector.broadcast %reduce_sum3A_517 : i1 to vector<16xi1>
      %reduce_sum3A_519 = tpu.scan <sum>, %select_n3A_516 masked %reduce_sum3A_518 : vector<16xi32>, vector<16xi1> -> vector<16xi32>
      %reduce_sum3A_520 = vector.extract %reduce_sum3A_519[15] : i32 from vector<16xi32>
      %shift_right_arithmetic3A_521 = arith.constant 3 : i32
      %shift_right_arithmetic3A_522 = arith.shrsi %reduce_sum3A_520, %shift_right_arithmetic3A_521 : i32
      %and3A_523 = arith.constant 7 : i32
      %and3A_524 = arith.andi %reduce_sum3A_520, %and3A_523 : i32
      %mul3A_525 = arith.constant 16 : i32
      %mul3A_526 = arith.muli %scan3A_208, %mul3A_525 : i32
      %add3A_527 = arith.constant 8 : i32
      %add3A_528 = arith.addi %mul3A_526, %add3A_527 : i32
      %dma_start3A_529 = arith.constant 0 : i32
      %dma_start3A_530 = arith.constant 0 : i32
      %dma_start3A_531 = tpu.memref_slice %arg6[%scan3A_38, %dma_start3A_529, %dma_start3A_530] : memref<2x128x64xf32, #tpu.memory_space<vmem>> -> memref<1x128x64xf32, #tpu.memory_space<vmem>>
      %dma_start3A_532 = tpu.memref_squeeze %dma_start3A_531 : memref<1x128x64xf32, #tpu.memory_space<vmem>> -> memref<128x64xf32, #tpu.memory_space<vmem>>
      %dma_start3A_533 = arith.constant 0 : i32
      %dma_start3A_534 = tpu.memref_slice %dma_start3A_532[%add3A_528, %dma_start3A_533] : memref<128x64xf32, #tpu.memory_space<vmem>> -> memref<1x64xf32, #tpu.memory_space<vmem>>
      %dma_start3A_535 = tpu.memref_squeeze %dma_start3A_534 : memref<1x64xf32, #tpu.memory_space<vmem>> -> memref<64xf32, #tpu.memory_space<vmem>>
      %dma_start3A_536 = arith.constant 0 : i32
      %dma_start3A_537 = tpu.memref_slice %arg2[%shift_right_arithmetic3A_522, %and3A_524, %dma_start3A_536] : memref<125000x8x64xf32, #tpu.memory_space<hbm>> -> memref<1x1x64xf32, #tpu.memory_space<hbm>>
      %dma_start3A_538 = tpu.memref_squeeze %dma_start3A_537 : memref<1x1x64xf32, #tpu.memory_space<hbm>> -> memref<64xf32, #tpu.memory_space<hbm>>
      %dma_start3A_539 = arith.constant 0 : i32
      %dma_start3A_540 = arith.constant 0 : i32
      %dma_start3A_541 = tpu.memref_slice %arg6[%scan3A_38, %dma_start3A_539, %dma_start3A_540] : memref<2x128x64xf32, #tpu.memory_space<vmem>> -> memref<1x128x64xf32, #tpu.memory_space<vmem>>
      %dma_start3A_542 = tpu.memref_squeeze %dma_start3A_541 : memref<1x128x64xf32, #tpu.memory_space<vmem>> -> memref<128x64xf32, #tpu.memory_space<vmem>>
      %dma_start3A_543 = arith.constant 0 : i32
      %dma_start3A_544 = tpu.memref_slice %dma_start3A_542[%add3A_528, %dma_start3A_543] : memref<128x64xf32, #tpu.memory_space<vmem>> -> memref<1x64xf32, #tpu.memory_space<vmem>>
      %dma_start3A_545 = tpu.memref_squeeze %dma_start3A_544 : memref<1x64xf32, #tpu.memory_space<vmem>> -> memref<64xf32, #tpu.memory_space<vmem>>
      %dma_start3A_546 = arith.constant 0 : i32
      %dma_start3A_547 = tpu.memref_slice %arg2[%shift_right_arithmetic3A_522, %and3A_524, %dma_start3A_546] : memref<125000x8x64xf32, #tpu.memory_space<hbm>> -> memref<1x1x64xf32, #tpu.memory_space<hbm>>
      %dma_start3A_548 = tpu.memref_squeeze %dma_start3A_547 : memref<1x1x64xf32, #tpu.memory_space<hbm>> -> memref<64xf32, #tpu.memory_space<hbm>>
      tpu.enqueue_dma source(%dma_start3A_548 : memref<64xf32, #tpu.memory_space<hbm>>) target(%dma_start3A_545 : memref<64xf32, #tpu.memory_space<vmem>>) target_semaphore(%arg7 : memref<!tpu.dma_semaphore, #tpu.memory_space<semaphore_mem>>)
      %eq3A_549 = arith.constant 9 : i32
      %eq3A_550 = vector.broadcast %eq3A_549 : i32 to vector<16xi32>
      %eq3A_551 = arith.cmpi eq, %iota3A, %eq3A_550 : vector<16xi32>
      %jit3A_552 = arith.constant 0 : i32
      %broadcast_in_dim3A_553 = vector.broadcast %jit3A_552 : i32 to vector<16xi32>
      %select_n3A_554 = arith.select %eq3A_551, %get3A_213, %broadcast_in_dim3A_553 : vector<16xi1>, vector<16xi32>
      %reduce_sum3A_555 = arith.constant true
      %reduce_sum3A_556 = vector.broadcast %reduce_sum3A_555 : i1 to vector<16xi1>
      %reduce_sum3A_557 = tpu.scan <sum>, %select_n3A_554 masked %reduce_sum3A_556 : vector<16xi32>, vector<16xi1> -> vector<16xi32>
      %reduce_sum3A_558 = vector.extract %reduce_sum3A_557[15] : i32 from vector<16xi32>
      %shift_right_arithmetic3A_559 = arith.constant 3 : i32
      %shift_right_arithmetic3A_560 = arith.shrsi %reduce_sum3A_558, %shift_right_arithmetic3A_559 : i32
      %and3A_561 = arith.constant 7 : i32
      %and3A_562 = arith.andi %reduce_sum3A_558, %and3A_561 : i32
      %mul3A_563 = arith.constant 16 : i32
      %mul3A_564 = arith.muli %scan3A_208, %mul3A_563 : i32
      %add3A_565 = arith.constant 9 : i32
      %add3A_566 = arith.addi %mul3A_564, %add3A_565 : i32
      %dma_start3A_567 = arith.constant 0 : i32
      %dma_start3A_568 = arith.constant 0 : i32
      %dma_start3A_569 = tpu.memref_slice %arg6[%scan3A_38, %dma_start3A_567, %dma_start3A_568] : memref<2x128x64xf32, #tpu.memory_space<vmem>> -> memref<1x128x64xf32, #tpu.memory_space<vmem>>
      %dma_start3A_570 = tpu.memref_squeeze %dma_start3A_569 : memref<1x128x64xf32, #tpu.memory_space<vmem>> -> memref<128x64xf32, #tpu.memory_space<vmem>>
      %dma_start3A_571 = arith.constant 0 : i32
      %dma_start3A_572 = tpu.memref_slice %dma_start3A_570[%add3A_566, %dma_start3A_571] : memref<128x64xf32, #tpu.memory_space<vmem>> -> memref<1x64xf32, #tpu.memory_space<vmem>>
      %dma_start3A_573 = tpu.memref_squeeze %dma_start3A_572 : memref<1x64xf32, #tpu.memory_space<vmem>> -> memref<64xf32, #tpu.memory_space<vmem>>
      %dma_start3A_574 = arith.constant 0 : i32
      %dma_start3A_575 = tpu.memref_slice %arg2[%shift_right_arithmetic3A_560, %and3A_562, %dma_start3A_574] : memref<125000x8x64xf32, #tpu.memory_space<hbm>> -> memref<1x1x64xf32, #tpu.memory_space<hbm>>
      %dma_start3A_576 = tpu.memref_squeeze %dma_start3A_575 : memref<1x1x64xf32, #tpu.memory_space<hbm>> -> memref<64xf32, #tpu.memory_space<hbm>>
      %dma_start3A_577 = arith.constant 0 : i32
      %dma_start3A_578 = arith.constant 0 : i32
      %dma_start3A_579 = tpu.memref_slice %arg6[%scan3A_38, %dma_start3A_577, %dma_start3A_578] : memref<2x128x64xf32, #tpu.memory_space<vmem>> -> memref<1x128x64xf32, #tpu.memory_space<vmem>>
      %dma_start3A_580 = tpu.memref_squeeze %dma_start3A_579 : memref<1x128x64xf32, #tpu.memory_space<vmem>> -> memref<128x64xf32, #tpu.memory_space<vmem>>
      %dma_start3A_581 = arith.constant 0 : i32
      %dma_start3A_582 = tpu.memref_slice %dma_start3A_580[%add3A_566, %dma_start3A_581] : memref<128x64xf32, #tpu.memory_space<vmem>> -> memref<1x64xf32, #tpu.memory_space<vmem>>
      %dma_start3A_583 = tpu.memref_squeeze %dma_start3A_582 : memref<1x64xf32, #tpu.memory_space<vmem>> -> memref<64xf32, #tpu.memory_space<vmem>>
      %dma_start3A_584 = arith.constant 0 : i32
      %dma_start3A_585 = tpu.memref_slice %arg2[%shift_right_arithmetic3A_560, %and3A_562, %dma_start3A_584] : memref<125000x8x64xf32, #tpu.memory_space<hbm>> -> memref<1x1x64xf32, #tpu.memory_space<hbm>>
      %dma_start3A_586 = tpu.memref_squeeze %dma_start3A_585 : memref<1x1x64xf32, #tpu.memory_space<hbm>> -> memref<64xf32, #tpu.memory_space<hbm>>
      tpu.enqueue_dma source(%dma_start3A_586 : memref<64xf32, #tpu.memory_space<hbm>>) target(%dma_start3A_583 : memref<64xf32, #tpu.memory_space<vmem>>) target_semaphore(%arg7 : memref<!tpu.dma_semaphore, #tpu.memory_space<semaphore_mem>>)
      %eq3A_587 = arith.constant 10 : i32
      %eq3A_588 = vector.broadcast %eq3A_587 : i32 to vector<16xi32>
      %eq3A_589 = arith.cmpi eq, %iota3A, %eq3A_588 : vector<16xi32>
      %jit3A_590 = arith.constant 0 : i32
      %broadcast_in_dim3A_591 = vector.broadcast %jit3A_590 : i32 to vector<16xi32>
      %select_n3A_592 = arith.select %eq3A_589, %get3A_213, %broadcast_in_dim3A_591 : vector<16xi1>, vector<16xi32>
      %reduce_sum3A_593 = arith.constant true
      %reduce_sum3A_594 = vector.broadcast %reduce_sum3A_593 : i1 to vector<16xi1>
      %reduce_sum3A_595 = tpu.scan <sum>, %select_n3A_592 masked %reduce_sum3A_594 : vector<16xi32>, vector<16xi1> -> vector<16xi32>
      %reduce_sum3A_596 = vector.extract %reduce_sum3A_595[15] : i32 from vector<16xi32>
      %shift_right_arithmetic3A_597 = arith.constant 3 : i32
      %shift_right_arithmetic3A_598 = arith.shrsi %reduce_sum3A_596, %shift_right_arithmetic3A_597 : i32
      %and3A_599 = arith.constant 7 : i32
      %and3A_600 = arith.andi %reduce_sum3A_596, %and3A_599 : i32
      %mul3A_601 = arith.constant 16 : i32
      %mul3A_602 = arith.muli %scan3A_208, %mul3A_601 : i32
      %add3A_603 = arith.constant 10 : i32
      %add3A_604 = arith.addi %mul3A_602, %add3A_603 : i32
      %dma_start3A_605 = arith.constant 0 : i32
      %dma_start3A_606 = arith.constant 0 : i32
      %dma_start3A_607 = tpu.memref_slice %arg6[%scan3A_38, %dma_start3A_605, %dma_start3A_606] : memref<2x128x64xf32, #tpu.memory_space<vmem>> -> memref<1x128x64xf32, #tpu.memory_space<vmem>>
      %dma_start3A_608 = tpu.memref_squeeze %dma_start3A_607 : memref<1x128x64xf32, #tpu.memory_space<vmem>> -> memref<128x64xf32, #tpu.memory_space<vmem>>
      %dma_start3A_609 = arith.constant 0 : i32
      %dma_start3A_610 = tpu.memref_slice %dma_start3A_608[%add3A_604, %dma_start3A_609] : memref<128x64xf32, #tpu.memory_space<vmem>> -> memref<1x64xf32, #tpu.memory_space<vmem>>
      %dma_start3A_611 = tpu.memref_squeeze %dma_start3A_610 : memref<1x64xf32, #tpu.memory_space<vmem>> -> memref<64xf32, #tpu.memory_space<vmem>>
      %dma_start3A_612 = arith.constant 0 : i32
      %dma_start3A_613 = tpu.memref_slice %arg2[%shift_right_arithmetic3A_598, %and3A_600, %dma_start3A_612] : memref<125000x8x64xf32, #tpu.memory_space<hbm>> -> memref<1x1x64xf32, #tpu.memory_space<hbm>>
      %dma_start3A_614 = tpu.memref_squeeze %dma_start3A_613 : memref<1x1x64xf32, #tpu.memory_space<hbm>> -> memref<64xf32, #tpu.memory_space<hbm>>
      %dma_start3A_615 = arith.constant 0 : i32
      %dma_start3A_616 = arith.constant 0 : i32
      %dma_start3A_617 = tpu.memref_slice %arg6[%scan3A_38, %dma_start3A_615, %dma_start3A_616] : memref<2x128x64xf32, #tpu.memory_space<vmem>> -> memref<1x128x64xf32, #tpu.memory_space<vmem>>
      %dma_start3A_618 = tpu.memref_squeeze %dma_start3A_617 : memref<1x128x64xf32, #tpu.memory_space<vmem>> -> memref<128x64xf32, #tpu.memory_space<vmem>>
      %dma_start3A_619 = arith.constant 0 : i32
      %dma_start3A_620 = tpu.memref_slice %dma_start3A_618[%add3A_604, %dma_start3A_619] : memref<128x64xf32, #tpu.memory_space<vmem>> -> memref<1x64xf32, #tpu.memory_space<vmem>>
      %dma_start3A_621 = tpu.memref_squeeze %dma_start3A_620 : memref<1x64xf32, #tpu.memory_space<vmem>> -> memref<64xf32, #tpu.memory_space<vmem>>
      %dma_start3A_622 = arith.constant 0 : i32
      %dma_start3A_623 = tpu.memref_slice %arg2[%shift_right_arithmetic3A_598, %and3A_600, %dma_start3A_622] : memref<125000x8x64xf32, #tpu.memory_space<hbm>> -> memref<1x1x64xf32, #tpu.memory_space<hbm>>
      %dma_start3A_624 = tpu.memref_squeeze %dma_start3A_623 : memref<1x1x64xf32, #tpu.memory_space<hbm>> -> memref<64xf32, #tpu.memory_space<hbm>>
      tpu.enqueue_dma source(%dma_start3A_624 : memref<64xf32, #tpu.memory_space<hbm>>) target(%dma_start3A_621 : memref<64xf32, #tpu.memory_space<vmem>>) target_semaphore(%arg7 : memref<!tpu.dma_semaphore, #tpu.memory_space<semaphore_mem>>)
      %eq3A_625 = arith.constant 11 : i32
      %eq3A_626 = vector.broadcast %eq3A_625 : i32 to vector<16xi32>
      %eq3A_627 = arith.cmpi eq, %iota3A, %eq3A_626 : vector<16xi32>
      %jit3A_628 = arith.constant 0 : i32
      %broadcast_in_dim3A_629 = vector.broadcast %jit3A_628 : i32 to vector<16xi32>
      %select_n3A_630 = arith.select %eq3A_627, %get3A_213, %broadcast_in_dim3A_629 : vector<16xi1>, vector<16xi32>
      %reduce_sum3A_631 = arith.constant true
      %reduce_sum3A_632 = vector.broadcast %reduce_sum3A_631 : i1 to vector<16xi1>
      %reduce_sum3A_633 = tpu.scan <sum>, %select_n3A_630 masked %reduce_sum3A_632 : vector<16xi32>, vector<16xi1> -> vector<16xi32>
      %reduce_sum3A_634 = vector.extract %reduce_sum3A_633[15] : i32 from vector<16xi32>
      %shift_right_arithmetic3A_635 = arith.constant 3 : i32
      %shift_right_arithmetic3A_636 = arith.shrsi %reduce_sum3A_634, %shift_right_arithmetic3A_635 : i32
      %and3A_637 = arith.constant 7 : i32
      %and3A_638 = arith.andi %reduce_sum3A_634, %and3A_637 : i32
      %mul3A_639 = arith.constant 16 : i32
      %mul3A_640 = arith.muli %scan3A_208, %mul3A_639 : i32
      %add3A_641 = arith.constant 11 : i32
      %add3A_642 = arith.addi %mul3A_640, %add3A_641 : i32
      %dma_start3A_643 = arith.constant 0 : i32
      %dma_start3A_644 = arith.constant 0 : i32
      %dma_start3A_645 = tpu.memref_slice %arg6[%scan3A_38, %dma_start3A_643, %dma_start3A_644] : memref<2x128x64xf32, #tpu.memory_space<vmem>> -> memref<1x128x64xf32, #tpu.memory_space<vmem>>
      %dma_start3A_646 = tpu.memref_squeeze %dma_start3A_645 : memref<1x128x64xf32, #tpu.memory_space<vmem>> -> memref<128x64xf32, #tpu.memory_space<vmem>>
      %dma_start3A_647 = arith.constant 0 : i32
      %dma_start3A_648 = tpu.memref_slice %dma_start3A_646[%add3A_642, %dma_start3A_647] : memref<128x64xf32, #tpu.memory_space<vmem>> -> memref<1x64xf32, #tpu.memory_space<vmem>>
      %dma_start3A_649 = tpu.memref_squeeze %dma_start3A_648 : memref<1x64xf32, #tpu.memory_space<vmem>> -> memref<64xf32, #tpu.memory_space<vmem>>
      %dma_start3A_650 = arith.constant 0 : i32
      %dma_start3A_651 = tpu.memref_slice %arg2[%shift_right_arithmetic3A_636, %and3A_638, %dma_start3A_650] : memref<125000x8x64xf32, #tpu.memory_space<hbm>> -> memref<1x1x64xf32, #tpu.memory_space<hbm>>
      %dma_start3A_652 = tpu.memref_squeeze %dma_start3A_651 : memref<1x1x64xf32, #tpu.memory_space<hbm>> -> memref<64xf32, #tpu.memory_space<hbm>>
      %dma_start3A_653 = arith.constant 0 : i32
      %dma_start3A_654 = arith.constant 0 : i32
      %dma_start3A_655 = tpu.memref_slice %arg6[%scan3A_38, %dma_start3A_653, %dma_start3A_654] : memref<2x128x64xf32, #tpu.memory_space<vmem>> -> memref<1x128x64xf32, #tpu.memory_space<vmem>>
      %dma_start3A_656 = tpu.memref_squeeze %dma_start3A_655 : memref<1x128x64xf32, #tpu.memory_space<vmem>> -> memref<128x64xf32, #tpu.memory_space<vmem>>
      %dma_start3A_657 = arith.constant 0 : i32
      %dma_start3A_658 = tpu.memref_slice %dma_start3A_656[%add3A_642, %dma_start3A_657] : memref<128x64xf32, #tpu.memory_space<vmem>> -> memref<1x64xf32, #tpu.memory_space<vmem>>
      %dma_start3A_659 = tpu.memref_squeeze %dma_start3A_658 : memref<1x64xf32, #tpu.memory_space<vmem>> -> memref<64xf32, #tpu.memory_space<vmem>>
      %dma_start3A_660 = arith.constant 0 : i32
      %dma_start3A_661 = tpu.memref_slice %arg2[%shift_right_arithmetic3A_636, %and3A_638, %dma_start3A_660] : memref<125000x8x64xf32, #tpu.memory_space<hbm>> -> memref<1x1x64xf32, #tpu.memory_space<hbm>>
      %dma_start3A_662 = tpu.memref_squeeze %dma_start3A_661 : memref<1x1x64xf32, #tpu.memory_space<hbm>> -> memref<64xf32, #tpu.memory_space<hbm>>
      tpu.enqueue_dma source(%dma_start3A_662 : memref<64xf32, #tpu.memory_space<hbm>>) target(%dma_start3A_659 : memref<64xf32, #tpu.memory_space<vmem>>) target_semaphore(%arg7 : memref<!tpu.dma_semaphore, #tpu.memory_space<semaphore_mem>>)
      %eq3A_663 = arith.constant 12 : i32
      %eq3A_664 = vector.broadcast %eq3A_663 : i32 to vector<16xi32>
      %eq3A_665 = arith.cmpi eq, %iota3A, %eq3A_664 : vector<16xi32>
      %jit3A_666 = arith.constant 0 : i32
      %broadcast_in_dim3A_667 = vector.broadcast %jit3A_666 : i32 to vector<16xi32>
      %select_n3A_668 = arith.select %eq3A_665, %get3A_213, %broadcast_in_dim3A_667 : vector<16xi1>, vector<16xi32>
      %reduce_sum3A_669 = arith.constant true
      %reduce_sum3A_670 = vector.broadcast %reduce_sum3A_669 : i1 to vector<16xi1>
      %reduce_sum3A_671 = tpu.scan <sum>, %select_n3A_668 masked %reduce_sum3A_670 : vector<16xi32>, vector<16xi1> -> vector<16xi32>
      %reduce_sum3A_672 = vector.extract %reduce_sum3A_671[15] : i32 from vector<16xi32>
      %shift_right_arithmetic3A_673 = arith.constant 3 : i32
      %shift_right_arithmetic3A_674 = arith.shrsi %reduce_sum3A_672, %shift_right_arithmetic3A_673 : i32
      %and3A_675 = arith.constant 7 : i32
      %and3A_676 = arith.andi %reduce_sum3A_672, %and3A_675 : i32
      %mul3A_677 = arith.constant 16 : i32
      %mul3A_678 = arith.muli %scan3A_208, %mul3A_677 : i32
      %add3A_679 = arith.constant 12 : i32
      %add3A_680 = arith.addi %mul3A_678, %add3A_679 : i32
      %dma_start3A_681 = arith.constant 0 : i32
      %dma_start3A_682 = arith.constant 0 : i32
      %dma_start3A_683 = tpu.memref_slice %arg6[%scan3A_38, %dma_start3A_681, %dma_start3A_682] : memref<2x128x64xf32, #tpu.memory_space<vmem>> -> memref<1x128x64xf32, #tpu.memory_space<vmem>>
      %dma_start3A_684 = tpu.memref_squeeze %dma_start3A_683 : memref<1x128x64xf32, #tpu.memory_space<vmem>> -> memref<128x64xf32, #tpu.memory_space<vmem>>
      %dma_start3A_685 = arith.constant 0 : i32
      %dma_start3A_686 = tpu.memref_slice %dma_start3A_684[%add3A_680, %dma_start3A_685] : memref<128x64xf32, #tpu.memory_space<vmem>> -> memref<1x64xf32, #tpu.memory_space<vmem>>
      %dma_start3A_687 = tpu.memref_squeeze %dma_start3A_686 : memref<1x64xf32, #tpu.memory_space<vmem>> -> memref<64xf32, #tpu.memory_space<vmem>>
      %dma_start3A_688 = arith.constant 0 : i32
      %dma_start3A_689 = tpu.memref_slice %arg2[%shift_right_arithmetic3A_674, %and3A_676, %dma_start3A_688] : memref<125000x8x64xf32, #tpu.memory_space<hbm>> -> memref<1x1x64xf32, #tpu.memory_space<hbm>>
      %dma_start3A_690 = tpu.memref_squeeze %dma_start3A_689 : memref<1x1x64xf32, #tpu.memory_space<hbm>> -> memref<64xf32, #tpu.memory_space<hbm>>
      %dma_start3A_691 = arith.constant 0 : i32
      %dma_start3A_692 = arith.constant 0 : i32
      %dma_start3A_693 = tpu.memref_slice %arg6[%scan3A_38, %dma_start3A_691, %dma_start3A_692] : memref<2x128x64xf32, #tpu.memory_space<vmem>> -> memref<1x128x64xf32, #tpu.memory_space<vmem>>
      %dma_start3A_694 = tpu.memref_squeeze %dma_start3A_693 : memref<1x128x64xf32, #tpu.memory_space<vmem>> -> memref<128x64xf32, #tpu.memory_space<vmem>>
      %dma_start3A_695 = arith.constant 0 : i32
      %dma_start3A_696 = tpu.memref_slice %dma_start3A_694[%add3A_680, %dma_start3A_695] : memref<128x64xf32, #tpu.memory_space<vmem>> -> memref<1x64xf32, #tpu.memory_space<vmem>>
      %dma_start3A_697 = tpu.memref_squeeze %dma_start3A_696 : memref<1x64xf32, #tpu.memory_space<vmem>> -> memref<64xf32, #tpu.memory_space<vmem>>
      %dma_start3A_698 = arith.constant 0 : i32
      %dma_start3A_699 = tpu.memref_slice %arg2[%shift_right_arithmetic3A_674, %and3A_676, %dma_start3A_698] : memref<125000x8x64xf32, #tpu.memory_space<hbm>> -> memref<1x1x64xf32, #tpu.memory_space<hbm>>
      %dma_start3A_700 = tpu.memref_squeeze %dma_start3A_699 : memref<1x1x64xf32, #tpu.memory_space<hbm>> -> memref<64xf32, #tpu.memory_space<hbm>>
      tpu.enqueue_dma source(%dma_start3A_700 : memref<64xf32, #tpu.memory_space<hbm>>) target(%dma_start3A_697 : memref<64xf32, #tpu.memory_space<vmem>>) target_semaphore(%arg7 : memref<!tpu.dma_semaphore, #tpu.memory_space<semaphore_mem>>)
      %eq3A_701 = arith.constant 13 : i32
      %eq3A_702 = vector.broadcast %eq3A_701 : i32 to vector<16xi32>
      %eq3A_703 = arith.cmpi eq, %iota3A, %eq3A_702 : vector<16xi32>
      %jit3A_704 = arith.constant 0 : i32
      %broadcast_in_dim3A_705 = vector.broadcast %jit3A_704 : i32 to vector<16xi32>
      %select_n3A_706 = arith.select %eq3A_703, %get3A_213, %broadcast_in_dim3A_705 : vector<16xi1>, vector<16xi32>
      %reduce_sum3A_707 = arith.constant true
      %reduce_sum3A_708 = vector.broadcast %reduce_sum3A_707 : i1 to vector<16xi1>
      %reduce_sum3A_709 = tpu.scan <sum>, %select_n3A_706 masked %reduce_sum3A_708 : vector<16xi32>, vector<16xi1> -> vector<16xi32>
      %reduce_sum3A_710 = vector.extract %reduce_sum3A_709[15] : i32 from vector<16xi32>
      %shift_right_arithmetic3A_711 = arith.constant 3 : i32
      %shift_right_arithmetic3A_712 = arith.shrsi %reduce_sum3A_710, %shift_right_arithmetic3A_711 : i32
      %and3A_713 = arith.constant 7 : i32
      %and3A_714 = arith.andi %reduce_sum3A_710, %and3A_713 : i32
      %mul3A_715 = arith.constant 16 : i32
      %mul3A_716 = arith.muli %scan3A_208, %mul3A_715 : i32
      %add3A_717 = arith.constant 13 : i32
      %add3A_718 = arith.addi %mul3A_716, %add3A_717 : i32
      %dma_start3A_719 = arith.constant 0 : i32
      %dma_start3A_720 = arith.constant 0 : i32
      %dma_start3A_721 = tpu.memref_slice %arg6[%scan3A_38, %dma_start3A_719, %dma_start3A_720] : memref<2x128x64xf32, #tpu.memory_space<vmem>> -> memref<1x128x64xf32, #tpu.memory_space<vmem>>
      %dma_start3A_722 = tpu.memref_squeeze %dma_start3A_721 : memref<1x128x64xf32, #tpu.memory_space<vmem>> -> memref<128x64xf32, #tpu.memory_space<vmem>>
      %dma_start3A_723 = arith.constant 0 : i32
      %dma_start3A_724 = tpu.memref_slice %dma_start3A_722[%add3A_718, %dma_start3A_723] : memref<128x64xf32, #tpu.memory_space<vmem>> -> memref<1x64xf32, #tpu.memory_space<vmem>>
      %dma_start3A_725 = tpu.memref_squeeze %dma_start3A_724 : memref<1x64xf32, #tpu.memory_space<vmem>> -> memref<64xf32, #tpu.memory_space<vmem>>
      %dma_start3A_726 = arith.constant 0 : i32
      %dma_start3A_727 = tpu.memref_slice %arg2[%shift_right_arithmetic3A_712, %and3A_714, %dma_start3A_726] : memref<125000x8x64xf32, #tpu.memory_space<hbm>> -> memref<1x1x64xf32, #tpu.memory_space<hbm>>
      %dma_start3A_728 = tpu.memref_squeeze %dma_start3A_727 : memref<1x1x64xf32, #tpu.memory_space<hbm>> -> memref<64xf32, #tpu.memory_space<hbm>>
      %dma_start3A_729 = arith.constant 0 : i32
      %dma_start3A_730 = arith.constant 0 : i32
      %dma_start3A_731 = tpu.memref_slice %arg6[%scan3A_38, %dma_start3A_729, %dma_start3A_730] : memref<2x128x64xf32, #tpu.memory_space<vmem>> -> memref<1x128x64xf32, #tpu.memory_space<vmem>>
      %dma_start3A_732 = tpu.memref_squeeze %dma_start3A_731 : memref<1x128x64xf32, #tpu.memory_space<vmem>> -> memref<128x64xf32, #tpu.memory_space<vmem>>
      %dma_start3A_733 = arith.constant 0 : i32
      %dma_start3A_734 = tpu.memref_slice %dma_start3A_732[%add3A_718, %dma_start3A_733] : memref<128x64xf32, #tpu.memory_space<vmem>> -> memref<1x64xf32, #tpu.memory_space<vmem>>
      %dma_start3A_735 = tpu.memref_squeeze %dma_start3A_734 : memref<1x64xf32, #tpu.memory_space<vmem>> -> memref<64xf32, #tpu.memory_space<vmem>>
      %dma_start3A_736 = arith.constant 0 : i32
      %dma_start3A_737 = tpu.memref_slice %arg2[%shift_right_arithmetic3A_712, %and3A_714, %dma_start3A_736] : memref<125000x8x64xf32, #tpu.memory_space<hbm>> -> memref<1x1x64xf32, #tpu.memory_space<hbm>>
      %dma_start3A_738 = tpu.memref_squeeze %dma_start3A_737 : memref<1x1x64xf32, #tpu.memory_space<hbm>> -> memref<64xf32, #tpu.memory_space<hbm>>
      tpu.enqueue_dma source(%dma_start3A_738 : memref<64xf32, #tpu.memory_space<hbm>>) target(%dma_start3A_735 : memref<64xf32, #tpu.memory_space<vmem>>) target_semaphore(%arg7 : memref<!tpu.dma_semaphore, #tpu.memory_space<semaphore_mem>>)
      %eq3A_739 = arith.constant 14 : i32
      %eq3A_740 = vector.broadcast %eq3A_739 : i32 to vector<16xi32>
      %eq3A_741 = arith.cmpi eq, %iota3A, %eq3A_740 : vector<16xi32>
      %jit3A_742 = arith.constant 0 : i32
      %broadcast_in_dim3A_743 = vector.broadcast %jit3A_742 : i32 to vector<16xi32>
      %select_n3A_744 = arith.select %eq3A_741, %get3A_213, %broadcast_in_dim3A_743 : vector<16xi1>, vector<16xi32>
      %reduce_sum3A_745 = arith.constant true
      %reduce_sum3A_746 = vector.broadcast %reduce_sum3A_745 : i1 to vector<16xi1>
      %reduce_sum3A_747 = tpu.scan <sum>, %select_n3A_744 masked %reduce_sum3A_746 : vector<16xi32>, vector<16xi1> -> vector<16xi32>
      %reduce_sum3A_748 = vector.extract %reduce_sum3A_747[15] : i32 from vector<16xi32>
      %shift_right_arithmetic3A_749 = arith.constant 3 : i32
      %shift_right_arithmetic3A_750 = arith.shrsi %reduce_sum3A_748, %shift_right_arithmetic3A_749 : i32
      %and3A_751 = arith.constant 7 : i32
      %and3A_752 = arith.andi %reduce_sum3A_748, %and3A_751 : i32
      %mul3A_753 = arith.constant 16 : i32
      %mul3A_754 = arith.muli %scan3A_208, %mul3A_753 : i32
      %add3A_755 = arith.constant 14 : i32
      %add3A_756 = arith.addi %mul3A_754, %add3A_755 : i32
      %dma_start3A_757 = arith.constant 0 : i32
      %dma_start3A_758 = arith.constant 0 : i32
      %dma_start3A_759 = tpu.memref_slice %arg6[%scan3A_38, %dma_start3A_757, %dma_start3A_758] : memref<2x128x64xf32, #tpu.memory_space<vmem>> -> memref<1x128x64xf32, #tpu.memory_space<vmem>>
      %dma_start3A_760 = tpu.memref_squeeze %dma_start3A_759 : memref<1x128x64xf32, #tpu.memory_space<vmem>> -> memref<128x64xf32, #tpu.memory_space<vmem>>
      %dma_start3A_761 = arith.constant 0 : i32
      %dma_start3A_762 = tpu.memref_slice %dma_start3A_760[%add3A_756, %dma_start3A_761] : memref<128x64xf32, #tpu.memory_space<vmem>> -> memref<1x64xf32, #tpu.memory_space<vmem>>
      %dma_start3A_763 = tpu.memref_squeeze %dma_start3A_762 : memref<1x64xf32, #tpu.memory_space<vmem>> -> memref<64xf32, #tpu.memory_space<vmem>>
      %dma_start3A_764 = arith.constant 0 : i32
      %dma_start3A_765 = tpu.memref_slice %arg2[%shift_right_arithmetic3A_750, %and3A_752, %dma_start3A_764] : memref<125000x8x64xf32, #tpu.memory_space<hbm>> -> memref<1x1x64xf32, #tpu.memory_space<hbm>>
      %dma_start3A_766 = tpu.memref_squeeze %dma_start3A_765 : memref<1x1x64xf32, #tpu.memory_space<hbm>> -> memref<64xf32, #tpu.memory_space<hbm>>
      %dma_start3A_767 = arith.constant 0 : i32
      %dma_start3A_768 = arith.constant 0 : i32
      %dma_start3A_769 = tpu.memref_slice %arg6[%scan3A_38, %dma_start3A_767, %dma_start3A_768] : memref<2x128x64xf32, #tpu.memory_space<vmem>> -> memref<1x128x64xf32, #tpu.memory_space<vmem>>
      %dma_start3A_770 = tpu.memref_squeeze %dma_start3A_769 : memref<1x128x64xf32, #tpu.memory_space<vmem>> -> memref<128x64xf32, #tpu.memory_space<vmem>>
      %dma_start3A_771 = arith.constant 0 : i32
      %dma_start3A_772 = tpu.memref_slice %dma_start3A_770[%add3A_756, %dma_start3A_771] : memref<128x64xf32, #tpu.memory_space<vmem>> -> memref<1x64xf32, #tpu.memory_space<vmem>>
      %dma_start3A_773 = tpu.memref_squeeze %dma_start3A_772 : memref<1x64xf32, #tpu.memory_space<vmem>> -> memref<64xf32, #tpu.memory_space<vmem>>
      %dma_start3A_774 = arith.constant 0 : i32
      %dma_start3A_775 = tpu.memref_slice %arg2[%shift_right_arithmetic3A_750, %and3A_752, %dma_start3A_774] : memref<125000x8x64xf32, #tpu.memory_space<hbm>> -> memref<1x1x64xf32, #tpu.memory_space<hbm>>
      %dma_start3A_776 = tpu.memref_squeeze %dma_start3A_775 : memref<1x1x64xf32, #tpu.memory_space<hbm>> -> memref<64xf32, #tpu.memory_space<hbm>>
      tpu.enqueue_dma source(%dma_start3A_776 : memref<64xf32, #tpu.memory_space<hbm>>) target(%dma_start3A_773 : memref<64xf32, #tpu.memory_space<vmem>>) target_semaphore(%arg7 : memref<!tpu.dma_semaphore, #tpu.memory_space<semaphore_mem>>)
      %eq3A_777 = arith.constant 15 : i32
      %eq3A_778 = vector.broadcast %eq3A_777 : i32 to vector<16xi32>
      %eq3A_779 = arith.cmpi eq, %iota3A, %eq3A_778 : vector<16xi32>
      %jit3A_780 = arith.constant 0 : i32
      %broadcast_in_dim3A_781 = vector.broadcast %jit3A_780 : i32 to vector<16xi32>
      %select_n3A_782 = arith.select %eq3A_779, %get3A_213, %broadcast_in_dim3A_781 : vector<16xi1>, vector<16xi32>
      %reduce_sum3A_783 = arith.constant true
      %reduce_sum3A_784 = vector.broadcast %reduce_sum3A_783 : i1 to vector<16xi1>
      %reduce_sum3A_785 = tpu.scan <sum>, %select_n3A_782 masked %reduce_sum3A_784 : vector<16xi32>, vector<16xi1> -> vector<16xi32>
      %reduce_sum3A_786 = vector.extract %reduce_sum3A_785[15] : i32 from vector<16xi32>
      %shift_right_arithmetic3A_787 = arith.constant 3 : i32
      %shift_right_arithmetic3A_788 = arith.shrsi %reduce_sum3A_786, %shift_right_arithmetic3A_787 : i32
      %and3A_789 = arith.constant 7 : i32
      %and3A_790 = arith.andi %reduce_sum3A_786, %and3A_789 : i32
      %mul3A_791 = arith.constant 16 : i32
      %mul3A_792 = arith.muli %scan3A_208, %mul3A_791 : i32
      %add3A_793 = arith.constant 15 : i32
      %add3A_794 = arith.addi %mul3A_792, %add3A_793 : i32
      %dma_start3A_795 = arith.constant 0 : i32
      %dma_start3A_796 = arith.constant 0 : i32
      %dma_start3A_797 = tpu.memref_slice %arg6[%scan3A_38, %dma_start3A_795, %dma_start3A_796] : memref<2x128x64xf32, #tpu.memory_space<vmem>> -> memref<1x128x64xf32, #tpu.memory_space<vmem>>
      %dma_start3A_798 = tpu.memref_squeeze %dma_start3A_797 : memref<1x128x64xf32, #tpu.memory_space<vmem>> -> memref<128x64xf32, #tpu.memory_space<vmem>>
      %dma_start3A_799 = arith.constant 0 : i32
      %dma_start3A_800 = tpu.memref_slice %dma_start3A_798[%add3A_794, %dma_start3A_799] : memref<128x64xf32, #tpu.memory_space<vmem>> -> memref<1x64xf32, #tpu.memory_space<vmem>>
      %dma_start3A_801 = tpu.memref_squeeze %dma_start3A_800 : memref<1x64xf32, #tpu.memory_space<vmem>> -> memref<64xf32, #tpu.memory_space<vmem>>
      %dma_start3A_802 = arith.constant 0 : i32
      %dma_start3A_803 = tpu.memref_slice %arg2[%shift_right_arithmetic3A_788, %and3A_790, %dma_start3A_802] : memref<125000x8x64xf32, #tpu.memory_space<hbm>> -> memref<1x1x64xf32, #tpu.memory_space<hbm>>
      %dma_start3A_804 = tpu.memref_squeeze %dma_start3A_803 : memref<1x1x64xf32, #tpu.memory_space<hbm>> -> memref<64xf32, #tpu.memory_space<hbm>>
      %dma_start3A_805 = arith.constant 0 : i32
      %dma_start3A_806 = arith.constant 0 : i32
      %dma_start3A_807 = tpu.memref_slice %arg6[%scan3A_38, %dma_start3A_805, %dma_start3A_806] : memref<2x128x64xf32, #tpu.memory_space<vmem>> -> memref<1x128x64xf32, #tpu.memory_space<vmem>>
      %dma_start3A_808 = tpu.memref_squeeze %dma_start3A_807 : memref<1x128x64xf32, #tpu.memory_space<vmem>> -> memref<128x64xf32, #tpu.memory_space<vmem>>
      %dma_start3A_809 = arith.constant 0 : i32
      %dma_start3A_810 = tpu.memref_slice %dma_start3A_808[%add3A_794, %dma_start3A_809] : memref<128x64xf32, #tpu.memory_space<vmem>> -> memref<1x64xf32, #tpu.memory_space<vmem>>
      %dma_start3A_811 = tpu.memref_squeeze %dma_start3A_810 : memref<1x64xf32, #tpu.memory_space<vmem>> -> memref<64xf32, #tpu.memory_space<vmem>>
      %dma_start3A_812 = arith.constant 0 : i32
      %dma_start3A_813 = tpu.memref_slice %arg2[%shift_right_arithmetic3A_788, %and3A_790, %dma_start3A_812] : memref<125000x8x64xf32, #tpu.memory_space<hbm>> -> memref<1x1x64xf32, #tpu.memory_space<hbm>>
      %dma_start3A_814 = tpu.memref_squeeze %dma_start3A_813 : memref<1x1x64xf32, #tpu.memory_space<hbm>> -> memref<64xf32, #tpu.memory_space<hbm>>
      tpu.enqueue_dma source(%dma_start3A_814 : memref<64xf32, #tpu.memory_space<hbm>>) target(%dma_start3A_811 : memref<64xf32, #tpu.memory_space<vmem>>) target_semaphore(%arg7 : memref<!tpu.dma_semaphore, #tpu.memory_space<semaphore_mem>>)
    }
    %scan3A_43 = arith.constant 8 : i32
    %dma_wait3A_44 = arith.constant 1 : i32
    %dma_wait3A_45 = arith.constant 0 : i32
    %dma_wait3A_46 = arith.constant 0 : i32
    %dma_wait3A_47 = tpu.memref_slice %arg6[%dma_wait3A_44, %dma_wait3A_45, %dma_wait3A_46] : memref<2x128x64xf32, #tpu.memory_space<vmem>> -> memref<1x128x64xf32, #tpu.memory_space<vmem>>
    %dma_wait3A_48 = tpu.memref_squeeze %dma_wait3A_47 : memref<1x128x64xf32, #tpu.memory_space<vmem>> -> memref<128x64xf32, #tpu.memory_space<vmem>>
    %dma_wait3A_49 = arith.constant 0 : i32
    %dma_wait3A_50 = arith.constant 0 : i32
    %dma_wait3A_51 = tpu.memref_slice %arg4[%dma_wait3A_49, %dma_wait3A_50] : memref<16384x64xf32, #tpu.memory_space<hbm>> -> memref<128x64xf32, #tpu.memory_space<hbm>>
    %dma_wait3A_52 = arith.constant 0 : i32
    %dma_wait3A_53 = arith.constant 0 : i32
    %dma_wait3A_54 = tpu.memref_slice %arg6[%dma_wait3A_44, %dma_wait3A_52, %dma_wait3A_53] : memref<2x128x64xf32, #tpu.memory_space<vmem>> -> memref<1x128x64xf32, #tpu.memory_space<vmem>>
    %dma_wait3A_55 = tpu.memref_squeeze %dma_wait3A_54 : memref<1x128x64xf32, #tpu.memory_space<vmem>> -> memref<128x64xf32, #tpu.memory_space<vmem>>
    %dma_wait3A_56 = arith.constant 0 : i32
    %dma_wait3A_57 = arith.constant 0 : i32
    %dma_wait3A_58 = tpu.memref_slice %arg4[%dma_wait3A_56, %dma_wait3A_57] : memref<16384x64xf32, #tpu.memory_space<hbm>> -> memref<128x64xf32, #tpu.memory_space<hbm>>
    tpu.wait_dma2 semaphore(%arg7 : memref<!tpu.dma_semaphore, #tpu.memory_space<semaphore_mem>>) src(%dma_wait3A_58 : memref<128x64xf32, #tpu.memory_space<hbm>>) dst(%dma_wait3A_55 : memref<128x64xf32, #tpu.memory_space<vmem>>)
    %add3A_59 = arith.constant 128 : i32
    %add3A_60 = arith.addi %mul3A_2, %add3A_59 : i32
    %dma_start3A_61 = arith.constant 1 : i32
    %dma_start3A_62 = arith.constant 0 : i32
    %dma_start3A_63 = arith.constant 0 : i32
    %dma_start3A_64 = tpu.memref_slice %arg6[%dma_start3A_61, %dma_start3A_62, %dma_start3A_63] : memref<2x128x64xf32, #tpu.memory_space<vmem>> -> memref<1x128x64xf32, #tpu.memory_space<vmem>>
    %dma_start3A_65 = tpu.memref_squeeze %dma_start3A_64 : memref<1x128x64xf32, #tpu.memory_space<vmem>> -> memref<128x64xf32, #tpu.memory_space<vmem>>
    %dma_start3A_66 = arith.constant 0 : i32
    %dma_start3A_67 = tpu.memref_slice %arg4[%add3A_60, %dma_start3A_66] : memref<16384x64xf32, #tpu.memory_space<hbm>> -> memref<128x64xf32, #tpu.memory_space<hbm>>
    %dma_start3A_68 = arith.constant 0 : i32
    %dma_start3A_69 = tpu.memref_slice %arg4[%add3A_60, %dma_start3A_68] : memref<16384x64xf32, #tpu.memory_space<hbm>> -> memref<128x64xf32, #tpu.memory_space<hbm>>
    %dma_start3A_70 = arith.constant 0 : i32
    %dma_start3A_71 = arith.constant 0 : i32
    %dma_start3A_72 = tpu.memref_slice %arg6[%dma_start3A_61, %dma_start3A_70, %dma_start3A_71] : memref<2x128x64xf32, #tpu.memory_space<vmem>> -> memref<1x128x64xf32, #tpu.memory_space<vmem>>
    %dma_start3A_73 = tpu.memref_squeeze %dma_start3A_72 : memref<1x128x64xf32, #tpu.memory_space<vmem>> -> memref<128x64xf32, #tpu.memory_space<vmem>>
    tpu.enqueue_dma source(%dma_start3A_73 : memref<128x64xf32, #tpu.memory_space<vmem>>) target(%dma_start3A_69 : memref<128x64xf32, #tpu.memory_space<hbm>>) target_semaphore(%arg8 : memref<!tpu.dma_semaphore, #tpu.memory_space<semaphore_mem>>)
    %add3A_74 = arith.constant 0 : i32
    %add3A_75 = arith.addi %mul3A_2, %add3A_74 : i32
    %dma_wait3A_76 = arith.constant 0 : i32
    %dma_wait3A_77 = arith.constant 0 : i32
    %dma_wait3A_78 = arith.constant 0 : i32
    %dma_wait3A_79 = tpu.memref_slice %arg6[%dma_wait3A_76, %dma_wait3A_77, %dma_wait3A_78] : memref<2x128x64xf32, #tpu.memory_space<vmem>> -> memref<1x128x64xf32, #tpu.memory_space<vmem>>
    %dma_wait3A_80 = tpu.memref_squeeze %dma_wait3A_79 : memref<1x128x64xf32, #tpu.memory_space<vmem>> -> memref<128x64xf32, #tpu.memory_space<vmem>>
    %dma_wait3A_81 = arith.constant 0 : i32
    %dma_wait3A_82 = tpu.memref_slice %arg4[%add3A_75, %dma_wait3A_81] : memref<16384x64xf32, #tpu.memory_space<hbm>> -> memref<128x64xf32, #tpu.memory_space<hbm>>
    %dma_wait3A_83 = arith.constant 0 : i32
    %dma_wait3A_84 = tpu.memref_slice %arg4[%add3A_75, %dma_wait3A_83] : memref<16384x64xf32, #tpu.memory_space<hbm>> -> memref<128x64xf32, #tpu.memory_space<hbm>>
    %dma_wait3A_85 = arith.constant 0 : i32
    %dma_wait3A_86 = arith.constant 0 : i32
    %dma_wait3A_87 = tpu.memref_slice %arg6[%dma_wait3A_76, %dma_wait3A_85, %dma_wait3A_86] : memref<2x128x64xf32, #tpu.memory_space<vmem>> -> memref<1x128x64xf32, #tpu.memory_space<vmem>>
    %dma_wait3A_88 = tpu.memref_squeeze %dma_wait3A_87 : memref<1x128x64xf32, #tpu.memory_space<vmem>> -> memref<128x64xf32, #tpu.memory_space<vmem>>
    tpu.wait_dma2 semaphore(%arg8 : memref<!tpu.dma_semaphore, #tpu.memory_space<semaphore_mem>>) src(%dma_wait3A_88 : memref<128x64xf32, #tpu.memory_space<vmem>>) dst(%dma_wait3A_84 : memref<128x64xf32, #tpu.memory_space<hbm>>)
    %scan3A_89 = arith.constant 0 : i32
    %scan3A_90 = arith.constant 0 : i32
    %scan3A_91 = arith.constant 0 : i32
    %scan3A_92 = arith.constant 8 : i32
    %scan3A_93 = arith.addi %scan3A_91, %scan3A_92 : i32
    %scan3A_94 = arith.constant 1 : i32
    scf.for %scan3A_208 = %scan3A_91 to %scan3A_93 step %scan3A_94  : i32 {
      %mul3A_209 = arith.constant 16 : i32
      %mul3A_210 = arith.muli %scan3A_208, %mul3A_209 : i32
      %add3A_211 = arith.constant 256 : i32
      %add3A_212 = arith.addi %add3A_211, %mul3A_210 : i32
      %get3A = arith.index_cast %add3A_212 : i32 to index
      %get3A_213 = tpu.vector_load %arg5[%get3A] {strides = array<i32>} : memref<512xi32, #tpu.memory_space<vmem>>, vector<16xi32>,
      %eq3A = arith.constant 0 : i32
      %eq3A_214 = vector.broadcast %eq3A : i32 to vector<16xi32>
      %eq3A_215 = arith.cmpi eq, %iota3A, %eq3A_214 : vector<16xi32>
      %jit3A = arith.constant 0 : i32
      %broadcast_in_dim3A = vector.broadcast %jit3A : i32 to vector<16xi32>
      %select_n3A = arith.select %eq3A_215, %get3A_213, %broadcast_in_dim3A : vector<16xi1>, vector<16xi32>
      %reduce_sum3A = arith.constant true
      %reduce_sum3A_216 = vector.broadcast %reduce_sum3A : i1 to vector<16xi1>
      %reduce_sum3A_217 = tpu.scan <sum>, %select_n3A masked %reduce_sum3A_216 : vector<16xi32>, vector<16xi1> -> vector<16xi32>
      %reduce_sum3A_218 = vector.extract %reduce_sum3A_217[15] : i32 from vector<16xi32>
      %shift_right_arithmetic3A = arith.constant 3 : i32
      %shift_right_arithmetic3A_219 = arith.shrsi %reduce_sum3A_218, %shift_right_arithmetic3A : i32
      %and3A = arith.constant 7 : i32
      %and3A_220 = arith.andi %reduce_sum3A_218, %and3A : i32
      %mul3A_221 = arith.constant 16 : i32
      %mul3A_222 = arith.muli %scan3A_208, %mul3A_221 : i32
      %add3A_223 = arith.constant 0 : i32
      %add3A_224 = arith.addi %mul3A_222, %add3A_223 : i32
      %dma_start3A_225 = arith.constant 0 : i32
      %dma_start3A_226 = arith.constant 0 : i32
      %dma_start3A_227 = tpu.memref_slice %arg6[%scan3A_90, %dma_start3A_225, %dma_start3A_226] : memref<2x128x64xf32, #tpu.memory_space<vmem>> -> memref<1x128x64xf32, #tpu.memory_space<vmem>>
      %dma_start3A_228 = tpu.memref_squeeze %dma_start3A_227 : memref<1x128x64xf32, #tpu.memory_space<vmem>> -> memref<128x64xf32, #tpu.memory_space<vmem>>
      %dma_start3A_229 = arith.constant 0 : i32
      %dma_start3A_230 = tpu.memref_slice %dma_start3A_228[%add3A_224, %dma_start3A_229] : memref<128x64xf32, #tpu.memory_space<vmem>> -> memref<1x64xf32, #tpu.memory_space<vmem>>
      %dma_start3A_231 = tpu.memref_squeeze %dma_start3A_230 : memref<1x64xf32, #tpu.memory_space<vmem>> -> memref<64xf32, #tpu.memory_space<vmem>>
      %dma_start3A_232 = arith.constant 0 : i32
      %dma_start3A_233 = tpu.memref_slice %arg2[%shift_right_arithmetic3A_219, %and3A_220, %dma_start3A_232] : memref<125000x8x64xf32, #tpu.memory_space<hbm>> -> memref<1x1x64xf32, #tpu.memory_space<hbm>>
      %dma_start3A_234 = tpu.memref_squeeze %dma_start3A_233 : memref<1x1x64xf32, #tpu.memory_space<hbm>> -> memref<64xf32, #tpu.memory_space<hbm>>
      %dma_start3A_235 = arith.constant 0 : i32
      %dma_start3A_236 = arith.constant 0 : i32
      %dma_start3A_237 = tpu.memref_slice %arg6[%scan3A_90, %dma_start3A_235, %dma_start3A_236] : memref<2x128x64xf32, #tpu.memory_space<vmem>> -> memref<1x128x64xf32, #tpu.memory_space<vmem>>
      %dma_start3A_238 = tpu.memref_squeeze %dma_start3A_237 : memref<1x128x64xf32, #tpu.memory_space<vmem>> -> memref<128x64xf32, #tpu.memory_space<vmem>>
      %dma_start3A_239 = arith.constant 0 : i32
      %dma_start3A_240 = tpu.memref_slice %dma_start3A_238[%add3A_224, %dma_start3A_239] : memref<128x64xf32, #tpu.memory_space<vmem>> -> memref<1x64xf32, #tpu.memory_space<vmem>>
      %dma_start3A_241 = tpu.memref_squeeze %dma_start3A_240 : memref<1x64xf32, #tpu.memory_space<vmem>> -> memref<64xf32, #tpu.memory_space<vmem>>
      %dma_start3A_242 = arith.constant 0 : i32
      %dma_start3A_243 = tpu.memref_slice %arg2[%shift_right_arithmetic3A_219, %and3A_220, %dma_start3A_242] : memref<125000x8x64xf32, #tpu.memory_space<hbm>> -> memref<1x1x64xf32, #tpu.memory_space<hbm>>
      %dma_start3A_244 = tpu.memref_squeeze %dma_start3A_243 : memref<1x1x64xf32, #tpu.memory_space<hbm>> -> memref<64xf32, #tpu.memory_space<hbm>>
      tpu.enqueue_dma source(%dma_start3A_244 : memref<64xf32, #tpu.memory_space<hbm>>) target(%dma_start3A_241 : memref<64xf32, #tpu.memory_space<vmem>>) target_semaphore(%arg7 : memref<!tpu.dma_semaphore, #tpu.memory_space<semaphore_mem>>)
      %eq3A_245 = arith.constant 1 : i32
      %eq3A_246 = vector.broadcast %eq3A_245 : i32 to vector<16xi32>
      %eq3A_247 = arith.cmpi eq, %iota3A, %eq3A_246 : vector<16xi32>
      %jit3A_248 = arith.constant 0 : i32
      %broadcast_in_dim3A_249 = vector.broadcast %jit3A_248 : i32 to vector<16xi32>
      %select_n3A_250 = arith.select %eq3A_247, %get3A_213, %broadcast_in_dim3A_249 : vector<16xi1>, vector<16xi32>
      %reduce_sum3A_251 = arith.constant true
      %reduce_sum3A_252 = vector.broadcast %reduce_sum3A_251 : i1 to vector<16xi1>
      %reduce_sum3A_253 = tpu.scan <sum>, %select_n3A_250 masked %reduce_sum3A_252 : vector<16xi32>, vector<16xi1> -> vector<16xi32>
      %reduce_sum3A_254 = vector.extract %reduce_sum3A_253[15] : i32 from vector<16xi32>
      %shift_right_arithmetic3A_255 = arith.constant 3 : i32
      %shift_right_arithmetic3A_256 = arith.shrsi %reduce_sum3A_254, %shift_right_arithmetic3A_255 : i32
      %and3A_257 = arith.constant 7 : i32
      %and3A_258 = arith.andi %reduce_sum3A_254, %and3A_257 : i32
      %mul3A_259 = arith.constant 16 : i32
      %mul3A_260 = arith.muli %scan3A_208, %mul3A_259 : i32
      %add3A_261 = arith.constant 1 : i32
      %add3A_262 = arith.addi %mul3A_260, %add3A_261 : i32
      %dma_start3A_263 = arith.constant 0 : i32
      %dma_start3A_264 = arith.constant 0 : i32
      %dma_start3A_265 = tpu.memref_slice %arg6[%scan3A_90, %dma_start3A_263, %dma_start3A_264] : memref<2x128x64xf32, #tpu.memory_space<vmem>> -> memref<1x128x64xf32, #tpu.memory_space<vmem>>
      %dma_start3A_266 = tpu.memref_squeeze %dma_start3A_265 : memref<1x128x64xf32, #tpu.memory_space<vmem>> -> memref<128x64xf32, #tpu.memory_space<vmem>>
      %dma_start3A_267 = arith.constant 0 : i32
      %dma_start3A_268 = tpu.memref_slice %dma_start3A_266[%add3A_262, %dma_start3A_267] : memref<128x64xf32, #tpu.memory_space<vmem>> -> memref<1x64xf32, #tpu.memory_space<vmem>>
      %dma_start3A_269 = tpu.memref_squeeze %dma_start3A_268 : memref<1x64xf32, #tpu.memory_space<vmem>> -> memref<64xf32, #tpu.memory_space<vmem>>
      %dma_start3A_270 = arith.constant 0 : i32
      %dma_start3A_271 = tpu.memref_slice %arg2[%shift_right_arithmetic3A_256, %and3A_258, %dma_start3A_270] : memref<125000x8x64xf32, #tpu.memory_space<hbm>> -> memref<1x1x64xf32, #tpu.memory_space<hbm>>
      %dma_start3A_272 = tpu.memref_squeeze %dma_start3A_271 : memref<1x1x64xf32, #tpu.memory_space<hbm>> -> memref<64xf32, #tpu.memory_space<hbm>>
      %dma_start3A_273 = arith.constant 0 : i32
      %dma_start3A_274 = arith.constant 0 : i32
      %dma_start3A_275 = tpu.memref_slice %arg6[%scan3A_90, %dma_start3A_273, %dma_start3A_274] : memref<2x128x64xf32, #tpu.memory_space<vmem>> -> memref<1x128x64xf32, #tpu.memory_space<vmem>>
      %dma_start3A_276 = tpu.memref_squeeze %dma_start3A_275 : memref<1x128x64xf32, #tpu.memory_space<vmem>> -> memref<128x64xf32, #tpu.memory_space<vmem>>
      %dma_start3A_277 = arith.constant 0 : i32
      %dma_start3A_278 = tpu.memref_slice %dma_start3A_276[%add3A_262, %dma_start3A_277] : memref<128x64xf32, #tpu.memory_space<vmem>> -> memref<1x64xf32, #tpu.memory_space<vmem>>
      %dma_start3A_279 = tpu.memref_squeeze %dma_start3A_278 : memref<1x64xf32, #tpu.memory_space<vmem>> -> memref<64xf32, #tpu.memory_space<vmem>>
      %dma_start3A_280 = arith.constant 0 : i32
      %dma_start3A_281 = tpu.memref_slice %arg2[%shift_right_arithmetic3A_256, %and3A_258, %dma_start3A_280] : memref<125000x8x64xf32, #tpu.memory_space<hbm>> -> memref<1x1x64xf32, #tpu.memory_space<hbm>>
      %dma_start3A_282 = tpu.memref_squeeze %dma_start3A_281 : memref<1x1x64xf32, #tpu.memory_space<hbm>> -> memref<64xf32, #tpu.memory_space<hbm>>
      tpu.enqueue_dma source(%dma_start3A_282 : memref<64xf32, #tpu.memory_space<hbm>>) target(%dma_start3A_279 : memref<64xf32, #tpu.memory_space<vmem>>) target_semaphore(%arg7 : memref<!tpu.dma_semaphore, #tpu.memory_space<semaphore_mem>>)
      %eq3A_283 = arith.constant 2 : i32
      %eq3A_284 = vector.broadcast %eq3A_283 : i32 to vector<16xi32>
      %eq3A_285 = arith.cmpi eq, %iota3A, %eq3A_284 : vector<16xi32>
      %jit3A_286 = arith.constant 0 : i32
      %broadcast_in_dim3A_287 = vector.broadcast %jit3A_286 : i32 to vector<16xi32>
      %select_n3A_288 = arith.select %eq3A_285, %get3A_213, %broadcast_in_dim3A_287 : vector<16xi1>, vector<16xi32>
      %reduce_sum3A_289 = arith.constant true
      %reduce_sum3A_290 = vector.broadcast %reduce_sum3A_289 : i1 to vector<16xi1>
      %reduce_sum3A_291 = tpu.scan <sum>, %select_n3A_288 masked %reduce_sum3A_290 : vector<16xi32>, vector<16xi1> -> vector<16xi32>
      %reduce_sum3A_292 = vector.extract %reduce_sum3A_291[15] : i32 from vector<16xi32>
      %shift_right_arithmetic3A_293 = arith.constant 3 : i32
      %shift_right_arithmetic3A_294 = arith.shrsi %reduce_sum3A_292, %shift_right_arithmetic3A_293 : i32
      %and3A_295 = arith.constant 7 : i32
      %and3A_296 = arith.andi %reduce_sum3A_292, %and3A_295 : i32
      %mul3A_297 = arith.constant 16 : i32
      %mul3A_298 = arith.muli %scan3A_208, %mul3A_297 : i32
      %add3A_299 = arith.constant 2 : i32
      %add3A_300 = arith.addi %mul3A_298, %add3A_299 : i32
      %dma_start3A_301 = arith.constant 0 : i32
      %dma_start3A_302 = arith.constant 0 : i32
      %dma_start3A_303 = tpu.memref_slice %arg6[%scan3A_90, %dma_start3A_301, %dma_start3A_302] : memref<2x128x64xf32, #tpu.memory_space<vmem>> -> memref<1x128x64xf32, #tpu.memory_space<vmem>>
      %dma_start3A_304 = tpu.memref_squeeze %dma_start3A_303 : memref<1x128x64xf32, #tpu.memory_space<vmem>> -> memref<128x64xf32, #tpu.memory_space<vmem>>
      %dma_start3A_305 = arith.constant 0 : i32
      %dma_start3A_306 = tpu.memref_slice %dma_start3A_304[%add3A_300, %dma_start3A_305] : memref<128x64xf32, #tpu.memory_space<vmem>> -> memref<1x64xf32, #tpu.memory_space<vmem>>
      %dma_start3A_307 = tpu.memref_squeeze %dma_start3A_306 : memref<1x64xf32, #tpu.memory_space<vmem>> -> memref<64xf32, #tpu.memory_space<vmem>>
      %dma_start3A_308 = arith.constant 0 : i32
      %dma_start3A_309 = tpu.memref_slice %arg2[%shift_right_arithmetic3A_294, %and3A_296, %dma_start3A_308] : memref<125000x8x64xf32, #tpu.memory_space<hbm>> -> memref<1x1x64xf32, #tpu.memory_space<hbm>>
      %dma_start3A_310 = tpu.memref_squeeze %dma_start3A_309 : memref<1x1x64xf32, #tpu.memory_space<hbm>> -> memref<64xf32, #tpu.memory_space<hbm>>
      %dma_start3A_311 = arith.constant 0 : i32
      %dma_start3A_312 = arith.constant 0 : i32
      %dma_start3A_313 = tpu.memref_slice %arg6[%scan3A_90, %dma_start3A_311, %dma_start3A_312] : memref<2x128x64xf32, #tpu.memory_space<vmem>> -> memref<1x128x64xf32, #tpu.memory_space<vmem>>
      %dma_start3A_314 = tpu.memref_squeeze %dma_start3A_313 : memref<1x128x64xf32, #tpu.memory_space<vmem>> -> memref<128x64xf32, #tpu.memory_space<vmem>>
      %dma_start3A_315 = arith.constant 0 : i32
      %dma_start3A_316 = tpu.memref_slice %dma_start3A_314[%add3A_300, %dma_start3A_315] : memref<128x64xf32, #tpu.memory_space<vmem>> -> memref<1x64xf32, #tpu.memory_space<vmem>>
      %dma_start3A_317 = tpu.memref_squeeze %dma_start3A_316 : memref<1x64xf32, #tpu.memory_space<vmem>> -> memref<64xf32, #tpu.memory_space<vmem>>
      %dma_start3A_318 = arith.constant 0 : i32
      %dma_start3A_319 = tpu.memref_slice %arg2[%shift_right_arithmetic3A_294, %and3A_296, %dma_start3A_318] : memref<125000x8x64xf32, #tpu.memory_space<hbm>> -> memref<1x1x64xf32, #tpu.memory_space<hbm>>
      %dma_start3A_320 = tpu.memref_squeeze %dma_start3A_319 : memref<1x1x64xf32, #tpu.memory_space<hbm>> -> memref<64xf32, #tpu.memory_space<hbm>>
      tpu.enqueue_dma source(%dma_start3A_320 : memref<64xf32, #tpu.memory_space<hbm>>) target(%dma_start3A_317 : memref<64xf32, #tpu.memory_space<vmem>>) target_semaphore(%arg7 : memref<!tpu.dma_semaphore, #tpu.memory_space<semaphore_mem>>)
      %eq3A_321 = arith.constant 3 : i32
      %eq3A_322 = vector.broadcast %eq3A_321 : i32 to vector<16xi32>
      %eq3A_323 = arith.cmpi eq, %iota3A, %eq3A_322 : vector<16xi32>
      %jit3A_324 = arith.constant 0 : i32
      %broadcast_in_dim3A_325 = vector.broadcast %jit3A_324 : i32 to vector<16xi32>
      %select_n3A_326 = arith.select %eq3A_323, %get3A_213, %broadcast_in_dim3A_325 : vector<16xi1>, vector<16xi32>
      %reduce_sum3A_327 = arith.constant true
      %reduce_sum3A_328 = vector.broadcast %reduce_sum3A_327 : i1 to vector<16xi1>
      %reduce_sum3A_329 = tpu.scan <sum>, %select_n3A_326 masked %reduce_sum3A_328 : vector<16xi32>, vector<16xi1> -> vector<16xi32>
      %reduce_sum3A_330 = vector.extract %reduce_sum3A_329[15] : i32 from vector<16xi32>
      %shift_right_arithmetic3A_331 = arith.constant 3 : i32
      %shift_right_arithmetic3A_332 = arith.shrsi %reduce_sum3A_330, %shift_right_arithmetic3A_331 : i32
      %and3A_333 = arith.constant 7 : i32
      %and3A_334 = arith.andi %reduce_sum3A_330, %and3A_333 : i32
      %mul3A_335 = arith.constant 16 : i32
      %mul3A_336 = arith.muli %scan3A_208, %mul3A_335 : i32
      %add3A_337 = arith.constant 3 : i32
      %add3A_338 = arith.addi %mul3A_336, %add3A_337 : i32
      %dma_start3A_339 = arith.constant 0 : i32
      %dma_start3A_340 = arith.constant 0 : i32
      %dma_start3A_341 = tpu.memref_slice %arg6[%scan3A_90, %dma_start3A_339, %dma_start3A_340] : memref<2x128x64xf32, #tpu.memory_space<vmem>> -> memref<1x128x64xf32, #tpu.memory_space<vmem>>
      %dma_start3A_342 = tpu.memref_squeeze %dma_start3A_341 : memref<1x128x64xf32, #tpu.memory_space<vmem>> -> memref<128x64xf32, #tpu.memory_space<vmem>>
      %dma_start3A_343 = arith.constant 0 : i32
      %dma_start3A_344 = tpu.memref_slice %dma_start3A_342[%add3A_338, %dma_start3A_343] : memref<128x64xf32, #tpu.memory_space<vmem>> -> memref<1x64xf32, #tpu.memory_space<vmem>>
      %dma_start3A_345 = tpu.memref_squeeze %dma_start3A_344 : memref<1x64xf32, #tpu.memory_space<vmem>> -> memref<64xf32, #tpu.memory_space<vmem>>
      %dma_start3A_346 = arith.constant 0 : i32
      %dma_start3A_347 = tpu.memref_slice %arg2[%shift_right_arithmetic3A_332, %and3A_334, %dma_start3A_346] : memref<125000x8x64xf32, #tpu.memory_space<hbm>> -> memref<1x1x64xf32, #tpu.memory_space<hbm>>
      %dma_start3A_348 = tpu.memref_squeeze %dma_start3A_347 : memref<1x1x64xf32, #tpu.memory_space<hbm>> -> memref<64xf32, #tpu.memory_space<hbm>>
      %dma_start3A_349 = arith.constant 0 : i32
      %dma_start3A_350 = arith.constant 0 : i32
      %dma_start3A_351 = tpu.memref_slice %arg6[%scan3A_90, %dma_start3A_349, %dma_start3A_350] : memref<2x128x64xf32, #tpu.memory_space<vmem>> -> memref<1x128x64xf32, #tpu.memory_space<vmem>>
      %dma_start3A_352 = tpu.memref_squeeze %dma_start3A_351 : memref<1x128x64xf32, #tpu.memory_space<vmem>> -> memref<128x64xf32, #tpu.memory_space<vmem>>
      %dma_start3A_353 = arith.constant 0 : i32
      %dma_start3A_354 = tpu.memref_slice %dma_start3A_352[%add3A_338, %dma_start3A_353] : memref<128x64xf32, #tpu.memory_space<vmem>> -> memref<1x64xf32, #tpu.memory_space<vmem>>
      %dma_start3A_355 = tpu.memref_squeeze %dma_start3A_354 : memref<1x64xf32, #tpu.memory_space<vmem>> -> memref<64xf32, #tpu.memory_space<vmem>>
      %dma_start3A_356 = arith.constant 0 : i32
      %dma_start3A_357 = tpu.memref_slice %arg2[%shift_right_arithmetic3A_332, %and3A_334, %dma_start3A_356] : memref<125000x8x64xf32, #tpu.memory_space<hbm>> -> memref<1x1x64xf32, #tpu.memory_space<hbm>>
      %dma_start3A_358 = tpu.memref_squeeze %dma_start3A_357 : memref<1x1x64xf32, #tpu.memory_space<hbm>> -> memref<64xf32, #tpu.memory_space<hbm>>
      tpu.enqueue_dma source(%dma_start3A_358 : memref<64xf32, #tpu.memory_space<hbm>>) target(%dma_start3A_355 : memref<64xf32, #tpu.memory_space<vmem>>) target_semaphore(%arg7 : memref<!tpu.dma_semaphore, #tpu.memory_space<semaphore_mem>>)
      %eq3A_359 = arith.constant 4 : i32
      %eq3A_360 = vector.broadcast %eq3A_359 : i32 to vector<16xi32>
      %eq3A_361 = arith.cmpi eq, %iota3A, %eq3A_360 : vector<16xi32>
      %jit3A_362 = arith.constant 0 : i32
      %broadcast_in_dim3A_363 = vector.broadcast %jit3A_362 : i32 to vector<16xi32>
      %select_n3A_364 = arith.select %eq3A_361, %get3A_213, %broadcast_in_dim3A_363 : vector<16xi1>, vector<16xi32>
      %reduce_sum3A_365 = arith.constant true
      %reduce_sum3A_366 = vector.broadcast %reduce_sum3A_365 : i1 to vector<16xi1>
      %reduce_sum3A_367 = tpu.scan <sum>, %select_n3A_364 masked %reduce_sum3A_366 : vector<16xi32>, vector<16xi1> -> vector<16xi32>
      %reduce_sum3A_368 = vector.extract %reduce_sum3A_367[15] : i32 from vector<16xi32>
      %shift_right_arithmetic3A_369 = arith.constant 3 : i32
      %shift_right_arithmetic3A_370 = arith.shrsi %reduce_sum3A_368, %shift_right_arithmetic3A_369 : i32
      %and3A_371 = arith.constant 7 : i32
      %and3A_372 = arith.andi %reduce_sum3A_368, %and3A_371 : i32
      %mul3A_373 = arith.constant 16 : i32
      %mul3A_374 = arith.muli %scan3A_208, %mul3A_373 : i32
      %add3A_375 = arith.constant 4 : i32
      %add3A_376 = arith.addi %mul3A_374, %add3A_375 : i32
      %dma_start3A_377 = arith.constant 0 : i32
      %dma_start3A_378 = arith.constant 0 : i32
      %dma_start3A_379 = tpu.memref_slice %arg6[%scan3A_90, %dma_start3A_377, %dma_start3A_378] : memref<2x128x64xf32, #tpu.memory_space<vmem>> -> memref<1x128x64xf32, #tpu.memory_space<vmem>>
      %dma_start3A_380 = tpu.memref_squeeze %dma_start3A_379 : memref<1x128x64xf32, #tpu.memory_space<vmem>> -> memref<128x64xf32, #tpu.memory_space<vmem>>
      %dma_start3A_381 = arith.constant 0 : i32
      %dma_start3A_382 = tpu.memref_slice %dma_start3A_380[%add3A_376, %dma_start3A_381] : memref<128x64xf32, #tpu.memory_space<vmem>> -> memref<1x64xf32, #tpu.memory_space<vmem>>
      %dma_start3A_383 = tpu.memref_squeeze %dma_start3A_382 : memref<1x64xf32, #tpu.memory_space<vmem>> -> memref<64xf32, #tpu.memory_space<vmem>>
      %dma_start3A_384 = arith.constant 0 : i32
      %dma_start3A_385 = tpu.memref_slice %arg2[%shift_right_arithmetic3A_370, %and3A_372, %dma_start3A_384] : memref<125000x8x64xf32, #tpu.memory_space<hbm>> -> memref<1x1x64xf32, #tpu.memory_space<hbm>>
      %dma_start3A_386 = tpu.memref_squeeze %dma_start3A_385 : memref<1x1x64xf32, #tpu.memory_space<hbm>> -> memref<64xf32, #tpu.memory_space<hbm>>
      %dma_start3A_387 = arith.constant 0 : i32
      %dma_start3A_388 = arith.constant 0 : i32
      %dma_start3A_389 = tpu.memref_slice %arg6[%scan3A_90, %dma_start3A_387, %dma_start3A_388] : memref<2x128x64xf32, #tpu.memory_space<vmem>> -> memref<1x128x64xf32, #tpu.memory_space<vmem>>
      %dma_start3A_390 = tpu.memref_squeeze %dma_start3A_389 : memref<1x128x64xf32, #tpu.memory_space<vmem>> -> memref<128x64xf32, #tpu.memory_space<vmem>>
      %dma_start3A_391 = arith.constant 0 : i32
      %dma_start3A_392 = tpu.memref_slice %dma_start3A_390[%add3A_376, %dma_start3A_391] : memref<128x64xf32, #tpu.memory_space<vmem>> -> memref<1x64xf32, #tpu.memory_space<vmem>>
      %dma_start3A_393 = tpu.memref_squeeze %dma_start3A_392 : memref<1x64xf32, #tpu.memory_space<vmem>> -> memref<64xf32, #tpu.memory_space<vmem>>
      %dma_start3A_394 = arith.constant 0 : i32
      %dma_start3A_395 = tpu.memref_slice %arg2[%shift_right_arithmetic3A_370, %and3A_372, %dma_start3A_394] : memref<125000x8x64xf32, #tpu.memory_space<hbm>> -> memref<1x1x64xf32, #tpu.memory_space<hbm>>
      %dma_start3A_396 = tpu.memref_squeeze %dma_start3A_395 : memref<1x1x64xf32, #tpu.memory_space<hbm>> -> memref<64xf32, #tpu.memory_space<hbm>>
      tpu.enqueue_dma source(%dma_start3A_396 : memref<64xf32, #tpu.memory_space<hbm>>) target(%dma_start3A_393 : memref<64xf32, #tpu.memory_space<vmem>>) target_semaphore(%arg7 : memref<!tpu.dma_semaphore, #tpu.memory_space<semaphore_mem>>)
      %eq3A_397 = arith.constant 5 : i32
      %eq3A_398 = vector.broadcast %eq3A_397 : i32 to vector<16xi32>
      %eq3A_399 = arith.cmpi eq, %iota3A, %eq3A_398 : vector<16xi32>
      %jit3A_400 = arith.constant 0 : i32
      %broadcast_in_dim3A_401 = vector.broadcast %jit3A_400 : i32 to vector<16xi32>
      %select_n3A_402 = arith.select %eq3A_399, %get3A_213, %broadcast_in_dim3A_401 : vector<16xi1>, vector<16xi32>
      %reduce_sum3A_403 = arith.constant true
      %reduce_sum3A_404 = vector.broadcast %reduce_sum3A_403 : i1 to vector<16xi1>
      %reduce_sum3A_405 = tpu.scan <sum>, %select_n3A_402 masked %reduce_sum3A_404 : vector<16xi32>, vector<16xi1> -> vector<16xi32>
      %reduce_sum3A_406 = vector.extract %reduce_sum3A_405[15] : i32 from vector<16xi32>
      %shift_right_arithmetic3A_407 = arith.constant 3 : i32
      %shift_right_arithmetic3A_408 = arith.shrsi %reduce_sum3A_406, %shift_right_arithmetic3A_407 : i32
      %and3A_409 = arith.constant 7 : i32
      %and3A_410 = arith.andi %reduce_sum3A_406, %and3A_409 : i32
      %mul3A_411 = arith.constant 16 : i32
      %mul3A_412 = arith.muli %scan3A_208, %mul3A_411 : i32
      %add3A_413 = arith.constant 5 : i32
      %add3A_414 = arith.addi %mul3A_412, %add3A_413 : i32
      %dma_start3A_415 = arith.constant 0 : i32
      %dma_start3A_416 = arith.constant 0 : i32
      %dma_start3A_417 = tpu.memref_slice %arg6[%scan3A_90, %dma_start3A_415, %dma_start3A_416] : memref<2x128x64xf32, #tpu.memory_space<vmem>> -> memref<1x128x64xf32, #tpu.memory_space<vmem>>
      %dma_start3A_418 = tpu.memref_squeeze %dma_start3A_417 : memref<1x128x64xf32, #tpu.memory_space<vmem>> -> memref<128x64xf32, #tpu.memory_space<vmem>>
      %dma_start3A_419 = arith.constant 0 : i32
      %dma_start3A_420 = tpu.memref_slice %dma_start3A_418[%add3A_414, %dma_start3A_419] : memref<128x64xf32, #tpu.memory_space<vmem>> -> memref<1x64xf32, #tpu.memory_space<vmem>>
      %dma_start3A_421 = tpu.memref_squeeze %dma_start3A_420 : memref<1x64xf32, #tpu.memory_space<vmem>> -> memref<64xf32, #tpu.memory_space<vmem>>
      %dma_start3A_422 = arith.constant 0 : i32
      %dma_start3A_423 = tpu.memref_slice %arg2[%shift_right_arithmetic3A_408, %and3A_410, %dma_start3A_422] : memref<125000x8x64xf32, #tpu.memory_space<hbm>> -> memref<1x1x64xf32, #tpu.memory_space<hbm>>
      %dma_start3A_424 = tpu.memref_squeeze %dma_start3A_423 : memref<1x1x64xf32, #tpu.memory_space<hbm>> -> memref<64xf32, #tpu.memory_space<hbm>>
      %dma_start3A_425 = arith.constant 0 : i32
      %dma_start3A_426 = arith.constant 0 : i32
      %dma_start3A_427 = tpu.memref_slice %arg6[%scan3A_90, %dma_start3A_425, %dma_start3A_426] : memref<2x128x64xf32, #tpu.memory_space<vmem>> -> memref<1x128x64xf32, #tpu.memory_space<vmem>>
      %dma_start3A_428 = tpu.memref_squeeze %dma_start3A_427 : memref<1x128x64xf32, #tpu.memory_space<vmem>> -> memref<128x64xf32, #tpu.memory_space<vmem>>
      %dma_start3A_429 = arith.constant 0 : i32
      %dma_start3A_430 = tpu.memref_slice %dma_start3A_428[%add3A_414, %dma_start3A_429] : memref<128x64xf32, #tpu.memory_space<vmem>> -> memref<1x64xf32, #tpu.memory_space<vmem>>
      %dma_start3A_431 = tpu.memref_squeeze %dma_start3A_430 : memref<1x64xf32, #tpu.memory_space<vmem>> -> memref<64xf32, #tpu.memory_space<vmem>>
      %dma_start3A_432 = arith.constant 0 : i32
      %dma_start3A_433 = tpu.memref_slice %arg2[%shift_right_arithmetic3A_408, %and3A_410, %dma_start3A_432] : memref<125000x8x64xf32, #tpu.memory_space<hbm>> -> memref<1x1x64xf32, #tpu.memory_space<hbm>>
      %dma_start3A_434 = tpu.memref_squeeze %dma_start3A_433 : memref<1x1x64xf32, #tpu.memory_space<hbm>> -> memref<64xf32, #tpu.memory_space<hbm>>
      tpu.enqueue_dma source(%dma_start3A_434 : memref<64xf32, #tpu.memory_space<hbm>>) target(%dma_start3A_431 : memref<64xf32, #tpu.memory_space<vmem>>) target_semaphore(%arg7 : memref<!tpu.dma_semaphore, #tpu.memory_space<semaphore_mem>>)
      %eq3A_435 = arith.constant 6 : i32
      %eq3A_436 = vector.broadcast %eq3A_435 : i32 to vector<16xi32>
      %eq3A_437 = arith.cmpi eq, %iota3A, %eq3A_436 : vector<16xi32>
      %jit3A_438 = arith.constant 0 : i32
      %broadcast_in_dim3A_439 = vector.broadcast %jit3A_438 : i32 to vector<16xi32>
      %select_n3A_440 = arith.select %eq3A_437, %get3A_213, %broadcast_in_dim3A_439 : vector<16xi1>, vector<16xi32>
      %reduce_sum3A_441 = arith.constant true
      %reduce_sum3A_442 = vector.broadcast %reduce_sum3A_441 : i1 to vector<16xi1>
      %reduce_sum3A_443 = tpu.scan <sum>, %select_n3A_440 masked %reduce_sum3A_442 : vector<16xi32>, vector<16xi1> -> vector<16xi32>
      %reduce_sum3A_444 = vector.extract %reduce_sum3A_443[15] : i32 from vector<16xi32>
      %shift_right_arithmetic3A_445 = arith.constant 3 : i32
      %shift_right_arithmetic3A_446 = arith.shrsi %reduce_sum3A_444, %shift_right_arithmetic3A_445 : i32
      %and3A_447 = arith.constant 7 : i32
      %and3A_448 = arith.andi %reduce_sum3A_444, %and3A_447 : i32
      %mul3A_449 = arith.constant 16 : i32
      %mul3A_450 = arith.muli %scan3A_208, %mul3A_449 : i32
      %add3A_451 = arith.constant 6 : i32
      %add3A_452 = arith.addi %mul3A_450, %add3A_451 : i32
      %dma_start3A_453 = arith.constant 0 : i32
      %dma_start3A_454 = arith.constant 0 : i32
      %dma_start3A_455 = tpu.memref_slice %arg6[%scan3A_90, %dma_start3A_453, %dma_start3A_454] : memref<2x128x64xf32, #tpu.memory_space<vmem>> -> memref<1x128x64xf32, #tpu.memory_space<vmem>>
      %dma_start3A_456 = tpu.memref_squeeze %dma_start3A_455 : memref<1x128x64xf32, #tpu.memory_space<vmem>> -> memref<128x64xf32, #tpu.memory_space<vmem>>
      %dma_start3A_457 = arith.constant 0 : i32
      %dma_start3A_458 = tpu.memref_slice %dma_start3A_456[%add3A_452, %dma_start3A_457] : memref<128x64xf32, #tpu.memory_space<vmem>> -> memref<1x64xf32, #tpu.memory_space<vmem>>
      %dma_start3A_459 = tpu.memref_squeeze %dma_start3A_458 : memref<1x64xf32, #tpu.memory_space<vmem>> -> memref<64xf32, #tpu.memory_space<vmem>>
      %dma_start3A_460 = arith.constant 0 : i32
      %dma_start3A_461 = tpu.memref_slice %arg2[%shift_right_arithmetic3A_446, %and3A_448, %dma_start3A_460] : memref<125000x8x64xf32, #tpu.memory_space<hbm>> -> memref<1x1x64xf32, #tpu.memory_space<hbm>>
      %dma_start3A_462 = tpu.memref_squeeze %dma_start3A_461 : memref<1x1x64xf32, #tpu.memory_space<hbm>> -> memref<64xf32, #tpu.memory_space<hbm>>
      %dma_start3A_463 = arith.constant 0 : i32
      %dma_start3A_464 = arith.constant 0 : i32
      %dma_start3A_465 = tpu.memref_slice %arg6[%scan3A_90, %dma_start3A_463, %dma_start3A_464] : memref<2x128x64xf32, #tpu.memory_space<vmem>> -> memref<1x128x64xf32, #tpu.memory_space<vmem>>
      %dma_start3A_466 = tpu.memref_squeeze %dma_start3A_465 : memref<1x128x64xf32, #tpu.memory_space<vmem>> -> memref<128x64xf32, #tpu.memory_space<vmem>>
      %dma_start3A_467 = arith.constant 0 : i32
      %dma_start3A_468 = tpu.memref_slice %dma_start3A_466[%add3A_452, %dma_start3A_467] : memref<128x64xf32, #tpu.memory_space<vmem>> -> memref<1x64xf32, #tpu.memory_space<vmem>>
      %dma_start3A_469 = tpu.memref_squeeze %dma_start3A_468 : memref<1x64xf32, #tpu.memory_space<vmem>> -> memref<64xf32, #tpu.memory_space<vmem>>
      %dma_start3A_470 = arith.constant 0 : i32
      %dma_start3A_471 = tpu.memref_slice %arg2[%shift_right_arithmetic3A_446, %and3A_448, %dma_start3A_470] : memref<125000x8x64xf32, #tpu.memory_space<hbm>> -> memref<1x1x64xf32, #tpu.memory_space<hbm>>
      %dma_start3A_472 = tpu.memref_squeeze %dma_start3A_471 : memref<1x1x64xf32, #tpu.memory_space<hbm>> -> memref<64xf32, #tpu.memory_space<hbm>>
      tpu.enqueue_dma source(%dma_start3A_472 : memref<64xf32, #tpu.memory_space<hbm>>) target(%dma_start3A_469 : memref<64xf32, #tpu.memory_space<vmem>>) target_semaphore(%arg7 : memref<!tpu.dma_semaphore, #tpu.memory_space<semaphore_mem>>)
      %eq3A_473 = arith.constant 7 : i32
      %eq3A_474 = vector.broadcast %eq3A_473 : i32 to vector<16xi32>
      %eq3A_475 = arith.cmpi eq, %iota3A, %eq3A_474 : vector<16xi32>
      %jit3A_476 = arith.constant 0 : i32
      %broadcast_in_dim3A_477 = vector.broadcast %jit3A_476 : i32 to vector<16xi32>
      %select_n3A_478 = arith.select %eq3A_475, %get3A_213, %broadcast_in_dim3A_477 : vector<16xi1>, vector<16xi32>
      %reduce_sum3A_479 = arith.constant true
      %reduce_sum3A_480 = vector.broadcast %reduce_sum3A_479 : i1 to vector<16xi1>
      %reduce_sum3A_481 = tpu.scan <sum>, %select_n3A_478 masked %reduce_sum3A_480 : vector<16xi32>, vector<16xi1> -> vector<16xi32>
      %reduce_sum3A_482 = vector.extract %reduce_sum3A_481[15] : i32 from vector<16xi32>
      %shift_right_arithmetic3A_483 = arith.constant 3 : i32
      %shift_right_arithmetic3A_484 = arith.shrsi %reduce_sum3A_482, %shift_right_arithmetic3A_483 : i32
      %and3A_485 = arith.constant 7 : i32
      %and3A_486 = arith.andi %reduce_sum3A_482, %and3A_485 : i32
      %mul3A_487 = arith.constant 16 : i32
      %mul3A_488 = arith.muli %scan3A_208, %mul3A_487 : i32
      %add3A_489 = arith.constant 7 : i32
      %add3A_490 = arith.addi %mul3A_488, %add3A_489 : i32
      %dma_start3A_491 = arith.constant 0 : i32
      %dma_start3A_492 = arith.constant 0 : i32
      %dma_start3A_493 = tpu.memref_slice %arg6[%scan3A_90, %dma_start3A_491, %dma_start3A_492] : memref<2x128x64xf32, #tpu.memory_space<vmem>> -> memref<1x128x64xf32, #tpu.memory_space<vmem>>
      %dma_start3A_494 = tpu.memref_squeeze %dma_start3A_493 : memref<1x128x64xf32, #tpu.memory_space<vmem>> -> memref<128x64xf32, #tpu.memory_space<vmem>>
      %dma_start3A_495 = arith.constant 0 : i32
      %dma_start3A_496 = tpu.memref_slice %dma_start3A_494[%add3A_490, %dma_start3A_495] : memref<128x64xf32, #tpu.memory_space<vmem>> -> memref<1x64xf32, #tpu.memory_space<vmem>>
      %dma_start3A_497 = tpu.memref_squeeze %dma_start3A_496 : memref<1x64xf32, #tpu.memory_space<vmem>> -> memref<64xf32, #tpu.memory_space<vmem>>
      %dma_start3A_498 = arith.constant 0 : i32
      %dma_start3A_499 = tpu.memref_slice %arg2[%shift_right_arithmetic3A_484, %and3A_486, %dma_start3A_498] : memref<125000x8x64xf32, #tpu.memory_space<hbm>> -> memref<1x1x64xf32, #tpu.memory_space<hbm>>
      %dma_start3A_500 = tpu.memref_squeeze %dma_start3A_499 : memref<1x1x64xf32, #tpu.memory_space<hbm>> -> memref<64xf32, #tpu.memory_space<hbm>>
      %dma_start3A_501 = arith.constant 0 : i32
      %dma_start3A_502 = arith.constant 0 : i32
      %dma_start3A_503 = tpu.memref_slice %arg6[%scan3A_90, %dma_start3A_501, %dma_start3A_502] : memref<2x128x64xf32, #tpu.memory_space<vmem>> -> memref<1x128x64xf32, #tpu.memory_space<vmem>>
      %dma_start3A_504 = tpu.memref_squeeze %dma_start3A_503 : memref<1x128x64xf32, #tpu.memory_space<vmem>> -> memref<128x64xf32, #tpu.memory_space<vmem>>
      %dma_start3A_505 = arith.constant 0 : i32
      %dma_start3A_506 = tpu.memref_slice %dma_start3A_504[%add3A_490, %dma_start3A_505] : memref<128x64xf32, #tpu.memory_space<vmem>> -> memref<1x64xf32, #tpu.memory_space<vmem>>
      %dma_start3A_507 = tpu.memref_squeeze %dma_start3A_506 : memref<1x64xf32, #tpu.memory_space<vmem>> -> memref<64xf32, #tpu.memory_space<vmem>>
      %dma_start3A_508 = arith.constant 0 : i32
      %dma_start3A_509 = tpu.memref_slice %arg2[%shift_right_arithmetic3A_484, %and3A_486, %dma_start3A_508] : memref<125000x8x64xf32, #tpu.memory_space<hbm>> -> memref<1x1x64xf32, #tpu.memory_space<hbm>>
      %dma_start3A_510 = tpu.memref_squeeze %dma_start3A_509 : memref<1x1x64xf32, #tpu.memory_space<hbm>> -> memref<64xf32, #tpu.memory_space<hbm>>
      tpu.enqueue_dma source(%dma_start3A_510 : memref<64xf32, #tpu.memory_space<hbm>>) target(%dma_start3A_507 : memref<64xf32, #tpu.memory_space<vmem>>) target_semaphore(%arg7 : memref<!tpu.dma_semaphore, #tpu.memory_space<semaphore_mem>>)
      %eq3A_511 = arith.constant 8 : i32
      %eq3A_512 = vector.broadcast %eq3A_511 : i32 to vector<16xi32>
      %eq3A_513 = arith.cmpi eq, %iota3A, %eq3A_512 : vector<16xi32>
      %jit3A_514 = arith.constant 0 : i32
      %broadcast_in_dim3A_515 = vector.broadcast %jit3A_514 : i32 to vector<16xi32>
      %select_n3A_516 = arith.select %eq3A_513, %get3A_213, %broadcast_in_dim3A_515 : vector<16xi1>, vector<16xi32>
      %reduce_sum3A_517 = arith.constant true
      %reduce_sum3A_518 = vector.broadcast %reduce_sum3A_517 : i1 to vector<16xi1>
      %reduce_sum3A_519 = tpu.scan <sum>, %select_n3A_516 masked %reduce_sum3A_518 : vector<16xi32>, vector<16xi1> -> vector<16xi32>
      %reduce_sum3A_520 = vector.extract %reduce_sum3A_519[15] : i32 from vector<16xi32>
      %shift_right_arithmetic3A_521 = arith.constant 3 : i32
      %shift_right_arithmetic3A_522 = arith.shrsi %reduce_sum3A_520, %shift_right_arithmetic3A_521 : i32
      %and3A_523 = arith.constant 7 : i32
      %and3A_524 = arith.andi %reduce_sum3A_520, %and3A_523 : i32
      %mul3A_525 = arith.constant 16 : i32
      %mul3A_526 = arith.muli %scan3A_208, %mul3A_525 : i32
      %add3A_527 = arith.constant 8 : i32
      %add3A_528 = arith.addi %mul3A_526, %add3A_527 : i32
      %dma_start3A_529 = arith.constant 0 : i32
      %dma_start3A_530 = arith.constant 0 : i32
      %dma_start3A_531 = tpu.memref_slice %arg6[%scan3A_90, %dma_start3A_529, %dma_start3A_530] : memref<2x128x64xf32, #tpu.memory_space<vmem>> -> memref<1x128x64xf32, #tpu.memory_space<vmem>>
      %dma_start3A_532 = tpu.memref_squeeze %dma_start3A_531 : memref<1x128x64xf32, #tpu.memory_space<vmem>> -> memref<128x64xf32, #tpu.memory_space<vmem>>
      %dma_start3A_533 = arith.constant 0 : i32
      %dma_start3A_534 = tpu.memref_slice %dma_start3A_532[%add3A_528, %dma_start3A_533] : memref<128x64xf32, #tpu.memory_space<vmem>> -> memref<1x64xf32, #tpu.memory_space<vmem>>
      %dma_start3A_535 = tpu.memref_squeeze %dma_start3A_534 : memref<1x64xf32, #tpu.memory_space<vmem>> -> memref<64xf32, #tpu.memory_space<vmem>>
      %dma_start3A_536 = arith.constant 0 : i32
      %dma_start3A_537 = tpu.memref_slice %arg2[%shift_right_arithmetic3A_522, %and3A_524, %dma_start3A_536] : memref<125000x8x64xf32, #tpu.memory_space<hbm>> -> memref<1x1x64xf32, #tpu.memory_space<hbm>>
      %dma_start3A_538 = tpu.memref_squeeze %dma_start3A_537 : memref<1x1x64xf32, #tpu.memory_space<hbm>> -> memref<64xf32, #tpu.memory_space<hbm>>
      %dma_start3A_539 = arith.constant 0 : i32
      %dma_start3A_540 = arith.constant 0 : i32
      %dma_start3A_541 = tpu.memref_slice %arg6[%scan3A_90, %dma_start3A_539, %dma_start3A_540] : memref<2x128x64xf32, #tpu.memory_space<vmem>> -> memref<1x128x64xf32, #tpu.memory_space<vmem>>
      %dma_start3A_542 = tpu.memref_squeeze %dma_start3A_541 : memref<1x128x64xf32, #tpu.memory_space<vmem>> -> memref<128x64xf32, #tpu.memory_space<vmem>>
      %dma_start3A_543 = arith.constant 0 : i32
      %dma_start3A_544 = tpu.memref_slice %dma_start3A_542[%add3A_528, %dma_start3A_543] : memref<128x64xf32, #tpu.memory_space<vmem>> -> memref<1x64xf32, #tpu.memory_space<vmem>>
      %dma_start3A_545 = tpu.memref_squeeze %dma_start3A_544 : memref<1x64xf32, #tpu.memory_space<vmem>> -> memref<64xf32, #tpu.memory_space<vmem>>
      %dma_start3A_546 = arith.constant 0 : i32
      %dma_start3A_547 = tpu.memref_slice %arg2[%shift_right_arithmetic3A_522, %and3A_524, %dma_start3A_546] : memref<125000x8x64xf32, #tpu.memory_space<hbm>> -> memref<1x1x64xf32, #tpu.memory_space<hbm>>
      %dma_start3A_548 = tpu.memref_squeeze %dma_start3A_547 : memref<1x1x64xf32, #tpu.memory_space<hbm>> -> memref<64xf32, #tpu.memory_space<hbm>>
      tpu.enqueue_dma source(%dma_start3A_548 : memref<64xf32, #tpu.memory_space<hbm>>) target(%dma_start3A_545 : memref<64xf32, #tpu.memory_space<vmem>>) target_semaphore(%arg7 : memref<!tpu.dma_semaphore, #tpu.memory_space<semaphore_mem>>)
      %eq3A_549 = arith.constant 9 : i32
      %eq3A_550 = vector.broadcast %eq3A_549 : i32 to vector<16xi32>
      %eq3A_551 = arith.cmpi eq, %iota3A, %eq3A_550 : vector<16xi32>
      %jit3A_552 = arith.constant 0 : i32
      %broadcast_in_dim3A_553 = vector.broadcast %jit3A_552 : i32 to vector<16xi32>
      %select_n3A_554 = arith.select %eq3A_551, %get3A_213, %broadcast_in_dim3A_553 : vector<16xi1>, vector<16xi32>
      %reduce_sum3A_555 = arith.constant true
      %reduce_sum3A_556 = vector.broadcast %reduce_sum3A_555 : i1 to vector<16xi1>
      %reduce_sum3A_557 = tpu.scan <sum>, %select_n3A_554 masked %reduce_sum3A_556 : vector<16xi32>, vector<16xi1> -> vector<16xi32>
      %reduce_sum3A_558 = vector.extract %reduce_sum3A_557[15] : i32 from vector<16xi32>
      %shift_right_arithmetic3A_559 = arith.constant 3 : i32
      %shift_right_arithmetic3A_560 = arith.shrsi %reduce_sum3A_558, %shift_right_arithmetic3A_559 : i32
      %and3A_561 = arith.constant 7 : i32
      %and3A_562 = arith.andi %reduce_sum3A_558, %and3A_561 : i32
      %mul3A_563 = arith.constant 16 : i32
      %mul3A_564 = arith.muli %scan3A_208, %mul3A_563 : i32
      %add3A_565 = arith.constant 9 : i32
      %add3A_566 = arith.addi %mul3A_564, %add3A_565 : i32
      %dma_start3A_567 = arith.constant 0 : i32
      %dma_start3A_568 = arith.constant 0 : i32
      %dma_start3A_569 = tpu.memref_slice %arg6[%scan3A_90, %dma_start3A_567, %dma_start3A_568] : memref<2x128x64xf32, #tpu.memory_space<vmem>> -> memref<1x128x64xf32, #tpu.memory_space<vmem>>
      %dma_start3A_570 = tpu.memref_squeeze %dma_start3A_569 : memref<1x128x64xf32, #tpu.memory_space<vmem>> -> memref<128x64xf32, #tpu.memory_space<vmem>>
      %dma_start3A_571 = arith.constant 0 : i32
      %dma_start3A_572 = tpu.memref_slice %dma_start3A_570[%add3A_566, %dma_start3A_571] : memref<128x64xf32, #tpu.memory_space<vmem>> -> memref<1x64xf32, #tpu.memory_space<vmem>>
      %dma_start3A_573 = tpu.memref_squeeze %dma_start3A_572 : memref<1x64xf32, #tpu.memory_space<vmem>> -> memref<64xf32, #tpu.memory_space<vmem>>
      %dma_start3A_574 = arith.constant 0 : i32
      %dma_start3A_575 = tpu.memref_slice %arg2[%shift_right_arithmetic3A_560, %and3A_562, %dma_start3A_574] : memref<125000x8x64xf32, #tpu.memory_space<hbm>> -> memref<1x1x64xf32, #tpu.memory_space<hbm>>
      %dma_start3A_576 = tpu.memref_squeeze %dma_start3A_575 : memref<1x1x64xf32, #tpu.memory_space<hbm>> -> memref<64xf32, #tpu.memory_space<hbm>>
      %dma_start3A_577 = arith.constant 0 : i32
      %dma_start3A_578 = arith.constant 0 : i32
      %dma_start3A_579 = tpu.memref_slice %arg6[%scan3A_90, %dma_start3A_577, %dma_start3A_578] : memref<2x128x64xf32, #tpu.memory_space<vmem>> -> memref<1x128x64xf32, #tpu.memory_space<vmem>>
      %dma_start3A_580 = tpu.memref_squeeze %dma_start3A_579 : memref<1x128x64xf32, #tpu.memory_space<vmem>> -> memref<128x64xf32, #tpu.memory_space<vmem>>
      %dma_start3A_581 = arith.constant 0 : i32
      %dma_start3A_582 = tpu.memref_slice %dma_start3A_580[%add3A_566, %dma_start3A_581] : memref<128x64xf32, #tpu.memory_space<vmem>> -> memref<1x64xf32, #tpu.memory_space<vmem>>
      %dma_start3A_583 = tpu.memref_squeeze %dma_start3A_582 : memref<1x64xf32, #tpu.memory_space<vmem>> -> memref<64xf32, #tpu.memory_space<vmem>>
      %dma_start3A_584 = arith.constant 0 : i32
      %dma_start3A_585 = tpu.memref_slice %arg2[%shift_right_arithmetic3A_560, %and3A_562, %dma_start3A_584] : memref<125000x8x64xf32, #tpu.memory_space<hbm>> -> memref<1x1x64xf32, #tpu.memory_space<hbm>>
      %dma_start3A_586 = tpu.memref_squeeze %dma_start3A_585 : memref<1x1x64xf32, #tpu.memory_space<hbm>> -> memref<64xf32, #tpu.memory_space<hbm>>
      tpu.enqueue_dma source(%dma_start3A_586 : memref<64xf32, #tpu.memory_space<hbm>>) target(%dma_start3A_583 : memref<64xf32, #tpu.memory_space<vmem>>) target_semaphore(%arg7 : memref<!tpu.dma_semaphore, #tpu.memory_space<semaphore_mem>>)
      %eq3A_587 = arith.constant 10 : i32
      %eq3A_588 = vector.broadcast %eq3A_587 : i32 to vector<16xi32>
      %eq3A_589 = arith.cmpi eq, %iota3A, %eq3A_588 : vector<16xi32>
      %jit3A_590 = arith.constant 0 : i32
      %broadcast_in_dim3A_591 = vector.broadcast %jit3A_590 : i32 to vector<16xi32>
      %select_n3A_592 = arith.select %eq3A_589, %get3A_213, %broadcast_in_dim3A_591 : vector<16xi1>, vector<16xi32>
      %reduce_sum3A_593 = arith.constant true
      %reduce_sum3A_594 = vector.broadcast %reduce_sum3A_593 : i1 to vector<16xi1>
      %reduce_sum3A_595 = tpu.scan <sum>, %select_n3A_592 masked %reduce_sum3A_594 : vector<16xi32>, vector<16xi1> -> vector<16xi32>
      %reduce_sum3A_596 = vector.extract %reduce_sum3A_595[15] : i32 from vector<16xi32>
      %shift_right_arithmetic3A_597 = arith.constant 3 : i32
      %shift_right_arithmetic3A_598 = arith.shrsi %reduce_sum3A_596, %shift_right_arithmetic3A_597 : i32
      %and3A_599 = arith.constant 7 : i32
      %and3A_600 = arith.andi %reduce_sum3A_596, %and3A_599 : i32
      %mul3A_601 = arith.constant 16 : i32
      %mul3A_602 = arith.muli %scan3A_208, %mul3A_601 : i32
      %add3A_603 = arith.constant 10 : i32
      %add3A_604 = arith.addi %mul3A_602, %add3A_603 : i32
      %dma_start3A_605 = arith.constant 0 : i32
      %dma_start3A_606 = arith.constant 0 : i32
      %dma_start3A_607 = tpu.memref_slice %arg6[%scan3A_90, %dma_start3A_605, %dma_start3A_606] : memref<2x128x64xf32, #tpu.memory_space<vmem>> -> memref<1x128x64xf32, #tpu.memory_space<vmem>>
      %dma_start3A_608 = tpu.memref_squeeze %dma_start3A_607 : memref<1x128x64xf32, #tpu.memory_space<vmem>> -> memref<128x64xf32, #tpu.memory_space<vmem>>
      %dma_start3A_609 = arith.constant 0 : i32
      %dma_start3A_610 = tpu.memref_slice %dma_start3A_608[%add3A_604, %dma_start3A_609] : memref<128x64xf32, #tpu.memory_space<vmem>> -> memref<1x64xf32, #tpu.memory_space<vmem>>
      %dma_start3A_611 = tpu.memref_squeeze %dma_start3A_610 : memref<1x64xf32, #tpu.memory_space<vmem>> -> memref<64xf32, #tpu.memory_space<vmem>>
      %dma_start3A_612 = arith.constant 0 : i32
      %dma_start3A_613 = tpu.memref_slice %arg2[%shift_right_arithmetic3A_598, %and3A_600, %dma_start3A_612] : memref<125000x8x64xf32, #tpu.memory_space<hbm>> -> memref<1x1x64xf32, #tpu.memory_space<hbm>>
      %dma_start3A_614 = tpu.memref_squeeze %dma_start3A_613 : memref<1x1x64xf32, #tpu.memory_space<hbm>> -> memref<64xf32, #tpu.memory_space<hbm>>
      %dma_start3A_615 = arith.constant 0 : i32
      %dma_start3A_616 = arith.constant 0 : i32
      %dma_start3A_617 = tpu.memref_slice %arg6[%scan3A_90, %dma_start3A_615, %dma_start3A_616] : memref<2x128x64xf32, #tpu.memory_space<vmem>> -> memref<1x128x64xf32, #tpu.memory_space<vmem>>
      %dma_start3A_618 = tpu.memref_squeeze %dma_start3A_617 : memref<1x128x64xf32, #tpu.memory_space<vmem>> -> memref<128x64xf32, #tpu.memory_space<vmem>>
      %dma_start3A_619 = arith.constant 0 : i32
      %dma_start3A_620 = tpu.memref_slice %dma_start3A_618[%add3A_604, %dma_start3A_619] : memref<128x64xf32, #tpu.memory_space<vmem>> -> memref<1x64xf32, #tpu.memory_space<vmem>>
      %dma_start3A_621 = tpu.memref_squeeze %dma_start3A_620 : memref<1x64xf32, #tpu.memory_space<vmem>> -> memref<64xf32, #tpu.memory_space<vmem>>
      %dma_start3A_622 = arith.constant 0 : i32
      %dma_start3A_623 = tpu.memref_slice %arg2[%shift_right_arithmetic3A_598, %and3A_600, %dma_start3A_622] : memref<125000x8x64xf32, #tpu.memory_space<hbm>> -> memref<1x1x64xf32, #tpu.memory_space<hbm>>
      %dma_start3A_624 = tpu.memref_squeeze %dma_start3A_623 : memref<1x1x64xf32, #tpu.memory_space<hbm>> -> memref<64xf32, #tpu.memory_space<hbm>>
      tpu.enqueue_dma source(%dma_start3A_624 : memref<64xf32, #tpu.memory_space<hbm>>) target(%dma_start3A_621 : memref<64xf32, #tpu.memory_space<vmem>>) target_semaphore(%arg7 : memref<!tpu.dma_semaphore, #tpu.memory_space<semaphore_mem>>)
      %eq3A_625 = arith.constant 11 : i32
      %eq3A_626 = vector.broadcast %eq3A_625 : i32 to vector<16xi32>
      %eq3A_627 = arith.cmpi eq, %iota3A, %eq3A_626 : vector<16xi32>
      %jit3A_628 = arith.constant 0 : i32
      %broadcast_in_dim3A_629 = vector.broadcast %jit3A_628 : i32 to vector<16xi32>
      %select_n3A_630 = arith.select %eq3A_627, %get3A_213, %broadcast_in_dim3A_629 : vector<16xi1>, vector<16xi32>
      %reduce_sum3A_631 = arith.constant true
      %reduce_sum3A_632 = vector.broadcast %reduce_sum3A_631 : i1 to vector<16xi1>
      %reduce_sum3A_633 = tpu.scan <sum>, %select_n3A_630 masked %reduce_sum3A_632 : vector<16xi32>, vector<16xi1> -> vector<16xi32>
      %reduce_sum3A_634 = vector.extract %reduce_sum3A_633[15] : i32 from vector<16xi32>
      %shift_right_arithmetic3A_635 = arith.constant 3 : i32
      %shift_right_arithmetic3A_636 = arith.shrsi %reduce_sum3A_634, %shift_right_arithmetic3A_635 : i32
      %and3A_637 = arith.constant 7 : i32
      %and3A_638 = arith.andi %reduce_sum3A_634, %and3A_637 : i32
      %mul3A_639 = arith.constant 16 : i32
      %mul3A_640 = arith.muli %scan3A_208, %mul3A_639 : i32
      %add3A_641 = arith.constant 11 : i32
      %add3A_642 = arith.addi %mul3A_640, %add3A_641 : i32
      %dma_start3A_643 = arith.constant 0 : i32
      %dma_start3A_644 = arith.constant 0 : i32
      %dma_start3A_645 = tpu.memref_slice %arg6[%scan3A_90, %dma_start3A_643, %dma_start3A_644] : memref<2x128x64xf32, #tpu.memory_space<vmem>> -> memref<1x128x64xf32, #tpu.memory_space<vmem>>
      %dma_start3A_646 = tpu.memref_squeeze %dma_start3A_645 : memref<1x128x64xf32, #tpu.memory_space<vmem>> -> memref<128x64xf32, #tpu.memory_space<vmem>>
      %dma_start3A_647 = arith.constant 0 : i32
      %dma_start3A_648 = tpu.memref_slice %dma_start3A_646[%add3A_642, %dma_start3A_647] : memref<128x64xf32, #tpu.memory_space<vmem>> -> memref<1x64xf32, #tpu.memory_space<vmem>>
      %dma_start3A_649 = tpu.memref_squeeze %dma_start3A_648 : memref<1x64xf32, #tpu.memory_space<vmem>> -> memref<64xf32, #tpu.memory_space<vmem>>
      %dma_start3A_650 = arith.constant 0 : i32
      %dma_start3A_651 = tpu.memref_slice %arg2[%shift_right_arithmetic3A_636, %and3A_638, %dma_start3A_650] : memref<125000x8x64xf32, #tpu.memory_space<hbm>> -> memref<1x1x64xf32, #tpu.memory_space<hbm>>
      %dma_start3A_652 = tpu.memref_squeeze %dma_start3A_651 : memref<1x1x64xf32, #tpu.memory_space<hbm>> -> memref<64xf32, #tpu.memory_space<hbm>>
      %dma_start3A_653 = arith.constant 0 : i32
      %dma_start3A_654 = arith.constant 0 : i32
      %dma_start3A_655 = tpu.memref_slice %arg6[%scan3A_90, %dma_start3A_653, %dma_start3A_654] : memref<2x128x64xf32, #tpu.memory_space<vmem>> -> memref<1x128x64xf32, #tpu.memory_space<vmem>>
      %dma_start3A_656 = tpu.memref_squeeze %dma_start3A_655 : memref<1x128x64xf32, #tpu.memory_space<vmem>> -> memref<128x64xf32, #tpu.memory_space<vmem>>
      %dma_start3A_657 = arith.constant 0 : i32
      %dma_start3A_658 = tpu.memref_slice %dma_start3A_656[%add3A_642, %dma_start3A_657] : memref<128x64xf32, #tpu.memory_space<vmem>> -> memref<1x64xf32, #tpu.memory_space<vmem>>
      %dma_start3A_659 = tpu.memref_squeeze %dma_start3A_658 : memref<1x64xf32, #tpu.memory_space<vmem>> -> memref<64xf32, #tpu.memory_space<vmem>>
      %dma_start3A_660 = arith.constant 0 : i32
      %dma_start3A_661 = tpu.memref_slice %arg2[%shift_right_arithmetic3A_636, %and3A_638, %dma_start3A_660] : memref<125000x8x64xf32, #tpu.memory_space<hbm>> -> memref<1x1x64xf32, #tpu.memory_space<hbm>>
      %dma_start3A_662 = tpu.memref_squeeze %dma_start3A_661 : memref<1x1x64xf32, #tpu.memory_space<hbm>> -> memref<64xf32, #tpu.memory_space<hbm>>
      tpu.enqueue_dma source(%dma_start3A_662 : memref<64xf32, #tpu.memory_space<hbm>>) target(%dma_start3A_659 : memref<64xf32, #tpu.memory_space<vmem>>) target_semaphore(%arg7 : memref<!tpu.dma_semaphore, #tpu.memory_space<semaphore_mem>>)
      %eq3A_663 = arith.constant 12 : i32
      %eq3A_664 = vector.broadcast %eq3A_663 : i32 to vector<16xi32>
      %eq3A_665 = arith.cmpi eq, %iota3A, %eq3A_664 : vector<16xi32>
      %jit3A_666 = arith.constant 0 : i32
      %broadcast_in_dim3A_667 = vector.broadcast %jit3A_666 : i32 to vector<16xi32>
      %select_n3A_668 = arith.select %eq3A_665, %get3A_213, %broadcast_in_dim3A_667 : vector<16xi1>, vector<16xi32>
      %reduce_sum3A_669 = arith.constant true
      %reduce_sum3A_670 = vector.broadcast %reduce_sum3A_669 : i1 to vector<16xi1>
      %reduce_sum3A_671 = tpu.scan <sum>, %select_n3A_668 masked %reduce_sum3A_670 : vector<16xi32>, vector<16xi1> -> vector<16xi32>
      %reduce_sum3A_672 = vector.extract %reduce_sum3A_671[15] : i32 from vector<16xi32>
      %shift_right_arithmetic3A_673 = arith.constant 3 : i32
      %shift_right_arithmetic3A_674 = arith.shrsi %reduce_sum3A_672, %shift_right_arithmetic3A_673 : i32
      %and3A_675 = arith.constant 7 : i32
      %and3A_676 = arith.andi %reduce_sum3A_672, %and3A_675 : i32
      %mul3A_677 = arith.constant 16 : i32
      %mul3A_678 = arith.muli %scan3A_208, %mul3A_677 : i32
      %add3A_679 = arith.constant 12 : i32
      %add3A_680 = arith.addi %mul3A_678, %add3A_679 : i32
      %dma_start3A_681 = arith.constant 0 : i32
      %dma_start3A_682 = arith.constant 0 : i32
      %dma_start3A_683 = tpu.memref_slice %arg6[%scan3A_90, %dma_start3A_681, %dma_start3A_682] : memref<2x128x64xf32, #tpu.memory_space<vmem>> -> memref<1x128x64xf32, #tpu.memory_space<vmem>>
      %dma_start3A_684 = tpu.memref_squeeze %dma_start3A_683 : memref<1x128x64xf32, #tpu.memory_space<vmem>> -> memref<128x64xf32, #tpu.memory_space<vmem>>
      %dma_start3A_685 = arith.constant 0 : i32
      %dma_start3A_686 = tpu.memref_slice %dma_start3A_684[%add3A_680, %dma_start3A_685] : memref<128x64xf32, #tpu.memory_space<vmem>> -> memref<1x64xf32, #tpu.memory_space<vmem>>
      %dma_start3A_687 = tpu.memref_squeeze %dma_start3A_686 : memref<1x64xf32, #tpu.memory_space<vmem>> -> memref<64xf32, #tpu.memory_space<vmem>>
      %dma_start3A_688 = arith.constant 0 : i32
      %dma_start3A_689 = tpu.memref_slice %arg2[%shift_right_arithmetic3A_674, %and3A_676, %dma_start3A_688] : memref<125000x8x64xf32, #tpu.memory_space<hbm>> -> memref<1x1x64xf32, #tpu.memory_space<hbm>>
      %dma_start3A_690 = tpu.memref_squeeze %dma_start3A_689 : memref<1x1x64xf32, #tpu.memory_space<hbm>> -> memref<64xf32, #tpu.memory_space<hbm>>
      %dma_start3A_691 = arith.constant 0 : i32
      %dma_start3A_692 = arith.constant 0 : i32
      %dma_start3A_693 = tpu.memref_slice %arg6[%scan3A_90, %dma_start3A_691, %dma_start3A_692] : memref<2x128x64xf32, #tpu.memory_space<vmem>> -> memref<1x128x64xf32, #tpu.memory_space<vmem>>
      %dma_start3A_694 = tpu.memref_squeeze %dma_start3A_693 : memref<1x128x64xf32, #tpu.memory_space<vmem>> -> memref<128x64xf32, #tpu.memory_space<vmem>>
      %dma_start3A_695 = arith.constant 0 : i32
      %dma_start3A_696 = tpu.memref_slice %dma_start3A_694[%add3A_680, %dma_start3A_695] : memref<128x64xf32, #tpu.memory_space<vmem>> -> memref<1x64xf32, #tpu.memory_space<vmem>>
      %dma_start3A_697 = tpu.memref_squeeze %dma_start3A_696 : memref<1x64xf32, #tpu.memory_space<vmem>> -> memref<64xf32, #tpu.memory_space<vmem>>
      %dma_start3A_698 = arith.constant 0 : i32
      %dma_start3A_699 = tpu.memref_slice %arg2[%shift_right_arithmetic3A_674, %and3A_676, %dma_start3A_698] : memref<125000x8x64xf32, #tpu.memory_space<hbm>> -> memref<1x1x64xf32, #tpu.memory_space<hbm>>
      %dma_start3A_700 = tpu.memref_squeeze %dma_start3A_699 : memref<1x1x64xf32, #tpu.memory_space<hbm>> -> memref<64xf32, #tpu.memory_space<hbm>>
      tpu.enqueue_dma source(%dma_start3A_700 : memref<64xf32, #tpu.memory_space<hbm>>) target(%dma_start3A_697 : memref<64xf32, #tpu.memory_space<vmem>>) target_semaphore(%arg7 : memref<!tpu.dma_semaphore, #tpu.memory_space<semaphore_mem>>)
      %eq3A_701 = arith.constant 13 : i32
      %eq3A_702 = vector.broadcast %eq3A_701 : i32 to vector<16xi32>
      %eq3A_703 = arith.cmpi eq, %iota3A, %eq3A_702 : vector<16xi32>
      %jit3A_704 = arith.constant 0 : i32
      %broadcast_in_dim3A_705 = vector.broadcast %jit3A_704 : i32 to vector<16xi32>
      %select_n3A_706 = arith.select %eq3A_703, %get3A_213, %broadcast_in_dim3A_705 : vector<16xi1>, vector<16xi32>
      %reduce_sum3A_707 = arith.constant true
      %reduce_sum3A_708 = vector.broadcast %reduce_sum3A_707 : i1 to vector<16xi1>
      %reduce_sum3A_709 = tpu.scan <sum>, %select_n3A_706 masked %reduce_sum3A_708 : vector<16xi32>, vector<16xi1> -> vector<16xi32>
      %reduce_sum3A_710 = vector.extract %reduce_sum3A_709[15] : i32 from vector<16xi32>
      %shift_right_arithmetic3A_711 = arith.constant 3 : i32
      %shift_right_arithmetic3A_712 = arith.shrsi %reduce_sum3A_710, %shift_right_arithmetic3A_711 : i32
      %and3A_713 = arith.constant 7 : i32
      %and3A_714 = arith.andi %reduce_sum3A_710, %and3A_713 : i32
      %mul3A_715 = arith.constant 16 : i32
      %mul3A_716 = arith.muli %scan3A_208, %mul3A_715 : i32
      %add3A_717 = arith.constant 13 : i32
      %add3A_718 = arith.addi %mul3A_716, %add3A_717 : i32
      %dma_start3A_719 = arith.constant 0 : i32
      %dma_start3A_720 = arith.constant 0 : i32
      %dma_start3A_721 = tpu.memref_slice %arg6[%scan3A_90, %dma_start3A_719, %dma_start3A_720] : memref<2x128x64xf32, #tpu.memory_space<vmem>> -> memref<1x128x64xf32, #tpu.memory_space<vmem>>
      %dma_start3A_722 = tpu.memref_squeeze %dma_start3A_721 : memref<1x128x64xf32, #tpu.memory_space<vmem>> -> memref<128x64xf32, #tpu.memory_space<vmem>>
      %dma_start3A_723 = arith.constant 0 : i32
      %dma_start3A_724 = tpu.memref_slice %dma_start3A_722[%add3A_718, %dma_start3A_723] : memref<128x64xf32, #tpu.memory_space<vmem>> -> memref<1x64xf32, #tpu.memory_space<vmem>>
      %dma_start3A_725 = tpu.memref_squeeze %dma_start3A_724 : memref<1x64xf32, #tpu.memory_space<vmem>> -> memref<64xf32, #tpu.memory_space<vmem>>
      %dma_start3A_726 = arith.constant 0 : i32
      %dma_start3A_727 = tpu.memref_slice %arg2[%shift_right_arithmetic3A_712, %and3A_714, %dma_start3A_726] : memref<125000x8x64xf32, #tpu.memory_space<hbm>> -> memref<1x1x64xf32, #tpu.memory_space<hbm>>
      %dma_start3A_728 = tpu.memref_squeeze %dma_start3A_727 : memref<1x1x64xf32, #tpu.memory_space<hbm>> -> memref<64xf32, #tpu.memory_space<hbm>>
      %dma_start3A_729 = arith.constant 0 : i32
      %dma_start3A_730 = arith.constant 0 : i32
      %dma_start3A_731 = tpu.memref_slice %arg6[%scan3A_90, %dma_start3A_729, %dma_start3A_730] : memref<2x128x64xf32, #tpu.memory_space<vmem>> -> memref<1x128x64xf32, #tpu.memory_space<vmem>>
      %dma_start3A_732 = tpu.memref_squeeze %dma_start3A_731 : memref<1x128x64xf32, #tpu.memory_space<vmem>> -> memref<128x64xf32, #tpu.memory_space<vmem>>
      %dma_start3A_733 = arith.constant 0 : i32
      %dma_start3A_734 = tpu.memref_slice %dma_start3A_732[%add3A_718, %dma_start3A_733] : memref<128x64xf32, #tpu.memory_space<vmem>> -> memref<1x64xf32, #tpu.memory_space<vmem>>
      %dma_start3A_735 = tpu.memref_squeeze %dma_start3A_734 : memref<1x64xf32, #tpu.memory_space<vmem>> -> memref<64xf32, #tpu.memory_space<vmem>>
      %dma_start3A_736 = arith.constant 0 : i32
      %dma_start3A_737 = tpu.memref_slice %arg2[%shift_right_arithmetic3A_712, %and3A_714, %dma_start3A_736] : memref<125000x8x64xf32, #tpu.memory_space<hbm>> -> memref<1x1x64xf32, #tpu.memory_space<hbm>>
      %dma_start3A_738 = tpu.memref_squeeze %dma_start3A_737 : memref<1x1x64xf32, #tpu.memory_space<hbm>> -> memref<64xf32, #tpu.memory_space<hbm>>
      tpu.enqueue_dma source(%dma_start3A_738 : memref<64xf32, #tpu.memory_space<hbm>>) target(%dma_start3A_735 : memref<64xf32, #tpu.memory_space<vmem>>) target_semaphore(%arg7 : memref<!tpu.dma_semaphore, #tpu.memory_space<semaphore_mem>>)
      %eq3A_739 = arith.constant 14 : i32
      %eq3A_740 = vector.broadcast %eq3A_739 : i32 to vector<16xi32>
      %eq3A_741 = arith.cmpi eq, %iota3A, %eq3A_740 : vector<16xi32>
      %jit3A_742 = arith.constant 0 : i32
      %broadcast_in_dim3A_743 = vector.broadcast %jit3A_742 : i32 to vector<16xi32>
      %select_n3A_744 = arith.select %eq3A_741, %get3A_213, %broadcast_in_dim3A_743 : vector<16xi1>, vector<16xi32>
      %reduce_sum3A_745 = arith.constant true
      %reduce_sum3A_746 = vector.broadcast %reduce_sum3A_745 : i1 to vector<16xi1>
      %reduce_sum3A_747 = tpu.scan <sum>, %select_n3A_744 masked %reduce_sum3A_746 : vector<16xi32>, vector<16xi1> -> vector<16xi32>
      %reduce_sum3A_748 = vector.extract %reduce_sum3A_747[15] : i32 from vector<16xi32>
      %shift_right_arithmetic3A_749 = arith.constant 3 : i32
      %shift_right_arithmetic3A_750 = arith.shrsi %reduce_sum3A_748, %shift_right_arithmetic3A_749 : i32
      %and3A_751 = arith.constant 7 : i32
      %and3A_752 = arith.andi %reduce_sum3A_748, %and3A_751 : i32
      %mul3A_753 = arith.constant 16 : i32
      %mul3A_754 = arith.muli %scan3A_208, %mul3A_753 : i32
      %add3A_755 = arith.constant 14 : i32
      %add3A_756 = arith.addi %mul3A_754, %add3A_755 : i32
      %dma_start3A_757 = arith.constant 0 : i32
      %dma_start3A_758 = arith.constant 0 : i32
      %dma_start3A_759 = tpu.memref_slice %arg6[%scan3A_90, %dma_start3A_757, %dma_start3A_758] : memref<2x128x64xf32, #tpu.memory_space<vmem>> -> memref<1x128x64xf32, #tpu.memory_space<vmem>>
      %dma_start3A_760 = tpu.memref_squeeze %dma_start3A_759 : memref<1x128x64xf32, #tpu.memory_space<vmem>> -> memref<128x64xf32, #tpu.memory_space<vmem>>
      %dma_start3A_761 = arith.constant 0 : i32
      %dma_start3A_762 = tpu.memref_slice %dma_start3A_760[%add3A_756, %dma_start3A_761] : memref<128x64xf32, #tpu.memory_space<vmem>> -> memref<1x64xf32, #tpu.memory_space<vmem>>
      %dma_start3A_763 = tpu.memref_squeeze %dma_start3A_762 : memref<1x64xf32, #tpu.memory_space<vmem>> -> memref<64xf32, #tpu.memory_space<vmem>>
      %dma_start3A_764 = arith.constant 0 : i32
      %dma_start3A_765 = tpu.memref_slice %arg2[%shift_right_arithmetic3A_750, %and3A_752, %dma_start3A_764] : memref<125000x8x64xf32, #tpu.memory_space<hbm>> -> memref<1x1x64xf32, #tpu.memory_space<hbm>>
      %dma_start3A_766 = tpu.memref_squeeze %dma_start3A_765 : memref<1x1x64xf32, #tpu.memory_space<hbm>> -> memref<64xf32, #tpu.memory_space<hbm>>
      %dma_start3A_767 = arith.constant 0 : i32
      %dma_start3A_768 = arith.constant 0 : i32
      %dma_start3A_769 = tpu.memref_slice %arg6[%scan3A_90, %dma_start3A_767, %dma_start3A_768] : memref<2x128x64xf32, #tpu.memory_space<vmem>> -> memref<1x128x64xf32, #tpu.memory_space<vmem>>
      %dma_start3A_770 = tpu.memref_squeeze %dma_start3A_769 : memref<1x128x64xf32, #tpu.memory_space<vmem>> -> memref<128x64xf32, #tpu.memory_space<vmem>>
      %dma_start3A_771 = arith.constant 0 : i32
      %dma_start3A_772 = tpu.memref_slice %dma_start3A_770[%add3A_756, %dma_start3A_771] : memref<128x64xf32, #tpu.memory_space<vmem>> -> memref<1x64xf32, #tpu.memory_space<vmem>>
      %dma_start3A_773 = tpu.memref_squeeze %dma_start3A_772 : memref<1x64xf32, #tpu.memory_space<vmem>> -> memref<64xf32, #tpu.memory_space<vmem>>
      %dma_start3A_774 = arith.constant 0 : i32
      %dma_start3A_775 = tpu.memref_slice %arg2[%shift_right_arithmetic3A_750, %and3A_752, %dma_start3A_774] : memref<125000x8x64xf32, #tpu.memory_space<hbm>> -> memref<1x1x64xf32, #tpu.memory_space<hbm>>
      %dma_start3A_776 = tpu.memref_squeeze %dma_start3A_775 : memref<1x1x64xf32, #tpu.memory_space<hbm>> -> memref<64xf32, #tpu.memory_space<hbm>>
      tpu.enqueue_dma source(%dma_start3A_776 : memref<64xf32, #tpu.memory_space<hbm>>) target(%dma_start3A_773 : memref<64xf32, #tpu.memory_space<vmem>>) target_semaphore(%arg7 : memref<!tpu.dma_semaphore, #tpu.memory_space<semaphore_mem>>)
      %eq3A_777 = arith.constant 15 : i32
      %eq3A_778 = vector.broadcast %eq3A_777 : i32 to vector<16xi32>
      %eq3A_779 = arith.cmpi eq, %iota3A, %eq3A_778 : vector<16xi32>
      %jit3A_780 = arith.constant 0 : i32
      %broadcast_in_dim3A_781 = vector.broadcast %jit3A_780 : i32 to vector<16xi32>
      %select_n3A_782 = arith.select %eq3A_779, %get3A_213, %broadcast_in_dim3A_781 : vector<16xi1>, vector<16xi32>
      %reduce_sum3A_783 = arith.constant true
      %reduce_sum3A_784 = vector.broadcast %reduce_sum3A_783 : i1 to vector<16xi1>
      %reduce_sum3A_785 = tpu.scan <sum>, %select_n3A_782 masked %reduce_sum3A_784 : vector<16xi32>, vector<16xi1> -> vector<16xi32>
      %reduce_sum3A_786 = vector.extract %reduce_sum3A_785[15] : i32 from vector<16xi32>
      %shift_right_arithmetic3A_787 = arith.constant 3 : i32
      %shift_right_arithmetic3A_788 = arith.shrsi %reduce_sum3A_786, %shift_right_arithmetic3A_787 : i32
      %and3A_789 = arith.constant 7 : i32
      %and3A_790 = arith.andi %reduce_sum3A_786, %and3A_789 : i32
      %mul3A_791 = arith.constant 16 : i32
      %mul3A_792 = arith.muli %scan3A_208, %mul3A_791 : i32
      %add3A_793 = arith.constant 15 : i32
      %add3A_794 = arith.addi %mul3A_792, %add3A_793 : i32
      %dma_start3A_795 = arith.constant 0 : i32
      %dma_start3A_796 = arith.constant 0 : i32
      %dma_start3A_797 = tpu.memref_slice %arg6[%scan3A_90, %dma_start3A_795, %dma_start3A_796] : memref<2x128x64xf32, #tpu.memory_space<vmem>> -> memref<1x128x64xf32, #tpu.memory_space<vmem>>
      %dma_start3A_798 = tpu.memref_squeeze %dma_start3A_797 : memref<1x128x64xf32, #tpu.memory_space<vmem>> -> memref<128x64xf32, #tpu.memory_space<vmem>>
      %dma_start3A_799 = arith.constant 0 : i32
      %dma_start3A_800 = tpu.memref_slice %dma_start3A_798[%add3A_794, %dma_start3A_799] : memref<128x64xf32, #tpu.memory_space<vmem>> -> memref<1x64xf32, #tpu.memory_space<vmem>>
      %dma_start3A_801 = tpu.memref_squeeze %dma_start3A_800 : memref<1x64xf32, #tpu.memory_space<vmem>> -> memref<64xf32, #tpu.memory_space<vmem>>
      %dma_start3A_802 = arith.constant 0 : i32
      %dma_start3A_803 = tpu.memref_slice %arg2[%shift_right_arithmetic3A_788, %and3A_790, %dma_start3A_802] : memref<125000x8x64xf32, #tpu.memory_space<hbm>> -> memref<1x1x64xf32, #tpu.memory_space<hbm>>
      %dma_start3A_804 = tpu.memref_squeeze %dma_start3A_803 : memref<1x1x64xf32, #tpu.memory_space<hbm>> -> memref<64xf32, #tpu.memory_space<hbm>>
      %dma_start3A_805 = arith.constant 0 : i32
      %dma_start3A_806 = arith.constant 0 : i32
      %dma_start3A_807 = tpu.memref_slice %arg6[%scan3A_90, %dma_start3A_805, %dma_start3A_806] : memref<2x128x64xf32, #tpu.memory_space<vmem>> -> memref<1x128x64xf32, #tpu.memory_space<vmem>>
      %dma_start3A_808 = tpu.memref_squeeze %dma_start3A_807 : memref<1x128x64xf32, #tpu.memory_space<vmem>> -> memref<128x64xf32, #tpu.memory_space<vmem>>
      %dma_start3A_809 = arith.constant 0 : i32
      %dma_start3A_810 = tpu.memref_slice %dma_start3A_808[%add3A_794, %dma_start3A_809] : memref<128x64xf32, #tpu.memory_space<vmem>> -> memref<1x64xf32, #tpu.memory_space<vmem>>
      %dma_start3A_811 = tpu.memref_squeeze %dma_start3A_810 : memref<1x64xf32, #tpu.memory_space<vmem>> -> memref<64xf32, #tpu.memory_space<vmem>>
      %dma_start3A_812 = arith.constant 0 : i32
      %dma_start3A_813 = tpu.memref_slice %arg2[%shift_right_arithmetic3A_788, %and3A_790, %dma_start3A_812] : memref<125000x8x64xf32, #tpu.memory_space<hbm>> -> memref<1x1x64xf32, #tpu.memory_space<hbm>>
      %dma_start3A_814 = tpu.memref_squeeze %dma_start3A_813 : memref<1x1x64xf32, #tpu.memory_space<hbm>> -> memref<64xf32, #tpu.memory_space<hbm>>
      tpu.enqueue_dma source(%dma_start3A_814 : memref<64xf32, #tpu.memory_space<hbm>>) target(%dma_start3A_811 : memref<64xf32, #tpu.memory_space<vmem>>) target_semaphore(%arg7 : memref<!tpu.dma_semaphore, #tpu.memory_space<semaphore_mem>>)
    }
    %scan3A_95 = arith.constant 8 : i32
    %dma_wait3A_96 = arith.constant 0 : i32
    %dma_wait3A_97 = arith.constant 0 : i32
    %dma_wait3A_98 = arith.constant 0 : i32
    %dma_wait3A_99 = tpu.memref_slice %arg6[%dma_wait3A_96, %dma_wait3A_97, %dma_wait3A_98] : memref<2x128x64xf32, #tpu.memory_space<vmem>> -> memref<1x128x64xf32, #tpu.memory_space<vmem>>
    %dma_wait3A_100 = tpu.memref_squeeze %dma_wait3A_99 : memref<1x128x64xf32, #tpu.memory_space<vmem>> -> memref<128x64xf32, #tpu.memory_space<vmem>>
    %dma_wait3A_101 = arith.constant 0 : i32
    %dma_wait3A_102 = arith.constant 0 : i32
    %dma_wait3A_103 = tpu.memref_slice %arg4[%dma_wait3A_101, %dma_wait3A_102] : memref<16384x64xf32, #tpu.memory_space<hbm>> -> memref<128x64xf32, #tpu.memory_space<hbm>>
    %dma_wait3A_104 = arith.constant 0 : i32
    %dma_wait3A_105 = arith.constant 0 : i32
    %dma_wait3A_106 = tpu.memref_slice %arg6[%dma_wait3A_96, %dma_wait3A_104, %dma_wait3A_105] : memref<2x128x64xf32, #tpu.memory_space<vmem>> -> memref<1x128x64xf32, #tpu.memory_space<vmem>>
    %dma_wait3A_107 = tpu.memref_squeeze %dma_wait3A_106 : memref<1x128x64xf32, #tpu.memory_space<vmem>> -> memref<128x64xf32, #tpu.memory_space<vmem>>
    %dma_wait3A_108 = arith.constant 0 : i32
    %dma_wait3A_109 = arith.constant 0 : i32
    %dma_wait3A_110 = tpu.memref_slice %arg4[%dma_wait3A_108, %dma_wait3A_109] : memref<16384x64xf32, #tpu.memory_space<hbm>> -> memref<128x64xf32, #tpu.memory_space<hbm>>
    tpu.wait_dma2 semaphore(%arg7 : memref<!tpu.dma_semaphore, #tpu.memory_space<semaphore_mem>>) src(%dma_wait3A_110 : memref<128x64xf32, #tpu.memory_space<hbm>>) dst(%dma_wait3A_107 : memref<128x64xf32, #tpu.memory_space<vmem>>)
    %add3A_111 = arith.constant 256 : i32
    %add3A_112 = arith.addi %mul3A_2, %add3A_111 : i32
    %dma_start3A_113 = arith.constant 0 : i32
    %dma_start3A_114 = arith.constant 0 : i32
    %dma_start3A_115 = arith.constant 0 : i32
    %dma_start3A_116 = tpu.memref_slice %arg6[%dma_start3A_113, %dma_start3A_114, %dma_start3A_115] : memref<2x128x64xf32, #tpu.memory_space<vmem>> -> memref<1x128x64xf32, #tpu.memory_space<vmem>>
    %dma_start3A_117 = tpu.memref_squeeze %dma_start3A_116 : memref<1x128x64xf32, #tpu.memory_space<vmem>> -> memref<128x64xf32, #tpu.memory_space<vmem>>
    %dma_start3A_118 = arith.constant 0 : i32
    %dma_start3A_119 = tpu.memref_slice %arg4[%add3A_112, %dma_start3A_118] : memref<16384x64xf32, #tpu.memory_space<hbm>> -> memref<128x64xf32, #tpu.memory_space<hbm>>
    %dma_start3A_120 = arith.constant 0 : i32
    %dma_start3A_121 = tpu.memref_slice %arg4[%add3A_112, %dma_start3A_120] : memref<16384x64xf32, #tpu.memory_space<hbm>> -> memref<128x64xf32, #tpu.memory_space<hbm>>
    %dma_start3A_122 = arith.constant 0 : i32
    %dma_start3A_123 = arith.constant 0 : i32
    %dma_start3A_124 = tpu.memref_slice %arg6[%dma_start3A_113, %dma_start3A_122, %dma_start3A_123] : memref<2x128x64xf32, #tpu.memory_space<vmem>> -> memref<1x128x64xf32, #tpu.memory_space<vmem>>
    %dma_start3A_125 = tpu.memref_squeeze %dma_start3A_124 : memref<1x128x64xf32, #tpu.memory_space<vmem>> -> memref<128x64xf32, #tpu.memory_space<vmem>>
    tpu.enqueue_dma source(%dma_start3A_125 : memref<128x64xf32, #tpu.memory_space<vmem>>) target(%dma_start3A_121 : memref<128x64xf32, #tpu.memory_space<hbm>>) target_semaphore(%arg8 : memref<!tpu.dma_semaphore, #tpu.memory_space<semaphore_mem>>)
    %add3A_126 = arith.constant 128 : i32
    %add3A_127 = arith.addi %mul3A_2, %add3A_126 : i32
    %dma_wait3A_128 = arith.constant 1 : i32
    %dma_wait3A_129 = arith.constant 0 : i32
    %dma_wait3A_130 = arith.constant 0 : i32
    %dma_wait3A_131 = tpu.memref_slice %arg6[%dma_wait3A_128, %dma_wait3A_129, %dma_wait3A_130] : memref<2x128x64xf32, #tpu.memory_space<vmem>> -> memref<1x128x64xf32, #tpu.memory_space<vmem>>
    %dma_wait3A_132 = tpu.memref_squeeze %dma_wait3A_131 : memref<1x128x64xf32, #tpu.memory_space<vmem>> -> memref<128x64xf32, #tpu.memory_space<vmem>>
    %dma_wait3A_133 = arith.constant 0 : i32
    %dma_wait3A_134 = tpu.memref_slice %arg4[%add3A_127, %dma_wait3A_133] : memref<16384x64xf32, #tpu.memory_space<hbm>> -> memref<128x64xf32, #tpu.memory_space<hbm>>
    %dma_wait3A_135 = arith.constant 0 : i32
    %dma_wait3A_136 = tpu.memref_slice %arg4[%add3A_127, %dma_wait3A_135] : memref<16384x64xf32, #tpu.memory_space<hbm>> -> memref<128x64xf32, #tpu.memory_space<hbm>>
    %dma_wait3A_137 = arith.constant 0 : i32
    %dma_wait3A_138 = arith.constant 0 : i32
    %dma_wait3A_139 = tpu.memref_slice %arg6[%dma_wait3A_128, %dma_wait3A_137, %dma_wait3A_138] : memref<2x128x64xf32, #tpu.memory_space<vmem>> -> memref<1x128x64xf32, #tpu.memory_space<vmem>>
    %dma_wait3A_140 = tpu.memref_squeeze %dma_wait3A_139 : memref<1x128x64xf32, #tpu.memory_space<vmem>> -> memref<128x64xf32, #tpu.memory_space<vmem>>
    tpu.wait_dma2 semaphore(%arg8 : memref<!tpu.dma_semaphore, #tpu.memory_space<semaphore_mem>>) src(%dma_wait3A_140 : memref<128x64xf32, #tpu.memory_space<vmem>>) dst(%dma_wait3A_136 : memref<128x64xf32, #tpu.memory_space<hbm>>)
    %scan3A_141 = arith.constant 0 : i32
    %scan3A_142 = arith.constant 1 : i32
    %scan3A_143 = arith.constant 0 : i32
    %scan3A_144 = arith.constant 8 : i32
    %scan3A_145 = arith.addi %scan3A_143, %scan3A_144 : i32
    %scan3A_146 = arith.constant 1 : i32
    scf.for %scan3A_208 = %scan3A_143 to %scan3A_145 step %scan3A_146  : i32 {
      %mul3A_209 = arith.constant 16 : i32
      %mul3A_210 = arith.muli %scan3A_208, %mul3A_209 : i32
      %add3A_211 = arith.constant 384 : i32
      %add3A_212 = arith.addi %add3A_211, %mul3A_210 : i32
      %get3A = arith.index_cast %add3A_212 : i32 to index
      %get3A_213 = tpu.vector_load %arg5[%get3A] {strides = array<i32>} : memref<512xi32, #tpu.memory_space<vmem>>, vector<16xi32>,
      %eq3A = arith.constant 0 : i32
      %eq3A_214 = vector.broadcast %eq3A : i32 to vector<16xi32>
      %eq3A_215 = arith.cmpi eq, %iota3A, %eq3A_214 : vector<16xi32>
      %jit3A = arith.constant 0 : i32
      %broadcast_in_dim3A = vector.broadcast %jit3A : i32 to vector<16xi32>
      %select_n3A = arith.select %eq3A_215, %get3A_213, %broadcast_in_dim3A : vector<16xi1>, vector<16xi32>
      %reduce_sum3A = arith.constant true
      %reduce_sum3A_216 = vector.broadcast %reduce_sum3A : i1 to vector<16xi1>
      %reduce_sum3A_217 = tpu.scan <sum>, %select_n3A masked %reduce_sum3A_216 : vector<16xi32>, vector<16xi1> -> vector<16xi32>
      %reduce_sum3A_218 = vector.extract %reduce_sum3A_217[15] : i32 from vector<16xi32>
      %shift_right_arithmetic3A = arith.constant 3 : i32
      %shift_right_arithmetic3A_219 = arith.shrsi %reduce_sum3A_218, %shift_right_arithmetic3A : i32
      %and3A = arith.constant 7 : i32
      %and3A_220 = arith.andi %reduce_sum3A_218, %and3A : i32
      %mul3A_221 = arith.constant 16 : i32
      %mul3A_222 = arith.muli %scan3A_208, %mul3A_221 : i32
      %add3A_223 = arith.constant 0 : i32
      %add3A_224 = arith.addi %mul3A_222, %add3A_223 : i32
      %dma_start3A_225 = arith.constant 0 : i32
      %dma_start3A_226 = arith.constant 0 : i32
      %dma_start3A_227 = tpu.memref_slice %arg6[%scan3A_142, %dma_start3A_225, %dma_start3A_226] : memref<2x128x64xf32, #tpu.memory_space<vmem>> -> memref<1x128x64xf32, #tpu.memory_space<vmem>>
      %dma_start3A_228 = tpu.memref_squeeze %dma_start3A_227 : memref<1x128x64xf32, #tpu.memory_space<vmem>> -> memref<128x64xf32, #tpu.memory_space<vmem>>
      %dma_start3A_229 = arith.constant 0 : i32
      %dma_start3A_230 = tpu.memref_slice %dma_start3A_228[%add3A_224, %dma_start3A_229] : memref<128x64xf32, #tpu.memory_space<vmem>> -> memref<1x64xf32, #tpu.memory_space<vmem>>
      %dma_start3A_231 = tpu.memref_squeeze %dma_start3A_230 : memref<1x64xf32, #tpu.memory_space<vmem>> -> memref<64xf32, #tpu.memory_space<vmem>>
      %dma_start3A_232 = arith.constant 0 : i32
      %dma_start3A_233 = tpu.memref_slice %arg2[%shift_right_arithmetic3A_219, %and3A_220, %dma_start3A_232] : memref<125000x8x64xf32, #tpu.memory_space<hbm>> -> memref<1x1x64xf32, #tpu.memory_space<hbm>>
      %dma_start3A_234 = tpu.memref_squeeze %dma_start3A_233 : memref<1x1x64xf32, #tpu.memory_space<hbm>> -> memref<64xf32, #tpu.memory_space<hbm>>
      %dma_start3A_235 = arith.constant 0 : i32
      %dma_start3A_236 = arith.constant 0 : i32
      %dma_start3A_237 = tpu.memref_slice %arg6[%scan3A_142, %dma_start3A_235, %dma_start3A_236] : memref<2x128x64xf32, #tpu.memory_space<vmem>> -> memref<1x128x64xf32, #tpu.memory_space<vmem>>
      %dma_start3A_238 = tpu.memref_squeeze %dma_start3A_237 : memref<1x128x64xf32, #tpu.memory_space<vmem>> -> memref<128x64xf32, #tpu.memory_space<vmem>>
      %dma_start3A_239 = arith.constant 0 : i32
      %dma_start3A_240 = tpu.memref_slice %dma_start3A_238[%add3A_224, %dma_start3A_239] : memref<128x64xf32, #tpu.memory_space<vmem>> -> memref<1x64xf32, #tpu.memory_space<vmem>>
      %dma_start3A_241 = tpu.memref_squeeze %dma_start3A_240 : memref<1x64xf32, #tpu.memory_space<vmem>> -> memref<64xf32, #tpu.memory_space<vmem>>
      %dma_start3A_242 = arith.constant 0 : i32
      %dma_start3A_243 = tpu.memref_slice %arg2[%shift_right_arithmetic3A_219, %and3A_220, %dma_start3A_242] : memref<125000x8x64xf32, #tpu.memory_space<hbm>> -> memref<1x1x64xf32, #tpu.memory_space<hbm>>
      %dma_start3A_244 = tpu.memref_squeeze %dma_start3A_243 : memref<1x1x64xf32, #tpu.memory_space<hbm>> -> memref<64xf32, #tpu.memory_space<hbm>>
      tpu.enqueue_dma source(%dma_start3A_244 : memref<64xf32, #tpu.memory_space<hbm>>) target(%dma_start3A_241 : memref<64xf32, #tpu.memory_space<vmem>>) target_semaphore(%arg7 : memref<!tpu.dma_semaphore, #tpu.memory_space<semaphore_mem>>)
      %eq3A_245 = arith.constant 1 : i32
      %eq3A_246 = vector.broadcast %eq3A_245 : i32 to vector<16xi32>
      %eq3A_247 = arith.cmpi eq, %iota3A, %eq3A_246 : vector<16xi32>
      %jit3A_248 = arith.constant 0 : i32
      %broadcast_in_dim3A_249 = vector.broadcast %jit3A_248 : i32 to vector<16xi32>
      %select_n3A_250 = arith.select %eq3A_247, %get3A_213, %broadcast_in_dim3A_249 : vector<16xi1>, vector<16xi32>
      %reduce_sum3A_251 = arith.constant true
      %reduce_sum3A_252 = vector.broadcast %reduce_sum3A_251 : i1 to vector<16xi1>
      %reduce_sum3A_253 = tpu.scan <sum>, %select_n3A_250 masked %reduce_sum3A_252 : vector<16xi32>, vector<16xi1> -> vector<16xi32>
      %reduce_sum3A_254 = vector.extract %reduce_sum3A_253[15] : i32 from vector<16xi32>
      %shift_right_arithmetic3A_255 = arith.constant 3 : i32
      %shift_right_arithmetic3A_256 = arith.shrsi %reduce_sum3A_254, %shift_right_arithmetic3A_255 : i32
      %and3A_257 = arith.constant 7 : i32
      %and3A_258 = arith.andi %reduce_sum3A_254, %and3A_257 : i32
      %mul3A_259 = arith.constant 16 : i32
      %mul3A_260 = arith.muli %scan3A_208, %mul3A_259 : i32
      %add3A_261 = arith.constant 1 : i32
      %add3A_262 = arith.addi %mul3A_260, %add3A_261 : i32
      %dma_start3A_263 = arith.constant 0 : i32
      %dma_start3A_264 = arith.constant 0 : i32
      %dma_start3A_265 = tpu.memref_slice %arg6[%scan3A_142, %dma_start3A_263, %dma_start3A_264] : memref<2x128x64xf32, #tpu.memory_space<vmem>> -> memref<1x128x64xf32, #tpu.memory_space<vmem>>
      %dma_start3A_266 = tpu.memref_squeeze %dma_start3A_265 : memref<1x128x64xf32, #tpu.memory_space<vmem>> -> memref<128x64xf32, #tpu.memory_space<vmem>>
      %dma_start3A_267 = arith.constant 0 : i32
      %dma_start3A_268 = tpu.memref_slice %dma_start3A_266[%add3A_262, %dma_start3A_267] : memref<128x64xf32, #tpu.memory_space<vmem>> -> memref<1x64xf32, #tpu.memory_space<vmem>>
      %dma_start3A_269 = tpu.memref_squeeze %dma_start3A_268 : memref<1x64xf32, #tpu.memory_space<vmem>> -> memref<64xf32, #tpu.memory_space<vmem>>
      %dma_start3A_270 = arith.constant 0 : i32
      %dma_start3A_271 = tpu.memref_slice %arg2[%shift_right_arithmetic3A_256, %and3A_258, %dma_start3A_270] : memref<125000x8x64xf32, #tpu.memory_space<hbm>> -> memref<1x1x64xf32, #tpu.memory_space<hbm>>
      %dma_start3A_272 = tpu.memref_squeeze %dma_start3A_271 : memref<1x1x64xf32, #tpu.memory_space<hbm>> -> memref<64xf32, #tpu.memory_space<hbm>>
      %dma_start3A_273 = arith.constant 0 : i32
      %dma_start3A_274 = arith.constant 0 : i32
      %dma_start3A_275 = tpu.memref_slice %arg6[%scan3A_142, %dma_start3A_273, %dma_start3A_274] : memref<2x128x64xf32, #tpu.memory_space<vmem>> -> memref<1x128x64xf32, #tpu.memory_space<vmem>>
      %dma_start3A_276 = tpu.memref_squeeze %dma_start3A_275 : memref<1x128x64xf32, #tpu.memory_space<vmem>> -> memref<128x64xf32, #tpu.memory_space<vmem>>
      %dma_start3A_277 = arith.constant 0 : i32
      %dma_start3A_278 = tpu.memref_slice %dma_start3A_276[%add3A_262, %dma_start3A_277] : memref<128x64xf32, #tpu.memory_space<vmem>> -> memref<1x64xf32, #tpu.memory_space<vmem>>
      %dma_start3A_279 = tpu.memref_squeeze %dma_start3A_278 : memref<1x64xf32, #tpu.memory_space<vmem>> -> memref<64xf32, #tpu.memory_space<vmem>>
      %dma_start3A_280 = arith.constant 0 : i32
      %dma_start3A_281 = tpu.memref_slice %arg2[%shift_right_arithmetic3A_256, %and3A_258, %dma_start3A_280] : memref<125000x8x64xf32, #tpu.memory_space<hbm>> -> memref<1x1x64xf32, #tpu.memory_space<hbm>>
      %dma_start3A_282 = tpu.memref_squeeze %dma_start3A_281 : memref<1x1x64xf32, #tpu.memory_space<hbm>> -> memref<64xf32, #tpu.memory_space<hbm>>
      tpu.enqueue_dma source(%dma_start3A_282 : memref<64xf32, #tpu.memory_space<hbm>>) target(%dma_start3A_279 : memref<64xf32, #tpu.memory_space<vmem>>) target_semaphore(%arg7 : memref<!tpu.dma_semaphore, #tpu.memory_space<semaphore_mem>>)
      %eq3A_283 = arith.constant 2 : i32
      %eq3A_284 = vector.broadcast %eq3A_283 : i32 to vector<16xi32>
      %eq3A_285 = arith.cmpi eq, %iota3A, %eq3A_284 : vector<16xi32>
      %jit3A_286 = arith.constant 0 : i32
      %broadcast_in_dim3A_287 = vector.broadcast %jit3A_286 : i32 to vector<16xi32>
      %select_n3A_288 = arith.select %eq3A_285, %get3A_213, %broadcast_in_dim3A_287 : vector<16xi1>, vector<16xi32>
      %reduce_sum3A_289 = arith.constant true
      %reduce_sum3A_290 = vector.broadcast %reduce_sum3A_289 : i1 to vector<16xi1>
      %reduce_sum3A_291 = tpu.scan <sum>, %select_n3A_288 masked %reduce_sum3A_290 : vector<16xi32>, vector<16xi1> -> vector<16xi32>
      %reduce_sum3A_292 = vector.extract %reduce_sum3A_291[15] : i32 from vector<16xi32>
      %shift_right_arithmetic3A_293 = arith.constant 3 : i32
      %shift_right_arithmetic3A_294 = arith.shrsi %reduce_sum3A_292, %shift_right_arithmetic3A_293 : i32
      %and3A_295 = arith.constant 7 : i32
      %and3A_296 = arith.andi %reduce_sum3A_292, %and3A_295 : i32
      %mul3A_297 = arith.constant 16 : i32
      %mul3A_298 = arith.muli %scan3A_208, %mul3A_297 : i32
      %add3A_299 = arith.constant 2 : i32
      %add3A_300 = arith.addi %mul3A_298, %add3A_299 : i32
      %dma_start3A_301 = arith.constant 0 : i32
      %dma_start3A_302 = arith.constant 0 : i32
      %dma_start3A_303 = tpu.memref_slice %arg6[%scan3A_142, %dma_start3A_301, %dma_start3A_302] : memref<2x128x64xf32, #tpu.memory_space<vmem>> -> memref<1x128x64xf32, #tpu.memory_space<vmem>>
      %dma_start3A_304 = tpu.memref_squeeze %dma_start3A_303 : memref<1x128x64xf32, #tpu.memory_space<vmem>> -> memref<128x64xf32, #tpu.memory_space<vmem>>
      %dma_start3A_305 = arith.constant 0 : i32
      %dma_start3A_306 = tpu.memref_slice %dma_start3A_304[%add3A_300, %dma_start3A_305] : memref<128x64xf32, #tpu.memory_space<vmem>> -> memref<1x64xf32, #tpu.memory_space<vmem>>
      %dma_start3A_307 = tpu.memref_squeeze %dma_start3A_306 : memref<1x64xf32, #tpu.memory_space<vmem>> -> memref<64xf32, #tpu.memory_space<vmem>>
      %dma_start3A_308 = arith.constant 0 : i32
      %dma_start3A_309 = tpu.memref_slice %arg2[%shift_right_arithmetic3A_294, %and3A_296, %dma_start3A_308] : memref<125000x8x64xf32, #tpu.memory_space<hbm>> -> memref<1x1x64xf32, #tpu.memory_space<hbm>>
      %dma_start3A_310 = tpu.memref_squeeze %dma_start3A_309 : memref<1x1x64xf32, #tpu.memory_space<hbm>> -> memref<64xf32, #tpu.memory_space<hbm>>
      %dma_start3A_311 = arith.constant 0 : i32
      %dma_start3A_312 = arith.constant 0 : i32
      %dma_start3A_313 = tpu.memref_slice %arg6[%scan3A_142, %dma_start3A_311, %dma_start3A_312] : memref<2x128x64xf32, #tpu.memory_space<vmem>> -> memref<1x128x64xf32, #tpu.memory_space<vmem>>
      %dma_start3A_314 = tpu.memref_squeeze %dma_start3A_313 : memref<1x128x64xf32, #tpu.memory_space<vmem>> -> memref<128x64xf32, #tpu.memory_space<vmem>>
      %dma_start3A_315 = arith.constant 0 : i32
      %dma_start3A_316 = tpu.memref_slice %dma_start3A_314[%add3A_300, %dma_start3A_315] : memref<128x64xf32, #tpu.memory_space<vmem>> -> memref<1x64xf32, #tpu.memory_space<vmem>>
      %dma_start3A_317 = tpu.memref_squeeze %dma_start3A_316 : memref<1x64xf32, #tpu.memory_space<vmem>> -> memref<64xf32, #tpu.memory_space<vmem>>
      %dma_start3A_318 = arith.constant 0 : i32
      %dma_start3A_319 = tpu.memref_slice %arg2[%shift_right_arithmetic3A_294, %and3A_296, %dma_start3A_318] : memref<125000x8x64xf32, #tpu.memory_space<hbm>> -> memref<1x1x64xf32, #tpu.memory_space<hbm>>
      %dma_start3A_320 = tpu.memref_squeeze %dma_start3A_319 : memref<1x1x64xf32, #tpu.memory_space<hbm>> -> memref<64xf32, #tpu.memory_space<hbm>>
      tpu.enqueue_dma source(%dma_start3A_320 : memref<64xf32, #tpu.memory_space<hbm>>) target(%dma_start3A_317 : memref<64xf32, #tpu.memory_space<vmem>>) target_semaphore(%arg7 : memref<!tpu.dma_semaphore, #tpu.memory_space<semaphore_mem>>)
      %eq3A_321 = arith.constant 3 : i32
      %eq3A_322 = vector.broadcast %eq3A_321 : i32 to vector<16xi32>
      %eq3A_323 = arith.cmpi eq, %iota3A, %eq3A_322 : vector<16xi32>
      %jit3A_324 = arith.constant 0 : i32
      %broadcast_in_dim3A_325 = vector.broadcast %jit3A_324 : i32 to vector<16xi32>
      %select_n3A_326 = arith.select %eq3A_323, %get3A_213, %broadcast_in_dim3A_325 : vector<16xi1>, vector<16xi32>
      %reduce_sum3A_327 = arith.constant true
      %reduce_sum3A_328 = vector.broadcast %reduce_sum3A_327 : i1 to vector<16xi1>
      %reduce_sum3A_329 = tpu.scan <sum>, %select_n3A_326 masked %reduce_sum3A_328 : vector<16xi32>, vector<16xi1> -> vector<16xi32>
      %reduce_sum3A_330 = vector.extract %reduce_sum3A_329[15] : i32 from vector<16xi32>
      %shift_right_arithmetic3A_331 = arith.constant 3 : i32
      %shift_right_arithmetic3A_332 = arith.shrsi %reduce_sum3A_330, %shift_right_arithmetic3A_331 : i32
      %and3A_333 = arith.constant 7 : i32
      %and3A_334 = arith.andi %reduce_sum3A_330, %and3A_333 : i32
      %mul3A_335 = arith.constant 16 : i32
      %mul3A_336 = arith.muli %scan3A_208, %mul3A_335 : i32
      %add3A_337 = arith.constant 3 : i32
      %add3A_338 = arith.addi %mul3A_336, %add3A_337 : i32
      %dma_start3A_339 = arith.constant 0 : i32
      %dma_start3A_340 = arith.constant 0 : i32
      %dma_start3A_341 = tpu.memref_slice %arg6[%scan3A_142, %dma_start3A_339, %dma_start3A_340] : memref<2x128x64xf32, #tpu.memory_space<vmem>> -> memref<1x128x64xf32, #tpu.memory_space<vmem>>
      %dma_start3A_342 = tpu.memref_squeeze %dma_start3A_341 : memref<1x128x64xf32, #tpu.memory_space<vmem>> -> memref<128x64xf32, #tpu.memory_space<vmem>>
      %dma_start3A_343 = arith.constant 0 : i32
      %dma_start3A_344 = tpu.memref_slice %dma_start3A_342[%add3A_338, %dma_start3A_343] : memref<128x64xf32, #tpu.memory_space<vmem>> -> memref<1x64xf32, #tpu.memory_space<vmem>>
      %dma_start3A_345 = tpu.memref_squeeze %dma_start3A_344 : memref<1x64xf32, #tpu.memory_space<vmem>> -> memref<64xf32, #tpu.memory_space<vmem>>
      %dma_start3A_346 = arith.constant 0 : i32
      %dma_start3A_347 = tpu.memref_slice %arg2[%shift_right_arithmetic3A_332, %and3A_334, %dma_start3A_346] : memref<125000x8x64xf32, #tpu.memory_space<hbm>> -> memref<1x1x64xf32, #tpu.memory_space<hbm>>
      %dma_start3A_348 = tpu.memref_squeeze %dma_start3A_347 : memref<1x1x64xf32, #tpu.memory_space<hbm>> -> memref<64xf32, #tpu.memory_space<hbm>>
      %dma_start3A_349 = arith.constant 0 : i32
      %dma_start3A_350 = arith.constant 0 : i32
      %dma_start3A_351 = tpu.memref_slice %arg6[%scan3A_142, %dma_start3A_349, %dma_start3A_350] : memref<2x128x64xf32, #tpu.memory_space<vmem>> -> memref<1x128x64xf32, #tpu.memory_space<vmem>>
      %dma_start3A_352 = tpu.memref_squeeze %dma_start3A_351 : memref<1x128x64xf32, #tpu.memory_space<vmem>> -> memref<128x64xf32, #tpu.memory_space<vmem>>
      %dma_start3A_353 = arith.constant 0 : i32
      %dma_start3A_354 = tpu.memref_slice %dma_start3A_352[%add3A_338, %dma_start3A_353] : memref<128x64xf32, #tpu.memory_space<vmem>> -> memref<1x64xf32, #tpu.memory_space<vmem>>
      %dma_start3A_355 = tpu.memref_squeeze %dma_start3A_354 : memref<1x64xf32, #tpu.memory_space<vmem>> -> memref<64xf32, #tpu.memory_space<vmem>>
      %dma_start3A_356 = arith.constant 0 : i32
      %dma_start3A_357 = tpu.memref_slice %arg2[%shift_right_arithmetic3A_332, %and3A_334, %dma_start3A_356] : memref<125000x8x64xf32, #tpu.memory_space<hbm>> -> memref<1x1x64xf32, #tpu.memory_space<hbm>>
      %dma_start3A_358 = tpu.memref_squeeze %dma_start3A_357 : memref<1x1x64xf32, #tpu.memory_space<hbm>> -> memref<64xf32, #tpu.memory_space<hbm>>
      tpu.enqueue_dma source(%dma_start3A_358 : memref<64xf32, #tpu.memory_space<hbm>>) target(%dma_start3A_355 : memref<64xf32, #tpu.memory_space<vmem>>) target_semaphore(%arg7 : memref<!tpu.dma_semaphore, #tpu.memory_space<semaphore_mem>>)
      %eq3A_359 = arith.constant 4 : i32
      %eq3A_360 = vector.broadcast %eq3A_359 : i32 to vector<16xi32>
      %eq3A_361 = arith.cmpi eq, %iota3A, %eq3A_360 : vector<16xi32>
      %jit3A_362 = arith.constant 0 : i32
      %broadcast_in_dim3A_363 = vector.broadcast %jit3A_362 : i32 to vector<16xi32>
      %select_n3A_364 = arith.select %eq3A_361, %get3A_213, %broadcast_in_dim3A_363 : vector<16xi1>, vector<16xi32>
      %reduce_sum3A_365 = arith.constant true
      %reduce_sum3A_366 = vector.broadcast %reduce_sum3A_365 : i1 to vector<16xi1>
      %reduce_sum3A_367 = tpu.scan <sum>, %select_n3A_364 masked %reduce_sum3A_366 : vector<16xi32>, vector<16xi1> -> vector<16xi32>
      %reduce_sum3A_368 = vector.extract %reduce_sum3A_367[15] : i32 from vector<16xi32>
      %shift_right_arithmetic3A_369 = arith.constant 3 : i32
      %shift_right_arithmetic3A_370 = arith.shrsi %reduce_sum3A_368, %shift_right_arithmetic3A_369 : i32
      %and3A_371 = arith.constant 7 : i32
      %and3A_372 = arith.andi %reduce_sum3A_368, %and3A_371 : i32
      %mul3A_373 = arith.constant 16 : i32
      %mul3A_374 = arith.muli %scan3A_208, %mul3A_373 : i32
      %add3A_375 = arith.constant 4 : i32
      %add3A_376 = arith.addi %mul3A_374, %add3A_375 : i32
      %dma_start3A_377 = arith.constant 0 : i32
      %dma_start3A_378 = arith.constant 0 : i32
      %dma_start3A_379 = tpu.memref_slice %arg6[%scan3A_142, %dma_start3A_377, %dma_start3A_378] : memref<2x128x64xf32, #tpu.memory_space<vmem>> -> memref<1x128x64xf32, #tpu.memory_space<vmem>>
      %dma_start3A_380 = tpu.memref_squeeze %dma_start3A_379 : memref<1x128x64xf32, #tpu.memory_space<vmem>> -> memref<128x64xf32, #tpu.memory_space<vmem>>
      %dma_start3A_381 = arith.constant 0 : i32
      %dma_start3A_382 = tpu.memref_slice %dma_start3A_380[%add3A_376, %dma_start3A_381] : memref<128x64xf32, #tpu.memory_space<vmem>> -> memref<1x64xf32, #tpu.memory_space<vmem>>
      %dma_start3A_383 = tpu.memref_squeeze %dma_start3A_382 : memref<1x64xf32, #tpu.memory_space<vmem>> -> memref<64xf32, #tpu.memory_space<vmem>>
      %dma_start3A_384 = arith.constant 0 : i32
      %dma_start3A_385 = tpu.memref_slice %arg2[%shift_right_arithmetic3A_370, %and3A_372, %dma_start3A_384] : memref<125000x8x64xf32, #tpu.memory_space<hbm>> -> memref<1x1x64xf32, #tpu.memory_space<hbm>>
      %dma_start3A_386 = tpu.memref_squeeze %dma_start3A_385 : memref<1x1x64xf32, #tpu.memory_space<hbm>> -> memref<64xf32, #tpu.memory_space<hbm>>
      %dma_start3A_387 = arith.constant 0 : i32
      %dma_start3A_388 = arith.constant 0 : i32
      %dma_start3A_389 = tpu.memref_slice %arg6[%scan3A_142, %dma_start3A_387, %dma_start3A_388] : memref<2x128x64xf32, #tpu.memory_space<vmem>> -> memref<1x128x64xf32, #tpu.memory_space<vmem>>
      %dma_start3A_390 = tpu.memref_squeeze %dma_start3A_389 : memref<1x128x64xf32, #tpu.memory_space<vmem>> -> memref<128x64xf32, #tpu.memory_space<vmem>>
      %dma_start3A_391 = arith.constant 0 : i32
      %dma_start3A_392 = tpu.memref_slice %dma_start3A_390[%add3A_376, %dma_start3A_391] : memref<128x64xf32, #tpu.memory_space<vmem>> -> memref<1x64xf32, #tpu.memory_space<vmem>>
      %dma_start3A_393 = tpu.memref_squeeze %dma_start3A_392 : memref<1x64xf32, #tpu.memory_space<vmem>> -> memref<64xf32, #tpu.memory_space<vmem>>
      %dma_start3A_394 = arith.constant 0 : i32
      %dma_start3A_395 = tpu.memref_slice %arg2[%shift_right_arithmetic3A_370, %and3A_372, %dma_start3A_394] : memref<125000x8x64xf32, #tpu.memory_space<hbm>> -> memref<1x1x64xf32, #tpu.memory_space<hbm>>
      %dma_start3A_396 = tpu.memref_squeeze %dma_start3A_395 : memref<1x1x64xf32, #tpu.memory_space<hbm>> -> memref<64xf32, #tpu.memory_space<hbm>>
      tpu.enqueue_dma source(%dma_start3A_396 : memref<64xf32, #tpu.memory_space<hbm>>) target(%dma_start3A_393 : memref<64xf32, #tpu.memory_space<vmem>>) target_semaphore(%arg7 : memref<!tpu.dma_semaphore, #tpu.memory_space<semaphore_mem>>)
      %eq3A_397 = arith.constant 5 : i32
      %eq3A_398 = vector.broadcast %eq3A_397 : i32 to vector<16xi32>
      %eq3A_399 = arith.cmpi eq, %iota3A, %eq3A_398 : vector<16xi32>
      %jit3A_400 = arith.constant 0 : i32
      %broadcast_in_dim3A_401 = vector.broadcast %jit3A_400 : i32 to vector<16xi32>
      %select_n3A_402 = arith.select %eq3A_399, %get3A_213, %broadcast_in_dim3A_401 : vector<16xi1>, vector<16xi32>
      %reduce_sum3A_403 = arith.constant true
      %reduce_sum3A_404 = vector.broadcast %reduce_sum3A_403 : i1 to vector<16xi1>
      %reduce_sum3A_405 = tpu.scan <sum>, %select_n3A_402 masked %reduce_sum3A_404 : vector<16xi32>, vector<16xi1> -> vector<16xi32>
      %reduce_sum3A_406 = vector.extract %reduce_sum3A_405[15] : i32 from vector<16xi32>
      %shift_right_arithmetic3A_407 = arith.constant 3 : i32
      %shift_right_arithmetic3A_408 = arith.shrsi %reduce_sum3A_406, %shift_right_arithmetic3A_407 : i32
      %and3A_409 = arith.constant 7 : i32
      %and3A_410 = arith.andi %reduce_sum3A_406, %and3A_409 : i32
      %mul3A_411 = arith.constant 16 : i32
      %mul3A_412 = arith.muli %scan3A_208, %mul3A_411 : i32
      %add3A_413 = arith.constant 5 : i32
      %add3A_414 = arith.addi %mul3A_412, %add3A_413 : i32
      %dma_start3A_415 = arith.constant 0 : i32
      %dma_start3A_416 = arith.constant 0 : i32
      %dma_start3A_417 = tpu.memref_slice %arg6[%scan3A_142, %dma_start3A_415, %dma_start3A_416] : memref<2x128x64xf32, #tpu.memory_space<vmem>> -> memref<1x128x64xf32, #tpu.memory_space<vmem>>
      %dma_start3A_418 = tpu.memref_squeeze %dma_start3A_417 : memref<1x128x64xf32, #tpu.memory_space<vmem>> -> memref<128x64xf32, #tpu.memory_space<vmem>>
      %dma_start3A_419 = arith.constant 0 : i32
      %dma_start3A_420 = tpu.memref_slice %dma_start3A_418[%add3A_414, %dma_start3A_419] : memref<128x64xf32, #tpu.memory_space<vmem>> -> memref<1x64xf32, #tpu.memory_space<vmem>>
      %dma_start3A_421 = tpu.memref_squeeze %dma_start3A_420 : memref<1x64xf32, #tpu.memory_space<vmem>> -> memref<64xf32, #tpu.memory_space<vmem>>
      %dma_start3A_422 = arith.constant 0 : i32
      %dma_start3A_423 = tpu.memref_slice %arg2[%shift_right_arithmetic3A_408, %and3A_410, %dma_start3A_422] : memref<125000x8x64xf32, #tpu.memory_space<hbm>> -> memref<1x1x64xf32, #tpu.memory_space<hbm>>
      %dma_start3A_424 = tpu.memref_squeeze %dma_start3A_423 : memref<1x1x64xf32, #tpu.memory_space<hbm>> -> memref<64xf32, #tpu.memory_space<hbm>>
      %dma_start3A_425 = arith.constant 0 : i32
      %dma_start3A_426 = arith.constant 0 : i32
      %dma_start3A_427 = tpu.memref_slice %arg6[%scan3A_142, %dma_start3A_425, %dma_start3A_426] : memref<2x128x64xf32, #tpu.memory_space<vmem>> -> memref<1x128x64xf32, #tpu.memory_space<vmem>>
      %dma_start3A_428 = tpu.memref_squeeze %dma_start3A_427 : memref<1x128x64xf32, #tpu.memory_space<vmem>> -> memref<128x64xf32, #tpu.memory_space<vmem>>
      %dma_start3A_429 = arith.constant 0 : i32
      %dma_start3A_430 = tpu.memref_slice %dma_start3A_428[%add3A_414, %dma_start3A_429] : memref<128x64xf32, #tpu.memory_space<vmem>> -> memref<1x64xf32, #tpu.memory_space<vmem>>
      %dma_start3A_431 = tpu.memref_squeeze %dma_start3A_430 : memref<1x64xf32, #tpu.memory_space<vmem>> -> memref<64xf32, #tpu.memory_space<vmem>>
      %dma_start3A_432 = arith.constant 0 : i32
      %dma_start3A_433 = tpu.memref_slice %arg2[%shift_right_arithmetic3A_408, %and3A_410, %dma_start3A_432] : memref<125000x8x64xf32, #tpu.memory_space<hbm>> -> memref<1x1x64xf32, #tpu.memory_space<hbm>>
      %dma_start3A_434 = tpu.memref_squeeze %dma_start3A_433 : memref<1x1x64xf32, #tpu.memory_space<hbm>> -> memref<64xf32, #tpu.memory_space<hbm>>
      tpu.enqueue_dma source(%dma_start3A_434 : memref<64xf32, #tpu.memory_space<hbm>>) target(%dma_start3A_431 : memref<64xf32, #tpu.memory_space<vmem>>) target_semaphore(%arg7 : memref<!tpu.dma_semaphore, #tpu.memory_space<semaphore_mem>>)
      %eq3A_435 = arith.constant 6 : i32
      %eq3A_436 = vector.broadcast %eq3A_435 : i32 to vector<16xi32>
      %eq3A_437 = arith.cmpi eq, %iota3A, %eq3A_436 : vector<16xi32>
      %jit3A_438 = arith.constant 0 : i32
      %broadcast_in_dim3A_439 = vector.broadcast %jit3A_438 : i32 to vector<16xi32>
      %select_n3A_440 = arith.select %eq3A_437, %get3A_213, %broadcast_in_dim3A_439 : vector<16xi1>, vector<16xi32>
      %reduce_sum3A_441 = arith.constant true
      %reduce_sum3A_442 = vector.broadcast %reduce_sum3A_441 : i1 to vector<16xi1>
      %reduce_sum3A_443 = tpu.scan <sum>, %select_n3A_440 masked %reduce_sum3A_442 : vector<16xi32>, vector<16xi1> -> vector<16xi32>
      %reduce_sum3A_444 = vector.extract %reduce_sum3A_443[15] : i32 from vector<16xi32>
      %shift_right_arithmetic3A_445 = arith.constant 3 : i32
      %shift_right_arithmetic3A_446 = arith.shrsi %reduce_sum3A_444, %shift_right_arithmetic3A_445 : i32
      %and3A_447 = arith.constant 7 : i32
      %and3A_448 = arith.andi %reduce_sum3A_444, %and3A_447 : i32
      %mul3A_449 = arith.constant 16 : i32
      %mul3A_450 = arith.muli %scan3A_208, %mul3A_449 : i32
      %add3A_451 = arith.constant 6 : i32
      %add3A_452 = arith.addi %mul3A_450, %add3A_451 : i32
      %dma_start3A_453 = arith.constant 0 : i32
      %dma_start3A_454 = arith.constant 0 : i32
      %dma_start3A_455 = tpu.memref_slice %arg6[%scan3A_142, %dma_start3A_453, %dma_start3A_454] : memref<2x128x64xf32, #tpu.memory_space<vmem>> -> memref<1x128x64xf32, #tpu.memory_space<vmem>>
      %dma_start3A_456 = tpu.memref_squeeze %dma_start3A_455 : memref<1x128x64xf32, #tpu.memory_space<vmem>> -> memref<128x64xf32, #tpu.memory_space<vmem>>
      %dma_start3A_457 = arith.constant 0 : i32
      %dma_start3A_458 = tpu.memref_slice %dma_start3A_456[%add3A_452, %dma_start3A_457] : memref<128x64xf32, #tpu.memory_space<vmem>> -> memref<1x64xf32, #tpu.memory_space<vmem>>
      %dma_start3A_459 = tpu.memref_squeeze %dma_start3A_458 : memref<1x64xf32, #tpu.memory_space<vmem>> -> memref<64xf32, #tpu.memory_space<vmem>>
      %dma_start3A_460 = arith.constant 0 : i32
      %dma_start3A_461 = tpu.memref_slice %arg2[%shift_right_arithmetic3A_446, %and3A_448, %dma_start3A_460] : memref<125000x8x64xf32, #tpu.memory_space<hbm>> -> memref<1x1x64xf32, #tpu.memory_space<hbm>>
      %dma_start3A_462 = tpu.memref_squeeze %dma_start3A_461 : memref<1x1x64xf32, #tpu.memory_space<hbm>> -> memref<64xf32, #tpu.memory_space<hbm>>
      %dma_start3A_463 = arith.constant 0 : i32
      %dma_start3A_464 = arith.constant 0 : i32
      %dma_start3A_465 = tpu.memref_slice %arg6[%scan3A_142, %dma_start3A_463, %dma_start3A_464] : memref<2x128x64xf32, #tpu.memory_space<vmem>> -> memref<1x128x64xf32, #tpu.memory_space<vmem>>
      %dma_start3A_466 = tpu.memref_squeeze %dma_start3A_465 : memref<1x128x64xf32, #tpu.memory_space<vmem>> -> memref<128x64xf32, #tpu.memory_space<vmem>>
      %dma_start3A_467 = arith.constant 0 : i32
      %dma_start3A_468 = tpu.memref_slice %dma_start3A_466[%add3A_452, %dma_start3A_467] : memref<128x64xf32, #tpu.memory_space<vmem>> -> memref<1x64xf32, #tpu.memory_space<vmem>>
      %dma_start3A_469 = tpu.memref_squeeze %dma_start3A_468 : memref<1x64xf32, #tpu.memory_space<vmem>> -> memref<64xf32, #tpu.memory_space<vmem>>
      %dma_start3A_470 = arith.constant 0 : i32
      %dma_start3A_471 = tpu.memref_slice %arg2[%shift_right_arithmetic3A_446, %and3A_448, %dma_start3A_470] : memref<125000x8x64xf32, #tpu.memory_space<hbm>> -> memref<1x1x64xf32, #tpu.memory_space<hbm>>
      %dma_start3A_472 = tpu.memref_squeeze %dma_start3A_471 : memref<1x1x64xf32, #tpu.memory_space<hbm>> -> memref<64xf32, #tpu.memory_space<hbm>>
      tpu.enqueue_dma source(%dma_start3A_472 : memref<64xf32, #tpu.memory_space<hbm>>) target(%dma_start3A_469 : memref<64xf32, #tpu.memory_space<vmem>>) target_semaphore(%arg7 : memref<!tpu.dma_semaphore, #tpu.memory_space<semaphore_mem>>)
      %eq3A_473 = arith.constant 7 : i32
      %eq3A_474 = vector.broadcast %eq3A_473 : i32 to vector<16xi32>
      %eq3A_475 = arith.cmpi eq, %iota3A, %eq3A_474 : vector<16xi32>
      %jit3A_476 = arith.constant 0 : i32
      %broadcast_in_dim3A_477 = vector.broadcast %jit3A_476 : i32 to vector<16xi32>
      %select_n3A_478 = arith.select %eq3A_475, %get3A_213, %broadcast_in_dim3A_477 : vector<16xi1>, vector<16xi32>
      %reduce_sum3A_479 = arith.constant true
      %reduce_sum3A_480 = vector.broadcast %reduce_sum3A_479 : i1 to vector<16xi1>
      %reduce_sum3A_481 = tpu.scan <sum>, %select_n3A_478 masked %reduce_sum3A_480 : vector<16xi32>, vector<16xi1> -> vector<16xi32>
      %reduce_sum3A_482 = vector.extract %reduce_sum3A_481[15] : i32 from vector<16xi32>
      %shift_right_arithmetic3A_483 = arith.constant 3 : i32
      %shift_right_arithmetic3A_484 = arith.shrsi %reduce_sum3A_482, %shift_right_arithmetic3A_483 : i32
      %and3A_485 = arith.constant 7 : i32
      %and3A_486 = arith.andi %reduce_sum3A_482, %and3A_485 : i32
      %mul3A_487 = arith.constant 16 : i32
      %mul3A_488 = arith.muli %scan3A_208, %mul3A_487 : i32
      %add3A_489 = arith.constant 7 : i32
      %add3A_490 = arith.addi %mul3A_488, %add3A_489 : i32
      %dma_start3A_491 = arith.constant 0 : i32
      %dma_start3A_492 = arith.constant 0 : i32
      %dma_start3A_493 = tpu.memref_slice %arg6[%scan3A_142, %dma_start3A_491, %dma_start3A_492] : memref<2x128x64xf32, #tpu.memory_space<vmem>> -> memref<1x128x64xf32, #tpu.memory_space<vmem>>
      %dma_start3A_494 = tpu.memref_squeeze %dma_start3A_493 : memref<1x128x64xf32, #tpu.memory_space<vmem>> -> memref<128x64xf32, #tpu.memory_space<vmem>>
      %dma_start3A_495 = arith.constant 0 : i32
      %dma_start3A_496 = tpu.memref_slice %dma_start3A_494[%add3A_490, %dma_start3A_495] : memref<128x64xf32, #tpu.memory_space<vmem>> -> memref<1x64xf32, #tpu.memory_space<vmem>>
      %dma_start3A_497 = tpu.memref_squeeze %dma_start3A_496 : memref<1x64xf32, #tpu.memory_space<vmem>> -> memref<64xf32, #tpu.memory_space<vmem>>
      %dma_start3A_498 = arith.constant 0 : i32
      %dma_start3A_499 = tpu.memref_slice %arg2[%shift_right_arithmetic3A_484, %and3A_486, %dma_start3A_498] : memref<125000x8x64xf32, #tpu.memory_space<hbm>> -> memref<1x1x64xf32, #tpu.memory_space<hbm>>
      %dma_start3A_500 = tpu.memref_squeeze %dma_start3A_499 : memref<1x1x64xf32, #tpu.memory_space<hbm>> -> memref<64xf32, #tpu.memory_space<hbm>>
      %dma_start3A_501 = arith.constant 0 : i32
      %dma_start3A_502 = arith.constant 0 : i32
      %dma_start3A_503 = tpu.memref_slice %arg6[%scan3A_142, %dma_start3A_501, %dma_start3A_502] : memref<2x128x64xf32, #tpu.memory_space<vmem>> -> memref<1x128x64xf32, #tpu.memory_space<vmem>>
      %dma_start3A_504 = tpu.memref_squeeze %dma_start3A_503 : memref<1x128x64xf32, #tpu.memory_space<vmem>> -> memref<128x64xf32, #tpu.memory_space<vmem>>
      %dma_start3A_505 = arith.constant 0 : i32
      %dma_start3A_506 = tpu.memref_slice %dma_start3A_504[%add3A_490, %dma_start3A_505] : memref<128x64xf32, #tpu.memory_space<vmem>> -> memref<1x64xf32, #tpu.memory_space<vmem>>
      %dma_start3A_507 = tpu.memref_squeeze %dma_start3A_506 : memref<1x64xf32, #tpu.memory_space<vmem>> -> memref<64xf32, #tpu.memory_space<vmem>>
      %dma_start3A_508 = arith.constant 0 : i32
      %dma_start3A_509 = tpu.memref_slice %arg2[%shift_right_arithmetic3A_484, %and3A_486, %dma_start3A_508] : memref<125000x8x64xf32, #tpu.memory_space<hbm>> -> memref<1x1x64xf32, #tpu.memory_space<hbm>>
      %dma_start3A_510 = tpu.memref_squeeze %dma_start3A_509 : memref<1x1x64xf32, #tpu.memory_space<hbm>> -> memref<64xf32, #tpu.memory_space<hbm>>
      tpu.enqueue_dma source(%dma_start3A_510 : memref<64xf32, #tpu.memory_space<hbm>>) target(%dma_start3A_507 : memref<64xf32, #tpu.memory_space<vmem>>) target_semaphore(%arg7 : memref<!tpu.dma_semaphore, #tpu.memory_space<semaphore_mem>>)
      %eq3A_511 = arith.constant 8 : i32
      %eq3A_512 = vector.broadcast %eq3A_511 : i32 to vector<16xi32>
      %eq3A_513 = arith.cmpi eq, %iota3A, %eq3A_512 : vector<16xi32>
      %jit3A_514 = arith.constant 0 : i32
      %broadcast_in_dim3A_515 = vector.broadcast %jit3A_514 : i32 to vector<16xi32>
      %select_n3A_516 = arith.select %eq3A_513, %get3A_213, %broadcast_in_dim3A_515 : vector<16xi1>, vector<16xi32>
      %reduce_sum3A_517 = arith.constant true
      %reduce_sum3A_518 = vector.broadcast %reduce_sum3A_517 : i1 to vector<16xi1>
      %reduce_sum3A_519 = tpu.scan <sum>, %select_n3A_516 masked %reduce_sum3A_518 : vector<16xi32>, vector<16xi1> -> vector<16xi32>
      %reduce_sum3A_520 = vector.extract %reduce_sum3A_519[15] : i32 from vector<16xi32>
      %shift_right_arithmetic3A_521 = arith.constant 3 : i32
      %shift_right_arithmetic3A_522 = arith.shrsi %reduce_sum3A_520, %shift_right_arithmetic3A_521 : i32
      %and3A_523 = arith.constant 7 : i32
      %and3A_524 = arith.andi %reduce_sum3A_520, %and3A_523 : i32
      %mul3A_525 = arith.constant 16 : i32
      %mul3A_526 = arith.muli %scan3A_208, %mul3A_525 : i32
      %add3A_527 = arith.constant 8 : i32
      %add3A_528 = arith.addi %mul3A_526, %add3A_527 : i32
      %dma_start3A_529 = arith.constant 0 : i32
      %dma_start3A_530 = arith.constant 0 : i32
      %dma_start3A_531 = tpu.memref_slice %arg6[%scan3A_142, %dma_start3A_529, %dma_start3A_530] : memref<2x128x64xf32, #tpu.memory_space<vmem>> -> memref<1x128x64xf32, #tpu.memory_space<vmem>>
      %dma_start3A_532 = tpu.memref_squeeze %dma_start3A_531 : memref<1x128x64xf32, #tpu.memory_space<vmem>> -> memref<128x64xf32, #tpu.memory_space<vmem>>
      %dma_start3A_533 = arith.constant 0 : i32
      %dma_start3A_534 = tpu.memref_slice %dma_start3A_532[%add3A_528, %dma_start3A_533] : memref<128x64xf32, #tpu.memory_space<vmem>> -> memref<1x64xf32, #tpu.memory_space<vmem>>
      %dma_start3A_535 = tpu.memref_squeeze %dma_start3A_534 : memref<1x64xf32, #tpu.memory_space<vmem>> -> memref<64xf32, #tpu.memory_space<vmem>>
      %dma_start3A_536 = arith.constant 0 : i32
      %dma_start3A_537 = tpu.memref_slice %arg2[%shift_right_arithmetic3A_522, %and3A_524, %dma_start3A_536] : memref<125000x8x64xf32, #tpu.memory_space<hbm>> -> memref<1x1x64xf32, #tpu.memory_space<hbm>>
      %dma_start3A_538 = tpu.memref_squeeze %dma_start3A_537 : memref<1x1x64xf32, #tpu.memory_space<hbm>> -> memref<64xf32, #tpu.memory_space<hbm>>
      %dma_start3A_539 = arith.constant 0 : i32
      %dma_start3A_540 = arith.constant 0 : i32
      %dma_start3A_541 = tpu.memref_slice %arg6[%scan3A_142, %dma_start3A_539, %dma_start3A_540] : memref<2x128x64xf32, #tpu.memory_space<vmem>> -> memref<1x128x64xf32, #tpu.memory_space<vmem>>
      %dma_start3A_542 = tpu.memref_squeeze %dma_start3A_541 : memref<1x128x64xf32, #tpu.memory_space<vmem>> -> memref<128x64xf32, #tpu.memory_space<vmem>>
      %dma_start3A_543 = arith.constant 0 : i32
      %dma_start3A_544 = tpu.memref_slice %dma_start3A_542[%add3A_528, %dma_start3A_543] : memref<128x64xf32, #tpu.memory_space<vmem>> -> memref<1x64xf32, #tpu.memory_space<vmem>>
      %dma_start3A_545 = tpu.memref_squeeze %dma_start3A_544 : memref<1x64xf32, #tpu.memory_space<vmem>> -> memref<64xf32, #tpu.memory_space<vmem>>
      %dma_start3A_546 = arith.constant 0 : i32
      %dma_start3A_547 = tpu.memref_slice %arg2[%shift_right_arithmetic3A_522, %and3A_524, %dma_start3A_546] : memref<125000x8x64xf32, #tpu.memory_space<hbm>> -> memref<1x1x64xf32, #tpu.memory_space<hbm>>
      %dma_start3A_548 = tpu.memref_squeeze %dma_start3A_547 : memref<1x1x64xf32, #tpu.memory_space<hbm>> -> memref<64xf32, #tpu.memory_space<hbm>>
      tpu.enqueue_dma source(%dma_start3A_548 : memref<64xf32, #tpu.memory_space<hbm>>) target(%dma_start3A_545 : memref<64xf32, #tpu.memory_space<vmem>>) target_semaphore(%arg7 : memref<!tpu.dma_semaphore, #tpu.memory_space<semaphore_mem>>)
      %eq3A_549 = arith.constant 9 : i32
      %eq3A_550 = vector.broadcast %eq3A_549 : i32 to vector<16xi32>
      %eq3A_551 = arith.cmpi eq, %iota3A, %eq3A_550 : vector<16xi32>
      %jit3A_552 = arith.constant 0 : i32
      %broadcast_in_dim3A_553 = vector.broadcast %jit3A_552 : i32 to vector<16xi32>
      %select_n3A_554 = arith.select %eq3A_551, %get3A_213, %broadcast_in_dim3A_553 : vector<16xi1>, vector<16xi32>
      %reduce_sum3A_555 = arith.constant true
      %reduce_sum3A_556 = vector.broadcast %reduce_sum3A_555 : i1 to vector<16xi1>
      %reduce_sum3A_557 = tpu.scan <sum>, %select_n3A_554 masked %reduce_sum3A_556 : vector<16xi32>, vector<16xi1> -> vector<16xi32>
      %reduce_sum3A_558 = vector.extract %reduce_sum3A_557[15] : i32 from vector<16xi32>
      %shift_right_arithmetic3A_559 = arith.constant 3 : i32
      %shift_right_arithmetic3A_560 = arith.shrsi %reduce_sum3A_558, %shift_right_arithmetic3A_559 : i32
      %and3A_561 = arith.constant 7 : i32
      %and3A_562 = arith.andi %reduce_sum3A_558, %and3A_561 : i32
      %mul3A_563 = arith.constant 16 : i32
      %mul3A_564 = arith.muli %scan3A_208, %mul3A_563 : i32
      %add3A_565 = arith.constant 9 : i32
      %add3A_566 = arith.addi %mul3A_564, %add3A_565 : i32
      %dma_start3A_567 = arith.constant 0 : i32
      %dma_start3A_568 = arith.constant 0 : i32
      %dma_start3A_569 = tpu.memref_slice %arg6[%scan3A_142, %dma_start3A_567, %dma_start3A_568] : memref<2x128x64xf32, #tpu.memory_space<vmem>> -> memref<1x128x64xf32, #tpu.memory_space<vmem>>
      %dma_start3A_570 = tpu.memref_squeeze %dma_start3A_569 : memref<1x128x64xf32, #tpu.memory_space<vmem>> -> memref<128x64xf32, #tpu.memory_space<vmem>>
      %dma_start3A_571 = arith.constant 0 : i32
      %dma_start3A_572 = tpu.memref_slice %dma_start3A_570[%add3A_566, %dma_start3A_571] : memref<128x64xf32, #tpu.memory_space<vmem>> -> memref<1x64xf32, #tpu.memory_space<vmem>>
      %dma_start3A_573 = tpu.memref_squeeze %dma_start3A_572 : memref<1x64xf32, #tpu.memory_space<vmem>> -> memref<64xf32, #tpu.memory_space<vmem>>
      %dma_start3A_574 = arith.constant 0 : i32
      %dma_start3A_575 = tpu.memref_slice %arg2[%shift_right_arithmetic3A_560, %and3A_562, %dma_start3A_574] : memref<125000x8x64xf32, #tpu.memory_space<hbm>> -> memref<1x1x64xf32, #tpu.memory_space<hbm>>
      %dma_start3A_576 = tpu.memref_squeeze %dma_start3A_575 : memref<1x1x64xf32, #tpu.memory_space<hbm>> -> memref<64xf32, #tpu.memory_space<hbm>>
      %dma_start3A_577 = arith.constant 0 : i32
      %dma_start3A_578 = arith.constant 0 : i32
      %dma_start3A_579 = tpu.memref_slice %arg6[%scan3A_142, %dma_start3A_577, %dma_start3A_578] : memref<2x128x64xf32, #tpu.memory_space<vmem>> -> memref<1x128x64xf32, #tpu.memory_space<vmem>>
      %dma_start3A_580 = tpu.memref_squeeze %dma_start3A_579 : memref<1x128x64xf32, #tpu.memory_space<vmem>> -> memref<128x64xf32, #tpu.memory_space<vmem>>
      %dma_start3A_581 = arith.constant 0 : i32
      %dma_start3A_582 = tpu.memref_slice %dma_start3A_580[%add3A_566, %dma_start3A_581] : memref<128x64xf32, #tpu.memory_space<vmem>> -> memref<1x64xf32, #tpu.memory_space<vmem>>
      %dma_start3A_583 = tpu.memref_squeeze %dma_start3A_582 : memref<1x64xf32, #tpu.memory_space<vmem>> -> memref<64xf32, #tpu.memory_space<vmem>>
      %dma_start3A_584 = arith.constant 0 : i32
      %dma_start3A_585 = tpu.memref_slice %arg2[%shift_right_arithmetic3A_560, %and3A_562, %dma_start3A_584] : memref<125000x8x64xf32, #tpu.memory_space<hbm>> -> memref<1x1x64xf32, #tpu.memory_space<hbm>>
      %dma_start3A_586 = tpu.memref_squeeze %dma_start3A_585 : memref<1x1x64xf32, #tpu.memory_space<hbm>> -> memref<64xf32, #tpu.memory_space<hbm>>
      tpu.enqueue_dma source(%dma_start3A_586 : memref<64xf32, #tpu.memory_space<hbm>>) target(%dma_start3A_583 : memref<64xf32, #tpu.memory_space<vmem>>) target_semaphore(%arg7 : memref<!tpu.dma_semaphore, #tpu.memory_space<semaphore_mem>>)
      %eq3A_587 = arith.constant 10 : i32
      %eq3A_588 = vector.broadcast %eq3A_587 : i32 to vector<16xi32>
      %eq3A_589 = arith.cmpi eq, %iota3A, %eq3A_588 : vector<16xi32>
      %jit3A_590 = arith.constant 0 : i32
      %broadcast_in_dim3A_591 = vector.broadcast %jit3A_590 : i32 to vector<16xi32>
      %select_n3A_592 = arith.select %eq3A_589, %get3A_213, %broadcast_in_dim3A_591 : vector<16xi1>, vector<16xi32>
      %reduce_sum3A_593 = arith.constant true
      %reduce_sum3A_594 = vector.broadcast %reduce_sum3A_593 : i1 to vector<16xi1>
      %reduce_sum3A_595 = tpu.scan <sum>, %select_n3A_592 masked %reduce_sum3A_594 : vector<16xi32>, vector<16xi1> -> vector<16xi32>
      %reduce_sum3A_596 = vector.extract %reduce_sum3A_595[15] : i32 from vector<16xi32>
      %shift_right_arithmetic3A_597 = arith.constant 3 : i32
      %shift_right_arithmetic3A_598 = arith.shrsi %reduce_sum3A_596, %shift_right_arithmetic3A_597 : i32
      %and3A_599 = arith.constant 7 : i32
      %and3A_600 = arith.andi %reduce_sum3A_596, %and3A_599 : i32
      %mul3A_601 = arith.constant 16 : i32
      %mul3A_602 = arith.muli %scan3A_208, %mul3A_601 : i32
      %add3A_603 = arith.constant 10 : i32
      %add3A_604 = arith.addi %mul3A_602, %add3A_603 : i32
      %dma_start3A_605 = arith.constant 0 : i32
      %dma_start3A_606 = arith.constant 0 : i32
      %dma_start3A_607 = tpu.memref_slice %arg6[%scan3A_142, %dma_start3A_605, %dma_start3A_606] : memref<2x128x64xf32, #tpu.memory_space<vmem>> -> memref<1x128x64xf32, #tpu.memory_space<vmem>>
      %dma_start3A_608 = tpu.memref_squeeze %dma_start3A_607 : memref<1x128x64xf32, #tpu.memory_space<vmem>> -> memref<128x64xf32, #tpu.memory_space<vmem>>
      %dma_start3A_609 = arith.constant 0 : i32
      %dma_start3A_610 = tpu.memref_slice %dma_start3A_608[%add3A_604, %dma_start3A_609] : memref<128x64xf32, #tpu.memory_space<vmem>> -> memref<1x64xf32, #tpu.memory_space<vmem>>
      %dma_start3A_611 = tpu.memref_squeeze %dma_start3A_610 : memref<1x64xf32, #tpu.memory_space<vmem>> -> memref<64xf32, #tpu.memory_space<vmem>>
      %dma_start3A_612 = arith.constant 0 : i32
      %dma_start3A_613 = tpu.memref_slice %arg2[%shift_right_arithmetic3A_598, %and3A_600, %dma_start3A_612] : memref<125000x8x64xf32, #tpu.memory_space<hbm>> -> memref<1x1x64xf32, #tpu.memory_space<hbm>>
      %dma_start3A_614 = tpu.memref_squeeze %dma_start3A_613 : memref<1x1x64xf32, #tpu.memory_space<hbm>> -> memref<64xf32, #tpu.memory_space<hbm>>
      %dma_start3A_615 = arith.constant 0 : i32
      %dma_start3A_616 = arith.constant 0 : i32
      %dma_start3A_617 = tpu.memref_slice %arg6[%scan3A_142, %dma_start3A_615, %dma_start3A_616] : memref<2x128x64xf32, #tpu.memory_space<vmem>> -> memref<1x128x64xf32, #tpu.memory_space<vmem>>
      %dma_start3A_618 = tpu.memref_squeeze %dma_start3A_617 : memref<1x128x64xf32, #tpu.memory_space<vmem>> -> memref<128x64xf32, #tpu.memory_space<vmem>>
      %dma_start3A_619 = arith.constant 0 : i32
      %dma_start3A_620 = tpu.memref_slice %dma_start3A_618[%add3A_604, %dma_start3A_619] : memref<128x64xf32, #tpu.memory_space<vmem>> -> memref<1x64xf32, #tpu.memory_space<vmem>>
      %dma_start3A_621 = tpu.memref_squeeze %dma_start3A_620 : memref<1x64xf32, #tpu.memory_space<vmem>> -> memref<64xf32, #tpu.memory_space<vmem>>
      %dma_start3A_622 = arith.constant 0 : i32
      %dma_start3A_623 = tpu.memref_slice %arg2[%shift_right_arithmetic3A_598, %and3A_600, %dma_start3A_622] : memref<125000x8x64xf32, #tpu.memory_space<hbm>> -> memref<1x1x64xf32, #tpu.memory_space<hbm>>
      %dma_start3A_624 = tpu.memref_squeeze %dma_start3A_623 : memref<1x1x64xf32, #tpu.memory_space<hbm>> -> memref<64xf32, #tpu.memory_space<hbm>>
      tpu.enqueue_dma source(%dma_start3A_624 : memref<64xf32, #tpu.memory_space<hbm>>) target(%dma_start3A_621 : memref<64xf32, #tpu.memory_space<vmem>>) target_semaphore(%arg7 : memref<!tpu.dma_semaphore, #tpu.memory_space<semaphore_mem>>)
      %eq3A_625 = arith.constant 11 : i32
      %eq3A_626 = vector.broadcast %eq3A_625 : i32 to vector<16xi32>
      %eq3A_627 = arith.cmpi eq, %iota3A, %eq3A_626 : vector<16xi32>
      %jit3A_628 = arith.constant 0 : i32
      %broadcast_in_dim3A_629 = vector.broadcast %jit3A_628 : i32 to vector<16xi32>
      %select_n3A_630 = arith.select %eq3A_627, %get3A_213, %broadcast_in_dim3A_629 : vector<16xi1>, vector<16xi32>
      %reduce_sum3A_631 = arith.constant true
      %reduce_sum3A_632 = vector.broadcast %reduce_sum3A_631 : i1 to vector<16xi1>
      %reduce_sum3A_633 = tpu.scan <sum>, %select_n3A_630 masked %reduce_sum3A_632 : vector<16xi32>, vector<16xi1> -> vector<16xi32>
      %reduce_sum3A_634 = vector.extract %reduce_sum3A_633[15] : i32 from vector<16xi32>
      %shift_right_arithmetic3A_635 = arith.constant 3 : i32
      %shift_right_arithmetic3A_636 = arith.shrsi %reduce_sum3A_634, %shift_right_arithmetic3A_635 : i32
      %and3A_637 = arith.constant 7 : i32
      %and3A_638 = arith.andi %reduce_sum3A_634, %and3A_637 : i32
      %mul3A_639 = arith.constant 16 : i32
      %mul3A_640 = arith.muli %scan3A_208, %mul3A_639 : i32
      %add3A_641 = arith.constant 11 : i32
      %add3A_642 = arith.addi %mul3A_640, %add3A_641 : i32
      %dma_start3A_643 = arith.constant 0 : i32
      %dma_start3A_644 = arith.constant 0 : i32
      %dma_start3A_645 = tpu.memref_slice %arg6[%scan3A_142, %dma_start3A_643, %dma_start3A_644] : memref<2x128x64xf32, #tpu.memory_space<vmem>> -> memref<1x128x64xf32, #tpu.memory_space<vmem>>
      %dma_start3A_646 = tpu.memref_squeeze %dma_start3A_645 : memref<1x128x64xf32, #tpu.memory_space<vmem>> -> memref<128x64xf32, #tpu.memory_space<vmem>>
      %dma_start3A_647 = arith.constant 0 : i32
      %dma_start3A_648 = tpu.memref_slice %dma_start3A_646[%add3A_642, %dma_start3A_647] : memref<128x64xf32, #tpu.memory_space<vmem>> -> memref<1x64xf32, #tpu.memory_space<vmem>>
      %dma_start3A_649 = tpu.memref_squeeze %dma_start3A_648 : memref<1x64xf32, #tpu.memory_space<vmem>> -> memref<64xf32, #tpu.memory_space<vmem>>
      %dma_start3A_650 = arith.constant 0 : i32
      %dma_start3A_651 = tpu.memref_slice %arg2[%shift_right_arithmetic3A_636, %and3A_638, %dma_start3A_650] : memref<125000x8x64xf32, #tpu.memory_space<hbm>> -> memref<1x1x64xf32, #tpu.memory_space<hbm>>
      %dma_start3A_652 = tpu.memref_squeeze %dma_start3A_651 : memref<1x1x64xf32, #tpu.memory_space<hbm>> -> memref<64xf32, #tpu.memory_space<hbm>>
      %dma_start3A_653 = arith.constant 0 : i32
      %dma_start3A_654 = arith.constant 0 : i32
      %dma_start3A_655 = tpu.memref_slice %arg6[%scan3A_142, %dma_start3A_653, %dma_start3A_654] : memref<2x128x64xf32, #tpu.memory_space<vmem>> -> memref<1x128x64xf32, #tpu.memory_space<vmem>>
      %dma_start3A_656 = tpu.memref_squeeze %dma_start3A_655 : memref<1x128x64xf32, #tpu.memory_space<vmem>> -> memref<128x64xf32, #tpu.memory_space<vmem>>
      %dma_start3A_657 = arith.constant 0 : i32
      %dma_start3A_658 = tpu.memref_slice %dma_start3A_656[%add3A_642, %dma_start3A_657] : memref<128x64xf32, #tpu.memory_space<vmem>> -> memref<1x64xf32, #tpu.memory_space<vmem>>
      %dma_start3A_659 = tpu.memref_squeeze %dma_start3A_658 : memref<1x64xf32, #tpu.memory_space<vmem>> -> memref<64xf32, #tpu.memory_space<vmem>>
      %dma_start3A_660 = arith.constant 0 : i32
      %dma_start3A_661 = tpu.memref_slice %arg2[%shift_right_arithmetic3A_636, %and3A_638, %dma_start3A_660] : memref<125000x8x64xf32, #tpu.memory_space<hbm>> -> memref<1x1x64xf32, #tpu.memory_space<hbm>>
      %dma_start3A_662 = tpu.memref_squeeze %dma_start3A_661 : memref<1x1x64xf32, #tpu.memory_space<hbm>> -> memref<64xf32, #tpu.memory_space<hbm>>
      tpu.enqueue_dma source(%dma_start3A_662 : memref<64xf32, #tpu.memory_space<hbm>>) target(%dma_start3A_659 : memref<64xf32, #tpu.memory_space<vmem>>) target_semaphore(%arg7 : memref<!tpu.dma_semaphore, #tpu.memory_space<semaphore_mem>>)
      %eq3A_663 = arith.constant 12 : i32
      %eq3A_664 = vector.broadcast %eq3A_663 : i32 to vector<16xi32>
      %eq3A_665 = arith.cmpi eq, %iota3A, %eq3A_664 : vector<16xi32>
      %jit3A_666 = arith.constant 0 : i32
      %broadcast_in_dim3A_667 = vector.broadcast %jit3A_666 : i32 to vector<16xi32>
      %select_n3A_668 = arith.select %eq3A_665, %get3A_213, %broadcast_in_dim3A_667 : vector<16xi1>, vector<16xi32>
      %reduce_sum3A_669 = arith.constant true
      %reduce_sum3A_670 = vector.broadcast %reduce_sum3A_669 : i1 to vector<16xi1>
      %reduce_sum3A_671 = tpu.scan <sum>, %select_n3A_668 masked %reduce_sum3A_670 : vector<16xi32>, vector<16xi1> -> vector<16xi32>
      %reduce_sum3A_672 = vector.extract %reduce_sum3A_671[15] : i32 from vector<16xi32>
      %shift_right_arithmetic3A_673 = arith.constant 3 : i32
      %shift_right_arithmetic3A_674 = arith.shrsi %reduce_sum3A_672, %shift_right_arithmetic3A_673 : i32
      %and3A_675 = arith.constant 7 : i32
      %and3A_676 = arith.andi %reduce_sum3A_672, %and3A_675 : i32
      %mul3A_677 = arith.constant 16 : i32
      %mul3A_678 = arith.muli %scan3A_208, %mul3A_677 : i32
      %add3A_679 = arith.constant 12 : i32
      %add3A_680 = arith.addi %mul3A_678, %add3A_679 : i32
      %dma_start3A_681 = arith.constant 0 : i32
      %dma_start3A_682 = arith.constant 0 : i32
      %dma_start3A_683 = tpu.memref_slice %arg6[%scan3A_142, %dma_start3A_681, %dma_start3A_682] : memref<2x128x64xf32, #tpu.memory_space<vmem>> -> memref<1x128x64xf32, #tpu.memory_space<vmem>>
      %dma_start3A_684 = tpu.memref_squeeze %dma_start3A_683 : memref<1x128x64xf32, #tpu.memory_space<vmem>> -> memref<128x64xf32, #tpu.memory_space<vmem>>
      %dma_start3A_685 = arith.constant 0 : i32
      %dma_start3A_686 = tpu.memref_slice %dma_start3A_684[%add3A_680, %dma_start3A_685] : memref<128x64xf32, #tpu.memory_space<vmem>> -> memref<1x64xf32, #tpu.memory_space<vmem>>
      %dma_start3A_687 = tpu.memref_squeeze %dma_start3A_686 : memref<1x64xf32, #tpu.memory_space<vmem>> -> memref<64xf32, #tpu.memory_space<vmem>>
      %dma_start3A_688 = arith.constant 0 : i32
      %dma_start3A_689 = tpu.memref_slice %arg2[%shift_right_arithmetic3A_674, %and3A_676, %dma_start3A_688] : memref<125000x8x64xf32, #tpu.memory_space<hbm>> -> memref<1x1x64xf32, #tpu.memory_space<hbm>>
      %dma_start3A_690 = tpu.memref_squeeze %dma_start3A_689 : memref<1x1x64xf32, #tpu.memory_space<hbm>> -> memref<64xf32, #tpu.memory_space<hbm>>
      %dma_start3A_691 = arith.constant 0 : i32
      %dma_start3A_692 = arith.constant 0 : i32
      %dma_start3A_693 = tpu.memref_slice %arg6[%scan3A_142, %dma_start3A_691, %dma_start3A_692] : memref<2x128x64xf32, #tpu.memory_space<vmem>> -> memref<1x128x64xf32, #tpu.memory_space<vmem>>
      %dma_start3A_694 = tpu.memref_squeeze %dma_start3A_693 : memref<1x128x64xf32, #tpu.memory_space<vmem>> -> memref<128x64xf32, #tpu.memory_space<vmem>>
      %dma_start3A_695 = arith.constant 0 : i32
      %dma_start3A_696 = tpu.memref_slice %dma_start3A_694[%add3A_680, %dma_start3A_695] : memref<128x64xf32, #tpu.memory_space<vmem>> -> memref<1x64xf32, #tpu.memory_space<vmem>>
      %dma_start3A_697 = tpu.memref_squeeze %dma_start3A_696 : memref<1x64xf32, #tpu.memory_space<vmem>> -> memref<64xf32, #tpu.memory_space<vmem>>
      %dma_start3A_698 = arith.constant 0 : i32
      %dma_start3A_699 = tpu.memref_slice %arg2[%shift_right_arithmetic3A_674, %and3A_676, %dma_start3A_698] : memref<125000x8x64xf32, #tpu.memory_space<hbm>> -> memref<1x1x64xf32, #tpu.memory_space<hbm>>
      %dma_start3A_700 = tpu.memref_squeeze %dma_start3A_699 : memref<1x1x64xf32, #tpu.memory_space<hbm>> -> memref<64xf32, #tpu.memory_space<hbm>>
      tpu.enqueue_dma source(%dma_start3A_700 : memref<64xf32, #tpu.memory_space<hbm>>) target(%dma_start3A_697 : memref<64xf32, #tpu.memory_space<vmem>>) target_semaphore(%arg7 : memref<!tpu.dma_semaphore, #tpu.memory_space<semaphore_mem>>)
      %eq3A_701 = arith.constant 13 : i32
      %eq3A_702 = vector.broadcast %eq3A_701 : i32 to vector<16xi32>
      %eq3A_703 = arith.cmpi eq, %iota3A, %eq3A_702 : vector<16xi32>
      %jit3A_704 = arith.constant 0 : i32
      %broadcast_in_dim3A_705 = vector.broadcast %jit3A_704 : i32 to vector<16xi32>
      %select_n3A_706 = arith.select %eq3A_703, %get3A_213, %broadcast_in_dim3A_705 : vector<16xi1>, vector<16xi32>
      %reduce_sum3A_707 = arith.constant true
      %reduce_sum3A_708 = vector.broadcast %reduce_sum3A_707 : i1 to vector<16xi1>
      %reduce_sum3A_709 = tpu.scan <sum>, %select_n3A_706 masked %reduce_sum3A_708 : vector<16xi32>, vector<16xi1> -> vector<16xi32>
      %reduce_sum3A_710 = vector.extract %reduce_sum3A_709[15] : i32 from vector<16xi32>
      %shift_right_arithmetic3A_711 = arith.constant 3 : i32
      %shift_right_arithmetic3A_712 = arith.shrsi %reduce_sum3A_710, %shift_right_arithmetic3A_711 : i32
      %and3A_713 = arith.constant 7 : i32
      %and3A_714 = arith.andi %reduce_sum3A_710, %and3A_713 : i32
      %mul3A_715 = arith.constant 16 : i32
      %mul3A_716 = arith.muli %scan3A_208, %mul3A_715 : i32
      %add3A_717 = arith.constant 13 : i32
      %add3A_718 = arith.addi %mul3A_716, %add3A_717 : i32
      %dma_start3A_719 = arith.constant 0 : i32
      %dma_start3A_720 = arith.constant 0 : i32
      %dma_start3A_721 = tpu.memref_slice %arg6[%scan3A_142, %dma_start3A_719, %dma_start3A_720] : memref<2x128x64xf32, #tpu.memory_space<vmem>> -> memref<1x128x64xf32, #tpu.memory_space<vmem>>
      %dma_start3A_722 = tpu.memref_squeeze %dma_start3A_721 : memref<1x128x64xf32, #tpu.memory_space<vmem>> -> memref<128x64xf32, #tpu.memory_space<vmem>>
      %dma_start3A_723 = arith.constant 0 : i32
      %dma_start3A_724 = tpu.memref_slice %dma_start3A_722[%add3A_718, %dma_start3A_723] : memref<128x64xf32, #tpu.memory_space<vmem>> -> memref<1x64xf32, #tpu.memory_space<vmem>>
      %dma_start3A_725 = tpu.memref_squeeze %dma_start3A_724 : memref<1x64xf32, #tpu.memory_space<vmem>> -> memref<64xf32, #tpu.memory_space<vmem>>
      %dma_start3A_726 = arith.constant 0 : i32
      %dma_start3A_727 = tpu.memref_slice %arg2[%shift_right_arithmetic3A_712, %and3A_714, %dma_start3A_726] : memref<125000x8x64xf32, #tpu.memory_space<hbm>> -> memref<1x1x64xf32, #tpu.memory_space<hbm>>
      %dma_start3A_728 = tpu.memref_squeeze %dma_start3A_727 : memref<1x1x64xf32, #tpu.memory_space<hbm>> -> memref<64xf32, #tpu.memory_space<hbm>>
      %dma_start3A_729 = arith.constant 0 : i32
      %dma_start3A_730 = arith.constant 0 : i32
      %dma_start3A_731 = tpu.memref_slice %arg6[%scan3A_142, %dma_start3A_729, %dma_start3A_730] : memref<2x128x64xf32, #tpu.memory_space<vmem>> -> memref<1x128x64xf32, #tpu.memory_space<vmem>>
      %dma_start3A_732 = tpu.memref_squeeze %dma_start3A_731 : memref<1x128x64xf32, #tpu.memory_space<vmem>> -> memref<128x64xf32, #tpu.memory_space<vmem>>
      %dma_start3A_733 = arith.constant 0 : i32
      %dma_start3A_734 = tpu.memref_slice %dma_start3A_732[%add3A_718, %dma_start3A_733] : memref<128x64xf32, #tpu.memory_space<vmem>> -> memref<1x64xf32, #tpu.memory_space<vmem>>
      %dma_start3A_735 = tpu.memref_squeeze %dma_start3A_734 : memref<1x64xf32, #tpu.memory_space<vmem>> -> memref<64xf32, #tpu.memory_space<vmem>>
      %dma_start3A_736 = arith.constant 0 : i32
      %dma_start3A_737 = tpu.memref_slice %arg2[%shift_right_arithmetic3A_712, %and3A_714, %dma_start3A_736] : memref<125000x8x64xf32, #tpu.memory_space<hbm>> -> memref<1x1x64xf32, #tpu.memory_space<hbm>>
      %dma_start3A_738 = tpu.memref_squeeze %dma_start3A_737 : memref<1x1x64xf32, #tpu.memory_space<hbm>> -> memref<64xf32, #tpu.memory_space<hbm>>
      tpu.enqueue_dma source(%dma_start3A_738 : memref<64xf32, #tpu.memory_space<hbm>>) target(%dma_start3A_735 : memref<64xf32, #tpu.memory_space<vmem>>) target_semaphore(%arg7 : memref<!tpu.dma_semaphore, #tpu.memory_space<semaphore_mem>>)
      %eq3A_739 = arith.constant 14 : i32
      %eq3A_740 = vector.broadcast %eq3A_739 : i32 to vector<16xi32>
      %eq3A_741 = arith.cmpi eq, %iota3A, %eq3A_740 : vector<16xi32>
      %jit3A_742 = arith.constant 0 : i32
      %broadcast_in_dim3A_743 = vector.broadcast %jit3A_742 : i32 to vector<16xi32>
      %select_n3A_744 = arith.select %eq3A_741, %get3A_213, %broadcast_in_dim3A_743 : vector<16xi1>, vector<16xi32>
      %reduce_sum3A_745 = arith.constant true
      %reduce_sum3A_746 = vector.broadcast %reduce_sum3A_745 : i1 to vector<16xi1>
      %reduce_sum3A_747 = tpu.scan <sum>, %select_n3A_744 masked %reduce_sum3A_746 : vector<16xi32>, vector<16xi1> -> vector<16xi32>
      %reduce_sum3A_748 = vector.extract %reduce_sum3A_747[15] : i32 from vector<16xi32>
      %shift_right_arithmetic3A_749 = arith.constant 3 : i32
      %shift_right_arithmetic3A_750 = arith.shrsi %reduce_sum3A_748, %shift_right_arithmetic3A_749 : i32
      %and3A_751 = arith.constant 7 : i32
      %and3A_752 = arith.andi %reduce_sum3A_748, %and3A_751 : i32
      %mul3A_753 = arith.constant 16 : i32
      %mul3A_754 = arith.muli %scan3A_208, %mul3A_753 : i32
      %add3A_755 = arith.constant 14 : i32
      %add3A_756 = arith.addi %mul3A_754, %add3A_755 : i32
      %dma_start3A_757 = arith.constant 0 : i32
      %dma_start3A_758 = arith.constant 0 : i32
      %dma_start3A_759 = tpu.memref_slice %arg6[%scan3A_142, %dma_start3A_757, %dma_start3A_758] : memref<2x128x64xf32, #tpu.memory_space<vmem>> -> memref<1x128x64xf32, #tpu.memory_space<vmem>>
      %dma_start3A_760 = tpu.memref_squeeze %dma_start3A_759 : memref<1x128x64xf32, #tpu.memory_space<vmem>> -> memref<128x64xf32, #tpu.memory_space<vmem>>
      %dma_start3A_761 = arith.constant 0 : i32
      %dma_start3A_762 = tpu.memref_slice %dma_start3A_760[%add3A_756, %dma_start3A_761] : memref<128x64xf32, #tpu.memory_space<vmem>> -> memref<1x64xf32, #tpu.memory_space<vmem>>
      %dma_start3A_763 = tpu.memref_squeeze %dma_start3A_762 : memref<1x64xf32, #tpu.memory_space<vmem>> -> memref<64xf32, #tpu.memory_space<vmem>>
      %dma_start3A_764 = arith.constant 0 : i32
      %dma_start3A_765 = tpu.memref_slice %arg2[%shift_right_arithmetic3A_750, %and3A_752, %dma_start3A_764] : memref<125000x8x64xf32, #tpu.memory_space<hbm>> -> memref<1x1x64xf32, #tpu.memory_space<hbm>>
      %dma_start3A_766 = tpu.memref_squeeze %dma_start3A_765 : memref<1x1x64xf32, #tpu.memory_space<hbm>> -> memref<64xf32, #tpu.memory_space<hbm>>
      %dma_start3A_767 = arith.constant 0 : i32
      %dma_start3A_768 = arith.constant 0 : i32
      %dma_start3A_769 = tpu.memref_slice %arg6[%scan3A_142, %dma_start3A_767, %dma_start3A_768] : memref<2x128x64xf32, #tpu.memory_space<vmem>> -> memref<1x128x64xf32, #tpu.memory_space<vmem>>
      %dma_start3A_770 = tpu.memref_squeeze %dma_start3A_769 : memref<1x128x64xf32, #tpu.memory_space<vmem>> -> memref<128x64xf32, #tpu.memory_space<vmem>>
      %dma_start3A_771 = arith.constant 0 : i32
      %dma_start3A_772 = tpu.memref_slice %dma_start3A_770[%add3A_756, %dma_start3A_771] : memref<128x64xf32, #tpu.memory_space<vmem>> -> memref<1x64xf32, #tpu.memory_space<vmem>>
      %dma_start3A_773 = tpu.memref_squeeze %dma_start3A_772 : memref<1x64xf32, #tpu.memory_space<vmem>> -> memref<64xf32, #tpu.memory_space<vmem>>
      %dma_start3A_774 = arith.constant 0 : i32
      %dma_start3A_775 = tpu.memref_slice %arg2[%shift_right_arithmetic3A_750, %and3A_752, %dma_start3A_774] : memref<125000x8x64xf32, #tpu.memory_space<hbm>> -> memref<1x1x64xf32, #tpu.memory_space<hbm>>
      %dma_start3A_776 = tpu.memref_squeeze %dma_start3A_775 : memref<1x1x64xf32, #tpu.memory_space<hbm>> -> memref<64xf32, #tpu.memory_space<hbm>>
      tpu.enqueue_dma source(%dma_start3A_776 : memref<64xf32, #tpu.memory_space<hbm>>) target(%dma_start3A_773 : memref<64xf32, #tpu.memory_space<vmem>>) target_semaphore(%arg7 : memref<!tpu.dma_semaphore, #tpu.memory_space<semaphore_mem>>)
      %eq3A_777 = arith.constant 15 : i32
      %eq3A_778 = vector.broadcast %eq3A_777 : i32 to vector<16xi32>
      %eq3A_779 = arith.cmpi eq, %iota3A, %eq3A_778 : vector<16xi32>
      %jit3A_780 = arith.constant 0 : i32
      %broadcast_in_dim3A_781 = vector.broadcast %jit3A_780 : i32 to vector<16xi32>
      %select_n3A_782 = arith.select %eq3A_779, %get3A_213, %broadcast_in_dim3A_781 : vector<16xi1>, vector<16xi32>
      %reduce_sum3A_783 = arith.constant true
      %reduce_sum3A_784 = vector.broadcast %reduce_sum3A_783 : i1 to vector<16xi1>
      %reduce_sum3A_785 = tpu.scan <sum>, %select_n3A_782 masked %reduce_sum3A_784 : vector<16xi32>, vector<16xi1> -> vector<16xi32>
      %reduce_sum3A_786 = vector.extract %reduce_sum3A_785[15] : i32 from vector<16xi32>
      %shift_right_arithmetic3A_787 = arith.constant 3 : i32
      %shift_right_arithmetic3A_788 = arith.shrsi %reduce_sum3A_786, %shift_right_arithmetic3A_787 : i32
      %and3A_789 = arith.constant 7 : i32
      %and3A_790 = arith.andi %reduce_sum3A_786, %and3A_789 : i32
      %mul3A_791 = arith.constant 16 : i32
      %mul3A_792 = arith.muli %scan3A_208, %mul3A_791 : i32
      %add3A_793 = arith.constant 15 : i32
      %add3A_794 = arith.addi %mul3A_792, %add3A_793 : i32
      %dma_start3A_795 = arith.constant 0 : i32
      %dma_start3A_796 = arith.constant 0 : i32
      %dma_start3A_797 = tpu.memref_slice %arg6[%scan3A_142, %dma_start3A_795, %dma_start3A_796] : memref<2x128x64xf32, #tpu.memory_space<vmem>> -> memref<1x128x64xf32, #tpu.memory_space<vmem>>
      %dma_start3A_798 = tpu.memref_squeeze %dma_start3A_797 : memref<1x128x64xf32, #tpu.memory_space<vmem>> -> memref<128x64xf32, #tpu.memory_space<vmem>>
      %dma_start3A_799 = arith.constant 0 : i32
      %dma_start3A_800 = tpu.memref_slice %dma_start3A_798[%add3A_794, %dma_start3A_799] : memref<128x64xf32, #tpu.memory_space<vmem>> -> memref<1x64xf32, #tpu.memory_space<vmem>>
      %dma_start3A_801 = tpu.memref_squeeze %dma_start3A_800 : memref<1x64xf32, #tpu.memory_space<vmem>> -> memref<64xf32, #tpu.memory_space<vmem>>
      %dma_start3A_802 = arith.constant 0 : i32
      %dma_start3A_803 = tpu.memref_slice %arg2[%shift_right_arithmetic3A_788, %and3A_790, %dma_start3A_802] : memref<125000x8x64xf32, #tpu.memory_space<hbm>> -> memref<1x1x64xf32, #tpu.memory_space<hbm>>
      %dma_start3A_804 = tpu.memref_squeeze %dma_start3A_803 : memref<1x1x64xf32, #tpu.memory_space<hbm>> -> memref<64xf32, #tpu.memory_space<hbm>>
      %dma_start3A_805 = arith.constant 0 : i32
      %dma_start3A_806 = arith.constant 0 : i32
      %dma_start3A_807 = tpu.memref_slice %arg6[%scan3A_142, %dma_start3A_805, %dma_start3A_806] : memref<2x128x64xf32, #tpu.memory_space<vmem>> -> memref<1x128x64xf32, #tpu.memory_space<vmem>>
      %dma_start3A_808 = tpu.memref_squeeze %dma_start3A_807 : memref<1x128x64xf32, #tpu.memory_space<vmem>> -> memref<128x64xf32, #tpu.memory_space<vmem>>
      %dma_start3A_809 = arith.constant 0 : i32
      %dma_start3A_810 = tpu.memref_slice %dma_start3A_808[%add3A_794, %dma_start3A_809] : memref<128x64xf32, #tpu.memory_space<vmem>> -> memref<1x64xf32, #tpu.memory_space<vmem>>
      %dma_start3A_811 = tpu.memref_squeeze %dma_start3A_810 : memref<1x64xf32, #tpu.memory_space<vmem>> -> memref<64xf32, #tpu.memory_space<vmem>>
      %dma_start3A_812 = arith.constant 0 : i32
      %dma_start3A_813 = tpu.memref_slice %arg2[%shift_right_arithmetic3A_788, %and3A_790, %dma_start3A_812] : memref<125000x8x64xf32, #tpu.memory_space<hbm>> -> memref<1x1x64xf32, #tpu.memory_space<hbm>>
      %dma_start3A_814 = tpu.memref_squeeze %dma_start3A_813 : memref<1x1x64xf32, #tpu.memory_space<hbm>> -> memref<64xf32, #tpu.memory_space<hbm>>
      tpu.enqueue_dma source(%dma_start3A_814 : memref<64xf32, #tpu.memory_space<hbm>>) target(%dma_start3A_811 : memref<64xf32, #tpu.memory_space<vmem>>) target_semaphore(%arg7 : memref<!tpu.dma_semaphore, #tpu.memory_space<semaphore_mem>>)
    }
    %scan3A_147 = arith.constant 8 : i32
    %dma_wait3A_148 = arith.constant 1 : i32
    %dma_wait3A_149 = arith.constant 0 : i32
    %dma_wait3A_150 = arith.constant 0 : i32
    %dma_wait3A_151 = tpu.memref_slice %arg6[%dma_wait3A_148, %dma_wait3A_149, %dma_wait3A_150] : memref<2x128x64xf32, #tpu.memory_space<vmem>> -> memref<1x128x64xf32, #tpu.memory_space<vmem>>
    %dma_wait3A_152 = tpu.memref_squeeze %dma_wait3A_151 : memref<1x128x64xf32, #tpu.memory_space<vmem>> -> memref<128x64xf32, #tpu.memory_space<vmem>>
    %dma_wait3A_153 = arith.constant 0 : i32
    %dma_wait3A_154 = arith.constant 0 : i32
    %dma_wait3A_155 = tpu.memref_slice %arg4[%dma_wait3A_153, %dma_wait3A_154] : memref<16384x64xf32, #tpu.memory_space<hbm>> -> memref<128x64xf32, #tpu.memory_space<hbm>>
    %dma_wait3A_156 = arith.constant 0 : i32
    %dma_wait3A_157 = arith.constant 0 : i32
    %dma_wait3A_158 = tpu.memref_slice %arg6[%dma_wait3A_148, %dma_wait3A_156, %dma_wait3A_157] : memref<2x128x64xf32, #tpu.memory_space<vmem>> -> memref<1x128x64xf32, #tpu.memory_space<vmem>>
    %dma_wait3A_159 = tpu.memref_squeeze %dma_wait3A_158 : memref<1x128x64xf32, #tpu.memory_space<vmem>> -> memref<128x64xf32, #tpu.memory_space<vmem>>
    %dma_wait3A_160 = arith.constant 0 : i32
    %dma_wait3A_161 = arith.constant 0 : i32
    %dma_wait3A_162 = tpu.memref_slice %arg4[%dma_wait3A_160, %dma_wait3A_161] : memref<16384x64xf32, #tpu.memory_space<hbm>> -> memref<128x64xf32, #tpu.memory_space<hbm>>
    tpu.wait_dma2 semaphore(%arg7 : memref<!tpu.dma_semaphore, #tpu.memory_space<semaphore_mem>>) src(%dma_wait3A_162 : memref<128x64xf32, #tpu.memory_space<hbm>>) dst(%dma_wait3A_159 : memref<128x64xf32, #tpu.memory_space<vmem>>)
    %add3A_163 = arith.constant 384 : i32
    %add3A_164 = arith.addi %mul3A_2, %add3A_163 : i32
    %dma_start3A_165 = arith.constant 1 : i32
    %dma_start3A_166 = arith.constant 0 : i32
    %dma_start3A_167 = arith.constant 0 : i32
    %dma_start3A_168 = tpu.memref_slice %arg6[%dma_start3A_165, %dma_start3A_166, %dma_start3A_167] : memref<2x128x64xf32, #tpu.memory_space<vmem>> -> memref<1x128x64xf32, #tpu.memory_space<vmem>>
    %dma_start3A_169 = tpu.memref_squeeze %dma_start3A_168 : memref<1x128x64xf32, #tpu.memory_space<vmem>> -> memref<128x64xf32, #tpu.memory_space<vmem>>
    %dma_start3A_170 = arith.constant 0 : i32
    %dma_start3A_171 = tpu.memref_slice %arg4[%add3A_164, %dma_start3A_170] : memref<16384x64xf32, #tpu.memory_space<hbm>> -> memref<128x64xf32, #tpu.memory_space<hbm>>
    %dma_start3A_172 = arith.constant 0 : i32
    %dma_start3A_173 = tpu.memref_slice %arg4[%add3A_164, %dma_start3A_172] : memref<16384x64xf32, #tpu.memory_space<hbm>> -> memref<128x64xf32, #tpu.memory_space<hbm>>
    %dma_start3A_174 = arith.constant 0 : i32
    %dma_start3A_175 = arith.constant 0 : i32
    %dma_start3A_176 = tpu.memref_slice %arg6[%dma_start3A_165, %dma_start3A_174, %dma_start3A_175] : memref<2x128x64xf32, #tpu.memory_space<vmem>> -> memref<1x128x64xf32, #tpu.memory_space<vmem>>
    %dma_start3A_177 = tpu.memref_squeeze %dma_start3A_176 : memref<1x128x64xf32, #tpu.memory_space<vmem>> -> memref<128x64xf32, #tpu.memory_space<vmem>>
    tpu.enqueue_dma source(%dma_start3A_177 : memref<128x64xf32, #tpu.memory_space<vmem>>) target(%dma_start3A_173 : memref<128x64xf32, #tpu.memory_space<hbm>>) target_semaphore(%arg8 : memref<!tpu.dma_semaphore, #tpu.memory_space<semaphore_mem>>)
    %add3A_178 = arith.constant 256 : i32
    %add3A_179 = arith.addi %mul3A_2, %add3A_178 : i32
    %dma_wait3A_180 = arith.constant 0 : i32
    %dma_wait3A_181 = arith.constant 0 : i32
    %dma_wait3A_182 = arith.constant 0 : i32
    %dma_wait3A_183 = tpu.memref_slice %arg6[%dma_wait3A_180, %dma_wait3A_181, %dma_wait3A_182] : memref<2x128x64xf32, #tpu.memory_space<vmem>> -> memref<1x128x64xf32, #tpu.memory_space<vmem>>
    %dma_wait3A_184 = tpu.memref_squeeze %dma_wait3A_183 : memref<1x128x64xf32, #tpu.memory_space<vmem>> -> memref<128x64xf32, #tpu.memory_space<vmem>>
    %dma_wait3A_185 = arith.constant 0 : i32
    %dma_wait3A_186 = tpu.memref_slice %arg4[%add3A_179, %dma_wait3A_185] : memref<16384x64xf32, #tpu.memory_space<hbm>> -> memref<128x64xf32, #tpu.memory_space<hbm>>
    %dma_wait3A_187 = arith.constant 0 : i32
    %dma_wait3A_188 = tpu.memref_slice %arg4[%add3A_179, %dma_wait3A_187] : memref<16384x64xf32, #tpu.memory_space<hbm>> -> memref<128x64xf32, #tpu.memory_space<hbm>>
    %dma_wait3A_189 = arith.constant 0 : i32
    %dma_wait3A_190 = arith.constant 0 : i32
    %dma_wait3A_191 = tpu.memref_slice %arg6[%dma_wait3A_180, %dma_wait3A_189, %dma_wait3A_190] : memref<2x128x64xf32, #tpu.memory_space<vmem>> -> memref<1x128x64xf32, #tpu.memory_space<vmem>>
    %dma_wait3A_192 = tpu.memref_squeeze %dma_wait3A_191 : memref<1x128x64xf32, #tpu.memory_space<vmem>> -> memref<128x64xf32, #tpu.memory_space<vmem>>
    tpu.wait_dma2 semaphore(%arg8 : memref<!tpu.dma_semaphore, #tpu.memory_space<semaphore_mem>>) src(%dma_wait3A_192 : memref<128x64xf32, #tpu.memory_space<vmem>>) dst(%dma_wait3A_188 : memref<128x64xf32, #tpu.memory_space<hbm>>)
    %add3A_193 = arith.constant 384 : i32
    %add3A_194 = arith.addi %mul3A_2, %add3A_193 : i32
    %dma_wait3A_195 = arith.constant 1 : i32
    %dma_wait3A_196 = arith.constant 0 : i32
    %dma_wait3A_197 = arith.constant 0 : i32
    %dma_wait3A_198 = tpu.memref_slice %arg6[%dma_wait3A_195, %dma_wait3A_196, %dma_wait3A_197] : memref<2x128x64xf32, #tpu.memory_space<vmem>> -> memref<1x128x64xf32, #tpu.memory_space<vmem>>
    %dma_wait3A_199 = tpu.memref_squeeze %dma_wait3A_198 : memref<1x128x64xf32, #tpu.memory_space<vmem>> -> memref<128x64xf32, #tpu.memory_space<vmem>>
    %dma_wait3A_200 = arith.constant 0 : i32
    %dma_wait3A_201 = tpu.memref_slice %arg4[%add3A_194, %dma_wait3A_200] : memref<16384x64xf32, #tpu.memory_space<hbm>> -> memref<128x64xf32, #tpu.memory_space<hbm>>
    %dma_wait3A_202 = arith.constant 0 : i32
    %dma_wait3A_203 = tpu.memref_slice %arg4[%add3A_194, %dma_wait3A_202] : memref<16384x64xf32, #tpu.memory_space<hbm>> -> memref<128x64xf32, #tpu.memory_space<hbm>>
    %dma_wait3A_204 = arith.constant 0 : i32
    %dma_wait3A_205 = arith.constant 0 : i32
    %dma_wait3A_206 = tpu.memref_slice %arg6[%dma_wait3A_195, %dma_wait3A_204, %dma_wait3A_205] : memref<2x128x64xf32, #tpu.memory_space<vmem>> -> memref<1x128x64xf32, #tpu.memory_space<vmem>>
    %dma_wait3A_207 = tpu.memref_squeeze %dma_wait3A_206 : memref<1x128x64xf32, #tpu.memory_space<vmem>> -> memref<128x64xf32, #tpu.memory_space<vmem>>
    tpu.wait_dma2 semaphore(%arg8 : memref<!tpu.dma_semaphore, #tpu.memory_space<semaphore_mem>>) src(%dma_wait3A_207 : memref<128x64xf32, #tpu.memory_space<vmem>>) dst(%dma_wait3A_203 : memref<128x64xf32, #tpu.memory_space<hbm>>)
    return
  }
}

</mosaic_0001>

<sc_bundles>
// kernel: kernel.3.cloned.1.call-start
scs
__scs_entry_jumppad:
0x0: {  	(pc) =	sbr.rel $0x88, $3  }
0x1: {  	(tag) =	ssettag $0x0;
	lr =	simm.s32 $0x1  }
0x2: {  	[smem:$0x3F9F] =	sst lr;
	_ =	strace $0xD0000000  }
0x3: {  	_ = 	snop  }
0x4: {  	_ = 	snop  }
0x5: {  	_ = 	snop  }
0x6: {  	_ = 	snop  }
0x7: {  	_ = 	snop  }
__scs_overlays_trampoline_lowered:
0x8: {  	[smem:$0x3FAE] =	sst s0  }
0x9: {  	[smem:$0x3FAF] =	sst s1  }
0xa: {  	[smem:$0x3FB0] =	sst s2  }
0xb: {  	[smem:$0x3FB1] =	sst s3  }
0xc: {  	[smem:$0x3FB2] =	sst s4  }
0xd: {  	[smem:$0x3FB3] =	sst s5  }
0xe: {  	[smem:$0x3FB4] =	sst s6  }
0xf: {  	[smem:$0x3FB5] =	sst s7  }
0x10: {  	[smem:$0x3FB6] =	sst s8  }
0x11: {  	[smem:$0x3FB7] =	sst s9;
	s0 =	simm.s32 @!p0 $0x0  }
0x12: {  	s1 =	sld [smem:$0x3F9D];
	s0 =	simm.s32 @p0 $0x1  }
0x13: {  	[smem:$0x3FB8] =	sst s0;
	s0 =	simm.s32 @!p1 $0x0  }
0x14: {  	s2 =	sld [smem:$0x3F9C];
	s0 =	simm.s32 @p1 $0x1  }
0x15: {  	[smem:$0x3FB9] =	sst s0;
	s0 =	simm.s32 @!p2 $0x0  }
0x16: {  	s3 =	sld [smem:$0x3FDB];
	s0 =	simm.s32 @p2 $0x1  }
0x17: {  	s4 =	simm.s32 $0x1BF5;
	[smem:$0x3FBB] =	sst s0  }
0x18: {  	s0 =	sld [smem:$0x3F9E];
	_ =	swait.ge [sflag:s4], $0x0  }
0x19: {  	s7 =	sld [smem:$0x3F9F]  }
0x1a: {  	s8 =	sadd.s32 $0xFFFFE003, lr  }
0x1b: {  	s9 =	sadd.s32 $0xFFFFFEF7, lr;
	s5 =	simm.s32 $0xFFFFFFFF;
	p2 =	slt.u32 s8, $0xFFFFF086  }
0x1c: {  	p1 =	slt.u32 s9, $0xF7A;
	s5 =	simm.s32 @!p2 $0x0  }
0x1d: {  	s5 =	simm.s32 @p1 $0x1;
	p0 =	seq.s32 s7, s2  }
0x1e: {  	s7 =	smul.u32 @!p0 $0xF7A, s2;
	p2 =	seq.s32 @!p0 s5, $0x0  }
0x1f: {  	s9 =	smul.u32 $0xF7A, s1;
	s8 =	simm.s32 @!p0 $0x1BF5;
	p2 =	por !p2, p0  }
0x20: {  	[sflag:s8] =	ssyncset.s32 @!p0 $0xFFFFF086;
	s6 =	sadd.s32 @!p0 s3, s7;
	s7 =	simm.s32 @!p0 $0x108  }
0x21: {  	s3 =	sadd.s32 s3, s9;
	s6 =	sadd.s32 @!p0 $0x88, s6;
	s7 =	simm.s32 @p2 $0x1082  }
0x22: {  	[simem:s7], [sflag:s8] =	dma.local @!p0 [hbm:s6], $0xF7A  }
0x23: {  	s9 =	sor.u32 $0xD0000000, s2;
	s6 =	simm.s32 $0x108;
	_ =	swait.ge @!p0 [sflag:s8], $0x0  }
0x24: {  	s3 =	sadd.s32 $0x88, s3;
	s6 =	simm.s32 @!p1 $0x1082;
	[sflag:s4] =	ssyncset.s32 $0xFFFFF086  }
0x25: {  	[simem:s6], [sflag:s4] =	dma.local [hbm:s3], $0xF7A  }
0x26: {  	[smem:$0x3F9F] =	sst s1;
	(tag) =	ssettag s2;
	_ =	strace s9  }
0x27: {  	s1 =	sld [smem:$0x3FAF]  }
0x28: {  	s2 =	sld [smem:$0x3FB0]  }
0x29: {  	s4 =	sld [smem:$0x3FB2]  }
0x2a: {  	p0 =	seq.s32 s5, $0x0;
	s5 =	sld [smem:$0x3FB3]  }
0x2b: {  	s6 =	sld [smem:$0x3FB4]  }
0x2c: {  	s7 =	sld [smem:$0x3FB5]  }
0x2d: {  	s3 =	simm.s32 $0x108;
	s8 =	sld [smem:$0x3FB6]  }
0x2e: {  	s3 =	simm.s32 @!p0 $0x1082;
	s9 =	sld [smem:$0x3FB7]  }
0x2f: {  	lr =	sadd.s32 s0, s3;
	s0 =	sld [smem:$0x3FAE]  }
0x30: {  	s3 =	sld [smem:$0x3FB1]  }
0x31: {  	[smem:$0x3FBA] =	sst s10  }
0x32: {  	s10 =	sld [smem:$0x3FB8];
	_ =	sdelay $0x3  }
0x33: {  	p0 =	seq.s32 s10, $0x1;
	s10 =	sld [smem:$0x3FBA];
	_ =	sdelay $0x3  }
0x34: {  	[smem:$0x3FBA] =	sst s10  }
0x35: {  	s10 =	sld [smem:$0x3FB9];
	_ =	sdelay $0x3  }
0x36: {  	p1 =	seq.s32 s10, $0x1;
	s10 =	sld [smem:$0x3FBA];
	_ =	sdelay $0x3  }
0x37: {  	[smem:$0x3FBA] =	sst s10  }
0x38: {  	s10 =	sld [smem:$0x3FBB]  }
0x39: {  	_ = 	snop;
	(pc) =	sbr.ind lr, $3  }
0x3a: {  	_ = 	snop  }
0x3b: {  	_ = 	snop  }
0x3c: {  	p2 =	seq.s32 s10, $0x1;
	s10 =	sld [smem:$0x3FBA]  }
0x3d: {  	_ =	shalt  }
0x3e: {  	_ =	shalt  }
0x3f: {  	_ =	shalt  }
0x40: {  	_ =	shalt  }
0x41: {  	_ =	shalt  }
0x42: {  	_ =	shalt  }
0x43: {  	_ =	shalt  }
0x44: {  	_ =	shalt  }
0x45: {  	_ =	shalt  }
0x46: {  	_ =	shalt  }
0x47: {  	_ =	shalt  }
0x48: {  	_ =	shalt  }
0x49: {  	_ =	shalt  }
0x4a: {  	_ =	shalt  }
0x4b: {  	_ =	shalt  }
0x4c: {  	_ =	shalt  }
0x4d: {  	_ =	shalt  }
0x4e: {  	_ =	shalt  }
0x4f: {  	_ =	shalt  }
0x50: {  	_ =	shalt  }
0x51: {  	_ =	shalt  }
0x52: {  	_ =	shalt  }
0x53: {  	_ =	shalt  }
0x54: {  	_ =	shalt  }
0x55: {  	_ =	shalt  }
0x56: {  	_ =	shalt  }
0x57: {  	_ =	shalt  }
0x58: {  	_ =	shalt  }
0x59: {  	_ =	shalt  }
0x5a: {  	_ =	shalt  }
0x5b: {  	_ =	shalt  }
0x5c: {  	_ =	shalt  }
0x5d: {  	_ =	shalt  }
0x5e: {  	_ =	shalt  }
0x5f: {  	_ =	shalt  }
0x60: {  	_ =	shalt  }
0x61: {  	_ =	shalt  }
0x62: {  	_ =	shalt  }
0x63: {  	_ =	shalt  }
0x64: {  	_ =	shalt  }
0x65: {  	_ =	shalt  }
0x66: {  	_ =	shalt  }
0x67: {  	_ =	shalt  }
0x68: {  	_ =	shalt  }
0x69: {  	_ =	shalt  }
0x6a: {  	_ =	shalt  }
0x6b: {  	_ =	shalt  }
0x6c: {  	_ =	shalt  }
0x6d: {  	_ =	shalt  }
0x6e: {  	_ =	shalt  }
0x6f: {  	_ =	shalt  }
0x70: {  	_ =	shalt  }
0x71: {  	_ =	shalt  }
0x72: {  	_ =	shalt  }
0x73: {  	_ =	shalt  }
0x74: {  	_ =	shalt  }
0x75: {  	_ =	shalt  }
0x76: {  	_ =	shalt  }
0x77: {  	_ =	shalt  }
0x78: {  	_ =	shalt  }
0x79: {  	_ =	shalt  }
0x7a: {  	_ =	shalt  }
0x7b: {  	_ =	shalt  }
0x7c: {  	_ =	shalt  }
0x7d: {  	_ =	shalt  }
0x7e: {  	_ =	shalt  }
0x7f: {  	_ =	shalt  }
0x80: {  	_ =	shalt  }
0x81: {  	_ =	shalt  }
0x82: {  	_ =	shalt  }
0x83: {  	_ =	shalt  }
0x84: {  	_ =	shalt  }
0x85: {  	_ =	shalt  }
0x86: {  	_ =	shalt  }
0x87: {  	_ =	shalt  }
.Lfunc_end0:
.L_simem_size_0:
called_computation_lowered:
.L_overlay_start_0:
0x88: {  	s2 =	sld [smem:$0x3FD9]  }
0x89: {  	s3 =	sld [smem:$0x3FFE];
	_ =	sdelay $0x1  }
0x8a: {  	s1 =	srdreg.scid  }
0x8b: {  	s0 =	sand.u32 $0x1, s1  }
0x8c: {  	s17 =	sshll.u32 s0, $0xA;
	s2 =	sadd.s32 s3, s2  }
0x8d: {  	s2 =	sadd.s32 s2, s17  }
0x8e: {  	[smem:$0x3FC6] =	sst s2  }
0x8f: {  	_ = 	snop  }
0x90: {  	s2 =	sld [smem:$0x3FC8];
	(tm) =	ssettm $0x1  }
0x91: {  	s18 =	sld [smem:$0x3FFB];
	_ =	sdelay $0x3  }
0x92: {  	_ =	strace s18  }
0x93: {  	s3 =	sld [smem:$0x3FFC];
	_ =	sdelay $0x3  }
0x94: {  	_ =	strace s3  }
0x95: {  	s3 =	sld [smem:$0x3FFD];
	_ =	sdelay $0x3  }
0x96: {  	_ =	strace s3  }
0x97: {  	_ =	strace $0x8FFFFFFF  }
0x98: {  	s19 =	sld [smem:$0x3FDB];
	_ =	sdelay $0x1  }
0x99: {  	s4 =	simm.s32 $_scs_section_size  }
0x9a: {  	s5 =	simm.s32 $_size__tile_overlayer_lowered;
	s6 =	simm.s32 $_tile_overlayer_lowered  }
0x9b: {  	s22 =	simm.s32 $0x1BFF;
	s21 =	sshll.u32 s6, $0x1;
	s3 =	sadd.s32 s4, s19  }
0x9c: {  	s7 =	simm.s32 $0x0;
	s20 =	sshll.u32 s5, $0x1;
	s5 =	sadd.s32 s21, s3  }
0x9d: {  	[timem:s7], [sflag:s22] =	dma.local [hbm:s5], s20  }
0x9e: {  	_ =	swait.ge [sflag:s22], s20  }
0x9f: {  	s4 =	ssub.s32 $0x0, s20;
	[sflag:s22] =	ssyncset.done $0x0  }
0xa0: {  	[sflag:s22] =	ssyncadd.s32 s4;
	_ =	sdelay $0x1  }
0xa1: {  	s23 =	simm.s32 $0x1B8B  }
0xa2: {  	_ =	swait.ge [sflag:s23], $0x1  }
0xa3: {  	[sflag:s23] =	ssyncset.done $0x0  }
0xa4: {  	s25 =	simm.s32 $0x1B8E;
	s24 =	sld [smem:$0x3FFE];
	[sflag:s23] =	ssyncadd.s32 $0xFFFFFFFF  }
0xa5: {  	s26 =	simm.s32 $execute0_lowered;
	[smem:$0x3FD2] =	sst s25  }
0xa6: {  	s5 =	sshll.u32 s26, $0x1;
	_ =	strace $0x80000046;
	[dreg:$0x1] =	wrdreg $0xFFFFFFFF  }
0xa7: {  	s28 =	simm.s32 $_size_execute0_lowered;
	s3 =	sadd.s32 s3, s5;
	[dreg:$0x0] =	wrdreg $0x0  }
0xa8: {  	s5 =	sshll.u32 s28, $0x1;
	[dreg:$0x2] =	wrdreg s3  }
0xa9: {  	[dreg:$0x3] =	wrdreg s5  }
0xaa: {  	[dreg:$0x4] =	wrdreg $0xC0  }
0xab: {  	_ =	task [dreg:s7], $0x5FFFF  }
0xac: {  	[dreg:$0x1] =	wrdreg $0xFFFFFFFF  }
0xad: {  	[dreg:$0x0] =	wrdreg $0x60  }
0xae: {  	[dreg:$0x2] =	wrdreg s24  }
0xaf: {  	[dreg:$0x3] =	wrdreg s2  }
0xb0: {  	[dreg:$0x4] =	wrdreg $0x9  }
0xb1: {  	_ =	task.clear_ibuf [dreg:s7], $0x5FFFF;
	_ =	strace $0x90000046  }
0xb2: {  	s29 =	simm.s32 $0x9;
	_ =	strace $0x80000048  }
0xb3: {  	_ =	swait.ge [sflag:s29], $0x1  }
0xb4: {  	[sflag:s29] =	ssyncadd.s32 $0xFFFFFFFF  }
0xb5: {  	_ =	strace $0x90000048  }
0xb6: {  	_ =	sfence  }
0xb7: {  	s30 =	sld [smem:$0x0];
	_ =	sdelay $0x2  }
0xb8: {  	s31 =	sshll.u32 s1, $0xD;
	s1 =	sshrl.u32 s1, $0x2  }
0xb9: {  	s3 =	sand.u32 $0x4000, s31;
	s1 =	sadd.s32 s1, s30  }
0xba: {  	s0 =	sor.u32 s3, s0;
	s1 =	sshll.u32 s1, $0x11  }
0xbb: {  	s0 =	sor.u32 s1, s0  }
0xbc: {  	s0 =	sadd.s32 $0x8F2B, s0  }
0xbd: {  	[sflag:s0] =	ssyncadd.remote.s32 $0x1  }
0xbe: {  	_ =	sfence.sel $0xFFFF  }
0xbf: {  	[dreg:$0x0] =	wrdreg $0xFFFFFFFF;
	(pc) =	sbr.abs _section_cstart, $3  }
0xc0: {  	[dreg:$0x1] =	wrdreg $0xFFFFFFFF  }
0xc1: {  	_ =	task.clear_ibuf [dreg:s7], $0x2FFFF;
	_ =	strace $0x9FFFFFFF  }
0xc2: {  	(tm) =	ssettm $0x7FFFFFFF  }
0xc3: {  	_ =	shalt  }
tec
execute0_lowered:
.L_overlay_start_1:
0x0: {  	(tag) =	ssettag $0x1  }
0x1: {  	s0 =	srdreg.scid;
	s1 =	rddreg [dreg:$0x0]  }
0x2: {  	s2 =	stileid.u32;
	s7 =	rddreg [dreg:$0x1];
	s10 =	simm.s32 $0x3  }
0x3: {  	s11 =	simm.s32 $0x1;
	s14 =	simm.s32 $0x2;
	s0 =	sand.u32 $0x1, s0  }
0x4: {  	s15 =	simm.s32 $0x0;
	s2 =	sshll.u32 s2, $0xA;
	s3 =	sshll.u32 s0, $0x9  }
0x5: {  	s4 =	sadd.s32 $0x600, s1;
	s0 =	ssub.s32 $0x2, s0;
	s6 =	sor.u32 s3, s2  }
0x6: {  	vm1 =	vcmask $0x308;
	s2 =	simm.s32 $0x0;
	s3 =	sshll.u32 s6, $0x4;
	s30 =	sshrl.u32 s6, $0x3  }
0x7: {  	vm2 =	vcmask $0x70C;
	vm3 =	vcmask $0xB10;
	vm4 =	vcmask $0xF14;
	[smem:$0x7FF] =	sst s2;
	s8 =	sadd.s32 s3, s1;
	s1 =	sadd.s32 s7, s30  }
0x8: {  	vm0 =	vmmov $0x1;
	vm5 =	vcmask $0x1318;
	vm6 =	vcmask $0x171C;
	_ =	strace $0x80000047;
	s3 =	sadd.s32 $0xF42A00, s8;
	[dreg:$0x6] =	wrdreg s1  }
0x9: {  	vm7 =	vcmask $0x1B20;
	vm8 =	vcmask $0x1F24;
	vm9 =	vcmask $0x2328;
	s28 =	sshrl.u32 s0, $0x1;
	s29 =	sadd.s32 $0xF43200, s8;
	[dreg:$0x3] =	wrdreg s3  }
0xa: {  	vm10 =	vcmask $0x272C;
	vm11 =	vcmask $0x2B30;
	vm12 =	vcmask $0x2F34;
	s0 =	ssub.s32 s0, s28;
	s31 =	sadd.s32 $0xF43A00, s8;
	[dreg:$0x4] =	wrdreg s29  }
0xb: {  	vm13 =	vcmask $0x3338;
	vm14 =	vcmask $0x373C;
	vm15 =	vmmov $0x7fff;
	s9 =	smax.u32 s0, $0x1;
	s8 =	sadd.s32 $0xF44200, s8;
	[dreg:$0x5] =	wrdreg s31  }
.LBB2_1:
0xc: {  	s0 =	rddreg [dreg:$0x6]  }
0xd: {  	[tilespmem:s2], [sflag:$0x3] =	stream.linear.gather [hbm4b:s0+s2], $0x200, $0x38;
	[tilespmem:$0x8200] =	vst v63  }
0xe: {  	_ =	swait.ge [sflag:s10], $0x200  }
0xf: {  	[sflag:s10] =	ssyncset.done $0x0  }
0x10: {  	[sflag:s10] =	ssyncadd.s32 $0xFFFFFE00  }
0x11: {  	v0 =	vld [tilespmem:s2+$0x0];
	_ =	sdelay $0x4  }
0x12: {  	v1 =	vnsel vm0, $0x0, v0  }
0x13: {  	v2 =	vsel vm2, $0x0, v0;
	(xrf0) =	vadd.scan.msk.s32 $0xffff, v1  }
0x14: {  	v40 =	vsel vm3, $0x0, v0;
	(xrf0) =	vadd.scan.msk.s32 $0xffff, v2  }
0x15: {  	v41 =	vsel vm1, $0x0, v0;
	(xrf0) =	vadd.scan.msk.s32 $0xffff, v40  }
0x16: {  	(xrf0) =	vadd.scan.msk.s32 $0xffff, v41;
	_ =	sdelay $0x2  }
0x17: {  	v42, _, _ =	vpop (xrf0)  }
0x18: {  	v43 =	vsel vm8, $0x0, v0;
	(v2sf) =	vpush v42, $0xF;
	v44, _, _ =	vpop (xrf0)  }
0x19: {  	v3 =	vsel vm9, $0x0, v0;
	(xrf0) =	vadd.scan.msk.s32 $0xffff, v43;
	(v2sf) =	vpush v44, $0xF;
	v45, _, _ =	vpop (xrf0)  }
0x1a: {  	v46 =	vsel vm5, $0x0, v0;
	(xrf0) =	vadd.scan.msk.s32 $0xffff, v3;
	v47, _, _ =	vpop (xrf0);
	(v2sf) =	vpush v45, $0xF  }
0x1b: {  	v48 =	vsel vm4, $0x0, v0;
	(xrf0) =	vadd.scan.msk.s32 $0xffff, v46;
	(v2sf) =	vpush v47, $0xF  }
0x1c: {  	(xrf0) =	vadd.scan.msk.s32 $0xffff, v48;
	_ =	sdelay $0x1  }
0x1d: {  	v49 =	vsel vm10, $0x0, v0  }
0x1e: {  	v50 =	vsel vm11, $0x0, v0;
	(xrf0) =	vadd.scan.msk.s32 $0xffff, v49;
	v51, _, _ =	vpop (xrf0)  }
0x1f: {  	v52 =	vsel vm12, $0x0, v0;
	(xrf0) =	vadd.scan.msk.s32 $0xffff, v50;
	v53, _, _ =	vpop (xrf0)  }
0x20: {  	v4 =	vsel vm13, $0x0, v0;
	(xrf0) =	vadd.scan.msk.s32 $0xffff, v52;
	(v2sf) =	vpush v51, $0xF;
	v54, _, _ =	vpop (xrf0)  }
0x21: {  	v55 =	vsel vm14, $0x0, v0;
	(xrf0) =	vadd.scan.msk.s32 $0xffff, v4;
	v56, _, _ =	vpop (xrf0)  }
0x22: {  	v5 =	vsel vm6, $0x0, v0;
	(xrf0) =	vadd.scan.msk.s32 $0xffff, v55;
	(v2sf) =	vpush v56, $0xF  }
0x23: {  	v57 =	vsel vm7, $0x0, v0;
	(xrf0) =	vadd.scan.msk.s32 $0xffff, v5  }
0x24: {  	s16 =	simm.s32 $0x2000;
	s17 =	simm.s32 $0x0;
	s6 =	simm.s32 $0x300;
	(xrf0) =	vadd.scan.msk.s32 $0xffff, v57;
	v58, _, _ =	vpop (xrf0);
	(v2sf) =	vpush v54, $0xF  }
0x25: {  	s1 =	simm.s32 $0x400;
	s21 =	simm.s32 $0x580;
	s18 =	simm.s32 $0x200;
	v59, _, _ =	vpop (xrf0)  }
0x26: {  	s25 =	simm.s32 $0x280;
	s22 =	simm.s32 $0x500;
	(v2sf) =	vpush v58, $0xF;
	v60, _, _ =	vpop (xrf0);
	s19 =	spop (v2sf)  }
0x27: {  	s26 =	simm.s32 $0x480;
	v61, _, _ =	vpop (xrf0);
	s19 =	sshll.u32 s19, $0x4;
	s28 =	spop (v2sf)  }
0x28: {  	s20 =	simm.s32 $0x800;
	v62, _, _ =	vpop (xrf0);
	(v2sf) =	vpush v53, $0xF;
	s23 =	sand.u32 $0x1FFFFFF0, s19;
	s29 =	spop (v2sf)  }
0x29: {  	s24 =	simm.s32 $0x700;
	v63, _, _ =	vpop (xrf0);
	s23 =	sadd.s32 s4, s23;
	s30 =	spop (v2sf)  }
0x2a: {  	v6, _, _ =	vpop (xrf0);
	(v2sf) =	vpush v63, $0xF;
	[tilespmem:s18], [sflag:$0x1] =	stream.linear.gather [hbm4b:s23+s2], $0x80, $0x38;
	[tilespmem:$0x8200] =	vst v63  }
0x2b: {  	s19 =	simm.s32 $0x880;
	(v2sf) =	vpush v6, $0xF;
	s28 =	sshll.u32 s28, $0x4;
	s30 =	sshll.u32 s30, $0x4  }
0x2c: {  	s28 =	sand.u32 $0x1FFFFFF0, s28;
	s29 =	sshll.u32 s29, $0x4;
	s30 =	sand.u32 $0x1FFFFFF0, s30  }
0x2d: {  	(v2sf) =	vpush v59, $0xF;
	s18 =	simm.s32 $0x10;
	s23 =	simm.s32 $0x780;
	s30 =	sadd.s32 s4, s30  }
0x2e: {  	[tilespmem:s25], [sflag:$0x1] =	stream.linear.gather [hbm4b:s30+s2], $0x80, $0x38;
	[tilespmem:$0x8200] =	vst v63  }
0x2f: {  	s7 =	sand.u32 $0x1FFFFFF0, s29;
	s28 =	sadd.s32 s4, s28;
	s30 =	spop (v2sf)  }
0x30: {  	v0 =	vsel vm15, $0x0, v0;
	[tilespmem:s6], [sflag:$0x1] =	stream.linear.gather [hbm4b:s28+s2], $0x80, $0x38;
	[tilespmem:$0x8200] =	vst v63  }
0x31: {  	(xrf0) =	vadd.scan.msk.s32 $0xffff, v0;
	(v2sf) =	vpush v60, $0xF;
	s25 =	sadd.s32 s4, s7;
	s28 =	simm.s32 $0x380;
	s12 =	spop (v2sf)  }
0x32: {  	[tilespmem:s28], [sflag:$0x1] =	stream.linear.gather [hbm4b:s25+s2], $0x80, $0x38;
	[tilespmem:$0x8200] =	vst v63  }
0x33: {  	(v2sf) =	vpush v61, $0xF;
	s13 =	sshll.u32 s30, $0x4;
	s0 =	sshll.u32 s12, $0x4;
	s28 =	spop (v2sf)  }
0x34: {  	s30 =	simm.s32 $0x600;
	s0 =	sand.u32 $0x1FFFFFF0, s0;
	s28 =	sshll.u32 s28, $0x4  }
0x35: {  	s12 =	spop (v2sf);
	s28 =	sand.u32 $0x1FFFFFF0, s28;
	s0 =	sadd.s32 s4, s0  }
0x36: {  	[tilespmem:s1], [sflag:$0x1] =	stream.linear.gather [hbm4b:s0+s2], $0x80, $0x38;
	[tilespmem:$0x8200] =	vst v63  }
0x37: {  	s31 =	sand.u32 $0x1FFFFFF0, s13;
	s5 =	sadd.s32 s4, s28;
	s3 =	spop (v2sf);
	(v2sf) =	vpush v62, $0xF  }
0x38: {  	v0, _, _ =	vpop (xrf0);
	[tilespmem:s26], [sflag:$0x1] =	stream.linear.gather [hbm4b:s5+s2], $0x80, $0x38;
	[tilespmem:$0x8200] =	vst v63  }
0x39: {  	s25 =	simm.s32 $0x680;
	s6 =	sshll.u32 s12, $0x4;
	s7 =	spop (v2sf);
	(v2sf) =	vpush v0, $0xF  }
0x3a: {  	s1 =	sand.u32 $0x1FFFFFF0, s6;
	s12 =	sshll.u32 s7, $0x4;
	s13 =	spop (v2sf)  }
0x3b: {  	s28 =	sshll.u32 s3, $0x4;
	s26 =	sand.u32 $0x1FFFFFF0, s12;
	s0 =	sshll.u32 s13, $0x4  }
.LBB2_2:
0x3c: {  	s12 =	sadd.s32 s4, s26;
	s0 =	sand.u32 $0x1FFFFFF0, s0;
	s26 =	spop (v2sf)  }
0x3d: {  	[tilespmem:s22], [sflag:$0x1] =	stream.linear.gather [hbm4b:s12+s2], $0x80, $0x38;
	[tilespmem:$0x8200] =	vst v63  }
0x3e: {  	s0 =	sadd.s32 s4, s0;
	s12 =	sand.u32 $0x1FFFFFF0, s28;
	s22 =	sshll.u32 s26, $0x4  }
0x3f: {  	[tilespmem:s21], [sflag:$0x1] =	stream.linear.gather [hbm4b:s0+s2], $0x80, $0x38;
	[tilespmem:$0x8200] =	vst v63  }
0x40: {  	s0 =	sadd.s32 s4, s31;
	s21 =	sand.u32 $0x1FFFFFF0, s22;
	s22 =	spop (v2sf)  }
0x41: {  	[tilespmem:s30], [sflag:$0x1] =	stream.linear.gather [hbm4b:s0+s2], $0x80, $0x38;
	[tilespmem:$0x8200] =	vst v63  }
0x42: {  	s0 =	sadd.s32 s4, s12;
	s12 =	sshll.u32 s22, $0x4;
	s22 =	spop (v2sf)  }
0x43: {  	[tilespmem:s25], [sflag:$0x1] =	stream.linear.gather [hbm4b:s0+s2], $0x80, $0x38;
	[tilespmem:$0x8200] =	vst v63  }
0x44: {  	s0 =	sadd.s32 s4, s1;
	s1 =	sand.u32 $0x1FFFFFF0, s12;
	s12 =	sshll.u32 s22, $0x4  }
0x45: {  	[tilespmem:s24], [sflag:$0x1] =	stream.linear.gather [hbm4b:s0+s2], $0x80, $0x38;
	[tilespmem:$0x8200] =	vst v63  }
0x46: {  	s12 =	sand.u32 $0x1FFFFFF0, s12;
	s0 =	sadd.s32 s4, s21;
	s21 =	spop (v2sf)  }
0x47: {  	[tilespmem:s23], [sflag:$0x1] =	stream.linear.gather [hbm4b:s0+s2], $0x80, $0x38;
	[tilespmem:$0x8200] =	vst v63  }
0x48: {  	s0 =	sadd.s32 s4, s1;
	s1 =	sshll.u32 s21, $0x4;
	s21 =	spop (v2sf)  }
0x49: {  	[tilespmem:s20], [sflag:$0x1] =	stream.linear.gather [hbm4b:s0+s2], $0x80, $0x38;
	[tilespmem:$0x8200] =	vst v63  }
0x4a: {  	s1 =	sand.u32 $0x1FFFFFF0, s1;
	s0 =	sadd.s32 s4, s12;
	s12 =	sshll.u32 s21, $0x4  }
0x4b: {  	[tilespmem:s19], [sflag:$0x1] =	stream.linear.gather [hbm4b:s0+s2], $0x80, $0x38;
	[tilespmem:$0x8200] =	vst v63  }
0x4c: {  	s1 =	sadd.s32 s4, s1;
	s12 =	sand.u32 $0x1FFFFFF0, s12;
	s0 =	sadd.s32 $0x900, s17  }
0x4d: {  	[tilespmem:s0], [sflag:$0x1] =	stream.linear.gather [hbm4b:s1+s2], $0x80, $0x38;
	[tilespmem:$0x8200] =	vst v63  }
0x4e: {  	p0 =	sne.s32 s16, $0xE000;
	s0 =	sadd.s32 $0x980, s17;
	s1 =	sadd.s32 s4, s12  }
0x4f: {  	[tilespmem:s0], [sflag:$0x1] =	stream.linear.gather [hbm4b:s1+s2], $0x80, $0x38;
	[tilespmem:$0x8200] =	vst v63  }
0x50: {  	s0 =	smov.u32 s16;
	s16 =	sadd.s32 $0x2000, s16;
	v0 =	vld [tilespmem:s18+$0x0];
	_ =	sdelay $0x4  }
0x51: {  	v1 =	vnsel vm0, $0x0, v0;
	v2 =	vsel vm3, $0x0, v0;
	v3 =	vsel vm14, $0x0, v0  }
0x52: {  	v4 =	vsel vm2, $0x0, v0;
	v5 =	vsel vm15, $0x0, v0;
	(xrf0) =	vadd.scan.msk.s32 $0xffff, v1  }
0x53: {  	v6 =	vsel vm6, $0x0, v0;
	v1 =	vsel vm1, $0x0, v0;
	(xrf0) =	vadd.scan.msk.s32 $0xffff, v4  }
0x54: {  	v4 =	vsel vm7, $0x0, v0;
	(xrf0) =	vadd.scan.msk.s32 $0xffff, v2  }
0x55: {  	v2 =	vsel vm8, $0x0, v0;
	(xrf0) =	vadd.scan.msk.s32 $0xffff, v1  }
0x56: {  	v1 =	vsel vm9, $0x0, v0;
	(xrf0) =	vadd.scan.msk.s32 $0xffff, v2  }
0x57: {  	v2 =	vsel vm5, $0x0, v0;
	(xrf0) =	vadd.scan.msk.s32 $0xffff, v1  }
0x58: {  	v1 =	vsel vm4, $0x0, v0;
	v7, _, _ =	vpop (xrf0);
	(xrf0) =	vadd.scan.msk.s32 $0xffff, v2  }
0x59: {  	v2 =	vsel vm10, $0x0, v0;
	(v2sf) =	vpush v7, $0xF;
	v7, _, _ =	vpop (xrf0);
	(xrf0) =	vadd.scan.msk.s32 $0xffff, v1  }
0x5a: {  	v9 =	vsel vm11, $0x0, v0;
	(v2sf) =	vpush v7, $0xF;
	v7, _, _ =	vpop (xrf0);
	(xrf0) =	vadd.scan.msk.s32 $0xffff, v2  }
0x5b: {  	s17 =	sshra.s32 s0, $0x2;
	v2 =	vsel vm12, $0x0, v0;
	v8, _, _ =	vpop (xrf0);
	(v2sf) =	vpush v7, $0xF;
	(xrf0) =	vadd.scan.msk.s32 $0xffff, v9  }
0x5c: {  	s28 =	sadd.s32 $0x300, s17;
	v7 =	vsel vm13, $0x0, v0;
	(v2sf) =	vpush v8, $0xF;
	v1, _, _ =	vpop (xrf0);
	(xrf0) =	vadd.scan.msk.s32 $0xffff, v2  }
0x5d: {  	s26 =	sadd.s32 $0x400, s17;
	s21 =	sadd.s32 $0x580, s17;
	(v2sf) =	vpush v1, $0xF;
	v1, _, _ =	vpop (xrf0);
	(xrf0) =	vadd.scan.msk.s32 $0xffff, v7  }
0x5e: {  	s0 =	sadd.s32 $0x200, s17;
	s1 =	sadd.s32 $0x280, s17;
	v0, _, _ =	vpop (xrf0);
	(xrf0) =	vadd.scan.msk.s32 $0xffff, v3  }
0x5f: {  	s22 =	sadd.s32 $0x500, s17;
	v2, _, _ =	vpop (xrf0);
	(xrf0) =	vadd.scan.msk.s32 $0xffff, v6  }
0x60: {  	s29 =	sadd.s32 $0x480, s17;
	(v2sf) =	vpush v2, $0xF;
	(xrf0) =	vadd.scan.msk.s32 $0xffff, v4;
	v2, _, _ =	vpop (xrf0)  }
0x61: {  	(v2sf) =	vpush v0, $0xF;
	v0, _, _ =	vpop (xrf0);
	(xrf0) =	vadd.scan.msk.s32 $0xffff, v5  }
0x62: {  	(v2sf) =	vpush v2, $0xF;
	v2, _, _ =	vpop (xrf0)  }
0x63: {  	v3, _, _ =	vpop (xrf0)  }
0x64: {  	v4, _, _ =	vpop (xrf0)  }
0x65: {  	v5, _, _ =	vpop (xrf0);
	(v2sf) =	vpush v1, $0xF  }
0x66: {  	v1, _, _ =	vpop (xrf0)  }
0x67: {  	s18 =	sadd.s32 $0x10, s18;
	s20 =	sadd.s32 $0x800, s17;
	s19 =	sadd.s32 $0x880, s17;
	(v2sf) =	vpush v5, $0xF;
	v5, _, _ =	vpop (xrf0)  }
0x68: {  	s24 =	sadd.s32 $0x700, s17;
	s23 =	sadd.s32 $0x780, s17;
	s12 =	spop (v2sf)  }
0x69: {  	s25 =	sadd.s32 $0x680, s17;
	s12 =	sshll.u32 s12, $0x4;
	s30 =	spop (v2sf);
	(v2sf) =	vpush v1, $0xF  }
0x6a: {  	s12 =	sand.u32 $0x1FFFFFF0, s12;
	s30 =	sshll.u32 s30, $0x4;
	s31 =	spop (v2sf)  }
0x6b: {  	s12 =	sadd.s32 s4, s12;
	s3 =	sand.u32 $0x1FFFFFF0, s30;
	s30 =	spop (v2sf)  }
0x6c: {  	s31 =	sshll.u32 s31, $0x4;
	s30 =	sshll.u32 s30, $0x4;
	s13 =	spop (v2sf)  }
0x6d: {  	s6 =	sand.u32 $0x1FFFFFF0, s31;
	s5 =	sand.u32 $0x1FFFFFF0, s30;
	s13 =	sshll.u32 s13, $0x4;
	(v2sf) =	vpush v0, $0xF  }
0x6e: {  	[tilespmem:s0], [sflag:$0x1] =	stream.linear.gather [hbm4b:s12+s2], $0x80, $0x38;
	[tilespmem:$0x8200] =	vst v63  }
0x6f: {  	s30 =	sadd.s32 $0x600, s17;
	s31 =	sand.u32 $0x1FFFFFF0, s13;
	s0 =	spop (v2sf)  }
0x70: {  	s12 =	sadd.s32 $0x380, s17;
	s0 =	sshll.u32 s0, $0x4;
	s13 =	spop (v2sf)  }
0x71: {  	s0 =	sand.u32 $0x1FFFFFF0, s0;
	s13 =	sshll.u32 s13, $0x4;
	s7 =	spop (v2sf);
	(v2sf) =	vpush v2, $0xF  }
0x72: {  	s5 =	sadd.s32 s4, s5;
	s13 =	sand.u32 $0x1FFFFFF0, s13;
	s7 =	sshll.u32 s7, $0x4  }
0x73: {  	[tilespmem:s1], [sflag:$0x1] =	stream.linear.gather [hbm4b:s5+s2], $0x80, $0x38;
	(v2sf) =	vpush v3, $0xF;
	[tilespmem:$0x8200] =	vst v63  }
0x74: {  	s3 =	sadd.s32 s4, s3;
	s1 =	sand.u32 $0x1FFFFFF0, s7;
	s5 =	spop (v2sf)  }
0x75: {  	[tilespmem:s28], [sflag:$0x1] =	stream.linear.gather [hbm4b:s3+s2], $0x80, $0x38;
	[tilespmem:$0x8200] =	vst v63  }
0x76: {  	s3 =	sadd.s32 s4, s6;
	s28 =	sshll.u32 s5, $0x4;
	s5 =	spop (v2sf)  }
0x77: {  	[tilespmem:s12], [sflag:$0x1] =	stream.linear.gather [hbm4b:s3+s2], $0x80, $0x38;
	[tilespmem:$0x8200] =	vst v63  }
.Ltmp0:
0x78: {  	(v2sf) =	vpush v4, $0xF;
	(pc) =	sbr.rel @p0 .LBB2_2-.Ltmp0, $4  }
0x79: {  	s0 =	sadd.s32 s4, s0;
	s3 =	sshll.u32 s5, $0x4;
	s5 =	spop (v2sf)  }
0x7a: {  	[tilespmem:s26], [sflag:$0x1] =	stream.linear.gather [hbm4b:s0+s2], $0x80, $0x38;
	(v2sf) =	vpush v5, $0xF;
	[tilespmem:$0x8200] =	vst v63  }
0x7b: {  	s6 =	sadd.s32 s4, s13;
	s26 =	sand.u32 $0x1FFFFFF0, s3;
	s0 =	sshll.u32 s5, $0x4  }
0x7c: {  	[tilespmem:s29], [sflag:$0x1] =	stream.linear.gather [hbm4b:s6+s2], $0x80, $0x38;
	[tilespmem:$0x8200] =	vst v63  }
0x7d: {  	s3 =	sadd.s32 s4, s26;
	s0 =	sand.u32 $0x1FFFFFF0, s0;
	s5 =	spop (v2sf)  }
0x7e: {  	[tilespmem:s22], [sflag:$0x1] =	stream.linear.gather [hbm4b:s3+s2], $0x80, $0x38;
	[tilespmem:$0x8200] =	vst v63  }
0x7f: {  	s7 =	sand.u32 $0x1FFFFFF0, s28;
	s12 =	sadd.s32 s4, s31;
	s0 =	sadd.s32 s4, s0  }
0x80: {  	[tilespmem:s21], [sflag:$0x1] =	stream.linear.gather [hbm4b:s0+s2], $0x80, $0x38;
	[tilespmem:$0x8200] =	vst v63  }
0x81: {  	s5 =	sshll.u32 s5, $0x4;
	s13 =	sadd.s32 s4, s7;
	s6 =	spop (v2sf)  }
0x82: {  	[tilespmem:s30], [sflag:$0x1] =	stream.linear.gather [hbm4b:s12+s2], $0x80, $0x38;
	[tilespmem:$0x8200] =	vst v63  }
0x83: {  	s5 =	sand.u32 $0x1FFFFFF0, s5;
	s21 =	sadd.s32 s4, s1;
	s16 =	sshll.u32 s6, $0x4  }
0x84: {  	[tilespmem:s25], [sflag:$0x1] =	stream.linear.gather [hbm4b:s13+s2], $0x80, $0x38;
	[tilespmem:$0x8200] =	vst v63  }
0x85: {  	s26 =	sadd.s32 s4, s5;
	s18 =	spop (v2sf);
	s22 =	sand.u32 $0x1FFFFFF0, s16  }
0x86: {  	[tilespmem:s24], [sflag:$0x1] =	stream.linear.gather [hbm4b:s21+s2], $0x80, $0x38;
	[tilespmem:$0x8200] =	vst v63  }
0x87: {  	s6 =	sadd.s32 s4, s22;
	s25 =	sshll.u32 s18, $0x4;
	s29 =	spop (v2sf)  }
0x88: {  	[tilespmem:s23], [sflag:$0x1] =	stream.linear.gather [hbm4b:s26+s2], $0x80, $0x38;
	[tilespmem:$0x8200] =	vst v63  }
0x89: {  	s3 =	sand.u32 $0x1FFFFFF0, s25;
	s7 =	sshll.u32 s29, $0x4;
	s12 =	spop (v2sf)  }
0x8a: {  	[tilespmem:s20], [sflag:$0x1] =	stream.linear.gather [hbm4b:s6+s2], $0x80, $0x38;
	[tilespmem:$0x8200] =	vst v63  }
0x8b: {  	s13 =	sadd.s32 s4, s3;
	s1 =	sand.u32 $0x1FFFFFF0, s7;
	s16 =	sshll.u32 s12, $0x4  }
0x8c: {  	[tilespmem:s19], [sflag:$0x1] =	stream.linear.gather [hbm4b:s13+s2], $0x80, $0x38;
	[tilespmem:$0x8200] =	vst v63  }
0x8d: {  	s18 =	sadd.s32 $0x900, s17;
	s1 =	sadd.s32 s4, s1;
	s3 =	sand.u32 $0x1FFFFFF0, s16  }
0x8e: {  	[tilespmem:s18], [sflag:$0x1] =	stream.linear.gather [hbm4b:s1+s2], $0x80, $0x38;
	[tilespmem:$0x8200] =	vst v63  }
0x8f: {  	s19 =	sadd.s32 $0x980, s17;
	s20 =	sadd.s32 s4, s3  }
0x90: {  	[tilespmem:s19], [sflag:$0x1] =	stream.linear.gather [hbm4b:s20+s2], $0x80, $0x38;
	[tilespmem:$0x8200] =	vst v63  }
0x91: {  	_ =	swait.ge [sflag:s11], $0x4000  }
0x92: {  	s21 =	simm.s32 $0x0;
	s24 =	simm.s32 $0x80;
	[sflag:s11] =	ssyncset.done $0x0  }
0x93: {  	s23 =	simm.s32 $0x200;
	s22 =	rddreg [dreg:$0x3];
	[sflag:s11] =	ssyncadd.s32 $0xFFFFC000  }
0x94: {  	[hbm4b:s22+s21] =	stream.linear.scatter [tilespmem:s23], [sflag:$0x2], $0x4000, $0x38;
	[tilespmem:$0x8200] =	vst v63  }
0x95: {  	v0 =	vld [tilespmem:s24+$0x0];
	_ =	sdelay $0x4  }
0x96: {  	v1 =	vnsel vm0, $0x0, v0  }
0x97: {  	v2 =	vsel vm2, $0x0, v0;
	(xrf0) =	vadd.scan.msk.s32 $0xffff, v1  }
0x98: {  	v40 =	vsel vm3, $0x0, v0;
	(xrf0) =	vadd.scan.msk.s32 $0xffff, v2  }
0x99: {  	v41 =	vsel vm1, $0x0, v0;
	(xrf0) =	vadd.scan.msk.s32 $0xffff, v40  }
0x9a: {  	(xrf0) =	vadd.scan.msk.s32 $0xffff, v41;
	_ =	sdelay $0x2  }
0x9b: {  	v42, _, _ =	vpop (xrf0)  }
0x9c: {  	v43 =	vsel vm8, $0x0, v0;
	(v2sf) =	vpush v42, $0xF;
	v44, _, _ =	vpop (xrf0)  }
0x9d: {  	v3 =	vsel vm9, $0x0, v0;
	(xrf0) =	vadd.scan.msk.s32 $0xffff, v43;
	(v2sf) =	vpush v44, $0xF;
	v45, _, _ =	vpop (xrf0)  }
0x9e: {  	v46 =	vsel vm5, $0x0, v0;
	(xrf0) =	vadd.scan.msk.s32 $0xffff, v3;
	v47, _, _ =	vpop (xrf0);
	(v2sf) =	vpush v45, $0xF  }
0x9f: {  	v48 =	vsel vm4, $0x0, v0;
	(xrf0) =	vadd.scan.msk.s32 $0xffff, v46;
	(v2sf) =	vpush v47, $0xF  }
0xa0: {  	(xrf0) =	vadd.scan.msk.s32 $0xffff, v48;
	_ =	sdelay $0x1  }
0xa1: {  	v49 =	vsel vm10, $0x0, v0  }
0xa2: {  	v50 =	vsel vm11, $0x0, v0;
	(xrf0) =	vadd.scan.msk.s32 $0xffff, v49;
	v51, _, _ =	vpop (xrf0)  }
0xa3: {  	v52 =	vsel vm12, $0x0, v0;
	(xrf0) =	vadd.scan.msk.s32 $0xffff, v50;
	v53, _, _ =	vpop (xrf0)  }
0xa4: {  	v4 =	vsel vm13, $0x0, v0;
	(xrf0) =	vadd.scan.msk.s32 $0xffff, v52;
	(v2sf) =	vpush v51, $0xF;
	v54, _, _ =	vpop (xrf0)  }
0xa5: {  	v55 =	vsel vm14, $0x0, v0;
	(xrf0) =	vadd.scan.msk.s32 $0xffff, v4;
	v56, _, _ =	vpop (xrf0)  }
0xa6: {  	v5 =	vsel vm6, $0x0, v0;
	(xrf0) =	vadd.scan.msk.s32 $0xffff, v55;
	(v2sf) =	vpush v56, $0xF  }
0xa7: {  	v57 =	vsel vm7, $0x0, v0;
	(xrf0) =	vadd.scan.msk.s32 $0xffff, v5  }
0xa8: {  	s0 =	simm.s32 $0x4300;
	s5 =	simm.s32 $0x4280;
	s30 =	simm.s32 $0x4600;
	(xrf0) =	vadd.scan.msk.s32 $0xffff, v57;
	v58, _, _ =	vpop (xrf0);
	(v2sf) =	vpush v54, $0xF  }
0xa9: {  	s25 =	simm.s32 $0x4200;
	s7 =	simm.s32 $0x4480;
	s16 =	simm.s32 $0x2000;
	v59, _, _ =	vpop (xrf0)  }
0xaa: {  	s17 =	simm.s32 $0x0;
	s1 =	simm.s32 $0x4400;
	(v2sf) =	vpush v58, $0xF;
	v60, _, _ =	vpop (xrf0);
	s26 =	spop (v2sf)  }
0xab: {  	s18 =	simm.s32 $0x90;
	v61, _, _ =	vpop (xrf0);
	s6 =	sshll.u32 s26, $0x4;
	s12 =	spop (v2sf)  }
0xac: {  	s20 =	simm.s32 $0x4800;
	(v2sf) =	vpush v53, $0xF;
	v62, _, _ =	vpop (xrf0);
	s6 =	sand.u32 $0x1FFFFFF0, s6;
	s13 =	spop (v2sf)  }
0xad: {  	s19 =	simm.s32 $0x4880;
	v63, _, _ =	vpop (xrf0);
	s6 =	sadd.s32 s4, s6;
	s29 =	spop (v2sf)  }
0xae: {  	v6, _, _ =	vpop (xrf0);
	(v2sf) =	vpush v63, $0xF;
	[tilespmem:s25], [sflag:$0x1] =	stream.linear.gather [hbm4b:s6+s2], $0x80, $0x38;
	[tilespmem:$0x8200] =	vst v63  }
0xaf: {  	s21 =	simm.s32 $0x4580;
	s22 =	simm.s32 $0x4500;
	(v2sf) =	vpush v6, $0xF;
	s6 =	sshll.u32 s29, $0x4  }
0xb0: {  	s23 =	simm.s32 $0x4780;
	s25 =	sshll.u32 s12, $0x4;
	s3 =	sand.u32 $0x1FFFFFF0, s6  }
0xb1: {  	s26 =	sshll.u32 s13, $0x4;
	(v2sf) =	vpush v59, $0xF;
	s6 =	sand.u32 $0x1FFFFFF0, s25;
	s3 =	sadd.s32 s4, s3  }
0xb2: {  	[tilespmem:s5], [sflag:$0x1] =	stream.linear.gather [hbm4b:s3+s2], $0x80, $0x38;
	[tilespmem:$0x8200] =	vst v63  }
0xb3: {  	s12 =	sand.u32 $0x1FFFFFF0, s26;
	s6 =	sadd.s32 s4, s6;
	s29 =	spop (v2sf)  }
0xb4: {  	v0 =	vsel vm15, $0x0, v0;
	[tilespmem:s0], [sflag:$0x1] =	stream.linear.gather [hbm4b:s6+s2], $0x80, $0x38;
	[tilespmem:$0x8200] =	vst v63  }
0xb5: {  	(xrf0) =	vadd.scan.msk.s32 $0xffff, v0;
	s25 =	simm.s32 $0x4380;
	(v2sf) =	vpush v60, $0xF;
	s5 =	sadd.s32 s4, s12;
	s13 =	spop (v2sf)  }
0xb6: {  	[tilespmem:s25], [sflag:$0x1] =	stream.linear.gather [hbm4b:s5+s2], $0x80, $0x38;
	[tilespmem:$0x8200] =	vst v63  }
0xb7: {  	s24 =	simm.s32 $0x4700;
	(v2sf) =	vpush v61, $0xF;
	s0 =	sshll.u32 s13, $0x4;
	s26 =	spop (v2sf)  }
0xb8: {  	s3 =	sshll.u32 s29, $0x4;
	s0 =	sand.u32 $0x1FFFFFF0, s0;
	s5 =	sshll.u32 s26, $0x4  }
0xb9: {  	s29 =	spop (v2sf);
	s5 =	sand.u32 $0x1FFFFFF0, s5;
	s0 =	sadd.s32 s4, s0  }
0xba: {  	[tilespmem:s1], [sflag:$0x1] =	stream.linear.gather [hbm4b:s0+s2], $0x80, $0x38;
	[tilespmem:$0x8200] =	vst v63  }
0xbb: {  	s31 =	sand.u32 $0x1FFFFFF0, s3;
	s0 =	spop (v2sf);
	s12 =	sadd.s32 s4, s5;
	(v2sf) =	vpush v62, $0xF  }
0xbc: {  	v0, _, _ =	vpop (xrf0);
	[tilespmem:s7], [sflag:$0x1] =	stream.linear.gather [hbm4b:s12+s2], $0x80, $0x38;
	[tilespmem:$0x8200] =	vst v63  }
0xbd: {  	s25 =	simm.s32 $0x4680;
	s13 =	sshll.u32 s29, $0x4;
	s26 =	spop (v2sf);
	(v2sf) =	vpush v0, $0xF  }
0xbe: {  	s1 =	sand.u32 $0x1FFFFFF0, s13;
	s3 =	sshll.u32 s26, $0x4;
	s29 =	spop (v2sf)  }
0xbf: {  	s28 =	sshll.u32 s0, $0x4;
	s0 =	sand.u32 $0x1FFFFFF0, s3;
	s26 =	sshll.u32 s29, $0x4  }
.LBB2_4:
0xc0: {  	s0 =	sadd.s32 s4, s0;
	s3 =	sand.u32 $0x1FFFFFF0, s26;
	s5 =	spop (v2sf)  }
0xc1: {  	[tilespmem:s22], [sflag:$0x1] =	stream.linear.gather [hbm4b:s0+s2], $0x80, $0x38;
	[tilespmem:$0x8200] =	vst v63  }
0xc2: {  	s0 =	sadd.s32 s4, s3;
	s3 =	sand.u32 $0x1FFFFFF0, s28;
	s5 =	sshll.u32 s5, $0x4  }
0xc3: {  	[tilespmem:s21], [sflag:$0x1] =	stream.linear.gather [hbm4b:s0+s2], $0x80, $0x38;
	[tilespmem:$0x8200] =	vst v63  }
0xc4: {  	s5 =	sand.u32 $0x1FFFFFF0, s5;
	s0 =	sadd.s32 s4, s31;
	s6 =	spop (v2sf)  }
0xc5: {  	[tilespmem:s30], [sflag:$0x1] =	stream.linear.gather [hbm4b:s0+s2], $0x80, $0x38;
	[tilespmem:$0x8200] =	vst v63  }
0xc6: {  	s0 =	sadd.s32 s4, s3;
	s3 =	sshll.u32 s6, $0x4;
	s6 =	spop (v2sf)  }
0xc7: {  	[tilespmem:s25], [sflag:$0x1] =	stream.linear.gather [hbm4b:s0+s2], $0x80, $0x38;
	[tilespmem:$0x8200] =	vst v63  }
0xc8: {  	s0 =	sadd.s32 s4, s1;
	s1 =	sand.u32 $0x1FFFFFF0, s3;
	s3 =	sshll.u32 s6, $0x4  }
0xc9: {  	[tilespmem:s24], [sflag:$0x1] =	stream.linear.gather [hbm4b:s0+s2], $0x80, $0x38;
	[tilespmem:$0x8200] =	vst v63  }
0xca: {  	s3 =	sand.u32 $0x1FFFFFF0, s3;
	s0 =	sadd.s32 s4, s5;
	s5 =	spop (v2sf)  }
0xcb: {  	[tilespmem:s23], [sflag:$0x1] =	stream.linear.gather [hbm4b:s0+s2], $0x80, $0x38;
	[tilespmem:$0x8200] =	vst v63  }
0xcc: {  	s0 =	sadd.s32 s4, s1;
	s1 =	sshll.u32 s5, $0x4;
	s5 =	spop (v2sf)  }
0xcd: {  	[tilespmem:s20], [sflag:$0x1] =	stream.linear.gather [hbm4b:s0+s2], $0x80, $0x38;
	[tilespmem:$0x8200] =	vst v63  }
0xce: {  	s1 =	sand.u32 $0x1FFFFFF0, s1;
	s0 =	sadd.s32 s4, s3;
	s3 =	sshll.u32 s5, $0x4  }
0xcf: {  	[tilespmem:s19], [sflag:$0x1] =	stream.linear.gather [hbm4b:s0+s2], $0x80, $0x38;
	[tilespmem:$0x8200] =	vst v63  }
0xd0: {  	s1 =	sadd.s32 s4, s1;
	s3 =	sand.u32 $0x1FFFFFF0, s3;
	s0 =	sadd.s32 $0x4900, s17  }
0xd1: {  	[tilespmem:s0], [sflag:$0x1] =	stream.linear.gather [hbm4b:s1+s2], $0x80, $0x38;
	[tilespmem:$0x8200] =	vst v63  }
0xd2: {  	p0 =	sne.s32 s16, $0xE000;
	s0 =	sadd.s32 $0x4980, s17;
	s1 =	sadd.s32 s4, s3  }
0xd3: {  	[tilespmem:s0], [sflag:$0x1] =	stream.linear.gather [hbm4b:s1+s2], $0x80, $0x38;
	[tilespmem:$0x8200] =	vst v63  }
0xd4: {  	s0 =	smov.u32 s16;
	s16 =	sadd.s32 $0x2000, s16;
	v0 =	vld [tilespmem:s18+$0x0];
	_ =	sdelay $0x4  }
0xd5: {  	v1 =	vnsel vm0, $0x0, v0;
	v2 =	vsel vm3, $0x0, v0;
	v3 =	vsel vm14, $0x0, v0  }
0xd6: {  	v4 =	vsel vm2, $0x0, v0;
	v5 =	vsel vm15, $0x0, v0;
	(xrf0) =	vadd.scan.msk.s32 $0xffff, v1  }
0xd7: {  	v6 =	vsel vm6, $0x0, v0;
	v1 =	vsel vm1, $0x0, v0;
	(xrf0) =	vadd.scan.msk.s32 $0xffff, v4  }
0xd8: {  	v4 =	vsel vm7, $0x0, v0;
	(xrf0) =	vadd.scan.msk.s32 $0xffff, v2  }
0xd9: {  	v2 =	vsel vm8, $0x0, v0;
	(xrf0) =	vadd.scan.msk.s32 $0xffff, v1  }
0xda: {  	v1 =	vsel vm9, $0x0, v0;
	(xrf0) =	vadd.scan.msk.s32 $0xffff, v2  }
0xdb: {  	v2 =	vsel vm5, $0x0, v0;
	(xrf0) =	vadd.scan.msk.s32 $0xffff, v1  }
0xdc: {  	v1 =	vsel vm4, $0x0, v0;
	v7, _, _ =	vpop (xrf0);
	(xrf0) =	vadd.scan.msk.s32 $0xffff, v2  }
0xdd: {  	v2 =	vsel vm10, $0x0, v0;
	(v2sf) =	vpush v7, $0xF;
	v7, _, _ =	vpop (xrf0);
	(xrf0) =	vadd.scan.msk.s32 $0xffff, v1  }
0xde: {  	v9 =	vsel vm11, $0x0, v0;
	(v2sf) =	vpush v7, $0xF;
	v7, _, _ =	vpop (xrf0);
	(xrf0) =	vadd.scan.msk.s32 $0xffff, v2  }
0xdf: {  	s17 =	sshra.s32 s0, $0x2;
	v2 =	vsel vm12, $0x0, v0;
	v8, _, _ =	vpop (xrf0);
	(v2sf) =	vpush v7, $0xF;
	(xrf0) =	vadd.scan.msk.s32 $0xffff, v9  }
0xe0: {  	s28 =	sadd.s32 $0x4300, s17;
	v7 =	vsel vm13, $0x0, v0;
	(v2sf) =	vpush v8, $0xF;
	v1, _, _ =	vpop (xrf0);
	(xrf0) =	vadd.scan.msk.s32 $0xffff, v2  }
0xe1: {  	s26 =	sadd.s32 $0x4400, s17;
	s21 =	sadd.s32 $0x4580, s17;
	(v2sf) =	vpush v1, $0xF;
	v1, _, _ =	vpop (xrf0);
	(xrf0) =	vadd.scan.msk.s32 $0xffff, v7  }
0xe2: {  	s0 =	sadd.s32 $0x4200, s17;
	s1 =	sadd.s32 $0x4280, s17;
	v0, _, _ =	vpop (xrf0);
	(xrf0) =	vadd.scan.msk.s32 $0xffff, v3  }
0xe3: {  	s22 =	sadd.s32 $0x4500, s17;
	v2, _, _ =	vpop (xrf0);
	(xrf0) =	vadd.scan.msk.s32 $0xffff, v6  }
0xe4: {  	s29 =	sadd.s32 $0x4480, s17;
	(v2sf) =	vpush v2, $0xF;
	(xrf0) =	vadd.scan.msk.s32 $0xffff, v4;
	v2, _, _ =	vpop (xrf0)  }
0xe5: {  	(v2sf) =	vpush v0, $0xF;
	v0, _, _ =	vpop (xrf0);
	(xrf0) =	vadd.scan.msk.s32 $0xffff, v5  }
0xe6: {  	(v2sf) =	vpush v2, $0xF;
	v2, _, _ =	vpop (xrf0)  }
0xe7: {  	v3, _, _ =	vpop (xrf0)  }
0xe8: {  	v4, _, _ =	vpop (xrf0)  }
0xe9: {  	v5, _, _ =	vpop (xrf0);
	(v2sf) =	vpush v1, $0xF  }
0xea: {  	v1, _, _ =	vpop (xrf0)  }
0xeb: {  	s18 =	sadd.s32 $0x10, s18;
	s20 =	sadd.s32 $0x4800, s17;
	s19 =	sadd.s32 $0x4880, s17;
	(v2sf) =	vpush v5, $0xF;
	v5, _, _ =	vpop (xrf0)  }
0xec: {  	s24 =	sadd.s32 $0x4700, s17;
	s23 =	sadd.s32 $0x4780, s17;
	s3 =	spop (v2sf)  }
0xed: {  	s25 =	sadd.s32 $0x4680, s17;
	s3 =	sshll.u32 s3, $0x4;
	s5 =	spop (v2sf);
	(v2sf) =	vpush v1, $0xF  }
0xee: {  	s3 =	sand.u32 $0x1FFFFFF0, s3;
	s5 =	sshll.u32 s5, $0x4;
	s6 =	spop (v2sf)  }
0xef: {  	s3 =	sadd.s32 s4, s3;
	s5 =	sand.u32 $0x1FFFFFF0, s5;
	s7 =	spop (v2sf)  }
0xf0: {  	s6 =	sshll.u32 s6, $0x4;
	s7 =	sshll.u32 s7, $0x4;
	s12 =	spop (v2sf)  }
0xf1: {  	s6 =	sand.u32 $0x1FFFFFF0, s6;
	s7 =	sand.u32 $0x1FFFFFF0, s7;
	s12 =	sshll.u32 s12, $0x4;
	(v2sf) =	vpush v0, $0xF  }
0xf2: {  	[tilespmem:s0], [sflag:$0x1] =	stream.linear.gather [hbm4b:s3+s2], $0x80, $0x38;
	[tilespmem:$0x8200] =	vst v63  }
0xf3: {  	s30 =	sadd.s32 $0x4600, s17;
	s31 =	sand.u32 $0x1FFFFFF0, s12;
	s0 =	spop (v2sf)  }
0xf4: {  	s3 =	sadd.s32 $0x4380, s17;
	s0 =	sshll.u32 s0, $0x4;
	s12 =	spop (v2sf)  }
0xf5: {  	s0 =	sand.u32 $0x1FFFFFF0, s0;
	s12 =	sshll.u32 s12, $0x4;
	s13 =	spop (v2sf);
	(v2sf) =	vpush v2, $0xF  }
0xf6: {  	s7 =	sadd.s32 s4, s7;
	s12 =	sand.u32 $0x1FFFFFF0, s12;
	s13 =	sshll.u32 s13, $0x4  }
0xf7: {  	[tilespmem:s1], [sflag:$0x1] =	stream.linear.gather [hbm4b:s7+s2], $0x80, $0x38;
	(v2sf) =	vpush v3, $0xF;
	[tilespmem:$0x8200] =	vst v63  }
0xf8: {  	s5 =	sadd.s32 s4, s5;
	s1 =	sand.u32 $0x1FFFFFF0, s13;
	s7 =	spop (v2sf)  }
0xf9: {  	[tilespmem:s28], [sflag:$0x1] =	stream.linear.gather [hbm4b:s5+s2], $0x80, $0x38;
	[tilespmem:$0x8200] =	vst v63  }
0xfa: {  	s5 =	sadd.s32 s4, s6;
	s28 =	sshll.u32 s7, $0x4;
	s6 =	spop (v2sf)  }
0xfb: {  	[tilespmem:s3], [sflag:$0x1] =	stream.linear.gather [hbm4b:s5+s2], $0x80, $0x38;
	[tilespmem:$0x8200] =	vst v63  }
.Ltmp1:
0xfc: {  	(v2sf) =	vpush v4, $0xF;
	(pc) =	sbr.rel @p0 .LBB2_4-.Ltmp1, $4  }
0xfd: {  	s0 =	sadd.s32 s4, s0;
	s3 =	sshll.u32 s6, $0x4;
	s5 =	spop (v2sf)  }
0xfe: {  	[tilespmem:s26], [sflag:$0x1] =	stream.linear.gather [hbm4b:s0+s2], $0x80, $0x38;
	(v2sf) =	vpush v5, $0xF;
	[tilespmem:$0x8200] =	vst v63  }
0xff: {  	s6 =	sadd.s32 s4, s12;
	s0 =	sand.u32 $0x1FFFFFF0, s3;
	s26 =	sshll.u32 s5, $0x4  }
0x100: {  	[tilespmem:s29], [sflag:$0x1] =	stream.linear.gather [hbm4b:s6+s2], $0x80, $0x38;
	[tilespmem:$0x8200] =	vst v63  }
0x101: {  	s0 =	sadd.s32 s4, s0;
	s3 =	sand.u32 $0x1FFFFFF0, s26;
	s5 =	spop (v2sf)  }
0x102: {  	[tilespmem:s22], [sflag:$0x1] =	stream.linear.gather [hbm4b:s0+s2], $0x80, $0x38;
	[tilespmem:$0x8200] =	vst v63  }
0x103: {  	s7 =	sand.u32 $0x1FFFFFF0, s28;
	s12 =	sadd.s32 s4, s31;
	s6 =	sadd.s32 s4, s3  }
0x104: {  	[tilespmem:s21], [sflag:$0x1] =	stream.linear.gather [hbm4b:s6+s2], $0x80, $0x38;
	[tilespmem:$0x8200] =	vst v63  }
0x105: {  	s5 =	sshll.u32 s5, $0x4;
	s13 =	sadd.s32 s4, s7;
	s6 =	spop (v2sf)  }
0x106: {  	[tilespmem:s30], [sflag:$0x1] =	stream.linear.gather [hbm4b:s12+s2], $0x80, $0x38;
	[tilespmem:$0x8200] =	vst v63  }
0x107: {  	s5 =	sand.u32 $0x1FFFFFF0, s5;
	s21 =	sadd.s32 s4, s1;
	s16 =	sshll.u32 s6, $0x4  }
0x108: {  	[tilespmem:s25], [sflag:$0x1] =	stream.linear.gather [hbm4b:s13+s2], $0x80, $0x38;
	[tilespmem:$0x8200] =	vst v63  }
0x109: {  	s26 =	sadd.s32 s4, s5;
	s18 =	spop (v2sf);
	s22 =	sand.u32 $0x1FFFFFF0, s16  }
0x10a: {  	[tilespmem:s24], [sflag:$0x1] =	stream.linear.gather [hbm4b:s21+s2], $0x80, $0x38;
	[tilespmem:$0x8200] =	vst v63  }
0x10b: {  	s6 =	sadd.s32 s4, s22;
	s25 =	sshll.u32 s18, $0x4;
	s29 =	spop (v2sf)  }
0x10c: {  	[tilespmem:s23], [sflag:$0x1] =	stream.linear.gather [hbm4b:s26+s2], $0x80, $0x38;
	[tilespmem:$0x8200] =	vst v63  }
0x10d: {  	s3 =	sand.u32 $0x1FFFFFF0, s25;
	s7 =	sshll.u32 s29, $0x4;
	s12 =	spop (v2sf)  }
0x10e: {  	[tilespmem:s20], [sflag:$0x1] =	stream.linear.gather [hbm4b:s6+s2], $0x80, $0x38;
	[tilespmem:$0x8200] =	vst v63  }
0x10f: {  	s13 =	sadd.s32 s4, s3;
	s1 =	sand.u32 $0x1FFFFFF0, s7;
	s16 =	sshll.u32 s12, $0x4  }
0x110: {  	[tilespmem:s19], [sflag:$0x1] =	stream.linear.gather [hbm4b:s13+s2], $0x80, $0x38;
	[tilespmem:$0x8200] =	vst v63  }
0x111: {  	s18 =	sadd.s32 $0x4900, s17;
	s1 =	sadd.s32 s4, s1;
	s3 =	sand.u32 $0x1FFFFFF0, s16  }
0x112: {  	[tilespmem:s18], [sflag:$0x1] =	stream.linear.gather [hbm4b:s1+s2], $0x80, $0x38;
	[tilespmem:$0x8200] =	vst v63  }
0x113: {  	s19 =	sadd.s32 $0x4980, s17;
	s20 =	sadd.s32 s4, s3  }
0x114: {  	[tilespmem:s19], [sflag:$0x1] =	stream.linear.gather [hbm4b:s20+s2], $0x80, $0x38;
	[tilespmem:$0x8200] =	vst v63  }
0x115: {  	_ =	swait.ge [sflag:s11], $0x4000  }
0x116: {  	s21 =	simm.s32 $0x0;
	[sflag:s11] =	ssyncset.done $0x0  }
0x117: {  	s23 =	simm.s32 $0x4200;
	s22 =	rddreg [dreg:$0x4];
	[sflag:s11] =	ssyncadd.s32 $0xFFFFC000  }
0x118: {  	[hbm4b:s22+s21] =	stream.linear.scatter [tilespmem:s23], [sflag:$0x2], $0x4000, $0x38;
	[tilespmem:$0x8200] =	vst v63  }
0x119: {  	_ =	swait.ge [sflag:s14], $0x4000  }
0x11a: {  	[sflag:s14] =	ssyncset.done $0x0  }
0x11b: {  	s24 =	simm.s32 $0x100;
	[sflag:s14] =	ssyncadd.s32 $0xFFFFC000  }
0x11c: {  	v0 =	vld [tilespmem:s24+$0x0];
	_ =	sdelay $0x4  }
0x11d: {  	v1 =	vnsel vm0, $0x0, v0  }
0x11e: {  	v2 =	vsel vm2, $0x0, v0;
	(xrf0) =	vadd.scan.msk.s32 $0xffff, v1  }
0x11f: {  	v40 =	vsel vm3, $0x0, v0;
	(xrf0) =	vadd.scan.msk.s32 $0xffff, v2  }
0x120: {  	v41 =	vsel vm1, $0x0, v0;
	(xrf0) =	vadd.scan.msk.s32 $0xffff, v40  }
0x121: {  	(xrf0) =	vadd.scan.msk.s32 $0xffff, v41;
	_ =	sdelay $0x2  }
0x122: {  	v42, _, _ =	vpop (xrf0)  }
0x123: {  	v43 =	vsel vm8, $0x0, v0;
	(v2sf) =	vpush v42, $0xF;
	v44, _, _ =	vpop (xrf0)  }
0x124: {  	v3 =	vsel vm9, $0x0, v0;
	(xrf0) =	vadd.scan.msk.s32 $0xffff, v43;
	(v2sf) =	vpush v44, $0xF;
	v45, _, _ =	vpop (xrf0)  }
0x125: {  	v46 =	vsel vm5, $0x0, v0;
	(xrf0) =	vadd.scan.msk.s32 $0xffff, v3;
	v47, _, _ =	vpop (xrf0);
	(v2sf) =	vpush v45, $0xF  }
0x126: {  	v48 =	vsel vm4, $0x0, v0;
	(xrf0) =	vadd.scan.msk.s32 $0xffff, v46;
	(v2sf) =	vpush v47, $0xF  }
0x127: {  	(xrf0) =	vadd.scan.msk.s32 $0xffff, v48;
	_ =	sdelay $0x1  }
0x128: {  	v49 =	vsel vm10, $0x0, v0  }
0x129: {  	v50 =	vsel vm11, $0x0, v0;
	(xrf0) =	vadd.scan.msk.s32 $0xffff, v49;
	v51, _, _ =	vpop (xrf0)  }
0x12a: {  	v52 =	vsel vm12, $0x0, v0;
	(xrf0) =	vadd.scan.msk.s32 $0xffff, v50;
	v53, _, _ =	vpop (xrf0)  }
0x12b: {  	v4 =	vsel vm13, $0x0, v0;
	(xrf0) =	vadd.scan.msk.s32 $0xffff, v52;
	(v2sf) =	vpush v51, $0xF;
	v54, _, _ =	vpop (xrf0)  }
0x12c: {  	v55 =	vsel vm14, $0x0, v0;
	(xrf0) =	vadd.scan.msk.s32 $0xffff, v4;
	v56, _, _ =	vpop (xrf0)  }
0x12d: {  	v5 =	vsel vm6, $0x0, v0;
	(xrf0) =	vadd.scan.msk.s32 $0xffff, v55;
	(v2sf) =	vpush v56, $0xF  }
0x12e: {  	v57 =	vsel vm7, $0x0, v0;
	(xrf0) =	vadd.scan.msk.s32 $0xffff, v5  }
0x12f: {  	s0 =	simm.s32 $0x300;
	s5 =	simm.s32 $0x280;
	s30 =	simm.s32 $0x600;
	(xrf0) =	vadd.scan.msk.s32 $0xffff, v57;
	v58, _, _ =	vpop (xrf0);
	(v2sf) =	vpush v54, $0xF  }
0x130: {  	s25 =	simm.s32 $0x200;
	s7 =	simm.s32 $0x480;
	s16 =	simm.s32 $0x2000;
	v59, _, _ =	vpop (xrf0)  }
0x131: {  	s17 =	simm.s32 $0x0;
	s1 =	simm.s32 $0x400;
	(v2sf) =	vpush v58, $0xF;
	v60, _, _ =	vpop (xrf0);
	s26 =	spop (v2sf)  }
0x132: {  	s18 =	simm.s32 $0x110;
	v61, _, _ =	vpop (xrf0);
	s6 =	sshll.u32 s26, $0x4;
	s12 =	spop (v2sf)  }
0x133: {  	s20 =	simm.s32 $0x800;
	(v2sf) =	vpush v53, $0xF;
	v62, _, _ =	vpop (xrf0);
	s6 =	sand.u32 $0x1FFFFFF0, s6;
	s13 =	spop (v2sf)  }
0x134: {  	s19 =	simm.s32 $0x880;
	v63, _, _ =	vpop (xrf0);
	s6 =	sadd.s32 s4, s6;
	s29 =	spop (v2sf)  }
0x135: {  	v6, _, _ =	vpop (xrf0);
	(v2sf) =	vpush v63, $0xF;
	[tilespmem:s25], [sflag:$0x1] =	stream.linear.gather [hbm4b:s6+s2], $0x80, $0x38;
	[tilespmem:$0x8200] =	vst v63  }
0x136: {  	s21 =	simm.s32 $0x580;
	s22 =	simm.s32 $0x500;
	(v2sf) =	vpush v6, $0xF;
	s6 =	sshll.u32 s29, $0x4  }
0x137: {  	s23 =	simm.s32 $0x780;
	s25 =	sshll.u32 s12, $0x4;
	s3 =	sand.u32 $0x1FFFFFF0, s6  }
0x138: {  	s26 =	sshll.u32 s13, $0x4;
	(v2sf) =	vpush v59, $0xF;
	s6 =	sand.u32 $0x1FFFFFF0, s25;
	s3 =	sadd.s32 s4, s3  }
0x139: {  	[tilespmem:s5], [sflag:$0x1] =	stream.linear.gather [hbm4b:s3+s2], $0x80, $0x38;
	[tilespmem:$0x8200] =	vst v63  }
0x13a: {  	s12 =	sand.u32 $0x1FFFFFF0, s26;
	s6 =	sadd.s32 s4, s6;
	s29 =	spop (v2sf)  }
0x13b: {  	v0 =	vsel vm15, $0x0, v0;
	[tilespmem:s0], [sflag:$0x1] =	stream.linear.gather [hbm4b:s6+s2], $0x80, $0x38;
	[tilespmem:$0x8200] =	vst v63  }
0x13c: {  	(xrf0) =	vadd.scan.msk.s32 $0xffff, v0;
	s25 =	simm.s32 $0x380;
	(v2sf) =	vpush v60, $0xF;
	s5 =	sadd.s32 s4, s12;
	s13 =	spop (v2sf)  }
0x13d: {  	[tilespmem:s25], [sflag:$0x1] =	stream.linear.gather [hbm4b:s5+s2], $0x80, $0x38;
	[tilespmem:$0x8200] =	vst v63  }
0x13e: {  	s24 =	simm.s32 $0x700;
	(v2sf) =	vpush v61, $0xF;
	s0 =	sshll.u32 s13, $0x4;
	s26 =	spop (v2sf)  }
0x13f: {  	s3 =	sshll.u32 s29, $0x4;
	s0 =	sand.u32 $0x1FFFFFF0, s0;
	s5 =	sshll.u32 s26, $0x4  }
0x140: {  	s29 =	spop (v2sf);
	s5 =	sand.u32 $0x1FFFFFF0, s5;
	s0 =	sadd.s32 s4, s0  }
0x141: {  	[tilespmem:s1], [sflag:$0x1] =	stream.linear.gather [hbm4b:s0+s2], $0x80, $0x38;
	[tilespmem:$0x8200] =	vst v63  }
0x142: {  	s31 =	sand.u32 $0x1FFFFFF0, s3;
	s0 =	spop (v2sf);
	s12 =	sadd.s32 s4, s5;
	(v2sf) =	vpush v62, $0xF  }
0x143: {  	v0, _, _ =	vpop (xrf0);
	[tilespmem:s7], [sflag:$0x1] =	stream.linear.gather [hbm4b:s12+s2], $0x80, $0x38;
	[tilespmem:$0x8200] =	vst v63  }
0x144: {  	s25 =	simm.s32 $0x680;
	s13 =	sshll.u32 s29, $0x4;
	s26 =	spop (v2sf);
	(v2sf) =	vpush v0, $0xF  }
0x145: {  	s1 =	sand.u32 $0x1FFFFFF0, s13;
	s3 =	sshll.u32 s26, $0x4;
	s29 =	spop (v2sf)  }
0x146: {  	s28 =	sshll.u32 s0, $0x4;
	s0 =	sand.u32 $0x1FFFFFF0, s3;
	s26 =	sshll.u32 s29, $0x4  }
.LBB2_6:
0x147: {  	s0 =	sadd.s32 s4, s0;
	s3 =	sand.u32 $0x1FFFFFF0, s26;
	s5 =	spop (v2sf)  }
0x148: {  	[tilespmem:s22], [sflag:$0x1] =	stream.linear.gather [hbm4b:s0+s2], $0x80, $0x38;
	[tilespmem:$0x8200] =	vst v63  }
0x149: {  	s0 =	sadd.s32 s4, s3;
	s3 =	sand.u32 $0x1FFFFFF0, s28;
	s5 =	sshll.u32 s5, $0x4  }
0x14a: {  	[tilespmem:s21], [sflag:$0x1] =	stream.linear.gather [hbm4b:s0+s2], $0x80, $0x38;
	[tilespmem:$0x8200] =	vst v63  }
0x14b: {  	s5 =	sand.u32 $0x1FFFFFF0, s5;
	s0 =	sadd.s32 s4, s31;
	s6 =	spop (v2sf)  }
0x14c: {  	[tilespmem:s30], [sflag:$0x1] =	stream.linear.gather [hbm4b:s0+s2], $0x80, $0x38;
	[tilespmem:$0x8200] =	vst v63  }
0x14d: {  	s0 =	sadd.s32 s4, s3;
	s3 =	sshll.u32 s6, $0x4;
	s6 =	spop (v2sf)  }
0x14e: {  	[tilespmem:s25], [sflag:$0x1] =	stream.linear.gather [hbm4b:s0+s2], $0x80, $0x38;
	[tilespmem:$0x8200] =	vst v63  }
0x14f: {  	s0 =	sadd.s32 s4, s1;
	s1 =	sand.u32 $0x1FFFFFF0, s3;
	s3 =	sshll.u32 s6, $0x4  }
0x150: {  	[tilespmem:s24], [sflag:$0x1] =	stream.linear.gather [hbm4b:s0+s2], $0x80, $0x38;
	[tilespmem:$0x8200] =	vst v63  }
0x151: {  	s3 =	sand.u32 $0x1FFFFFF0, s3;
	s0 =	sadd.s32 s4, s5;
	s5 =	spop (v2sf)  }
0x152: {  	[tilespmem:s23], [sflag:$0x1] =	stream.linear.gather [hbm4b:s0+s2], $0x80, $0x38;
	[tilespmem:$0x8200] =	vst v63  }
0x153: {  	s0 =	sadd.s32 s4, s1;
	s1 =	sshll.u32 s5, $0x4;
	s5 =	spop (v2sf)  }
0x154: {  	[tilespmem:s20], [sflag:$0x1] =	stream.linear.gather [hbm4b:s0+s2], $0x80, $0x38;
	[tilespmem:$0x8200] =	vst v63  }
0x155: {  	s1 =	sand.u32 $0x1FFFFFF0, s1;
	s0 =	sadd.s32 s4, s3;
	s3 =	sshll.u32 s5, $0x4  }
0x156: {  	[tilespmem:s19], [sflag:$0x1] =	stream.linear.gather [hbm4b:s0+s2], $0x80, $0x38;
	[tilespmem:$0x8200] =	vst v63  }
0x157: {  	s1 =	sadd.s32 s4, s1;
	s3 =	sand.u32 $0x1FFFFFF0, s3;
	s0 =	sadd.s32 $0x900, s17  }
0x158: {  	[tilespmem:s0], [sflag:$0x1] =	stream.linear.gather [hbm4b:s1+s2], $0x80, $0x38;
	[tilespmem:$0x8200] =	vst v63  }
0x159: {  	p0 =	sne.s32 s16, $0xE000;
	s0 =	sadd.s32 $0x980, s17;
	s1 =	sadd.s32 s4, s3  }
0x15a: {  	[tilespmem:s0], [sflag:$0x1] =	stream.linear.gather [hbm4b:s1+s2], $0x80, $0x38;
	[tilespmem:$0x8200] =	vst v63  }
0x15b: {  	s0 =	smov.u32 s16;
	s16 =	sadd.s32 $0x2000, s16;
	v0 =	vld [tilespmem:s18+$0x0];
	_ =	sdelay $0x4  }
0x15c: {  	v1 =	vnsel vm0, $0x0, v0;
	v2 =	vsel vm3, $0x0, v0;
	v3 =	vsel vm14, $0x0, v0  }
0x15d: {  	v4 =	vsel vm2, $0x0, v0;
	v5 =	vsel vm15, $0x0, v0;
	(xrf0) =	vadd.scan.msk.s32 $0xffff, v1  }
0x15e: {  	v6 =	vsel vm6, $0x0, v0;
	v1 =	vsel vm1, $0x0, v0;
	(xrf0) =	vadd.scan.msk.s32 $0xffff, v4  }
0x15f: {  	v4 =	vsel vm7, $0x0, v0;
	(xrf0) =	vadd.scan.msk.s32 $0xffff, v2  }
0x160: {  	v2 =	vsel vm8, $0x0, v0;
	(xrf0) =	vadd.scan.msk.s32 $0xffff, v1  }
0x161: {  	v1 =	vsel vm9, $0x0, v0;
	(xrf0) =	vadd.scan.msk.s32 $0xffff, v2  }
0x162: {  	v2 =	vsel vm5, $0x0, v0;
	(xrf0) =	vadd.scan.msk.s32 $0xffff, v1  }
0x163: {  	v1 =	vsel vm4, $0x0, v0;
	v7, _, _ =	vpop (xrf0);
	(xrf0) =	vadd.scan.msk.s32 $0xffff, v2  }
0x164: {  	v2 =	vsel vm10, $0x0, v0;
	(v2sf) =	vpush v7, $0xF;
	v7, _, _ =	vpop (xrf0);
	(xrf0) =	vadd.scan.msk.s32 $0xffff, v1  }
0x165: {  	v9 =	vsel vm11, $0x0, v0;
	(v2sf) =	vpush v7, $0xF;
	v7, _, _ =	vpop (xrf0);
	(xrf0) =	vadd.scan.msk.s32 $0xffff, v2  }
0x166: {  	s17 =	sshra.s32 s0, $0x2;
	v2 =	vsel vm12, $0x0, v0;
	v8, _, _ =	vpop (xrf0);
	(v2sf) =	vpush v7, $0xF;
	(xrf0) =	vadd.scan.msk.s32 $0xffff, v9  }
0x167: {  	s28 =	sadd.s32 $0x300, s17;
	v7 =	vsel vm13, $0x0, v0;
	(v2sf) =	vpush v8, $0xF;
	v1, _, _ =	vpop (xrf0);
	(xrf0) =	vadd.scan.msk.s32 $0xffff, v2  }
0x168: {  	s26 =	sadd.s32 $0x400, s17;
	s21 =	sadd.s32 $0x580, s17;
	(v2sf) =	vpush v1, $0xF;
	v1, _, _ =	vpop (xrf0);
	(xrf0) =	vadd.scan.msk.s32 $0xffff, v7  }
0x169: {  	s0 =	sadd.s32 $0x200, s17;
	s1 =	sadd.s32 $0x280, s17;
	v0, _, _ =	vpop (xrf0);
	(xrf0) =	vadd.scan.msk.s32 $0xffff, v3  }
0x16a: {  	s22 =	sadd.s32 $0x500, s17;
	v2, _, _ =	vpop (xrf0);
	(xrf0) =	vadd.scan.msk.s32 $0xffff, v6  }
0x16b: {  	s29 =	sadd.s32 $0x480, s17;
	(v2sf) =	vpush v2, $0xF;
	(xrf0) =	vadd.scan.msk.s32 $0xffff, v4;
	v2, _, _ =	vpop (xrf0)  }
0x16c: {  	(v2sf) =	vpush v0, $0xF;
	v0, _, _ =	vpop (xrf0);
	(xrf0) =	vadd.scan.msk.s32 $0xffff, v5  }
0x16d: {  	(v2sf) =	vpush v2, $0xF;
	v2, _, _ =	vpop (xrf0)  }
0x16e: {  	v3, _, _ =	vpop (xrf0)  }
0x16f: {  	v4, _, _ =	vpop (xrf0)  }
0x170: {  	v5, _, _ =	vpop (xrf0);
	(v2sf) =	vpush v1, $0xF  }
0x171: {  	v1, _, _ =	vpop (xrf0)  }
0x172: {  	s18 =	sadd.s32 $0x10, s18;
	s20 =	sadd.s32 $0x800, s17;
	s19 =	sadd.s32 $0x880, s17;
	(v2sf) =	vpush v5, $0xF;
	v5, _, _ =	vpop (xrf0)  }
0x173: {  	s24 =	sadd.s32 $0x700, s17;
	s23 =	sadd.s32 $0x780, s17;
	s3 =	spop (v2sf)  }
0x174: {  	s25 =	sadd.s32 $0x680, s17;
	s3 =	sshll.u32 s3, $0x4;
	s5 =	spop (v2sf);
	(v2sf) =	vpush v1, $0xF  }
0x175: {  	s3 =	sand.u32 $0x1FFFFFF0, s3;
	s5 =	sshll.u32 s5, $0x4;
	s6 =	spop (v2sf)  }
0x176: {  	s3 =	sadd.s32 s4, s3;
	s5 =	sand.u32 $0x1FFFFFF0, s5;
	s7 =	spop (v2sf)  }
0x177: {  	s6 =	sshll.u32 s6, $0x4;
	s7 =	sshll.u32 s7, $0x4;
	s12 =	spop (v2sf)  }
0x178: {  	s6 =	sand.u32 $0x1FFFFFF0, s6;
	s7 =	sand.u32 $0x1FFFFFF0, s7;
	s12 =	sshll.u32 s12, $0x4;
	(v2sf) =	vpush v0, $0xF  }
0x179: {  	[tilespmem:s0], [sflag:$0x1] =	stream.linear.gather [hbm4b:s3+s2], $0x80, $0x38;
	[tilespmem:$0x8200] =	vst v63  }
0x17a: {  	s30 =	sadd.s32 $0x600, s17;
	s31 =	sand.u32 $0x1FFFFFF0, s12;
	s0 =	spop (v2sf)  }
0x17b: {  	s3 =	sadd.s32 $0x380, s17;
	s0 =	sshll.u32 s0, $0x4;
	s12 =	spop (v2sf)  }
0x17c: {  	s0 =	sand.u32 $0x1FFFFFF0, s0;
	s12 =	sshll.u32 s12, $0x4;
	s13 =	spop (v2sf);
	(v2sf) =	vpush v2, $0xF  }
0x17d: {  	s7 =	sadd.s32 s4, s7;
	s12 =	sand.u32 $0x1FFFFFF0, s12;
	s13 =	sshll.u32 s13, $0x4  }
0x17e: {  	[tilespmem:s1], [sflag:$0x1] =	stream.linear.gather [hbm4b:s7+s2], $0x80, $0x38;
	(v2sf) =	vpush v3, $0xF;
	[tilespmem:$0x8200] =	vst v63  }
0x17f: {  	s5 =	sadd.s32 s4, s5;
	s1 =	sand.u32 $0x1FFFFFF0, s13;
	s7 =	spop (v2sf)  }
0x180: {  	[tilespmem:s28], [sflag:$0x1] =	stream.linear.gather [hbm4b:s5+s2], $0x80, $0x38;
	[tilespmem:$0x8200] =	vst v63  }
0x181: {  	s5 =	sadd.s32 s4, s6;
	s28 =	sshll.u32 s7, $0x4;
	s6 =	spop (v2sf)  }
0x182: {  	[tilespmem:s3], [sflag:$0x1] =	stream.linear.gather [hbm4b:s5+s2], $0x80, $0x38;
	[tilespmem:$0x8200] =	vst v63  }
.Ltmp2:
0x183: {  	(v2sf) =	vpush v4, $0xF;
	(pc) =	sbr.rel @p0 .LBB2_6-.Ltmp2, $4  }
0x184: {  	s0 =	sadd.s32 s4, s0;
	s3 =	sshll.u32 s6, $0x4;
	s5 =	spop (v2sf)  }
0x185: {  	[tilespmem:s26], [sflag:$0x1] =	stream.linear.gather [hbm4b:s0+s2], $0x80, $0x38;
	(v2sf) =	vpush v5, $0xF;
	[tilespmem:$0x8200] =	vst v63  }
0x186: {  	s6 =	sadd.s32 s4, s12;
	s0 =	sand.u32 $0x1FFFFFF0, s3;
	s26 =	sshll.u32 s5, $0x4  }
0x187: {  	[tilespmem:s29], [sflag:$0x1] =	stream.linear.gather [hbm4b:s6+s2], $0x80, $0x38;
	[tilespmem:$0x8200] =	vst v63  }
0x188: {  	s0 =	sadd.s32 s4, s0;
	s3 =	sand.u32 $0x1FFFFFF0, s26;
	s5 =	spop (v2sf)  }
0x189: {  	[tilespmem:s22], [sflag:$0x1] =	stream.linear.gather [hbm4b:s0+s2], $0x80, $0x38;
	[tilespmem:$0x8200] =	vst v63  }
0x18a: {  	s7 =	sand.u32 $0x1FFFFFF0, s28;
	s12 =	sadd.s32 s4, s31;
	s6 =	sadd.s32 s4, s3  }
0x18b: {  	[tilespmem:s21], [sflag:$0x1] =	stream.linear.gather [hbm4b:s6+s2], $0x80, $0x38;
	[tilespmem:$0x8200] =	vst v63  }
0x18c: {  	s5 =	sshll.u32 s5, $0x4;
	s13 =	sadd.s32 s4, s7;
	s6 =	spop (v2sf)  }
0x18d: {  	[tilespmem:s30], [sflag:$0x1] =	stream.linear.gather [hbm4b:s12+s2], $0x80, $0x38;
	[tilespmem:$0x8200] =	vst v63  }
0x18e: {  	s5 =	sand.u32 $0x1FFFFFF0, s5;
	s21 =	sadd.s32 s4, s1;
	s16 =	sshll.u32 s6, $0x4  }
0x18f: {  	[tilespmem:s25], [sflag:$0x1] =	stream.linear.gather [hbm4b:s13+s2], $0x80, $0x38;
	[tilespmem:$0x8200] =	vst v63  }
0x190: {  	s26 =	sadd.s32 s4, s5;
	s18 =	spop (v2sf);
	s22 =	sand.u32 $0x1FFFFFF0, s16  }
0x191: {  	[tilespmem:s24], [sflag:$0x1] =	stream.linear.gather [hbm4b:s21+s2], $0x80, $0x38;
	[tilespmem:$0x8200] =	vst v63  }
0x192: {  	s6 =	sadd.s32 s4, s22;
	s25 =	sshll.u32 s18, $0x4;
	s29 =	spop (v2sf)  }
0x193: {  	[tilespmem:s23], [sflag:$0x1] =	stream.linear.gather [hbm4b:s26+s2], $0x80, $0x38;
	[tilespmem:$0x8200] =	vst v63  }
0x194: {  	s3 =	sand.u32 $0x1FFFFFF0, s25;
	s7 =	sshll.u32 s29, $0x4;
	s12 =	spop (v2sf)  }
0x195: {  	[tilespmem:s20], [sflag:$0x1] =	stream.linear.gather [hbm4b:s6+s2], $0x80, $0x38;
	[tilespmem:$0x8200] =	vst v63  }
0x196: {  	s13 =	sadd.s32 s4, s3;
	s1 =	sand.u32 $0x1FFFFFF0, s7;
	s16 =	sshll.u32 s12, $0x4  }
0x197: {  	[tilespmem:s19], [sflag:$0x1] =	stream.linear.gather [hbm4b:s13+s2], $0x80, $0x38;
	[tilespmem:$0x8200] =	vst v63  }
0x198: {  	s18 =	sadd.s32 $0x900, s17;
	s1 =	sadd.s32 s4, s1;
	s3 =	sand.u32 $0x1FFFFFF0, s16  }
0x199: {  	[tilespmem:s18], [sflag:$0x1] =	stream.linear.gather [hbm4b:s1+s2], $0x80, $0x38;
	[tilespmem:$0x8200] =	vst v63  }
0x19a: {  	s19 =	sadd.s32 $0x980, s17;
	s20 =	sadd.s32 s4, s3  }
0x19b: {  	[tilespmem:s19], [sflag:$0x1] =	stream.linear.gather [hbm4b:s20+s2], $0x80, $0x38;
	[tilespmem:$0x8200] =	vst v63  }
0x19c: {  	_ =	swait.ge [sflag:s11], $0x4000  }
0x19d: {  	s21 =	simm.s32 $0x0;
	[sflag:s11] =	ssyncset.done $0x0  }
0x19e: {  	s23 =	simm.s32 $0x200;
	s22 =	rddreg [dreg:$0x5];
	[sflag:s11] =	ssyncadd.s32 $0xFFFFC000  }
0x19f: {  	[hbm4b:s22+s21] =	stream.linear.scatter [tilespmem:s23], [sflag:$0x2], $0x4000, $0x38;
	[tilespmem:$0x8200] =	vst v63  }
0x1a0: {  	_ =	swait.ge [sflag:s14], $0x4000  }
0x1a1: {  	[sflag:s14] =	ssyncset.done $0x0  }
0x1a2: {  	s24 =	simm.s32 $0x180;
	[sflag:s14] =	ssyncadd.s32 $0xFFFFC000  }
0x1a3: {  	v0 =	vld [tilespmem:s24+$0x0];
	_ =	sdelay $0x4  }
0x1a4: {  	v1 =	vnsel vm0, $0x0, v0  }
0x1a5: {  	v2 =	vsel vm2, $0x0, v0;
	(xrf0) =	vadd.scan.msk.s32 $0xffff, v1  }
0x1a6: {  	v40 =	vsel vm3, $0x0, v0;
	(xrf0) =	vadd.scan.msk.s32 $0xffff, v2  }
0x1a7: {  	v41 =	vsel vm1, $0x0, v0;
	(xrf0) =	vadd.scan.msk.s32 $0xffff, v40  }
0x1a8: {  	(xrf0) =	vadd.scan.msk.s32 $0xffff, v41;
	_ =	sdelay $0x2  }
0x1a9: {  	v42, _, _ =	vpop (xrf0)  }
0x1aa: {  	v43 =	vsel vm8, $0x0, v0;
	(v2sf) =	vpush v42, $0xF;
	v44, _, _ =	vpop (xrf0)  }
0x1ab: {  	v3 =	vsel vm9, $0x0, v0;
	(xrf0) =	vadd.scan.msk.s32 $0xffff, v43;
	(v2sf) =	vpush v44, $0xF;
	v45, _, _ =	vpop (xrf0)  }
0x1ac: {  	v46 =	vsel vm5, $0x0, v0;
	(xrf0) =	vadd.scan.msk.s32 $0xffff, v3;
	v47, _, _ =	vpop (xrf0);
	(v2sf) =	vpush v45, $0xF  }
0x1ad: {  	v48 =	vsel vm4, $0x0, v0;
	(xrf0) =	vadd.scan.msk.s32 $0xffff, v46;
	(v2sf) =	vpush v47, $0xF  }
0x1ae: {  	(xrf0) =	vadd.scan.msk.s32 $0xffff, v48;
	_ =	sdelay $0x1  }
0x1af: {  	v49 =	vsel vm10, $0x0, v0  }
0x1b0: {  	v50 =	vsel vm11, $0x0, v0;
	(xrf0) =	vadd.scan.msk.s32 $0xffff, v49;
	v51, _, _ =	vpop (xrf0)  }
0x1b1: {  	v52 =	vsel vm12, $0x0, v0;
	(xrf0) =	vadd.scan.msk.s32 $0xffff, v50;
	v53, _, _ =	vpop (xrf0)  }
0x1b2: {  	v4 =	vsel vm13, $0x0, v0;
	(xrf0) =	vadd.scan.msk.s32 $0xffff, v52;
	(v2sf) =	vpush v51, $0xF;
	v54, _, _ =	vpop (xrf0)  }
0x1b3: {  	v55 =	vsel vm14, $0x0, v0;
	(xrf0) =	vadd.scan.msk.s32 $0xffff, v4;
	v56, _, _ =	vpop (xrf0)  }
0x1b4: {  	v5 =	vsel vm6, $0x0, v0;
	(xrf0) =	vadd.scan.msk.s32 $0xffff, v55;
	(v2sf) =	vpush v56, $0xF  }
0x1b5: {  	v57 =	vsel vm7, $0x0, v0;
	(xrf0) =	vadd.scan.msk.s32 $0xffff, v5  }
0x1b6: {  	s0 =	simm.s32 $0x4300;
	s5 =	simm.s32 $0x4280;
	s30 =	simm.s32 $0x4600;
	(xrf0) =	vadd.scan.msk.s32 $0xffff, v57;
	v58, _, _ =	vpop (xrf0);
	(v2sf) =	vpush v54, $0xF  }
0x1b7: {  	s25 =	simm.s32 $0x4200;
	s7 =	simm.s32 $0x4480;
	s16 =	simm.s32 $0x2000;
	v59, _, _ =	vpop (xrf0)  }
0x1b8: {  	s17 =	simm.s32 $0x0;
	s1 =	simm.s32 $0x4400;
	(v2sf) =	vpush v58, $0xF;
	v60, _, _ =	vpop (xrf0);
	s26 =	spop (v2sf)  }
0x1b9: {  	s18 =	simm.s32 $0x190;
	v61, _, _ =	vpop (xrf0);
	s6 =	sshll.u32 s26, $0x4;
	s12 =	spop (v2sf)  }
0x1ba: {  	s20 =	simm.s32 $0x4800;
	(v2sf) =	vpush v53, $0xF;
	v62, _, _ =	vpop (xrf0);
	s6 =	sand.u32 $0x1FFFFFF0, s6;
	s13 =	spop (v2sf)  }
0x1bb: {  	s19 =	simm.s32 $0x4880;
	v63, _, _ =	vpop (xrf0);
	s6 =	sadd.s32 s4, s6;
	s29 =	spop (v2sf)  }
0x1bc: {  	v6, _, _ =	vpop (xrf0);
	(v2sf) =	vpush v63, $0xF;
	[tilespmem:s25], [sflag:$0x1] =	stream.linear.gather [hbm4b:s6+s2], $0x80, $0x38;
	[tilespmem:$0x8200] =	vst v63  }
0x1bd: {  	s21 =	simm.s32 $0x4580;
	s22 =	simm.s32 $0x4500;
	(v2sf) =	vpush v6, $0xF;
	s6 =	sshll.u32 s29, $0x4  }
0x1be: {  	s23 =	simm.s32 $0x4780;
	s25 =	sshll.u32 s12, $0x4;
	s3 =	sand.u32 $0x1FFFFFF0, s6  }
0x1bf: {  	s26 =	sshll.u32 s13, $0x4;
	(v2sf) =	vpush v59, $0xF;
	s6 =	sand.u32 $0x1FFFFFF0, s25;
	s3 =	sadd.s32 s4, s3  }
0x1c0: {  	[tilespmem:s5], [sflag:$0x1] =	stream.linear.gather [hbm4b:s3+s2], $0x80, $0x38;
	[tilespmem:$0x8200] =	vst v63  }
0x1c1: {  	s12 =	sand.u32 $0x1FFFFFF0, s26;
	s6 =	sadd.s32 s4, s6;
	s29 =	spop (v2sf)  }
0x1c2: {  	v0 =	vsel vm15, $0x0, v0;
	[tilespmem:s0], [sflag:$0x1] =	stream.linear.gather [hbm4b:s6+s2], $0x80, $0x38;
	[tilespmem:$0x8200] =	vst v63  }
0x1c3: {  	(xrf0) =	vadd.scan.msk.s32 $0xffff, v0;
	s25 =	simm.s32 $0x4380;
	(v2sf) =	vpush v60, $0xF;
	s5 =	sadd.s32 s4, s12;
	s13 =	spop (v2sf)  }
0x1c4: {  	[tilespmem:s25], [sflag:$0x1] =	stream.linear.gather [hbm4b:s5+s2], $0x80, $0x38;
	[tilespmem:$0x8200] =	vst v63  }
0x1c5: {  	s24 =	simm.s32 $0x4700;
	(v2sf) =	vpush v61, $0xF;
	s0 =	sshll.u32 s13, $0x4;
	s26 =	spop (v2sf)  }
0x1c6: {  	s3 =	sshll.u32 s29, $0x4;
	s0 =	sand.u32 $0x1FFFFFF0, s0;
	s5 =	sshll.u32 s26, $0x4  }
0x1c7: {  	s29 =	spop (v2sf);
	s5 =	sand.u32 $0x1FFFFFF0, s5;
	s0 =	sadd.s32 s4, s0  }
0x1c8: {  	[tilespmem:s1], [sflag:$0x1] =	stream.linear.gather [hbm4b:s0+s2], $0x80, $0x38;
	[tilespmem:$0x8200] =	vst v63  }
0x1c9: {  	s31 =	sand.u32 $0x1FFFFFF0, s3;
	s0 =	spop (v2sf);
	s12 =	sadd.s32 s4, s5;
	(v2sf) =	vpush v62, $0xF  }
0x1ca: {  	v0, _, _ =	vpop (xrf0);
	[tilespmem:s7], [sflag:$0x1] =	stream.linear.gather [hbm4b:s12+s2], $0x80, $0x38;
	[tilespmem:$0x8200] =	vst v63  }
0x1cb: {  	s25 =	simm.s32 $0x4680;
	s13 =	sshll.u32 s29, $0x4;
	s26 =	spop (v2sf);
	(v2sf) =	vpush v0, $0xF  }
0x1cc: {  	s1 =	sand.u32 $0x1FFFFFF0, s13;
	s3 =	sshll.u32 s26, $0x4;
	s29 =	spop (v2sf)  }
0x1cd: {  	s28 =	sshll.u32 s0, $0x4;
	s0 =	sand.u32 $0x1FFFFFF0, s3;
	s26 =	sshll.u32 s29, $0x4  }
.LBB2_8:
0x1ce: {  	s0 =	sadd.s32 s4, s0;
	s3 =	sand.u32 $0x1FFFFFF0, s26;
	s5 =	spop (v2sf)  }
0x1cf: {  	[tilespmem:s22], [sflag:$0x1] =	stream.linear.gather [hbm4b:s0+s2], $0x80, $0x38;
	[tilespmem:$0x8200] =	vst v63  }
0x1d0: {  	s0 =	sadd.s32 s4, s3;
	s3 =	sand.u32 $0x1FFFFFF0, s28;
	s5 =	sshll.u32 s5, $0x4  }
0x1d1: {  	[tilespmem:s21], [sflag:$0x1] =	stream.linear.gather [hbm4b:s0+s2], $0x80, $0x38;
	[tilespmem:$0x8200] =	vst v63  }
0x1d2: {  	s5 =	sand.u32 $0x1FFFFFF0, s5;
	s0 =	sadd.s32 s4, s31;
	s6 =	spop (v2sf)  }
0x1d3: {  	[tilespmem:s30], [sflag:$0x1] =	stream.linear.gather [hbm4b:s0+s2], $0x80, $0x38;
	[tilespmem:$0x8200] =	vst v63  }
0x1d4: {  	s0 =	sadd.s32 s4, s3;
	s3 =	sshll.u32 s6, $0x4;
	s6 =	spop (v2sf)  }
0x1d5: {  	[tilespmem:s25], [sflag:$0x1] =	stream.linear.gather [hbm4b:s0+s2], $0x80, $0x38;
	[tilespmem:$0x8200] =	vst v63  }
0x1d6: {  	s0 =	sadd.s32 s4, s1;
	s1 =	sand.u32 $0x1FFFFFF0, s3;
	s3 =	sshll.u32 s6, $0x4  }
0x1d7: {  	[tilespmem:s24], [sflag:$0x1] =	stream.linear.gather [hbm4b:s0+s2], $0x80, $0x38;
	[tilespmem:$0x8200] =	vst v63  }
0x1d8: {  	s3 =	sand.u32 $0x1FFFFFF0, s3;
	s0 =	sadd.s32 s4, s5;
	s5 =	spop (v2sf)  }
0x1d9: {  	[tilespmem:s23], [sflag:$0x1] =	stream.linear.gather [hbm4b:s0+s2], $0x80, $0x38;
	[tilespmem:$0x8200] =	vst v63  }
0x1da: {  	s0 =	sadd.s32 s4, s1;
	s1 =	sshll.u32 s5, $0x4;
	s5 =	spop (v2sf)  }
0x1db: {  	[tilespmem:s20], [sflag:$0x1] =	stream.linear.gather [hbm4b:s0+s2], $0x80, $0x38;
	[tilespmem:$0x8200] =	vst v63  }
0x1dc: {  	s1 =	sand.u32 $0x1FFFFFF0, s1;
	s0 =	sadd.s32 s4, s3;
	s3 =	sshll.u32 s5, $0x4  }
0x1dd: {  	[tilespmem:s19], [sflag:$0x1] =	stream.linear.gather [hbm4b:s0+s2], $0x80, $0x38;
	[tilespmem:$0x8200] =	vst v63  }
0x1de: {  	s1 =	sadd.s32 s4, s1;
	s3 =	sand.u32 $0x1FFFFFF0, s3;
	s0 =	sadd.s32 $0x4900, s17  }
0x1df: {  	[tilespmem:s0], [sflag:$0x1] =	stream.linear.gather [hbm4b:s1+s2], $0x80, $0x38;
	[tilespmem:$0x8200] =	vst v63  }
0x1e0: {  	p0 =	sne.s32 s16, $0xE000;
	s0 =	sadd.s32 $0x4980, s17;
	s1 =	sadd.s32 s4, s3  }
0x1e1: {  	[tilespmem:s0], [sflag:$0x1] =	stream.linear.gather [hbm4b:s1+s2], $0x80, $0x38;
	[tilespmem:$0x8200] =	vst v63  }
0x1e2: {  	s0 =	smov.u32 s16;
	s16 =	sadd.s32 $0x2000, s16;
	v0 =	vld [tilespmem:s18+$0x0];
	_ =	sdelay $0x4  }
0x1e3: {  	v1 =	vnsel vm0, $0x0, v0;
	v2 =	vsel vm3, $0x0, v0;
	v3 =	vsel vm14, $0x0, v0  }
0x1e4: {  	v4 =	vsel vm2, $0x0, v0;
	v5 =	vsel vm15, $0x0, v0;
	(xrf0) =	vadd.scan.msk.s32 $0xffff, v1  }
0x1e5: {  	v6 =	vsel vm6, $0x0, v0;
	v1 =	vsel vm1, $0x0, v0;
	(xrf0) =	vadd.scan.msk.s32 $0xffff, v4  }
0x1e6: {  	v4 =	vsel vm7, $0x0, v0;
	(xrf0) =	vadd.scan.msk.s32 $0xffff, v2  }
0x1e7: {  	v2 =	vsel vm8, $0x0, v0;
	(xrf0) =	vadd.scan.msk.s32 $0xffff, v1  }
0x1e8: {  	v1 =	vsel vm9, $0x0, v0;
	(xrf0) =	vadd.scan.msk.s32 $0xffff, v2  }
0x1e9: {  	v2 =	vsel vm5, $0x0, v0;
	(xrf0) =	vadd.scan.msk.s32 $0xffff, v1  }
0x1ea: {  	v1 =	vsel vm4, $0x0, v0;
	v7, _, _ =	vpop (xrf0);
	(xrf0) =	vadd.scan.msk.s32 $0xffff, v2  }
0x1eb: {  	v2 =	vsel vm10, $0x0, v0;
	(v2sf) =	vpush v7, $0xF;
	v7, _, _ =	vpop (xrf0);
	(xrf0) =	vadd.scan.msk.s32 $0xffff, v1  }
0x1ec: {  	v9 =	vsel vm11, $0x0, v0;
	(v2sf) =	vpush v7, $0xF;
	v7, _, _ =	vpop (xrf0);
	(xrf0) =	vadd.scan.msk.s32 $0xffff, v2  }
0x1ed: {  	s17 =	sshra.s32 s0, $0x2;
	v2 =	vsel vm12, $0x0, v0;
	v8, _, _ =	vpop (xrf0);
	(v2sf) =	vpush v7, $0xF;
	(xrf0) =	vadd.scan.msk.s32 $0xffff, v9  }
0x1ee: {  	s28 =	sadd.s32 $0x4300, s17;
	v7 =	vsel vm13, $0x0, v0;
	(v2sf) =	vpush v8, $0xF;
	v1, _, _ =	vpop (xrf0);
	(xrf0) =	vadd.scan.msk.s32 $0xffff, v2  }
0x1ef: {  	s26 =	sadd.s32 $0x4400, s17;
	s21 =	sadd.s32 $0x4580, s17;
	(v2sf) =	vpush v1, $0xF;
	v1, _, _ =	vpop (xrf0);
	(xrf0) =	vadd.scan.msk.s32 $0xffff, v7  }
0x1f0: {  	s0 =	sadd.s32 $0x4200, s17;
	s1 =	sadd.s32 $0x4280, s17;
	v0, _, _ =	vpop (xrf0);
	(xrf0) =	vadd.scan.msk.s32 $0xffff, v3  }
0x1f1: {  	s22 =	sadd.s32 $0x4500, s17;
	v2, _, _ =	vpop (xrf0);
	(xrf0) =	vadd.scan.msk.s32 $0xffff, v6  }
0x1f2: {  	s29 =	sadd.s32 $0x4480, s17;
	(v2sf) =	vpush v2, $0xF;
	(xrf0) =	vadd.scan.msk.s32 $0xffff, v4;
	v2, _, _ =	vpop (xrf0)  }
0x1f3: {  	(v2sf) =	vpush v0, $0xF;
	v0, _, _ =	vpop (xrf0);
	(xrf0) =	vadd.scan.msk.s32 $0xffff, v5  }
0x1f4: {  	(v2sf) =	vpush v2, $0xF;
	v2, _, _ =	vpop (xrf0)  }
0x1f5: {  	v3, _, _ =	vpop (xrf0)  }
0x1f6: {  	v4, _, _ =	vpop (xrf0)  }
0x1f7: {  	v5, _, _ =	vpop (xrf0);
	(v2sf) =	vpush v1, $0xF  }
0x1f8: {  	v1, _, _ =	vpop (xrf0)  }
0x1f9: {  	s18 =	sadd.s32 $0x10, s18;
	s20 =	sadd.s32 $0x4800, s17;
	s19 =	sadd.s32 $0x4880, s17;
	(v2sf) =	vpush v5, $0xF;
	v5, _, _ =	vpop (xrf0)  }
0x1fa: {  	s24 =	sadd.s32 $0x4700, s17;
	s23 =	sadd.s32 $0x4780, s17;
	s3 =	spop (v2sf)  }
0x1fb: {  	s25 =	sadd.s32 $0x4680, s17;
	s3 =	sshll.u32 s3, $0x4;
	s5 =	spop (v2sf);
	(v2sf) =	vpush v1, $0xF  }
0x1fc: {  	s3 =	sand.u32 $0x1FFFFFF0, s3;
	s5 =	sshll.u32 s5, $0x4;
	s6 =	spop (v2sf)  }
0x1fd: {  	s3 =	sadd.s32 s4, s3;
	s5 =	sand.u32 $0x1FFFFFF0, s5;
	s7 =	spop (v2sf)  }
0x1fe: {  	s6 =	sshll.u32 s6, $0x4;
	s7 =	sshll.u32 s7, $0x4;
	s12 =	spop (v2sf)  }
0x1ff: {  	s6 =	sand.u32 $0x1FFFFFF0, s6;
	s7 =	sand.u32 $0x1FFFFFF0, s7;
	s12 =	sshll.u32 s12, $0x4;
	(v2sf) =	vpush v0, $0xF  }
0x200: {  	[tilespmem:s0], [sflag:$0x1] =	stream.linear.gather [hbm4b:s3+s2], $0x80, $0x38;
	[tilespmem:$0x8200] =	vst v63  }
0x201: {  	s30 =	sadd.s32 $0x4600, s17;
	s31 =	sand.u32 $0x1FFFFFF0, s12;
	s0 =	spop (v2sf)  }
0x202: {  	s3 =	sadd.s32 $0x4380, s17;
	s0 =	sshll.u32 s0, $0x4;
	s12 =	spop (v2sf)  }
0x203: {  	s0 =	sand.u32 $0x1FFFFFF0, s0;
	s12 =	sshll.u32 s12, $0x4;
	s13 =	spop (v2sf);
	(v2sf) =	vpush v2, $0xF  }
0x204: {  	s7 =	sadd.s32 s4, s7;
	s12 =	sand.u32 $0x1FFFFFF0, s12;
	s13 =	sshll.u32 s13, $0x4  }
0x205: {  	[tilespmem:s1], [sflag:$0x1] =	stream.linear.gather [hbm4b:s7+s2], $0x80, $0x38;
	(v2sf) =	vpush v3, $0xF;
	[tilespmem:$0x8200] =	vst v63  }
0x206: {  	s5 =	sadd.s32 s4, s5;
	s1 =	sand.u32 $0x1FFFFFF0, s13;
	s7 =	spop (v2sf)  }
0x207: {  	[tilespmem:s28], [sflag:$0x1] =	stream.linear.gather [hbm4b:s5+s2], $0x80, $0x38;
	[tilespmem:$0x8200] =	vst v63  }
0x208: {  	s5 =	sadd.s32 s4, s6;
	s28 =	sshll.u32 s7, $0x4;
	s6 =	spop (v2sf)  }
0x209: {  	[tilespmem:s3], [sflag:$0x1] =	stream.linear.gather [hbm4b:s5+s2], $0x80, $0x38;
	[tilespmem:$0x8200] =	vst v63  }
.Ltmp3:
0x20a: {  	(v2sf) =	vpush v4, $0xF;
	(pc) =	sbr.rel @p0 .LBB2_8-.Ltmp3, $4  }
0x20b: {  	s0 =	sadd.s32 s4, s0;
	s3 =	sshll.u32 s6, $0x4;
	s5 =	spop (v2sf)  }
0x20c: {  	[tilespmem:s26], [sflag:$0x1] =	stream.linear.gather [hbm4b:s0+s2], $0x80, $0x38;
	(v2sf) =	vpush v5, $0xF;
	[tilespmem:$0x8200] =	vst v63  }
0x20d: {  	s6 =	sadd.s32 s4, s12;
	s0 =	sand.u32 $0x1FFFFFF0, s3;
	s26 =	sshll.u32 s5, $0x4  }
0x20e: {  	[tilespmem:s29], [sflag:$0x1] =	stream.linear.gather [hbm4b:s6+s2], $0x80, $0x38;
	[tilespmem:$0x8200] =	vst v63  }
0x20f: {  	s0 =	sadd.s32 s4, s0;
	s3 =	sand.u32 $0x1FFFFFF0, s26;
	s5 =	spop (v2sf)  }
0x210: {  	[tilespmem:s22], [sflag:$0x1] =	stream.linear.gather [hbm4b:s0+s2], $0x80, $0x38;
	[tilespmem:$0x8200] =	vst v63  }
0x211: {  	s29 =	sand.u32 $0x1FFFFFF0, s28;
	s31 =	sadd.s32 s4, s31;
	s26 =	sadd.s32 s4, s3  }
0x212: {  	[tilespmem:s21], [sflag:$0x1] =	stream.linear.gather [hbm4b:s26+s2], $0x80, $0x38;
	[tilespmem:$0x8200] =	vst v63  }
0x213: {  	s12 =	sadd.s32 s4, s1;
	s5 =	sshll.u32 s5, $0x4;
	s6 =	spop (v2sf)  }
0x214: {  	[tilespmem:s30], [sflag:$0x1] =	stream.linear.gather [hbm4b:s31+s2], $0x80, $0x38;
	[tilespmem:$0x8200] =	vst v63  }
0x215: {  	s3 =	sadd.s32 s4, s29;
	s5 =	sand.u32 $0x1FFFFFF0, s5;
	s6 =	sshll.u32 s6, $0x4  }
0x216: {  	[tilespmem:s25], [sflag:$0x1] =	stream.linear.gather [hbm4b:s3+s2], $0x80, $0x38;
	[tilespmem:$0x8200] =	vst v63  }
0x217: {  	s18 =	sadd.s32 s4, s5;
	s7 =	spop (v2sf);
	s13 =	sand.u32 $0x1FFFFFF0, s6  }
0x218: {  	[tilespmem:s24], [sflag:$0x1] =	stream.linear.gather [hbm4b:s12+s2], $0x80, $0x38;
	[tilespmem:$0x8200] =	vst v63  }
0x219: {  	s16 =	sshll.u32 s7, $0x4;
	s22 =	sadd.s32 s4, s13;
	s21 =	spop (v2sf)  }
0x21a: {  	[tilespmem:s23], [sflag:$0x1] =	stream.linear.gather [hbm4b:s18+s2], $0x80, $0x38;
	[tilespmem:$0x8200] =	vst v63  }
0x21b: {  	s3 =	sand.u32 $0x1FFFFFF0, s16;
	s23 =	sshll.u32 s21, $0x4;
	s24 =	spop (v2sf)  }
0x21c: {  	[tilespmem:s20], [sflag:$0x1] =	stream.linear.gather [hbm4b:s22+s2], $0x80, $0x38;
	[tilespmem:$0x8200] =	vst v63  }
0x21d: {  	s25 =	sadd.s32 s4, s3;
	s1 =	sand.u32 $0x1FFFFFF0, s23;
	s26 =	sshll.u32 s24, $0x4  }
0x21e: {  	[tilespmem:s19], [sflag:$0x1] =	stream.linear.gather [hbm4b:s25+s2], $0x80, $0x38;
	[tilespmem:$0x8200] =	vst v63  }
0x21f: {  	s28 =	sadd.s32 $0x4900, s17;
	s1 =	sadd.s32 s4, s1;
	s3 =	sand.u32 $0x1FFFFFF0, s26  }
0x220: {  	[tilespmem:s28], [sflag:$0x1] =	stream.linear.gather [hbm4b:s1+s2], $0x80, $0x38;
	[tilespmem:$0x8200] =	vst v63  }
0x221: {  	s29 =	sadd.s32 $0x4980, s17;
	s30 =	sadd.s32 s4, s3  }
0x222: {  	[tilespmem:s29], [sflag:$0x1] =	stream.linear.gather [hbm4b:s30+s2], $0x80, $0x38;
	[tilespmem:$0x8200] =	vst v63  }
0x223: {  	_ =	swait.ge [sflag:s11], $0x4000  }
0x224: {  	[sflag:s11] =	ssyncset.done $0x0  }
0x225: {  	s15 =	sadd.s32 $0x1, s15;
	s31 =	simm.s32 $0x4200;
	[sflag:s11] =	ssyncadd.s32 $0xFFFFC000  }
0x226: {  	[hbm4b:s8+s2] =	stream.linear.scatter [tilespmem:s31], [sflag:$0x2], $0x4000, $0x38;
	[tilespmem:$0x8200] =	vst v63  }
0x227: {  	p0 =	sne.s32 s15, s9;
	_ =	swait.ge [sflag:s14], $0x4000  }
.Ltmp4:
0x228: {  	[sflag:s14] =	ssyncset.done $0x0;
	(pc) =	sbr.rel @p0 .LBB2_1-.Ltmp4, $4  }
0x229: {  	[sflag:s14] =	ssyncadd.s32 $0xFFFFC000  }
0x22a: {  	_ =	swait.ge [sflag:s14], $0x4000  }
0x22b: {  	[sflag:s14] =	ssyncset.done $0x0  }
0x22c: {  	[sflag:s14] =	ssyncadd.s32 $0xFFFFC000  }
0x22d: {  	_ =	sfence.sel $0x180000  }
0x22e: {  	[bflag:$0x0] =	sbarrier.arrive $0xFFFF  }
0x22f: {  	_ =	strace $0x90000047  }
0x230: {  	s0 =	stileid.u32;
	[bflag:$0x2] =	sbarrier.arrive $0xFFFF  }
0x231: {  	p0 =	sne.s32 s0, $0x0;
	s0 =	rddreg [dreg:$0x2]  }
0x232: {  	s0 =	sadd.s32 @!p0 $0x100000, s0  }
0x233: {  	[sflag:s0] =	ssyncadd.tile.s32 @!p0 $0x1;
	_ =	shalt  }
.Lfunc_end2:
_tile_overlayer_lowered:
.L_overlay_start_2:
0x234: {  	(tag) =	ssettag $0x2  }
0x235: {  	s0 =	rddreg [dreg:$0x0];
	s2 =	stileid.u32  }
0x236: {  	s1 =	rddreg [dreg:$0x1];
	p0 =	sne.s32 s2, $0x0  }
0x237: {  	s3 =	rddreg [dreg:$0x2];
	[bflag:$0x3] =	sbarrier.arrive $0xFFFF;
	s2 =	simm.s32 @!p0 $0x1C03  }
0x238: {  	[timem:s3], [sflag:s2] =	dma.local @!p0 [hbm:s0], s1  }
0x239: {  	s0 =	simm.s32 @!p0 $0x3  }
0x23a: {  	_ =	swait.ge @!p0 [sflag:s0], s1  }
0x23b: {  	s1 =	ssub.s32 @!p0 $0x0, s1;
	[sflag:s0] =	ssyncset.done @!p0 $0x0  }
0x23c: {  	[sflag:s0] =	ssyncadd.s32 @!p0 s1  }
0x23d: {  	[bflag:$0x3] =	sbarrier.arrive $0xFFFF  }
0x23e: {  	_ =	shalt  }

</sc_bundles>
